<compile_context>
chip_gen: v7x
topology: tpu7x:2x2x1
jax: 0.10.2.dev20260603
libtpu: 0.0.44.dev20260713+nightly
codegen_flags: <defaults>
</compile_context>

<pallas_src>
import functools

import jax
import jax.numpy as jnp
from jax import lax
from jax.experimental import pallas as pl
from jax.experimental.pallas import tpu as pltpu
from jax.experimental.pallas import tpu_sc as plsc

B_TOK = 16384
SEQ = 26
NUM_ROWS = 1000000
DIM = 64

NC = 2
NS = 16
NW = NC * NS
CH = 128
TB = B_TOK // CH
NBLK = SEQ * TB
BPW = NBLK // NW
NBUF = 2


def _build_gather():
    mesh = plsc.VectorSubcoreMesh(core_axis_name="c", subcore_axis_name="s")

    @functools.partial(
        pl.kernel,
        out_type=jax.ShapeDtypeStruct((SEQ * DIM * B_TOK,), jnp.float32),
        mesh=mesh,
        compiler_params=pltpu.CompilerParams(needs_layout_passes=False),
        scratch_types=[
            pltpu.VMEM((BPW, CH), jnp.int32),
            *[pltpu.VMEM((CH, CH), jnp.float32) for _ in range(NBUF)],
            *[pltpu.VMEM((DIM * CH,), jnp.float32) for _ in range(NBUF)],
            pltpu.SemaphoreType.DMA,
            pltpu.SemaphoreType.DMA,
        ],
    )
    def grab(table_hbm, idx_hbm, out_hbm, idx_v, *rest):
        rows_bufs = rest[:NBUF]
        tp_bufs = rest[NBUF : 2 * NBUF]
        gsem, ssem = rest[2 * NBUF], rest[2 * NBUF + 1]

        wid = lax.axis_index("s") * NC + lax.axis_index("c")
        blk0 = wid * BPW
        pltpu.sync_copy(idx_hbm.at[pl.ds(blk0, BPW)], idx_v)

        lane = lax.iota(jnp.int32, 16)
        rotk = [(lane + k) & 15 for k in range(16)]
        scatk = [((lane + k) & 15) * CH + lane for k in range(16)]

        def fire(j, b):
            pltpu.async_copy(table_hbm.at[idx_v.at[j]], rows_bufs[b], gsem)

        def store_copies(j, b):
            s = (blk0 + j) // TB
            tb = (blk0 + j) % TB
            return [
                pltpu.make_async_copy(
                    tp_bufs[b].at[pl.ds(dt * (8 * CH), 8 * CH)],
                    out_hbm.at[pl.ds(((s * 8 + dt) * TB + tb) * (8 * CH), 8 * CH)],
                    ssem,
                )
                for dt in range(DIM // 8)
            ]

        def store(j, b):
            for c in store_copies(j, b):
                c.start()

        def wait_store(j, b):
            for c in store_copies(j, b):
                c.wait()

        for b in range(NBUF):
            fire(b, b)

        def group(g, carry):
            for b in range(NBUF):
                j = g * NBUF + b
                pltpu.make_async_copy(
                    table_hbm.at[idx_v.at[j]], rows_bufs[b], gsem
                ).wait()

                @pl.when(j >= NBUF)
                def _drain():
                    wait_store(j - NBUF, b)

                src = rows_bufs[b]
                dst = tp_bufs[b]

                def trans(i, c):
                    t0 = i * 16
                    rowv = lane + t0
                    for d0 in range(0, DIM, 16):
                        for k in range(16):
                            v = plsc.load_gather(src, [rowv, rotk[k] + d0])
                            plsc.store_scatter(
                                dst, [(scatk[k] + d0 * CH) + t0], v
                            )
                    return c

                lax.fori_loop(0, CH // 16, trans, 0)

                store(j, b)

                @pl.when(j + NBUF < BPW)
                def _fire_next():
                    fire(j + NBUF, b)

            return carry

        lax.fori_loop(0, BPW // NBUF, group, 0)

        for b in range(NBUF):
            wait_store(BPW - NBUF + b, b)

    return grab


VBLK = 8192
NGRID = (NUM_ROWS + VBLK - 1) // VBLK


def _tc_pairs(dt_ref, out_ref):
    out_ref[:, :DIM] = dt_ref[...].T


def _build_pairs():
    return pl.pallas_call(
        _tc_pairs,
        grid=(NGRID,),
        in_specs=[pl.BlockSpec((DIM, VBLK), lambda i: (0, i))],
        out_specs=pl.BlockSpec((VBLK, 2 * DIM), lambda i: (i, 0)),
        out_shape=jax.ShapeDtypeStruct((NUM_ROWS, 2 * DIM), jnp.float32),
    )


def kernel(token_ids, embedding_table):
    idx = token_ids.astype(jnp.int32).T.reshape(NBLK, CH)
    table2 = _build_pairs()(embedding_table.T)
    flat = _build_gather()(table2, idx)
    out5 = flat.reshape(SEQ, DIM // 8, TB, 8, CH)
    return out5.transpose(2, 4, 0, 1, 3).reshape(B_TOK, SEQ, DIM)

# --- scband reference (transcript-rebuilt; emitter-appended) ---
"""Pipeline reference for scband-embedding-81913616269741 (READ-ONLY COPY).

The authoritative reference and input builder live on the scoring server;
editing this copy changes nothing except your own understanding.
"""

import jax, jax.numpy as jnp
import numpy as np

NUM_EMBEDDINGS = 1000000
EMBEDDING_DIM = 64

def setup_inputs(seed: int = 0) -> dict:
    key = jax.random.key(seed)
    k_idx, k_tab = jax.random.split(key)
    token_ids = jax.random.randint(k_idx, (16384, 26), 0, NUM_EMBEDDINGS, dtype=jnp.int64 if jax.config.jax_enable_x64 else jnp.int32)
    embedding_table = jax.random.normal(k_tab, (NUM_EMBEDDINGS, EMBEDDING_DIM), dtype=jnp.float32) * 0.02
    return {"token_ids": token_ids, "embedding_table": embedding_table}

def reference(token_ids, embedding_table):
    # Faithful translation of: return self.embedding_table[token_ids]
    return jnp.take(embedding_table, token_ids, axis=0)

if __name__ == "__main__":
    import jax
    _d = setup_inputs()
    print(jax.jit(kernel)(*tuple(_d.values())))

</pallas_src>

<mosaic_0001>
#map = affine_map<(d0, d1) -> (0, 0)>
#map1 = affine_map<(d0, d1) -> (0)>
module attributes {stable_mosaic.version = 14 : i64} {
  func.func @grab(%arg0: i32, %arg1: i32, %arg2: memref<1000000x128xf32, #tpu.memory_space<hbm>>, %arg3: memref<3328x128xi32, #tpu.memory_space<hbm>>, %arg4: memref<27262976xf32, #tpu.memory_space<hbm>>, %arg5: memref<104x128xi32, #tpu.memory_space<vmem>>, %arg6: memref<128x128xf32, #tpu.memory_space<vmem>>, %arg7: memref<128x128xf32, #tpu.memory_space<vmem>>, %arg8: memref<8192xf32, #tpu.memory_space<vmem>>, %arg9: memref<8192xf32, #tpu.memory_space<vmem>>, %arg10: memref<!tpu.dma_semaphore, #tpu.memory_space<semaphore_mem>>, %arg11: memref<!tpu.dma_semaphore, #tpu.memory_space<semaphore_mem>>) attributes {dimension_semantics = [#tpu.dimension_semantics<core_parallel>, #tpu.dimension_semantics<subcore_parallel>], iteration_bounds = array<i64: 2, 16>, scalar_prefetch = 0 : i64, scratch_operands = 7 : i64, tpu.core_type = #tpu.core_type<sc_vector_subcore>, window_params = [{transform_indices = #map}, {transform_indices = #map}, {transform_indices = #map1}]} {
    %mul3A = arith.constant 2 : i32
    %mul3A_0 = arith.muli %arg1, %mul3A : i32
    %add3A = arith.addi %mul3A_0, %arg0 : i32
    %mul3A_1 = arith.constant 104 : i32
    %mul3A_2 = arith.muli %add3A, %mul3A_1 : i32
    "tpu.region"() ({
      %run_scoped3A = tpu.sem_alloc : memref<!tpu.dma_semaphore, #tpu.memory_space<semaphore_mem>>
      %dma_start3A_594 = arith.constant 0 : i32
      %dma_start3A_595 = tpu.memref_slice %arg3[%mul3A_2, %dma_start3A_594] : memref<3328x128xi32, #tpu.memory_space<hbm>> -> memref<104x128xi32, #tpu.memory_space<hbm>>
      %dma_start3A_596 = arith.constant 0 : i32
      %dma_start3A_597 = tpu.memref_slice %arg3[%mul3A_2, %dma_start3A_596] : memref<3328x128xi32, #tpu.memory_space<hbm>> -> memref<104x128xi32, #tpu.memory_space<hbm>>
      tpu.enqueue_dma source(%dma_start3A_597 : memref<104x128xi32, #tpu.memory_space<hbm>>) target(%arg5 : memref<104x128xi32, #tpu.memory_space<vmem>>) target_semaphore(%run_scoped3A : memref<!tpu.dma_semaphore, #tpu.memory_space<semaphore_mem>>)
      %dma_wait3A_598 = arith.constant 0 : i32
      %dma_wait3A_599 = tpu.memref_slice %arg3[%mul3A_2, %dma_wait3A_598] : memref<3328x128xi32, #tpu.memory_space<hbm>> -> memref<104x128xi32, #tpu.memory_space<hbm>>
      %dma_wait3A_600 = arith.constant 0 : i32
      %dma_wait3A_601 = tpu.memref_slice %arg3[%mul3A_2, %dma_wait3A_600] : memref<3328x128xi32, #tpu.memory_space<hbm>> -> memref<104x128xi32, #tpu.memory_space<hbm>>
      tpu.wait_dma2 semaphore(%run_scoped3A : memref<!tpu.dma_semaphore, #tpu.memory_space<semaphore_mem>>) src(%dma_wait3A_601 : memref<104x128xi32, #tpu.memory_space<hbm>>) dst(%arg5 : memref<104x128xi32, #tpu.memory_space<vmem>>)
      tpu.yield
    }) : () -> ()
    %iota3A = tpu.iota {dimensions = array<i32: 0>} : vector<16xi32>
    %add3A_3 = arith.constant 0 : i32
    %add3A_4 = vector.broadcast %add3A_3 : i32 to vector<16xi32>
    %add3A_5 = arith.addi %iota3A, %add3A_4 : vector<16xi32>
    %and3A = arith.constant 15 : i32
    %and3A_6 = vector.broadcast %and3A : i32 to vector<16xi32>
    %and3A_7 = arith.andi %add3A_5, %and3A_6 : vector<16xi32>
    %add3A_8 = arith.constant 1 : i32
    %add3A_9 = vector.broadcast %add3A_8 : i32 to vector<16xi32>
    %add3A_10 = arith.addi %iota3A, %add3A_9 : vector<16xi32>
    %and3A_11 = arith.constant 15 : i32
    %and3A_12 = vector.broadcast %and3A_11 : i32 to vector<16xi32>
    %and3A_13 = arith.andi %add3A_10, %and3A_12 : vector<16xi32>
    %add3A_14 = arith.constant 2 : i32
    %add3A_15 = vector.broadcast %add3A_14 : i32 to vector<16xi32>
    %add3A_16 = arith.addi %iota3A, %add3A_15 : vector<16xi32>
    %and3A_17 = arith.constant 15 : i32
    %and3A_18 = vector.broadcast %and3A_17 : i32 to vector<16xi32>
    %and3A_19 = arith.andi %add3A_16, %and3A_18 : vector<16xi32>
    %add3A_20 = arith.constant 3 : i32
    %add3A_21 = vector.broadcast %add3A_20 : i32 to vector<16xi32>
    %add3A_22 = arith.addi %iota3A, %add3A_21 : vector<16xi32>
    %and3A_23 = arith.constant 15 : i32
    %and3A_24 = vector.broadcast %and3A_23 : i32 to vector<16xi32>
    %and3A_25 = arith.andi %add3A_22, %and3A_24 : vector<16xi32>
    %add3A_26 = arith.constant 4 : i32
    %add3A_27 = vector.broadcast %add3A_26 : i32 to vector<16xi32>
    %add3A_28 = arith.addi %iota3A, %add3A_27 : vector<16xi32>
    %and3A_29 = arith.constant 15 : i32
    %and3A_30 = vector.broadcast %and3A_29 : i32 to vector<16xi32>
    %and3A_31 = arith.andi %add3A_28, %and3A_30 : vector<16xi32>
    %add3A_32 = arith.constant 5 : i32
    %add3A_33 = vector.broadcast %add3A_32 : i32 to vector<16xi32>
    %add3A_34 = arith.addi %iota3A, %add3A_33 : vector<16xi32>
    %and3A_35 = arith.constant 15 : i32
    %and3A_36 = vector.broadcast %and3A_35 : i32 to vector<16xi32>
    %and3A_37 = arith.andi %add3A_34, %and3A_36 : vector<16xi32>
    %add3A_38 = arith.constant 6 : i32
    %add3A_39 = vector.broadcast %add3A_38 : i32 to vector<16xi32>
    %add3A_40 = arith.addi %iota3A, %add3A_39 : vector<16xi32>
    %and3A_41 = arith.constant 15 : i32
    %and3A_42 = vector.broadcast %and3A_41 : i32 to vector<16xi32>
    %and3A_43 = arith.andi %add3A_40, %and3A_42 : vector<16xi32>
    %add3A_44 = arith.constant 7 : i32
    %add3A_45 = vector.broadcast %add3A_44 : i32 to vector<16xi32>
    %add3A_46 = arith.addi %iota3A, %add3A_45 : vector<16xi32>
    %and3A_47 = arith.constant 15 : i32
    %and3A_48 = vector.broadcast %and3A_47 : i32 to vector<16xi32>
    %and3A_49 = arith.andi %add3A_46, %and3A_48 : vector<16xi32>
    %add3A_50 = arith.constant 8 : i32
    %add3A_51 = vector.broadcast %add3A_50 : i32 to vector<16xi32>
    %add3A_52 = arith.addi %iota3A, %add3A_51 : vector<16xi32>
    %and3A_53 = arith.constant 15 : i32
    %and3A_54 = vector.broadcast %and3A_53 : i32 to vector<16xi32>
    %and3A_55 = arith.andi %add3A_52, %and3A_54 : vector<16xi32>
    %add3A_56 = arith.constant 9 : i32
    %add3A_57 = vector.broadcast %add3A_56 : i32 to vector<16xi32>
    %add3A_58 = arith.addi %iota3A, %add3A_57 : vector<16xi32>
    %and3A_59 = arith.constant 15 : i32
    %and3A_60 = vector.broadcast %and3A_59 : i32 to vector<16xi32>
    %and3A_61 = arith.andi %add3A_58, %and3A_60 : vector<16xi32>
    %add3A_62 = arith.constant 10 : i32
    %add3A_63 = vector.broadcast %add3A_62 : i32 to vector<16xi32>
    %add3A_64 = arith.addi %iota3A, %add3A_63 : vector<16xi32>
    %and3A_65 = arith.constant 15 : i32
    %and3A_66 = vector.broadcast %and3A_65 : i32 to vector<16xi32>
    %and3A_67 = arith.andi %add3A_64, %and3A_66 : vector<16xi32>
    %add3A_68 = arith.constant 11 : i32
    %add3A_69 = vector.broadcast %add3A_68 : i32 to vector<16xi32>
    %add3A_70 = arith.addi %iota3A, %add3A_69 : vector<16xi32>
    %and3A_71 = arith.constant 15 : i32
    %and3A_72 = vector.broadcast %and3A_71 : i32 to vector<16xi32>
    %and3A_73 = arith.andi %add3A_70, %and3A_72 : vector<16xi32>
    %add3A_74 = arith.constant 12 : i32
    %add3A_75 = vector.broadcast %add3A_74 : i32 to vector<16xi32>
    %add3A_76 = arith.addi %iota3A, %add3A_75 : vector<16xi32>
    %and3A_77 = arith.constant 15 : i32
    %and3A_78 = vector.broadcast %and3A_77 : i32 to vector<16xi32>
    %and3A_79 = arith.andi %add3A_76, %and3A_78 : vector<16xi32>
    %add3A_80 = arith.constant 13 : i32
    %add3A_81 = vector.broadcast %add3A_80 : i32 to vector<16xi32>
    %add3A_82 = arith.addi %iota3A, %add3A_81 : vector<16xi32>
    %and3A_83 = arith.constant 15 : i32
    %and3A_84 = vector.broadcast %and3A_83 : i32 to vector<16xi32>
    %and3A_85 = arith.andi %add3A_82, %and3A_84 : vector<16xi32>
    %add3A_86 = arith.constant 14 : i32
    %add3A_87 = vector.broadcast %add3A_86 : i32 to vector<16xi32>
    %add3A_88 = arith.addi %iota3A, %add3A_87 : vector<16xi32>
    %and3A_89 = arith.constant 15 : i32
    %and3A_90 = vector.broadcast %and3A_89 : i32 to vector<16xi32>
    %and3A_91 = arith.andi %add3A_88, %and3A_90 : vector<16xi32>
    %add3A_92 = arith.constant 15 : i32
    %add3A_93 = vector.broadcast %add3A_92 : i32 to vector<16xi32>
    %add3A_94 = arith.addi %iota3A, %add3A_93 : vector<16xi32>
    %and3A_95 = arith.constant 15 : i32
    %and3A_96 = vector.broadcast %and3A_95 : i32 to vector<16xi32>
    %and3A_97 = arith.andi %add3A_94, %and3A_96 : vector<16xi32>
    %add3A_98 = arith.constant 0 : i32
    %add3A_99 = vector.broadcast %add3A_98 : i32 to vector<16xi32>
    %add3A_100 = arith.addi %iota3A, %add3A_99 : vector<16xi32>
    %and3A_101 = arith.constant 15 : i32
    %and3A_102 = vector.broadcast %and3A_101 : i32 to vector<16xi32>
    %and3A_103 = arith.andi %add3A_100, %and3A_102 : vector<16xi32>
    %mul3A_104 = arith.constant 128 : i32
    %mul3A_105 = vector.broadcast %mul3A_104 : i32 to vector<16xi32>
    %mul3A_106 = arith.muli %and3A_103, %mul3A_105 : vector<16xi32>
    %add3A_107 = arith.addi %mul3A_106, %iota3A : vector<16xi32>
    %add3A_108 = arith.constant 1 : i32
    %add3A_109 = vector.broadcast %add3A_108 : i32 to vector<16xi32>
    %add3A_110 = arith.addi %iota3A, %add3A_109 : vector<16xi32>
    %and3A_111 = arith.constant 15 : i32
    %and3A_112 = vector.broadcast %and3A_111 : i32 to vector<16xi32>
    %and3A_113 = arith.andi %add3A_110, %and3A_112 : vector<16xi32>
    %mul3A_114 = arith.constant 128 : i32
    %mul3A_115 = vector.broadcast %mul3A_114 : i32 to vector<16xi32>
    %mul3A_116 = arith.muli %and3A_113, %mul3A_115 : vector<16xi32>
    %add3A_117 = arith.addi %mul3A_116, %iota3A : vector<16xi32>
    %add3A_118 = arith.constant 2 : i32
    %add3A_119 = vector.broadcast %add3A_118 : i32 to vector<16xi32>
    %add3A_120 = arith.addi %iota3A, %add3A_119 : vector<16xi32>
    %and3A_121 = arith.constant 15 : i32
    %and3A_122 = vector.broadcast %and3A_121 : i32 to vector<16xi32>
    %and3A_123 = arith.andi %add3A_120, %and3A_122 : vector<16xi32>
    %mul3A_124 = arith.constant 128 : i32
    %mul3A_125 = vector.broadcast %mul3A_124 : i32 to vector<16xi32>
    %mul3A_126 = arith.muli %and3A_123, %mul3A_125 : vector<16xi32>
    %add3A_127 = arith.addi %mul3A_126, %iota3A : vector<16xi32>
    %add3A_128 = arith.constant 3 : i32
    %add3A_129 = vector.broadcast %add3A_128 : i32 to vector<16xi32>
    %add3A_130 = arith.addi %iota3A, %add3A_129 : vector<16xi32>
    %and3A_131 = arith.constant 15 : i32
    %and3A_132 = vector.broadcast %and3A_131 : i32 to vector<16xi32>
    %and3A_133 = arith.andi %add3A_130, %and3A_132 : vector<16xi32>
    %mul3A_134 = arith.constant 128 : i32
    %mul3A_135 = vector.broadcast %mul3A_134 : i32 to vector<16xi32>
    %mul3A_136 = arith.muli %and3A_133, %mul3A_135 : vector<16xi32>
    %add3A_137 = arith.addi %mul3A_136, %iota3A : vector<16xi32>
    %add3A_138 = arith.constant 4 : i32
    %add3A_139 = vector.broadcast %add3A_138 : i32 to vector<16xi32>
    %add3A_140 = arith.addi %iota3A, %add3A_139 : vector<16xi32>
    %and3A_141 = arith.constant 15 : i32
    %and3A_142 = vector.broadcast %and3A_141 : i32 to vector<16xi32>
    %and3A_143 = arith.andi %add3A_140, %and3A_142 : vector<16xi32>
    %mul3A_144 = arith.constant 128 : i32
    %mul3A_145 = vector.broadcast %mul3A_144 : i32 to vector<16xi32>
    %mul3A_146 = arith.muli %and3A_143, %mul3A_145 : vector<16xi32>
    %add3A_147 = arith.addi %mul3A_146, %iota3A : vector<16xi32>
    %add3A_148 = arith.constant 5 : i32
    %add3A_149 = vector.broadcast %add3A_148 : i32 to vector<16xi32>
    %add3A_150 = arith.addi %iota3A, %add3A_149 : vector<16xi32>
    %and3A_151 = arith.constant 15 : i32
    %and3A_152 = vector.broadcast %and3A_151 : i32 to vector<16xi32>
    %and3A_153 = arith.andi %add3A_150, %and3A_152 : vector<16xi32>
    %mul3A_154 = arith.constant 128 : i32
    %mul3A_155 = vector.broadcast %mul3A_154 : i32 to vector<16xi32>
    %mul3A_156 = arith.muli %and3A_153, %mul3A_155 : vector<16xi32>
    %add3A_157 = arith.addi %mul3A_156, %iota3A : vector<16xi32>
    %add3A_158 = arith.constant 6 : i32
    %add3A_159 = vector.broadcast %add3A_158 : i32 to vector<16xi32>
    %add3A_160 = arith.addi %iota3A, %add3A_159 : vector<16xi32>
    %and3A_161 = arith.constant 15 : i32
    %and3A_162 = vector.broadcast %and3A_161 : i32 to vector<16xi32>
    %and3A_163 = arith.andi %add3A_160, %and3A_162 : vector<16xi32>
    %mul3A_164 = arith.constant 128 : i32
    %mul3A_165 = vector.broadcast %mul3A_164 : i32 to vector<16xi32>
    %mul3A_166 = arith.muli %and3A_163, %mul3A_165 : vector<16xi32>
    %add3A_167 = arith.addi %mul3A_166, %iota3A : vector<16xi32>
    %add3A_168 = arith.constant 7 : i32
    %add3A_169 = vector.broadcast %add3A_168 : i32 to vector<16xi32>
    %add3A_170 = arith.addi %iota3A, %add3A_169 : vector<16xi32>
    %and3A_171 = arith.constant 15 : i32
    %and3A_172 = vector.broadcast %and3A_171 : i32 to vector<16xi32>
    %and3A_173 = arith.andi %add3A_170, %and3A_172 : vector<16xi32>
    %mul3A_174 = arith.constant 128 : i32
    %mul3A_175 = vector.broadcast %mul3A_174 : i32 to vector<16xi32>
    %mul3A_176 = arith.muli %and3A_173, %mul3A_175 : vector<16xi32>
    %add3A_177 = arith.addi %mul3A_176, %iota3A : vector<16xi32>
    %add3A_178 = arith.constant 8 : i32
    %add3A_179 = vector.broadcast %add3A_178 : i32 to vector<16xi32>
    %add3A_180 = arith.addi %iota3A, %add3A_179 : vector<16xi32>
    %and3A_181 = arith.constant 15 : i32
    %and3A_182 = vector.broadcast %and3A_181 : i32 to vector<16xi32>
    %and3A_183 = arith.andi %add3A_180, %and3A_182 : vector<16xi32>
    %mul3A_184 = arith.constant 128 : i32
    %mul3A_185 = vector.broadcast %mul3A_184 : i32 to vector<16xi32>
    %mul3A_186 = arith.muli %and3A_183, %mul3A_185 : vector<16xi32>
    %add3A_187 = arith.addi %mul3A_186, %iota3A : vector<16xi32>
    %add3A_188 = arith.constant 9 : i32
    %add3A_189 = vector.broadcast %add3A_188 : i32 to vector<16xi32>
    %add3A_190 = arith.addi %iota3A, %add3A_189 : vector<16xi32>
    %and3A_191 = arith.constant 15 : i32
    %and3A_192 = vector.broadcast %and3A_191 : i32 to vector<16xi32>
    %and3A_193 = arith.andi %add3A_190, %and3A_192 : vector<16xi32>
    %mul3A_194 = arith.constant 128 : i32
    %mul3A_195 = vector.broadcast %mul3A_194 : i32 to vector<16xi32>
    %mul3A_196 = arith.muli %and3A_193, %mul3A_195 : vector<16xi32>
    %add3A_197 = arith.addi %mul3A_196, %iota3A : vector<16xi32>
    %add3A_198 = arith.constant 10 : i32
    %add3A_199 = vector.broadcast %add3A_198 : i32 to vector<16xi32>
    %add3A_200 = arith.addi %iota3A, %add3A_199 : vector<16xi32>
    %and3A_201 = arith.constant 15 : i32
    %and3A_202 = vector.broadcast %and3A_201 : i32 to vector<16xi32>
    %and3A_203 = arith.andi %add3A_200, %and3A_202 : vector<16xi32>
    %mul3A_204 = arith.constant 128 : i32
    %mul3A_205 = vector.broadcast %mul3A_204 : i32 to vector<16xi32>
    %mul3A_206 = arith.muli %and3A_203, %mul3A_205 : vector<16xi32>
    %add3A_207 = arith.addi %mul3A_206, %iota3A : vector<16xi32>
    %add3A_208 = arith.constant 11 : i32
    %add3A_209 = vector.broadcast %add3A_208 : i32 to vector<16xi32>
    %add3A_210 = arith.addi %iota3A, %add3A_209 : vector<16xi32>
    %and3A_211 = arith.constant 15 : i32
    %and3A_212 = vector.broadcast %and3A_211 : i32 to vector<16xi32>
    %and3A_213 = arith.andi %add3A_210, %and3A_212 : vector<16xi32>
    %mul3A_214 = arith.constant 128 : i32
    %mul3A_215 = vector.broadcast %mul3A_214 : i32 to vector<16xi32>
    %mul3A_216 = arith.muli %and3A_213, %mul3A_215 : vector<16xi32>
    %add3A_217 = arith.addi %mul3A_216, %iota3A : vector<16xi32>
    %add3A_218 = arith.constant 12 : i32
    %add3A_219 = vector.broadcast %add3A_218 : i32 to vector<16xi32>
    %add3A_220 = arith.addi %iota3A, %add3A_219 : vector<16xi32>
    %and3A_221 = arith.constant 15 : i32
    %and3A_222 = vector.broadcast %and3A_221 : i32 to vector<16xi32>
    %and3A_223 = arith.andi %add3A_220, %and3A_222 : vector<16xi32>
    %mul3A_224 = arith.constant 128 : i32
    %mul3A_225 = vector.broadcast %mul3A_224 : i32 to vector<16xi32>
    %mul3A_226 = arith.muli %and3A_223, %mul3A_225 : vector<16xi32>
    %add3A_227 = arith.addi %mul3A_226, %iota3A : vector<16xi32>
    %add3A_228 = arith.constant 13 : i32
    %add3A_229 = vector.broadcast %add3A_228 : i32 to vector<16xi32>
    %add3A_230 = arith.addi %iota3A, %add3A_229 : vector<16xi32>
    %and3A_231 = arith.constant 15 : i32
    %and3A_232 = vector.broadcast %and3A_231 : i32 to vector<16xi32>
    %and3A_233 = arith.andi %add3A_230, %and3A_232 : vector<16xi32>
    %mul3A_234 = arith.constant 128 : i32
    %mul3A_235 = vector.broadcast %mul3A_234 : i32 to vector<16xi32>
    %mul3A_236 = arith.muli %and3A_233, %mul3A_235 : vector<16xi32>
    %add3A_237 = arith.addi %mul3A_236, %iota3A : vector<16xi32>
    %add3A_238 = arith.constant 14 : i32
    %add3A_239 = vector.broadcast %add3A_238 : i32 to vector<16xi32>
    %add3A_240 = arith.addi %iota3A, %add3A_239 : vector<16xi32>
    %and3A_241 = arith.constant 15 : i32
    %and3A_242 = vector.broadcast %and3A_241 : i32 to vector<16xi32>
    %and3A_243 = arith.andi %add3A_240, %and3A_242 : vector<16xi32>
    %mul3A_244 = arith.constant 128 : i32
    %mul3A_245 = vector.broadcast %mul3A_244 : i32 to vector<16xi32>
    %mul3A_246 = arith.muli %and3A_243, %mul3A_245 : vector<16xi32>
    %add3A_247 = arith.addi %mul3A_246, %iota3A : vector<16xi32>
    %add3A_248 = arith.constant 15 : i32
    %add3A_249 = vector.broadcast %add3A_248 : i32 to vector<16xi32>
    %add3A_250 = arith.addi %iota3A, %add3A_249 : vector<16xi32>
    %and3A_251 = arith.constant 15 : i32
    %and3A_252 = vector.broadcast %and3A_251 : i32 to vector<16xi32>
    %and3A_253 = arith.andi %add3A_250, %and3A_252 : vector<16xi32>
    %mul3A_254 = arith.constant 128 : i32
    %mul3A_255 = vector.broadcast %mul3A_254 : i32 to vector<16xi32>
    %mul3A_256 = arith.muli %and3A_253, %mul3A_255 : vector<16xi32>
    %add3A_257 = arith.addi %mul3A_256, %iota3A : vector<16xi32>
    %dma_start3A = arith.constant 0 : i32
    %dma_start3A_258 = arith.constant 0 : i32
    %dma_start3A_259 = tpu.memref_slice %arg5[%dma_start3A, %dma_start3A_258] : memref<104x128xi32, #tpu.memory_space<vmem>> -> memref<1x128xi32, #tpu.memory_space<vmem>>
    %dma_start3A_260 = tpu.memref_squeeze %dma_start3A_259 : memref<1x128xi32, #tpu.memory_space<vmem>> -> memref<128xi32, #tpu.memory_space<vmem>>
    %dma_start3A_261 = arith.constant 0 : i32
    %dma_start3A_262 = arith.constant 0 : i32
    %dma_start3A_263 = tpu.memref_slice %arg2[%dma_start3A_261, %dma_start3A_262] : memref<1000000x128xf32, #tpu.memory_space<hbm>> -> memref<1000000x128xf32, #tpu.memory_space<hbm>>
    tpu.enqueue_indirect_dma source(%dma_start3A_263 : memref<1000000x128xf32, #tpu.memory_space<hbm>>) target(%arg6 : memref<128x128xf32, #tpu.memory_space<vmem>>) offsets(%dma_start3A_260 : memref<128xi32, #tpu.memory_space<vmem>>) semaphore(%arg10 : memref<!tpu.dma_semaphore, #tpu.memory_space<semaphore_mem>>)
    %dma_start3A_264 = arith.constant 1 : i32
    %dma_start3A_265 = arith.constant 0 : i32
    %dma_start3A_266 = tpu.memref_slice %arg5[%dma_start3A_264, %dma_start3A_265] : memref<104x128xi32, #tpu.memory_space<vmem>> -> memref<1x128xi32, #tpu.memory_space<vmem>>
    %dma_start3A_267 = tpu.memref_squeeze %dma_start3A_266 : memref<1x128xi32, #tpu.memory_space<vmem>> -> memref<128xi32, #tpu.memory_space<vmem>>
    %dma_start3A_268 = arith.constant 0 : i32
    %dma_start3A_269 = arith.constant 0 : i32
    %dma_start3A_270 = tpu.memref_slice %arg2[%dma_start3A_268, %dma_start3A_269] : memref<1000000x128xf32, #tpu.memory_space<hbm>> -> memref<1000000x128xf32, #tpu.memory_space<hbm>>
    tpu.enqueue_indirect_dma source(%dma_start3A_270 : memref<1000000x128xf32, #tpu.memory_space<hbm>>) target(%arg7 : memref<128x128xf32, #tpu.memory_space<vmem>>) offsets(%dma_start3A_267 : memref<128xi32, #tpu.memory_space<vmem>>) semaphore(%arg10 : memref<!tpu.dma_semaphore, #tpu.memory_space<semaphore_mem>>)
    %scan3A = arith.constant 0 : i32
    %scan3A_271 = arith.constant 0 : i32
    %scan3A_272 = arith.constant 52 : i32
    %scan3A_273 = arith.addi %scan3A_271, %scan3A_272 : i32
    %scan3A_274 = arith.constant 1 : i32
    scf.for %scan3A_594 = %scan3A_271 to %scan3A_273 step %scan3A_274  : i32 {
      %mul3A_595 = arith.constant 2 : i32
      %mul3A_596 = arith.muli %scan3A_594, %mul3A_595 : i32
      %add3A_597 = arith.constant 0 : i32
      %add3A_598 = arith.addi %mul3A_596, %add3A_597 : i32
      %dma_wait3A_599 = arith.constant 0 : i32
      %dma_wait3A_600 = tpu.memref_slice %arg5[%add3A_598, %dma_wait3A_599] : memref<104x128xi32, #tpu.memory_space<vmem>> -> memref<1x128xi32, #tpu.memory_space<vmem>>
      %dma_wait3A_601 = tpu.memref_squeeze %dma_wait3A_600 : memref<1x128xi32, #tpu.memory_space<vmem>> -> memref<128xi32, #tpu.memory_space<vmem>>
      %dma_wait3A_602 = arith.constant 0 : i32
      %dma_wait3A_603 = arith.constant 0 : i32
      %dma_wait3A_604 = tpu.memref_slice %arg2[%dma_wait3A_602, %dma_wait3A_603] : memref<1000000x128xf32, #tpu.memory_space<hbm>> -> memref<1000000x128xf32, #tpu.memory_space<hbm>>
      tpu.wait_indirect_dma semaphore(%arg10 : memref<!tpu.dma_semaphore, #tpu.memory_space<semaphore_mem>>) src(%dma_wait3A_604 : memref<1000000x128xf32, #tpu.memory_space<hbm>>) dst(%arg6 : memref<128x128xf32, #tpu.memory_space<vmem>>)
      %ge3A = arith.constant 2 : i32
      %ge3A_605 = arith.cmpi sge, %add3A_598, %ge3A : i32
      %convert_element_type3A = arith.extui %ge3A_605 : i1 to i32
      %cond3A = arith.constant 0 : i32
      %cond3A_606 = arith.cmpi ne, %convert_element_type3A, %cond3A : i32
      scf.if %cond3A_606 {
        %sub3A_972 = arith.constant 2 : i32
        %sub3A_973 = arith.subi %add3A_598, %sub3A_972 : i32
        %add3A_974 = arith.addi %mul3A_2, %sub3A_973 : i32
        %jit3A_975 = arith.constant 128 : i32
        %div3A_976 = arith.divsi %add3A_974, %jit3A_975 : i32
        %sign3A_977 = arith.constant 0 : i32
        %sign3A_978 = arith.cmpi sgt, %add3A_974, %sign3A_977 : i32
        %sign3A_979 = arith.extui %sign3A_978 : i1 to i32
        %sign3A_980 = arith.constant 0 : i32
        %sign3A_981 = arith.cmpi slt, %add3A_974, %sign3A_980 : i32
        %sign3A_982 = arith.extui %sign3A_981 : i1 to i32
        %sign3A_983 = arith.subi %sign3A_979, %sign3A_982 : i32
        %sign3A_984 = arith.constant 0 : i32
        %sign3A_985 = arith.cmpi sgt, %jit3A_975, %sign3A_984 : i32
        %sign3A_986 = arith.extui %sign3A_985 : i1 to i32
        %sign3A_987 = arith.constant 0 : i32
        %sign3A_988 = arith.cmpi slt, %jit3A_975, %sign3A_987 : i32
        %sign3A_989 = arith.extui %sign3A_988 : i1 to i32
        %sign3A_990 = arith.subi %sign3A_986, %sign3A_989 : i32
        %ne3A_991 = arith.cmpi ne, %sign3A_983, %sign3A_990 : i32
        %rem3A_992 = arith.remsi %add3A_974, %jit3A_975 : i32
        %ne3A_993 = arith.constant 0 : i32
        %ne3A_994 = arith.cmpi ne, %rem3A_992, %ne3A_993 : i32
        %and3A_995 = arith.andi %ne3A_991, %ne3A_994 : i1
        %sub3A_996 = arith.constant 1 : i32
        %sub3A_997 = arith.subi %div3A_976, %sub3A_996 : i32
        %select_n3A_998 = arith.select %and3A_995, %sub3A_997, %div3A_976 : i32
        %add3A_999 = arith.addi %mul3A_2, %sub3A_973 : i32
        %jit3A_1000 = arith.constant 128 : i32
        %eq3A_1001 = arith.constant 0 : i32
        %eq3A_1002 = arith.cmpi eq, %jit3A_1000, %eq3A_1001 : i32
        %jit3A_1003 = arith.constant 1 : i32
        %select_n3A_1004 = arith.select %eq3A_1002, %jit3A_1003, %jit3A_1000 : i32
        %rem3A_1005 = arith.remsi %add3A_999, %select_n3A_1004 : i32
        %ne3A_1006 = arith.constant 0 : i32
        %ne3A_1007 = arith.cmpi ne, %rem3A_1005, %ne3A_1006 : i32
        %lt3A_1008 = arith.constant 0 : i32
        %lt3A_1009 = arith.cmpi slt, %rem3A_1005, %lt3A_1008 : i32
        %lt3A_1010 = arith.constant 0 : i32
        %lt3A_1011 = arith.cmpi slt, %select_n3A_1004, %lt3A_1010 : i32
        %ne3A_1012 = arith.xori %lt3A_1009, %lt3A_1011 : i1
        %and3A_1013 = arith.andi %ne3A_1012, %ne3A_1007 : i1
        %add3A_1014 = arith.addi %rem3A_1005, %select_n3A_1004 : i32
        %select_n3A_1015 = arith.select %and3A_1013, %add3A_1014, %rem3A_1005 : i32
        %mul3A_1016 = arith.constant 8 : i32
        %mul3A_1017 = arith.muli %select_n3A_998, %mul3A_1016 : i32
        %add3A_1018 = arith.constant 0 : i32
        %add3A_1019 = arith.addi %mul3A_1017, %add3A_1018 : i32
        %mul3A_1020 = arith.constant 128 : i32
        %mul3A_1021 = arith.muli %add3A_1019, %mul3A_1020 : i32
        %add3A_1022 = arith.addi %mul3A_1021, %select_n3A_1015 : i32
        %mul3A_1023 = arith.constant 1024 : i32
        %mul3A_1024 = arith.muli %add3A_1022, %mul3A_1023 : i32
        %mul3A_1025 = arith.constant 8 : i32
        %mul3A_1026 = arith.muli %select_n3A_998, %mul3A_1025 : i32
        %add3A_1027 = arith.constant 1 : i32
        %add3A_1028 = arith.addi %mul3A_1026, %add3A_1027 : i32
        %mul3A_1029 = arith.constant 128 : i32
        %mul3A_1030 = arith.muli %add3A_1028, %mul3A_1029 : i32
        %add3A_1031 = arith.addi %mul3A_1030, %select_n3A_1015 : i32
        %mul3A_1032 = arith.constant 1024 : i32
        %mul3A_1033 = arith.muli %add3A_1031, %mul3A_1032 : i32
        %mul3A_1034 = arith.constant 8 : i32
        %mul3A_1035 = arith.muli %select_n3A_998, %mul3A_1034 : i32
        %add3A_1036 = arith.constant 2 : i32
        %add3A_1037 = arith.addi %mul3A_1035, %add3A_1036 : i32
        %mul3A_1038 = arith.constant 128 : i32
        %mul3A_1039 = arith.muli %add3A_1037, %mul3A_1038 : i32
        %add3A_1040 = arith.addi %mul3A_1039, %select_n3A_1015 : i32
        %mul3A_1041 = arith.constant 1024 : i32
        %mul3A_1042 = arith.muli %add3A_1040, %mul3A_1041 : i32
        %mul3A_1043 = arith.constant 8 : i32
        %mul3A_1044 = arith.muli %select_n3A_998, %mul3A_1043 : i32
        %add3A_1045 = arith.constant 3 : i32
        %add3A_1046 = arith.addi %mul3A_1044, %add3A_1045 : i32
        %mul3A_1047 = arith.constant 128 : i32
        %mul3A_1048 = arith.muli %add3A_1046, %mul3A_1047 : i32
        %add3A_1049 = arith.addi %mul3A_1048, %select_n3A_1015 : i32
        %mul3A_1050 = arith.constant 1024 : i32
        %mul3A_1051 = arith.muli %add3A_1049, %mul3A_1050 : i32
        %mul3A_1052 = arith.constant 8 : i32
        %mul3A_1053 = arith.muli %select_n3A_998, %mul3A_1052 : i32
        %add3A_1054 = arith.constant 4 : i32
        %add3A_1055 = arith.addi %mul3A_1053, %add3A_1054 : i32
        %mul3A_1056 = arith.constant 128 : i32
        %mul3A_1057 = arith.muli %add3A_1055, %mul3A_1056 : i32
        %add3A_1058 = arith.addi %mul3A_1057, %select_n3A_1015 : i32
        %mul3A_1059 = arith.constant 1024 : i32
        %mul3A_1060 = arith.muli %add3A_1058, %mul3A_1059 : i32
        %mul3A_1061 = arith.constant 8 : i32
        %mul3A_1062 = arith.muli %select_n3A_998, %mul3A_1061 : i32
        %add3A_1063 = arith.constant 5 : i32
        %add3A_1064 = arith.addi %mul3A_1062, %add3A_1063 : i32
        %mul3A_1065 = arith.constant 128 : i32
        %mul3A_1066 = arith.muli %add3A_1064, %mul3A_1065 : i32
        %add3A_1067 = arith.addi %mul3A_1066, %select_n3A_1015 : i32
        %mul3A_1068 = arith.constant 1024 : i32
        %mul3A_1069 = arith.muli %add3A_1067, %mul3A_1068 : i32
        %mul3A_1070 = arith.constant 8 : i32
        %mul3A_1071 = arith.muli %select_n3A_998, %mul3A_1070 : i32
        %add3A_1072 = arith.constant 6 : i32
        %add3A_1073 = arith.addi %mul3A_1071, %add3A_1072 : i32
        %mul3A_1074 = arith.constant 128 : i32
        %mul3A_1075 = arith.muli %add3A_1073, %mul3A_1074 : i32
        %add3A_1076 = arith.addi %mul3A_1075, %select_n3A_1015 : i32
        %mul3A_1077 = arith.constant 1024 : i32
        %mul3A_1078 = arith.muli %add3A_1076, %mul3A_1077 : i32
        %mul3A_1079 = arith.constant 8 : i32
        %mul3A_1080 = arith.muli %select_n3A_998, %mul3A_1079 : i32
        %add3A_1081 = arith.constant 7 : i32
        %add3A_1082 = arith.addi %mul3A_1080, %add3A_1081 : i32
        %mul3A_1083 = arith.constant 128 : i32
        %mul3A_1084 = arith.muli %add3A_1082, %mul3A_1083 : i32
        %add3A_1085 = arith.addi %mul3A_1084, %select_n3A_1015 : i32
        %mul3A_1086 = arith.constant 1024 : i32
        %mul3A_1087 = arith.muli %add3A_1085, %mul3A_1086 : i32
        %dma_wait3A_1088 = arith.constant 0 : i32
        %dma_wait3A_1089 = tpu.memref_slice %arg8[%dma_wait3A_1088] : memref<8192xf32, #tpu.memory_space<vmem>> -> memref<1024xf32, #tpu.memory_space<vmem>>
        %dma_wait3A_1090 = tpu.memref_slice %arg4[%mul3A_1024] : memref<27262976xf32, #tpu.memory_space<hbm>> -> memref<1024xf32, #tpu.memory_space<hbm>>
        %dma_wait3A_1091 = tpu.memref_slice %arg4[%mul3A_1024] : memref<27262976xf32, #tpu.memory_space<hbm>> -> memref<1024xf32, #tpu.memory_space<hbm>>
        %dma_wait3A_1092 = arith.constant 0 : i32
        %dma_wait3A_1093 = tpu.memref_slice %arg8[%dma_wait3A_1092] : memref<8192xf32, #tpu.memory_space<vmem>> -> memref<1024xf32, #tpu.memory_space<vmem>>
        tpu.wait_dma2 semaphore(%arg11 : memref<!tpu.dma_semaphore, #tpu.memory_space<semaphore_mem>>) src(%dma_wait3A_1093 : memref<1024xf32, #tpu.memory_space<vmem>>) dst(%dma_wait3A_1091 : memref<1024xf32, #tpu.memory_space<hbm>>)
        %dma_wait3A_1094 = arith.constant 1024 : i32
        %dma_wait3A_1095 = tpu.memref_slice %arg8[%dma_wait3A_1094] : memref<8192xf32, #tpu.memory_space<vmem>> -> memref<1024xf32, #tpu.memory_space<vmem>>
        %dma_wait3A_1096 = tpu.memref_slice %arg4[%mul3A_1033] : memref<27262976xf32, #tpu.memory_space<hbm>> -> memref<1024xf32, #tpu.memory_space<hbm>>
        %dma_wait3A_1097 = tpu.memref_slice %arg4[%mul3A_1033] : memref<27262976xf32, #tpu.memory_space<hbm>> -> memref<1024xf32, #tpu.memory_space<hbm>>
        %dma_wait3A_1098 = arith.constant 1024 : i32
        %dma_wait3A_1099 = tpu.memref_slice %arg8[%dma_wait3A_1098] : memref<8192xf32, #tpu.memory_space<vmem>> -> memref<1024xf32, #tpu.memory_space<vmem>>
        tpu.wait_dma2 semaphore(%arg11 : memref<!tpu.dma_semaphore, #tpu.memory_space<semaphore_mem>>) src(%dma_wait3A_1099 : memref<1024xf32, #tpu.memory_space<vmem>>) dst(%dma_wait3A_1097 : memref<1024xf32, #tpu.memory_space<hbm>>)
        %dma_wait3A_1100 = arith.constant 2048 : i32
        %dma_wait3A_1101 = tpu.memref_slice %arg8[%dma_wait3A_1100] : memref<8192xf32, #tpu.memory_space<vmem>> -> memref<1024xf32, #tpu.memory_space<vmem>>
        %dma_wait3A_1102 = tpu.memref_slice %arg4[%mul3A_1042] : memref<27262976xf32, #tpu.memory_space<hbm>> -> memref<1024xf32, #tpu.memory_space<hbm>>
        %dma_wait3A_1103 = tpu.memref_slice %arg4[%mul3A_1042] : memref<27262976xf32, #tpu.memory_space<hbm>> -> memref<1024xf32, #tpu.memory_space<hbm>>
        %dma_wait3A_1104 = arith.constant 2048 : i32
        %dma_wait3A_1105 = tpu.memref_slice %arg8[%dma_wait3A_1104] : memref<8192xf32, #tpu.memory_space<vmem>> -> memref<1024xf32, #tpu.memory_space<vmem>>
        tpu.wait_dma2 semaphore(%arg11 : memref<!tpu.dma_semaphore, #tpu.memory_space<semaphore_mem>>) src(%dma_wait3A_1105 : memref<1024xf32, #tpu.memory_space<vmem>>) dst(%dma_wait3A_1103 : memref<1024xf32, #tpu.memory_space<hbm>>)
        %dma_wait3A_1106 = arith.constant 3072 : i32
        %dma_wait3A_1107 = tpu.memref_slice %arg8[%dma_wait3A_1106] : memref<8192xf32, #tpu.memory_space<vmem>> -> memref<1024xf32, #tpu.memory_space<vmem>>
        %dma_wait3A_1108 = tpu.memref_slice %arg4[%mul3A_1051] : memref<27262976xf32, #tpu.memory_space<hbm>> -> memref<1024xf32, #tpu.memory_space<hbm>>
        %dma_wait3A_1109 = tpu.memref_slice %arg4[%mul3A_1051] : memref<27262976xf32, #tpu.memory_space<hbm>> -> memref<1024xf32, #tpu.memory_space<hbm>>
        %dma_wait3A_1110 = arith.constant 3072 : i32
        %dma_wait3A_1111 = tpu.memref_slice %arg8[%dma_wait3A_1110] : memref<8192xf32, #tpu.memory_space<vmem>> -> memref<1024xf32, #tpu.memory_space<vmem>>
        tpu.wait_dma2 semaphore(%arg11 : memref<!tpu.dma_semaphore, #tpu.memory_space<semaphore_mem>>) src(%dma_wait3A_1111 : memref<1024xf32, #tpu.memory_space<vmem>>) dst(%dma_wait3A_1109 : memref<1024xf32, #tpu.memory_space<hbm>>)
        %dma_wait3A_1112 = arith.constant 4096 : i32
        %dma_wait3A_1113 = tpu.memref_slice %arg8[%dma_wait3A_1112] : memref<8192xf32, #tpu.memory_space<vmem>> -> memref<1024xf32, #tpu.memory_space<vmem>>
        %dma_wait3A_1114 = tpu.memref_slice %arg4[%mul3A_1060] : memref<27262976xf32, #tpu.memory_space<hbm>> -> memref<1024xf32, #tpu.memory_space<hbm>>
        %dma_wait3A_1115 = tpu.memref_slice %arg4[%mul3A_1060] : memref<27262976xf32, #tpu.memory_space<hbm>> -> memref<1024xf32, #tpu.memory_space<hbm>>
        %dma_wait3A_1116 = arith.constant 4096 : i32
        %dma_wait3A_1117 = tpu.memref_slice %arg8[%dma_wait3A_1116] : memref<8192xf32, #tpu.memory_space<vmem>> -> memref<1024xf32, #tpu.memory_space<vmem>>
        tpu.wait_dma2 semaphore(%arg11 : memref<!tpu.dma_semaphore, #tpu.memory_space<semaphore_mem>>) src(%dma_wait3A_1117 : memref<1024xf32, #tpu.memory_space<vmem>>) dst(%dma_wait3A_1115 : memref<1024xf32, #tpu.memory_space<hbm>>)
        %dma_wait3A_1118 = arith.constant 5120 : i32
        %dma_wait3A_1119 = tpu.memref_slice %arg8[%dma_wait3A_1118] : memref<8192xf32, #tpu.memory_space<vmem>> -> memref<1024xf32, #tpu.memory_space<vmem>>
        %dma_wait3A_1120 = tpu.memref_slice %arg4[%mul3A_1069] : memref<27262976xf32, #tpu.memory_space<hbm>> -> memref<1024xf32, #tpu.memory_space<hbm>>
        %dma_wait3A_1121 = tpu.memref_slice %arg4[%mul3A_1069] : memref<27262976xf32, #tpu.memory_space<hbm>> -> memref<1024xf32, #tpu.memory_space<hbm>>
        %dma_wait3A_1122 = arith.constant 5120 : i32
        %dma_wait3A_1123 = tpu.memref_slice %arg8[%dma_wait3A_1122] : memref<8192xf32, #tpu.memory_space<vmem>> -> memref<1024xf32, #tpu.memory_space<vmem>>
        tpu.wait_dma2 semaphore(%arg11 : memref<!tpu.dma_semaphore, #tpu.memory_space<semaphore_mem>>) src(%dma_wait3A_1123 : memref<1024xf32, #tpu.memory_space<vmem>>) dst(%dma_wait3A_1121 : memref<1024xf32, #tpu.memory_space<hbm>>)
        %dma_wait3A_1124 = arith.constant 6144 : i32
        %dma_wait3A_1125 = tpu.memref_slice %arg8[%dma_wait3A_1124] : memref<8192xf32, #tpu.memory_space<vmem>> -> memref<1024xf32, #tpu.memory_space<vmem>>
        %dma_wait3A_1126 = tpu.memref_slice %arg4[%mul3A_1078] : memref<27262976xf32, #tpu.memory_space<hbm>> -> memref<1024xf32, #tpu.memory_space<hbm>>
        %dma_wait3A_1127 = tpu.memref_slice %arg4[%mul3A_1078] : memref<27262976xf32, #tpu.memory_space<hbm>> -> memref<1024xf32, #tpu.memory_space<hbm>>
        %dma_wait3A_1128 = arith.constant 6144 : i32
        %dma_wait3A_1129 = tpu.memref_slice %arg8[%dma_wait3A_1128] : memref<8192xf32, #tpu.memory_space<vmem>> -> memref<1024xf32, #tpu.memory_space<vmem>>
        tpu.wait_dma2 semaphore(%arg11 : memref<!tpu.dma_semaphore, #tpu.memory_space<semaphore_mem>>) src(%dma_wait3A_1129 : memref<1024xf32, #tpu.memory_space<vmem>>) dst(%dma_wait3A_1127 : memref<1024xf32, #tpu.memory_space<hbm>>)
        %dma_wait3A_1130 = arith.constant 7168 : i32
        %dma_wait3A_1131 = tpu.memref_slice %arg8[%dma_wait3A_1130] : memref<8192xf32, #tpu.memory_space<vmem>> -> memref<1024xf32, #tpu.memory_space<vmem>>
        %dma_wait3A_1132 = tpu.memref_slice %arg4[%mul3A_1087] : memref<27262976xf32, #tpu.memory_space<hbm>> -> memref<1024xf32, #tpu.memory_space<hbm>>
        %dma_wait3A_1133 = tpu.memref_slice %arg4[%mul3A_1087] : memref<27262976xf32, #tpu.memory_space<hbm>> -> memref<1024xf32, #tpu.memory_space<hbm>>
        %dma_wait3A_1134 = arith.constant 7168 : i32
        %dma_wait3A_1135 = tpu.memref_slice %arg8[%dma_wait3A_1134] : memref<8192xf32, #tpu.memory_space<vmem>> -> memref<1024xf32, #tpu.memory_space<vmem>>
        tpu.wait_dma2 semaphore(%arg11 : memref<!tpu.dma_semaphore, #tpu.memory_space<semaphore_mem>>) src(%dma_wait3A_1135 : memref<1024xf32, #tpu.memory_space<vmem>>) dst(%dma_wait3A_1133 : memref<1024xf32, #tpu.memory_space<hbm>>)
      } else {
      }
      %scan3A_607 = arith.constant 0 : i32
      %scan3A_608 = arith.constant 0 : i32
      %scan3A_609 = arith.constant 8 : i32
      %scan3A_610 = arith.addi %scan3A_608, %scan3A_609 : i32
      %scan3A_611 = arith.constant 1 : i32
      scf.for %scan3A_972 = %scan3A_608 to %scan3A_610 step %scan3A_611  : i32 {
        %mul3A_973 = arith.constant 16 : i32
        %mul3A_974 = arith.muli %scan3A_972, %mul3A_973 : i32
        %add3A_975 = vector.broadcast %mul3A_974 : i32 to vector<16xi32>
        %add3A_976 = arith.addi %iota3A, %add3A_975 : vector<16xi32>
        %add3A_977 = arith.constant 0 : i32
        %add3A_978 = vector.broadcast %add3A_977 : i32 to vector<16xi32>
        %add3A_979 = arith.addi %and3A_7, %add3A_978 : vector<16xi32>
        %gather3A = tpu.vector_load_idx %arg6[%add3A_976, %add3A_979] : memref<128x128xf32, #tpu.memory_space<vmem>>[vector<16xi32>, vector<16xi32>], vector<16xf32>,
        %add3A_980 = arith.constant 0 : i32
        %add3A_981 = vector.broadcast %add3A_980 : i32 to vector<16xi32>
        %add3A_982 = arith.addi %add3A_107, %add3A_981 : vector<16xi32>
        %add3A_983 = vector.broadcast %mul3A_974 : i32 to vector<16xi32>
        %add3A_984 = arith.addi %add3A_982, %add3A_983 : vector<16xi32>
        tpu.vector_store_idx %arg8[%add3A_984], %gather3A : memref<8192xf32, #tpu.memory_space<vmem>>[vector<16xi32>], vector<16xf32>,
        %add3A_985 = arith.constant 0 : i32
        %add3A_986 = vector.broadcast %add3A_985 : i32 to vector<16xi32>
        %add3A_987 = arith.addi %and3A_13, %add3A_986 : vector<16xi32>
        %gather3A_988 = tpu.vector_load_idx %arg6[%add3A_976, %add3A_987] : memref<128x128xf32, #tpu.memory_space<vmem>>[vector<16xi32>, vector<16xi32>], vector<16xf32>,
        %add3A_989 = arith.constant 0 : i32
        %add3A_990 = vector.broadcast %add3A_989 : i32 to vector<16xi32>
        %add3A_991 = arith.addi %add3A_117, %add3A_990 : vector<16xi32>
        %add3A_992 = vector.broadcast %mul3A_974 : i32 to vector<16xi32>
        %add3A_993 = arith.addi %add3A_991, %add3A_992 : vector<16xi32>
        tpu.vector_store_idx %arg8[%add3A_993], %gather3A_988 : memref<8192xf32, #tpu.memory_space<vmem>>[vector<16xi32>], vector<16xf32>,
        %add3A_994 = arith.constant 0 : i32
        %add3A_995 = vector.broadcast %add3A_994 : i32 to vector<16xi32>
        %add3A_996 = arith.addi %and3A_19, %add3A_995 : vector<16xi32>
        %gather3A_997 = tpu.vector_load_idx %arg6[%add3A_976, %add3A_996] : memref<128x128xf32, #tpu.memory_space<vmem>>[vector<16xi32>, vector<16xi32>], vector<16xf32>,
        %add3A_998 = arith.constant 0 : i32
        %add3A_999 = vector.broadcast %add3A_998 : i32 to vector<16xi32>
        %add3A_1000 = arith.addi %add3A_127, %add3A_999 : vector<16xi32>
        %add3A_1001 = vector.broadcast %mul3A_974 : i32 to vector<16xi32>
        %add3A_1002 = arith.addi %add3A_1000, %add3A_1001 : vector<16xi32>
        tpu.vector_store_idx %arg8[%add3A_1002], %gather3A_997 : memref<8192xf32, #tpu.memory_space<vmem>>[vector<16xi32>], vector<16xf32>,
        %add3A_1003 = arith.constant 0 : i32
        %add3A_1004 = vector.broadcast %add3A_1003 : i32 to vector<16xi32>
        %add3A_1005 = arith.addi %and3A_25, %add3A_1004 : vector<16xi32>
        %gather3A_1006 = tpu.vector_load_idx %arg6[%add3A_976, %add3A_1005] : memref<128x128xf32, #tpu.memory_space<vmem>>[vector<16xi32>, vector<16xi32>], vector<16xf32>,
        %add3A_1007 = arith.constant 0 : i32
        %add3A_1008 = vector.broadcast %add3A_1007 : i32 to vector<16xi32>
        %add3A_1009 = arith.addi %add3A_137, %add3A_1008 : vector<16xi32>
        %add3A_1010 = vector.broadcast %mul3A_974 : i32 to vector<16xi32>
        %add3A_1011 = arith.addi %add3A_1009, %add3A_1010 : vector<16xi32>
        tpu.vector_store_idx %arg8[%add3A_1011], %gather3A_1006 : memref<8192xf32, #tpu.memory_space<vmem>>[vector<16xi32>], vector<16xf32>,
        %add3A_1012 = arith.constant 0 : i32
        %add3A_1013 = vector.broadcast %add3A_1012 : i32 to vector<16xi32>
        %add3A_1014 = arith.addi %and3A_31, %add3A_1013 : vector<16xi32>
        %gather3A_1015 = tpu.vector_load_idx %arg6[%add3A_976, %add3A_1014] : memref<128x128xf32, #tpu.memory_space<vmem>>[vector<16xi32>, vector<16xi32>], vector<16xf32>,
        %add3A_1016 = arith.constant 0 : i32
        %add3A_1017 = vector.broadcast %add3A_1016 : i32 to vector<16xi32>
        %add3A_1018 = arith.addi %add3A_147, %add3A_1017 : vector<16xi32>
        %add3A_1019 = vector.broadcast %mul3A_974 : i32 to vector<16xi32>
        %add3A_1020 = arith.addi %add3A_1018, %add3A_1019 : vector<16xi32>
        tpu.vector_store_idx %arg8[%add3A_1020], %gather3A_1015 : memref<8192xf32, #tpu.memory_space<vmem>>[vector<16xi32>], vector<16xf32>,
        %add3A_1021 = arith.constant 0 : i32
        %add3A_1022 = vector.broadcast %add3A_1021 : i32 to vector<16xi32>
        %add3A_1023 = arith.addi %and3A_37, %add3A_1022 : vector<16xi32>
        %gather3A_1024 = tpu.vector_load_idx %arg6[%add3A_976, %add3A_1023] : memref<128x128xf32, #tpu.memory_space<vmem>>[vector<16xi32>, vector<16xi32>], vector<16xf32>,
        %add3A_1025 = arith.constant 0 : i32
        %add3A_1026 = vector.broadcast %add3A_1025 : i32 to vector<16xi32>
        %add3A_1027 = arith.addi %add3A_157, %add3A_1026 : vector<16xi32>
        %add3A_1028 = vector.broadcast %mul3A_974 : i32 to vector<16xi32>
        %add3A_1029 = arith.addi %add3A_1027, %add3A_1028 : vector<16xi32>
        tpu.vector_store_idx %arg8[%add3A_1029], %gather3A_1024 : memref<8192xf32, #tpu.memory_space<vmem>>[vector<16xi32>], vector<16xf32>,
        %add3A_1030 = arith.constant 0 : i32
        %add3A_1031 = vector.broadcast %add3A_1030 : i32 to vector<16xi32>
        %add3A_1032 = arith.addi %and3A_43, %add3A_1031 : vector<16xi32>
        %gather3A_1033 = tpu.vector_load_idx %arg6[%add3A_976, %add3A_1032] : memref<128x128xf32, #tpu.memory_space<vmem>>[vector<16xi32>, vector<16xi32>], vector<16xf32>,
        %add3A_1034 = arith.constant 0 : i32
        %add3A_1035 = vector.broadcast %add3A_1034 : i32 to vector<16xi32>
        %add3A_1036 = arith.addi %add3A_167, %add3A_1035 : vector<16xi32>
        %add3A_1037 = vector.broadcast %mul3A_974 : i32 to vector<16xi32>
        %add3A_1038 = arith.addi %add3A_1036, %add3A_1037 : vector<16xi32>
        tpu.vector_store_idx %arg8[%add3A_1038], %gather3A_1033 : memref<8192xf32, #tpu.memory_space<vmem>>[vector<16xi32>], vector<16xf32>,
        %add3A_1039 = arith.constant 0 : i32
        %add3A_1040 = vector.broadcast %add3A_1039 : i32 to vector<16xi32>
        %add3A_1041 = arith.addi %and3A_49, %add3A_1040 : vector<16xi32>
        %gather3A_1042 = tpu.vector_load_idx %arg6[%add3A_976, %add3A_1041] : memref<128x128xf32, #tpu.memory_space<vmem>>[vector<16xi32>, vector<16xi32>], vector<16xf32>,
        %add3A_1043 = arith.constant 0 : i32
        %add3A_1044 = vector.broadcast %add3A_1043 : i32 to vector<16xi32>
        %add3A_1045 = arith.addi %add3A_177, %add3A_1044 : vector<16xi32>
        %add3A_1046 = vector.broadcast %mul3A_974 : i32 to vector<16xi32>
        %add3A_1047 = arith.addi %add3A_1045, %add3A_1046 : vector<16xi32>
        tpu.vector_store_idx %arg8[%add3A_1047], %gather3A_1042 : memref<8192xf32, #tpu.memory_space<vmem>>[vector<16xi32>], vector<16xf32>,
        %add3A_1048 = arith.constant 0 : i32
        %add3A_1049 = vector.broadcast %add3A_1048 : i32 to vector<16xi32>
        %add3A_1050 = arith.addi %and3A_55, %add3A_1049 : vector<16xi32>
        %gather3A_1051 = tpu.vector_load_idx %arg6[%add3A_976, %add3A_1050] : memref<128x128xf32, #tpu.memory_space<vmem>>[vector<16xi32>, vector<16xi32>], vector<16xf32>,
        %add3A_1052 = arith.constant 0 : i32
        %add3A_1053 = vector.broadcast %add3A_1052 : i32 to vector<16xi32>
        %add3A_1054 = arith.addi %add3A_187, %add3A_1053 : vector<16xi32>
        %add3A_1055 = vector.broadcast %mul3A_974 : i32 to vector<16xi32>
        %add3A_1056 = arith.addi %add3A_1054, %add3A_1055 : vector<16xi32>
        tpu.vector_store_idx %arg8[%add3A_1056], %gather3A_1051 : memref<8192xf32, #tpu.memory_space<vmem>>[vector<16xi32>], vector<16xf32>,
        %add3A_1057 = arith.constant 0 : i32
        %add3A_1058 = vector.broadcast %add3A_1057 : i32 to vector<16xi32>
        %add3A_1059 = arith.addi %and3A_61, %add3A_1058 : vector<16xi32>
        %gather3A_1060 = tpu.vector_load_idx %arg6[%add3A_976, %add3A_1059] : memref<128x128xf32, #tpu.memory_space<vmem>>[vector<16xi32>, vector<16xi32>], vector<16xf32>,
        %add3A_1061 = arith.constant 0 : i32
        %add3A_1062 = vector.broadcast %add3A_1061 : i32 to vector<16xi32>
        %add3A_1063 = arith.addi %add3A_197, %add3A_1062 : vector<16xi32>
        %add3A_1064 = vector.broadcast %mul3A_974 : i32 to vector<16xi32>
        %add3A_1065 = arith.addi %add3A_1063, %add3A_1064 : vector<16xi32>
        tpu.vector_store_idx %arg8[%add3A_1065], %gather3A_1060 : memref<8192xf32, #tpu.memory_space<vmem>>[vector<16xi32>], vector<16xf32>,
        %add3A_1066 = arith.constant 0 : i32
        %add3A_1067 = vector.broadcast %add3A_1066 : i32 to vector<16xi32>
        %add3A_1068 = arith.addi %and3A_67, %add3A_1067 : vector<16xi32>
        %gather3A_1069 = tpu.vector_load_idx %arg6[%add3A_976, %add3A_1068] : memref<128x128xf32, #tpu.memory_space<vmem>>[vector<16xi32>, vector<16xi32>], vector<16xf32>,
        %add3A_1070 = arith.constant 0 : i32
        %add3A_1071 = vector.broadcast %add3A_1070 : i32 to vector<16xi32>
        %add3A_1072 = arith.addi %add3A_207, %add3A_1071 : vector<16xi32>
        %add3A_1073 = vector.broadcast %mul3A_974 : i32 to vector<16xi32>
        %add3A_1074 = arith.addi %add3A_1072, %add3A_1073 : vector<16xi32>
        tpu.vector_store_idx %arg8[%add3A_1074], %gather3A_1069 : memref<8192xf32, #tpu.memory_space<vmem>>[vector<16xi32>], vector<16xf32>,
        %add3A_1075 = arith.constant 0 : i32
        %add3A_1076 = vector.broadcast %add3A_1075 : i32 to vector<16xi32>
        %add3A_1077 = arith.addi %and3A_73, %add3A_1076 : vector<16xi32>
        %gather3A_1078 = tpu.vector_load_idx %arg6[%add3A_976, %add3A_1077] : memref<128x128xf32, #tpu.memory_space<vmem>>[vector<16xi32>, vector<16xi32>], vector<16xf32>,
        %add3A_1079 = arith.constant 0 : i32
        %add3A_1080 = vector.broadcast %add3A_1079 : i32 to vector<16xi32>
        %add3A_1081 = arith.addi %add3A_217, %add3A_1080 : vector<16xi32>
        %add3A_1082 = vector.broadcast %mul3A_974 : i32 to vector<16xi32>
        %add3A_1083 = arith.addi %add3A_1081, %add3A_1082 : vector<16xi32>
        tpu.vector_store_idx %arg8[%add3A_1083], %gather3A_1078 : memref<8192xf32, #tpu.memory_space<vmem>>[vector<16xi32>], vector<16xf32>,
        %add3A_1084 = arith.constant 0 : i32
        %add3A_1085 = vector.broadcast %add3A_1084 : i32 to vector<16xi32>
        %add3A_1086 = arith.addi %and3A_79, %add3A_1085 : vector<16xi32>
        %gather3A_1087 = tpu.vector_load_idx %arg6[%add3A_976, %add3A_1086] : memref<128x128xf32, #tpu.memory_space<vmem>>[vector<16xi32>, vector<16xi32>], vector<16xf32>,
        %add3A_1088 = arith.constant 0 : i32
        %add3A_1089 = vector.broadcast %add3A_1088 : i32 to vector<16xi32>
        %add3A_1090 = arith.addi %add3A_227, %add3A_1089 : vector<16xi32>
        %add3A_1091 = vector.broadcast %mul3A_974 : i32 to vector<16xi32>
        %add3A_1092 = arith.addi %add3A_1090, %add3A_1091 : vector<16xi32>
        tpu.vector_store_idx %arg8[%add3A_1092], %gather3A_1087 : memref<8192xf32, #tpu.memory_space<vmem>>[vector<16xi32>], vector<16xf32>,
        %add3A_1093 = arith.constant 0 : i32
        %add3A_1094 = vector.broadcast %add3A_1093 : i32 to vector<16xi32>
        %add3A_1095 = arith.addi %and3A_85, %add3A_1094 : vector<16xi32>
        %gather3A_1096 = tpu.vector_load_idx %arg6[%add3A_976, %add3A_1095] : memref<128x128xf32, #tpu.memory_space<vmem>>[vector<16xi32>, vector<16xi32>], vector<16xf32>,
        %add3A_1097 = arith.constant 0 : i32
        %add3A_1098 = vector.broadcast %add3A_1097 : i32 to vector<16xi32>
        %add3A_1099 = arith.addi %add3A_237, %add3A_1098 : vector<16xi32>
        %add3A_1100 = vector.broadcast %mul3A_974 : i32 to vector<16xi32>
        %add3A_1101 = arith.addi %add3A_1099, %add3A_1100 : vector<16xi32>
        tpu.vector_store_idx %arg8[%add3A_1101], %gather3A_1096 : memref<8192xf32, #tpu.memory_space<vmem>>[vector<16xi32>], vector<16xf32>,
        %add3A_1102 = arith.constant 0 : i32
        %add3A_1103 = vector.broadcast %add3A_1102 : i32 to vector<16xi32>
        %add3A_1104 = arith.addi %and3A_91, %add3A_1103 : vector<16xi32>
        %gather3A_1105 = tpu.vector_load_idx %arg6[%add3A_976, %add3A_1104] : memref<128x128xf32, #tpu.memory_space<vmem>>[vector<16xi32>, vector<16xi32>], vector<16xf32>,
        %add3A_1106 = arith.constant 0 : i32
        %add3A_1107 = vector.broadcast %add3A_1106 : i32 to vector<16xi32>
        %add3A_1108 = arith.addi %add3A_247, %add3A_1107 : vector<16xi32>
        %add3A_1109 = vector.broadcast %mul3A_974 : i32 to vector<16xi32>
        %add3A_1110 = arith.addi %add3A_1108, %add3A_1109 : vector<16xi32>
        tpu.vector_store_idx %arg8[%add3A_1110], %gather3A_1105 : memref<8192xf32, #tpu.memory_space<vmem>>[vector<16xi32>], vector<16xf32>,
        %add3A_1111 = arith.constant 0 : i32
        %add3A_1112 = vector.broadcast %add3A_1111 : i32 to vector<16xi32>
        %add3A_1113 = arith.addi %and3A_97, %add3A_1112 : vector<16xi32>
        %gather3A_1114 = tpu.vector_load_idx %arg6[%add3A_976, %add3A_1113] : memref<128x128xf32, #tpu.memory_space<vmem>>[vector<16xi32>, vector<16xi32>], vector<16xf32>,
        %add3A_1115 = arith.constant 0 : i32
        %add3A_1116 = vector.broadcast %add3A_1115 : i32 to vector<16xi32>
        %add3A_1117 = arith.addi %add3A_257, %add3A_1116 : vector<16xi32>
        %add3A_1118 = vector.broadcast %mul3A_974 : i32 to vector<16xi32>
        %add3A_1119 = arith.addi %add3A_1117, %add3A_1118 : vector<16xi32>
        tpu.vector_store_idx %arg8[%add3A_1119], %gather3A_1114 : memref<8192xf32, #tpu.memory_space<vmem>>[vector<16xi32>], vector<16xf32>,
        %add3A_1120 = arith.constant 16 : i32
        %add3A_1121 = vector.broadcast %add3A_1120 : i32 to vector<16xi32>
        %add3A_1122 = arith.addi %and3A_7, %add3A_1121 : vector<16xi32>
        %gather3A_1123 = tpu.vector_load_idx %arg6[%add3A_976, %add3A_1122] : memref<128x128xf32, #tpu.memory_space<vmem>>[vector<16xi32>, vector<16xi32>], vector<16xf32>,
        %add3A_1124 = arith.constant 2048 : i32
        %add3A_1125 = vector.broadcast %add3A_1124 : i32 to vector<16xi32>
        %add3A_1126 = arith.addi %add3A_107, %add3A_1125 : vector<16xi32>
        %add3A_1127 = vector.broadcast %mul3A_974 : i32 to vector<16xi32>
        %add3A_1128 = arith.addi %add3A_1126, %add3A_1127 : vector<16xi32>
        tpu.vector_store_idx %arg8[%add3A_1128], %gather3A_1123 : memref<8192xf32, #tpu.memory_space<vmem>>[vector<16xi32>], vector<16xf32>,
        %add3A_1129 = arith.constant 16 : i32
        %add3A_1130 = vector.broadcast %add3A_1129 : i32 to vector<16xi32>
        %add3A_1131 = arith.addi %and3A_13, %add3A_1130 : vector<16xi32>
        %gather3A_1132 = tpu.vector_load_idx %arg6[%add3A_976, %add3A_1131] : memref<128x128xf32, #tpu.memory_space<vmem>>[vector<16xi32>, vector<16xi32>], vector<16xf32>,
        %add3A_1133 = arith.constant 2048 : i32
        %add3A_1134 = vector.broadcast %add3A_1133 : i32 to vector<16xi32>
        %add3A_1135 = arith.addi %add3A_117, %add3A_1134 : vector<16xi32>
        %add3A_1136 = vector.broadcast %mul3A_974 : i32 to vector<16xi32>
        %add3A_1137 = arith.addi %add3A_1135, %add3A_1136 : vector<16xi32>
        tpu.vector_store_idx %arg8[%add3A_1137], %gather3A_1132 : memref<8192xf32, #tpu.memory_space<vmem>>[vector<16xi32>], vector<16xf32>,
        %add3A_1138 = arith.constant 16 : i32
        %add3A_1139 = vector.broadcast %add3A_1138 : i32 to vector<16xi32>
        %add3A_1140 = arith.addi %and3A_19, %add3A_1139 : vector<16xi32>
        %gather3A_1141 = tpu.vector_load_idx %arg6[%add3A_976, %add3A_1140] : memref<128x128xf32, #tpu.memory_space<vmem>>[vector<16xi32>, vector<16xi32>], vector<16xf32>,
        %add3A_1142 = arith.constant 2048 : i32
        %add3A_1143 = vector.broadcast %add3A_1142 : i32 to vector<16xi32>
        %add3A_1144 = arith.addi %add3A_127, %add3A_1143 : vector<16xi32>
        %add3A_1145 = vector.broadcast %mul3A_974 : i32 to vector<16xi32>
        %add3A_1146 = arith.addi %add3A_1144, %add3A_1145 : vector<16xi32>
        tpu.vector_store_idx %arg8[%add3A_1146], %gather3A_1141 : memref<8192xf32, #tpu.memory_space<vmem>>[vector<16xi32>], vector<16xf32>,
        %add3A_1147 = arith.constant 16 : i32
        %add3A_1148 = vector.broadcast %add3A_1147 : i32 to vector<16xi32>
        %add3A_1149 = arith.addi %and3A_25, %add3A_1148 : vector<16xi32>
        %gather3A_1150 = tpu.vector_load_idx %arg6[%add3A_976, %add3A_1149] : memref<128x128xf32, #tpu.memory_space<vmem>>[vector<16xi32>, vector<16xi32>], vector<16xf32>,
        %add3A_1151 = arith.constant 2048 : i32
        %add3A_1152 = vector.broadcast %add3A_1151 : i32 to vector<16xi32>
        %add3A_1153 = arith.addi %add3A_137, %add3A_1152 : vector<16xi32>
        %add3A_1154 = vector.broadcast %mul3A_974 : i32 to vector<16xi32>
        %add3A_1155 = arith.addi %add3A_1153, %add3A_1154 : vector<16xi32>
        tpu.vector_store_idx %arg8[%add3A_1155], %gather3A_1150 : memref<8192xf32, #tpu.memory_space<vmem>>[vector<16xi32>], vector<16xf32>,
        %add3A_1156 = arith.constant 16 : i32
        %add3A_1157 = vector.broadcast %add3A_1156 : i32 to vector<16xi32>
        %add3A_1158 = arith.addi %and3A_31, %add3A_1157 : vector<16xi32>
        %gather3A_1159 = tpu.vector_load_idx %arg6[%add3A_976, %add3A_1158] : memref<128x128xf32, #tpu.memory_space<vmem>>[vector<16xi32>, vector<16xi32>], vector<16xf32>,
        %add3A_1160 = arith.constant 2048 : i32
        %add3A_1161 = vector.broadcast %add3A_1160 : i32 to vector<16xi32>
        %add3A_1162 = arith.addi %add3A_147, %add3A_1161 : vector<16xi32>
        %add3A_1163 = vector.broadcast %mul3A_974 : i32 to vector<16xi32>
        %add3A_1164 = arith.addi %add3A_1162, %add3A_1163 : vector<16xi32>
        tpu.vector_store_idx %arg8[%add3A_1164], %gather3A_1159 : memref<8192xf32, #tpu.memory_space<vmem>>[vector<16xi32>], vector<16xf32>,
        %add3A_1165 = arith.constant 16 : i32
        %add3A_1166 = vector.broadcast %add3A_1165 : i32 to vector<16xi32>
        %add3A_1167 = arith.addi %and3A_37, %add3A_1166 : vector<16xi32>
        %gather3A_1168 = tpu.vector_load_idx %arg6[%add3A_976, %add3A_1167] : memref<128x128xf32, #tpu.memory_space<vmem>>[vector<16xi32>, vector<16xi32>], vector<16xf32>,
        %add3A_1169 = arith.constant 2048 : i32
        %add3A_1170 = vector.broadcast %add3A_1169 : i32 to vector<16xi32>
        %add3A_1171 = arith.addi %add3A_157, %add3A_1170 : vector<16xi32>
        %add3A_1172 = vector.broadcast %mul3A_974 : i32 to vector<16xi32>
        %add3A_1173 = arith.addi %add3A_1171, %add3A_1172 : vector<16xi32>
        tpu.vector_store_idx %arg8[%add3A_1173], %gather3A_1168 : memref<8192xf32, #tpu.memory_space<vmem>>[vector<16xi32>], vector<16xf32>,
        %add3A_1174 = arith.constant 16 : i32
        %add3A_1175 = vector.broadcast %add3A_1174 : i32 to vector<16xi32>
        %add3A_1176 = arith.addi %and3A_43, %add3A_1175 : vector<16xi32>
        %gather3A_1177 = tpu.vector_load_idx %arg6[%add3A_976, %add3A_1176] : memref<128x128xf32, #tpu.memory_space<vmem>>[vector<16xi32>, vector<16xi32>], vector<16xf32>,
        %add3A_1178 = arith.constant 2048 : i32
        %add3A_1179 = vector.broadcast %add3A_1178 : i32 to vector<16xi32>
        %add3A_1180 = arith.addi %add3A_167, %add3A_1179 : vector<16xi32>
        %add3A_1181 = vector.broadcast %mul3A_974 : i32 to vector<16xi32>
        %add3A_1182 = arith.addi %add3A_1180, %add3A_1181 : vector<16xi32>
        tpu.vector_store_idx %arg8[%add3A_1182], %gather3A_1177 : memref<8192xf32, #tpu.memory_space<vmem>>[vector<16xi32>], vector<16xf32>,
        %add3A_1183 = arith.constant 16 : i32
        %add3A_1184 = vector.broadcast %add3A_1183 : i32 to vector<16xi32>
        %add3A_1185 = arith.addi %and3A_49, %add3A_1184 : vector<16xi32>
        %gather3A_1186 = tpu.vector_load_idx %arg6[%add3A_976, %add3A_1185] : memref<128x128xf32, #tpu.memory_space<vmem>>[vector<16xi32>, vector<16xi32>], vector<16xf32>,
        %add3A_1187 = arith.constant 2048 : i32
        %add3A_1188 = vector.broadcast %add3A_1187 : i32 to vector<16xi32>
        %add3A_1189 = arith.addi %add3A_177, %add3A_1188 : vector<16xi32>
        %add3A_1190 = vector.broadcast %mul3A_974 : i32 to vector<16xi32>
        %add3A_1191 = arith.addi %add3A_1189, %add3A_1190 : vector<16xi32>
        tpu.vector_store_idx %arg8[%add3A_1191], %gather3A_1186 : memref<8192xf32, #tpu.memory_space<vmem>>[vector<16xi32>], vector<16xf32>,
        %add3A_1192 = arith.constant 16 : i32
        %add3A_1193 = vector.broadcast %add3A_1192 : i32 to vector<16xi32>
        %add3A_1194 = arith.addi %and3A_55, %add3A_1193 : vector<16xi32>
        %gather3A_1195 = tpu.vector_load_idx %arg6[%add3A_976, %add3A_1194] : memref<128x128xf32, #tpu.memory_space<vmem>>[vector<16xi32>, vector<16xi32>], vector<16xf32>,
        %add3A_1196 = arith.constant 2048 : i32
        %add3A_1197 = vector.broadcast %add3A_1196 : i32 to vector<16xi32>
        %add3A_1198 = arith.addi %add3A_187, %add3A_1197 : vector<16xi32>
        %add3A_1199 = vector.broadcast %mul3A_974 : i32 to vector<16xi32>
        %add3A_1200 = arith.addi %add3A_1198, %add3A_1199 : vector<16xi32>
        tpu.vector_store_idx %arg8[%add3A_1200], %gather3A_1195 : memref<8192xf32, #tpu.memory_space<vmem>>[vector<16xi32>], vector<16xf32>,
        %add3A_1201 = arith.constant 16 : i32
        %add3A_1202 = vector.broadcast %add3A_1201 : i32 to vector<16xi32>
        %add3A_1203 = arith.addi %and3A_61, %add3A_1202 : vector<16xi32>
        %gather3A_1204 = tpu.vector_load_idx %arg6[%add3A_976, %add3A_1203] : memref<128x128xf32, #tpu.memory_space<vmem>>[vector<16xi32>, vector<16xi32>], vector<16xf32>,
        %add3A_1205 = arith.constant 2048 : i32
        %add3A_1206 = vector.broadcast %add3A_1205 : i32 to vector<16xi32>
        %add3A_1207 = arith.addi %add3A_197, %add3A_1206 : vector<16xi32>
        %add3A_1208 = vector.broadcast %mul3A_974 : i32 to vector<16xi32>
        %add3A_1209 = arith.addi %add3A_1207, %add3A_1208 : vector<16xi32>
        tpu.vector_store_idx %arg8[%add3A_1209], %gather3A_1204 : memref<8192xf32, #tpu.memory_space<vmem>>[vector<16xi32>], vector<16xf32>,
        %add3A_1210 = arith.constant 16 : i32
        %add3A_1211 = vector.broadcast %add3A_1210 : i32 to vector<16xi32>
        %add3A_1212 = arith.addi %and3A_67, %add3A_1211 : vector<16xi32>
        %gather3A_1213 = tpu.vector_load_idx %arg6[%add3A_976, %add3A_1212] : memref<128x128xf32, #tpu.memory_space<vmem>>[vector<16xi32>, vector<16xi32>], vector<16xf32>,
        %add3A_1214 = arith.constant 2048 : i32
        %add3A_1215 = vector.broadcast %add3A_1214 : i32 to vector<16xi32>
        %add3A_1216 = arith.addi %add3A_207, %add3A_1215 : vector<16xi32>
        %add3A_1217 = vector.broadcast %mul3A_974 : i32 to vector<16xi32>
        %add3A_1218 = arith.addi %add3A_1216, %add3A_1217 : vector<16xi32>
        tpu.vector_store_idx %arg8[%add3A_1218], %gather3A_1213 : memref<8192xf32, #tpu.memory_space<vmem>>[vector<16xi32>], vector<16xf32>,
        %add3A_1219 = arith.constant 16 : i32
        %add3A_1220 = vector.broadcast %add3A_1219 : i32 to vector<16xi32>
        %add3A_1221 = arith.addi %and3A_73, %add3A_1220 : vector<16xi32>
        %gather3A_1222 = tpu.vector_load_idx %arg6[%add3A_976, %add3A_1221] : memref<128x128xf32, #tpu.memory_space<vmem>>[vector<16xi32>, vector<16xi32>], vector<16xf32>,
        %add3A_1223 = arith.constant 2048 : i32
        %add3A_1224 = vector.broadcast %add3A_1223 : i32 to vector<16xi32>
        %add3A_1225 = arith.addi %add3A_217, %add3A_1224 : vector<16xi32>
        %add3A_1226 = vector.broadcast %mul3A_974 : i32 to vector<16xi32>
        %add3A_1227 = arith.addi %add3A_1225, %add3A_1226 : vector<16xi32>
        tpu.vector_store_idx %arg8[%add3A_1227], %gather3A_1222 : memref<8192xf32, #tpu.memory_space<vmem>>[vector<16xi32>], vector<16xf32>,
        %add3A_1228 = arith.constant 16 : i32
        %add3A_1229 = vector.broadcast %add3A_1228 : i32 to vector<16xi32>
        %add3A_1230 = arith.addi %and3A_79, %add3A_1229 : vector<16xi32>
        %gather3A_1231 = tpu.vector_load_idx %arg6[%add3A_976, %add3A_1230] : memref<128x128xf32, #tpu.memory_space<vmem>>[vector<16xi32>, vector<16xi32>], vector<16xf32>,
        %add3A_1232 = arith.constant 2048 : i32
        %add3A_1233 = vector.broadcast %add3A_1232 : i32 to vector<16xi32>
        %add3A_1234 = arith.addi %add3A_227, %add3A_1233 : vector<16xi32>
        %add3A_1235 = vector.broadcast %mul3A_974 : i32 to vector<16xi32>
        %add3A_1236 = arith.addi %add3A_1234, %add3A_1235 : vector<16xi32>
        tpu.vector_store_idx %arg8[%add3A_1236], %gather3A_1231 : memref<8192xf32, #tpu.memory_space<vmem>>[vector<16xi32>], vector<16xf32>,
        %add3A_1237 = arith.constant 16 : i32
        %add3A_1238 = vector.broadcast %add3A_1237 : i32 to vector<16xi32>
        %add3A_1239 = arith.addi %and3A_85, %add3A_1238 : vector<16xi32>
        %gather3A_1240 = tpu.vector_load_idx %arg6[%add3A_976, %add3A_1239] : memref<128x128xf32, #tpu.memory_space<vmem>>[vector<16xi32>, vector<16xi32>], vector<16xf32>,
        %add3A_1241 = arith.constant 2048 : i32
        %add3A_1242 = vector.broadcast %add3A_1241 : i32 to vector<16xi32>
        %add3A_1243 = arith.addi %add3A_237, %add3A_1242 : vector<16xi32>
        %add3A_1244 = vector.broadcast %mul3A_974 : i32 to vector<16xi32>
        %add3A_1245 = arith.addi %add3A_1243, %add3A_1244 : vector<16xi32>
        tpu.vector_store_idx %arg8[%add3A_1245], %gather3A_1240 : memref<8192xf32, #tpu.memory_space<vmem>>[vector<16xi32>], vector<16xf32>,
        %add3A_1246 = arith.constant 16 : i32
        %add3A_1247 = vector.broadcast %add3A_1246 : i32 to vector<16xi32>
        %add3A_1248 = arith.addi %and3A_91, %add3A_1247 : vector<16xi32>
        %gather3A_1249 = tpu.vector_load_idx %arg6[%add3A_976, %add3A_1248] : memref<128x128xf32, #tpu.memory_space<vmem>>[vector<16xi32>, vector<16xi32>], vector<16xf32>,
        %add3A_1250 = arith.constant 2048 : i32
        %add3A_1251 = vector.broadcast %add3A_1250 : i32 to vector<16xi32>
        %add3A_1252 = arith.addi %add3A_247, %add3A_1251 : vector<16xi32>
        %add3A_1253 = vector.broadcast %mul3A_974 : i32 to vector<16xi32>
        %add3A_1254 = arith.addi %add3A_1252, %add3A_1253 : vector<16xi32>
        tpu.vector_store_idx %arg8[%add3A_1254], %gather3A_1249 : memref<8192xf32, #tpu.memory_space<vmem>>[vector<16xi32>], vector<16xf32>,
        %add3A_1255 = arith.constant 16 : i32
        %add3A_1256 = vector.broadcast %add3A_1255 : i32 to vector<16xi32>
        %add3A_1257 = arith.addi %and3A_97, %add3A_1256 : vector<16xi32>
        %gather3A_1258 = tpu.vector_load_idx %arg6[%add3A_976, %add3A_1257] : memref<128x128xf32, #tpu.memory_space<vmem>>[vector<16xi32>, vector<16xi32>], vector<16xf32>,
        %add3A_1259 = arith.constant 2048 : i32
        %add3A_1260 = vector.broadcast %add3A_1259 : i32 to vector<16xi32>
        %add3A_1261 = arith.addi %add3A_257, %add3A_1260 : vector<16xi32>
        %add3A_1262 = vector.broadcast %mul3A_974 : i32 to vector<16xi32>
        %add3A_1263 = arith.addi %add3A_1261, %add3A_1262 : vector<16xi32>
        tpu.vector_store_idx %arg8[%add3A_1263], %gather3A_1258 : memref<8192xf32, #tpu.memory_space<vmem>>[vector<16xi32>], vector<16xf32>,
        %add3A_1264 = arith.constant 32 : i32
        %add3A_1265 = vector.broadcast %add3A_1264 : i32 to vector<16xi32>
        %add3A_1266 = arith.addi %and3A_7, %add3A_1265 : vector<16xi32>
        %gather3A_1267 = tpu.vector_load_idx %arg6[%add3A_976, %add3A_1266] : memref<128x128xf32, #tpu.memory_space<vmem>>[vector<16xi32>, vector<16xi32>], vector<16xf32>,
        %add3A_1268 = arith.constant 4096 : i32
        %add3A_1269 = vector.broadcast %add3A_1268 : i32 to vector<16xi32>
        %add3A_1270 = arith.addi %add3A_107, %add3A_1269 : vector<16xi32>
        %add3A_1271 = vector.broadcast %mul3A_974 : i32 to vector<16xi32>
        %add3A_1272 = arith.addi %add3A_1270, %add3A_1271 : vector<16xi32>
        tpu.vector_store_idx %arg8[%add3A_1272], %gather3A_1267 : memref<8192xf32, #tpu.memory_space<vmem>>[vector<16xi32>], vector<16xf32>,
        %add3A_1273 = arith.constant 32 : i32
        %add3A_1274 = vector.broadcast %add3A_1273 : i32 to vector<16xi32>
        %add3A_1275 = arith.addi %and3A_13, %add3A_1274 : vector<16xi32>
        %gather3A_1276 = tpu.vector_load_idx %arg6[%add3A_976, %add3A_1275] : memref<128x128xf32, #tpu.memory_space<vmem>>[vector<16xi32>, vector<16xi32>], vector<16xf32>,
        %add3A_1277 = arith.constant 4096 : i32
        %add3A_1278 = vector.broadcast %add3A_1277 : i32 to vector<16xi32>
        %add3A_1279 = arith.addi %add3A_117, %add3A_1278 : vector<16xi32>
        %add3A_1280 = vector.broadcast %mul3A_974 : i32 to vector<16xi32>
        %add3A_1281 = arith.addi %add3A_1279, %add3A_1280 : vector<16xi32>
        tpu.vector_store_idx %arg8[%add3A_1281], %gather3A_1276 : memref<8192xf32, #tpu.memory_space<vmem>>[vector<16xi32>], vector<16xf32>,
        %add3A_1282 = arith.constant 32 : i32
        %add3A_1283 = vector.broadcast %add3A_1282 : i32 to vector<16xi32>
        %add3A_1284 = arith.addi %and3A_19, %add3A_1283 : vector<16xi32>
        %gather3A_1285 = tpu.vector_load_idx %arg6[%add3A_976, %add3A_1284] : memref<128x128xf32, #tpu.memory_space<vmem>>[vector<16xi32>, vector<16xi32>], vector<16xf32>,
        %add3A_1286 = arith.constant 4096 : i32
        %add3A_1287 = vector.broadcast %add3A_1286 : i32 to vector<16xi32>
        %add3A_1288 = arith.addi %add3A_127, %add3A_1287 : vector<16xi32>
        %add3A_1289 = vector.broadcast %mul3A_974 : i32 to vector<16xi32>
        %add3A_1290 = arith.addi %add3A_1288, %add3A_1289 : vector<16xi32>
        tpu.vector_store_idx %arg8[%add3A_1290], %gather3A_1285 : memref<8192xf32, #tpu.memory_space<vmem>>[vector<16xi32>], vector<16xf32>,
        %add3A_1291 = arith.constant 32 : i32
        %add3A_1292 = vector.broadcast %add3A_1291 : i32 to vector<16xi32>
        %add3A_1293 = arith.addi %and3A_25, %add3A_1292 : vector<16xi32>
        %gather3A_1294 = tpu.vector_load_idx %arg6[%add3A_976, %add3A_1293] : memref<128x128xf32, #tpu.memory_space<vmem>>[vector<16xi32>, vector<16xi32>], vector<16xf32>,
        %add3A_1295 = arith.constant 4096 : i32
        %add3A_1296 = vector.broadcast %add3A_1295 : i32 to vector<16xi32>
        %add3A_1297 = arith.addi %add3A_137, %add3A_1296 : vector<16xi32>
        %add3A_1298 = vector.broadcast %mul3A_974 : i32 to vector<16xi32>
        %add3A_1299 = arith.addi %add3A_1297, %add3A_1298 : vector<16xi32>
        tpu.vector_store_idx %arg8[%add3A_1299], %gather3A_1294 : memref<8192xf32, #tpu.memory_space<vmem>>[vector<16xi32>], vector<16xf32>,
        %add3A_1300 = arith.constant 32 : i32
        %add3A_1301 = vector.broadcast %add3A_1300 : i32 to vector<16xi32>
        %add3A_1302 = arith.addi %and3A_31, %add3A_1301 : vector<16xi32>
        %gather3A_1303 = tpu.vector_load_idx %arg6[%add3A_976, %add3A_1302] : memref<128x128xf32, #tpu.memory_space<vmem>>[vector<16xi32>, vector<16xi32>], vector<16xf32>,
        %add3A_1304 = arith.constant 4096 : i32
        %add3A_1305 = vector.broadcast %add3A_1304 : i32 to vector<16xi32>
        %add3A_1306 = arith.addi %add3A_147, %add3A_1305 : vector<16xi32>
        %add3A_1307 = vector.broadcast %mul3A_974 : i32 to vector<16xi32>
        %add3A_1308 = arith.addi %add3A_1306, %add3A_1307 : vector<16xi32>
        tpu.vector_store_idx %arg8[%add3A_1308], %gather3A_1303 : memref<8192xf32, #tpu.memory_space<vmem>>[vector<16xi32>], vector<16xf32>,
        %add3A_1309 = arith.constant 32 : i32
        %add3A_1310 = vector.broadcast %add3A_1309 : i32 to vector<16xi32>
        %add3A_1311 = arith.addi %and3A_37, %add3A_1310 : vector<16xi32>
        %gather3A_1312 = tpu.vector_load_idx %arg6[%add3A_976, %add3A_1311] : memref<128x128xf32, #tpu.memory_space<vmem>>[vector<16xi32>, vector<16xi32>], vector<16xf32>,
        %add3A_1313 = arith.constant 4096 : i32
        %add3A_1314 = vector.broadcast %add3A_1313 : i32 to vector<16xi32>
        %add3A_1315 = arith.addi %add3A_157, %add3A_1314 : vector<16xi32>
        %add3A_1316 = vector.broadcast %mul3A_974 : i32 to vector<16xi32>
        %add3A_1317 = arith.addi %add3A_1315, %add3A_1316 : vector<16xi32>
        tpu.vector_store_idx %arg8[%add3A_1317], %gather3A_1312 : memref<8192xf32, #tpu.memory_space<vmem>>[vector<16xi32>], vector<16xf32>,
        %add3A_1318 = arith.constant 32 : i32
        %add3A_1319 = vector.broadcast %add3A_1318 : i32 to vector<16xi32>
        %add3A_1320 = arith.addi %and3A_43, %add3A_1319 : vector<16xi32>
        %gather3A_1321 = tpu.vector_load_idx %arg6[%add3A_976, %add3A_1320] : memref<128x128xf32, #tpu.memory_space<vmem>>[vector<16xi32>, vector<16xi32>], vector<16xf32>,
        %add3A_1322 = arith.constant 4096 : i32
        %add3A_1323 = vector.broadcast %add3A_1322 : i32 to vector<16xi32>
        %add3A_1324 = arith.addi %add3A_167, %add3A_1323 : vector<16xi32>
        %add3A_1325 = vector.broadcast %mul3A_974 : i32 to vector<16xi32>
        %add3A_1326 = arith.addi %add3A_1324, %add3A_1325 : vector<16xi32>
        tpu.vector_store_idx %arg8[%add3A_1326], %gather3A_1321 : memref<8192xf32, #tpu.memory_space<vmem>>[vector<16xi32>], vector<16xf32>,
        %add3A_1327 = arith.constant 32 : i32
        %add3A_1328 = vector.broadcast %add3A_1327 : i32 to vector<16xi32>
        %add3A_1329 = arith.addi %and3A_49, %add3A_1328 : vector<16xi32>
        %gather3A_1330 = tpu.vector_load_idx %arg6[%add3A_976, %add3A_1329] : memref<128x128xf32, #tpu.memory_space<vmem>>[vector<16xi32>, vector<16xi32>], vector<16xf32>,
        %add3A_1331 = arith.constant 4096 : i32
        %add3A_1332 = vector.broadcast %add3A_1331 : i32 to vector<16xi32>
        %add3A_1333 = arith.addi %add3A_177, %add3A_1332 : vector<16xi32>
        %add3A_1334 = vector.broadcast %mul3A_974 : i32 to vector<16xi32>
        %add3A_1335 = arith.addi %add3A_1333, %add3A_1334 : vector<16xi32>
        tpu.vector_store_idx %arg8[%add3A_1335], %gather3A_1330 : memref<8192xf32, #tpu.memory_space<vmem>>[vector<16xi32>], vector<16xf32>,
        %add3A_1336 = arith.constant 32 : i32
        %add3A_1337 = vector.broadcast %add3A_1336 : i32 to vector<16xi32>
        %add3A_1338 = arith.addi %and3A_55, %add3A_1337 : vector<16xi32>
        %gather3A_1339 = tpu.vector_load_idx %arg6[%add3A_976, %add3A_1338] : memref<128x128xf32, #tpu.memory_space<vmem>>[vector<16xi32>, vector<16xi32>], vector<16xf32>,
        %add3A_1340 = arith.constant 4096 : i32
        %add3A_1341 = vector.broadcast %add3A_1340 : i32 to vector<16xi32>
        %add3A_1342 = arith.addi %add3A_187, %add3A_1341 : vector<16xi32>
        %add3A_1343 = vector.broadcast %mul3A_974 : i32 to vector<16xi32>
        %add3A_1344 = arith.addi %add3A_1342, %add3A_1343 : vector<16xi32>
        tpu.vector_store_idx %arg8[%add3A_1344], %gather3A_1339 : memref<8192xf32, #tpu.memory_space<vmem>>[vector<16xi32>], vector<16xf32>,
        %add3A_1345 = arith.constant 32 : i32
        %add3A_1346 = vector.broadcast %add3A_1345 : i32 to vector<16xi32>
        %add3A_1347 = arith.addi %and3A_61, %add3A_1346 : vector<16xi32>
        %gather3A_1348 = tpu.vector_load_idx %arg6[%add3A_976, %add3A_1347] : memref<128x128xf32, #tpu.memory_space<vmem>>[vector<16xi32>, vector<16xi32>], vector<16xf32>,
        %add3A_1349 = arith.constant 4096 : i32
        %add3A_1350 = vector.broadcast %add3A_1349 : i32 to vector<16xi32>
        %add3A_1351 = arith.addi %add3A_197, %add3A_1350 : vector<16xi32>
        %add3A_1352 = vector.broadcast %mul3A_974 : i32 to vector<16xi32>
        %add3A_1353 = arith.addi %add3A_1351, %add3A_1352 : vector<16xi32>
        tpu.vector_store_idx %arg8[%add3A_1353], %gather3A_1348 : memref<8192xf32, #tpu.memory_space<vmem>>[vector<16xi32>], vector<16xf32>,
        %add3A_1354 = arith.constant 32 : i32
        %add3A_1355 = vector.broadcast %add3A_1354 : i32 to vector<16xi32>
        %add3A_1356 = arith.addi %and3A_67, %add3A_1355 : vector<16xi32>
        %gather3A_1357 = tpu.vector_load_idx %arg6[%add3A_976, %add3A_1356] : memref<128x128xf32, #tpu.memory_space<vmem>>[vector<16xi32>, vector<16xi32>], vector<16xf32>,
        %add3A_1358 = arith.constant 4096 : i32
        %add3A_1359 = vector.broadcast %add3A_1358 : i32 to vector<16xi32>
        %add3A_1360 = arith.addi %add3A_207, %add3A_1359 : vector<16xi32>
        %add3A_1361 = vector.broadcast %mul3A_974 : i32 to vector<16xi32>
        %add3A_1362 = arith.addi %add3A_1360, %add3A_1361 : vector<16xi32>
        tpu.vector_store_idx %arg8[%add3A_1362], %gather3A_1357 : memref<8192xf32, #tpu.memory_space<vmem>>[vector<16xi32>], vector<16xf32>,
        %add3A_1363 = arith.constant 32 : i32
        %add3A_1364 = vector.broadcast %add3A_1363 : i32 to vector<16xi32>
        %add3A_1365 = arith.addi %and3A_73, %add3A_1364 : vector<16xi32>
        %gather3A_1366 = tpu.vector_load_idx %arg6[%add3A_976, %add3A_1365] : memref<128x128xf32, #tpu.memory_space<vmem>>[vector<16xi32>, vector<16xi32>], vector<16xf32>,
        %add3A_1367 = arith.constant 4096 : i32
        %add3A_1368 = vector.broadcast %add3A_1367 : i32 to vector<16xi32>
        %add3A_1369 = arith.addi %add3A_217, %add3A_1368 : vector<16xi32>
        %add3A_1370 = vector.broadcast %mul3A_974 : i32 to vector<16xi32>
        %add3A_1371 = arith.addi %add3A_1369, %add3A_1370 : vector<16xi32>
        tpu.vector_store_idx %arg8[%add3A_1371], %gather3A_1366 : memref<8192xf32, #tpu.memory_space<vmem>>[vector<16xi32>], vector<16xf32>,
        %add3A_1372 = arith.constant 32 : i32
        %add3A_1373 = vector.broadcast %add3A_1372 : i32 to vector<16xi32>
        %add3A_1374 = arith.addi %and3A_79, %add3A_1373 : vector<16xi32>
        %gather3A_1375 = tpu.vector_load_idx %arg6[%add3A_976, %add3A_1374] : memref<128x128xf32, #tpu.memory_space<vmem>>[vector<16xi32>, vector<16xi32>], vector<16xf32>,
        %add3A_1376 = arith.constant 4096 : i32
        %add3A_1377 = vector.broadcast %add3A_1376 : i32 to vector<16xi32>
        %add3A_1378 = arith.addi %add3A_227, %add3A_1377 : vector<16xi32>
        %add3A_1379 = vector.broadcast %mul3A_974 : i32 to vector<16xi32>
        %add3A_1380 = arith.addi %add3A_1378, %add3A_1379 : vector<16xi32>
        tpu.vector_store_idx %arg8[%add3A_1380], %gather3A_1375 : memref<8192xf32, #tpu.memory_space<vmem>>[vector<16xi32>], vector<16xf32>,
        %add3A_1381 = arith.constant 32 : i32
        %add3A_1382 = vector.broadcast %add3A_1381 : i32 to vector<16xi32>
        %add3A_1383 = arith.addi %and3A_85, %add3A_1382 : vector<16xi32>
        %gather3A_1384 = tpu.vector_load_idx %arg6[%add3A_976, %add3A_1383] : memref<128x128xf32, #tpu.memory_space<vmem>>[vector<16xi32>, vector<16xi32>], vector<16xf32>,
        %add3A_1385 = arith.constant 4096 : i32
        %add3A_1386 = vector.broadcast %add3A_1385 : i32 to vector<16xi32>
        %add3A_1387 = arith.addi %add3A_237, %add3A_1386 : vector<16xi32>
        %add3A_1388 = vector.broadcast %mul3A_974 : i32 to vector<16xi32>
        %add3A_1389 = arith.addi %add3A_1387, %add3A_1388 : vector<16xi32>
        tpu.vector_store_idx %arg8[%add3A_1389], %gather3A_1384 : memref<8192xf32, #tpu.memory_space<vmem>>[vector<16xi32>], vector<16xf32>,
        %add3A_1390 = arith.constant 32 : i32
        %add3A_1391 = vector.broadcast %add3A_1390 : i32 to vector<16xi32>
        %add3A_1392 = arith.addi %and3A_91, %add3A_1391 : vector<16xi32>
        %gather3A_1393 = tpu.vector_load_idx %arg6[%add3A_976, %add3A_1392] : memref<128x128xf32, #tpu.memory_space<vmem>>[vector<16xi32>, vector<16xi32>], vector<16xf32>,
        %add3A_1394 = arith.constant 4096 : i32
        %add3A_1395 = vector.broadcast %add3A_1394 : i32 to vector<16xi32>
        %add3A_1396 = arith.addi %add3A_247, %add3A_1395 : vector<16xi32>
        %add3A_1397 = vector.broadcast %mul3A_974 : i32 to vector<16xi32>
        %add3A_1398 = arith.addi %add3A_1396, %add3A_1397 : vector<16xi32>
        tpu.vector_store_idx %arg8[%add3A_1398], %gather3A_1393 : memref<8192xf32, #tpu.memory_space<vmem>>[vector<16xi32>], vector<16xf32>,
        %add3A_1399 = arith.constant 32 : i32
        %add3A_1400 = vector.broadcast %add3A_1399 : i32 to vector<16xi32>
        %add3A_1401 = arith.addi %and3A_97, %add3A_1400 : vector<16xi32>
        %gather3A_1402 = tpu.vector_load_idx %arg6[%add3A_976, %add3A_1401] : memref<128x128xf32, #tpu.memory_space<vmem>>[vector<16xi32>, vector<16xi32>], vector<16xf32>,
        %add3A_1403 = arith.constant 4096 : i32
        %add3A_1404 = vector.broadcast %add3A_1403 : i32 to vector<16xi32>
        %add3A_1405 = arith.addi %add3A_257, %add3A_1404 : vector<16xi32>
        %add3A_1406 = vector.broadcast %mul3A_974 : i32 to vector<16xi32>
        %add3A_1407 = arith.addi %add3A_1405, %add3A_1406 : vector<16xi32>
        tpu.vector_store_idx %arg8[%add3A_1407], %gather3A_1402 : memref<8192xf32, #tpu.memory_space<vmem>>[vector<16xi32>], vector<16xf32>,
        %add3A_1408 = arith.constant 48 : i32
        %add3A_1409 = vector.broadcast %add3A_1408 : i32 to vector<16xi32>
        %add3A_1410 = arith.addi %and3A_7, %add3A_1409 : vector<16xi32>
        %gather3A_1411 = tpu.vector_load_idx %arg6[%add3A_976, %add3A_1410] : memref<128x128xf32, #tpu.memory_space<vmem>>[vector<16xi32>, vector<16xi32>], vector<16xf32>,
        %add3A_1412 = arith.constant 6144 : i32
        %add3A_1413 = vector.broadcast %add3A_1412 : i32 to vector<16xi32>
        %add3A_1414 = arith.addi %add3A_107, %add3A_1413 : vector<16xi32>
        %add3A_1415 = vector.broadcast %mul3A_974 : i32 to vector<16xi32>
        %add3A_1416 = arith.addi %add3A_1414, %add3A_1415 : vector<16xi32>
        tpu.vector_store_idx %arg8[%add3A_1416], %gather3A_1411 : memref<8192xf32, #tpu.memory_space<vmem>>[vector<16xi32>], vector<16xf32>,
        %add3A_1417 = arith.constant 48 : i32
        %add3A_1418 = vector.broadcast %add3A_1417 : i32 to vector<16xi32>
        %add3A_1419 = arith.addi %and3A_13, %add3A_1418 : vector<16xi32>
        %gather3A_1420 = tpu.vector_load_idx %arg6[%add3A_976, %add3A_1419] : memref<128x128xf32, #tpu.memory_space<vmem>>[vector<16xi32>, vector<16xi32>], vector<16xf32>,
        %add3A_1421 = arith.constant 6144 : i32
        %add3A_1422 = vector.broadcast %add3A_1421 : i32 to vector<16xi32>
        %add3A_1423 = arith.addi %add3A_117, %add3A_1422 : vector<16xi32>
        %add3A_1424 = vector.broadcast %mul3A_974 : i32 to vector<16xi32>
        %add3A_1425 = arith.addi %add3A_1423, %add3A_1424 : vector<16xi32>
        tpu.vector_store_idx %arg8[%add3A_1425], %gather3A_1420 : memref<8192xf32, #tpu.memory_space<vmem>>[vector<16xi32>], vector<16xf32>,
        %add3A_1426 = arith.constant 48 : i32
        %add3A_1427 = vector.broadcast %add3A_1426 : i32 to vector<16xi32>
        %add3A_1428 = arith.addi %and3A_19, %add3A_1427 : vector<16xi32>
        %gather3A_1429 = tpu.vector_load_idx %arg6[%add3A_976, %add3A_1428] : memref<128x128xf32, #tpu.memory_space<vmem>>[vector<16xi32>, vector<16xi32>], vector<16xf32>,
        %add3A_1430 = arith.constant 6144 : i32
        %add3A_1431 = vector.broadcast %add3A_1430 : i32 to vector<16xi32>
        %add3A_1432 = arith.addi %add3A_127, %add3A_1431 : vector<16xi32>
        %add3A_1433 = vector.broadcast %mul3A_974 : i32 to vector<16xi32>
        %add3A_1434 = arith.addi %add3A_1432, %add3A_1433 : vector<16xi32>
        tpu.vector_store_idx %arg8[%add3A_1434], %gather3A_1429 : memref<8192xf32, #tpu.memory_space<vmem>>[vector<16xi32>], vector<16xf32>,
        %add3A_1435 = arith.constant 48 : i32
        %add3A_1436 = vector.broadcast %add3A_1435 : i32 to vector<16xi32>
        %add3A_1437 = arith.addi %and3A_25, %add3A_1436 : vector<16xi32>
        %gather3A_1438 = tpu.vector_load_idx %arg6[%add3A_976, %add3A_1437] : memref<128x128xf32, #tpu.memory_space<vmem>>[vector<16xi32>, vector<16xi32>], vector<16xf32>,
        %add3A_1439 = arith.constant 6144 : i32
        %add3A_1440 = vector.broadcast %add3A_1439 : i32 to vector<16xi32>
        %add3A_1441 = arith.addi %add3A_137, %add3A_1440 : vector<16xi32>
        %add3A_1442 = vector.broadcast %mul3A_974 : i32 to vector<16xi32>
        %add3A_1443 = arith.addi %add3A_1441, %add3A_1442 : vector<16xi32>
        tpu.vector_store_idx %arg8[%add3A_1443], %gather3A_1438 : memref<8192xf32, #tpu.memory_space<vmem>>[vector<16xi32>], vector<16xf32>,
        %add3A_1444 = arith.constant 48 : i32
        %add3A_1445 = vector.broadcast %add3A_1444 : i32 to vector<16xi32>
        %add3A_1446 = arith.addi %and3A_31, %add3A_1445 : vector<16xi32>
        %gather3A_1447 = tpu.vector_load_idx %arg6[%add3A_976, %add3A_1446] : memref<128x128xf32, #tpu.memory_space<vmem>>[vector<16xi32>, vector<16xi32>], vector<16xf32>,
        %add3A_1448 = arith.constant 6144 : i32
        %add3A_1449 = vector.broadcast %add3A_1448 : i32 to vector<16xi32>
        %add3A_1450 = arith.addi %add3A_147, %add3A_1449 : vector<16xi32>
        %add3A_1451 = vector.broadcast %mul3A_974 : i32 to vector<16xi32>
        %add3A_1452 = arith.addi %add3A_1450, %add3A_1451 : vector<16xi32>
        tpu.vector_store_idx %arg8[%add3A_1452], %gather3A_1447 : memref<8192xf32, #tpu.memory_space<vmem>>[vector<16xi32>], vector<16xf32>,
        %add3A_1453 = arith.constant 48 : i32
        %add3A_1454 = vector.broadcast %add3A_1453 : i32 to vector<16xi32>
        %add3A_1455 = arith.addi %and3A_37, %add3A_1454 : vector<16xi32>
        %gather3A_1456 = tpu.vector_load_idx %arg6[%add3A_976, %add3A_1455] : memref<128x128xf32, #tpu.memory_space<vmem>>[vector<16xi32>, vector<16xi32>], vector<16xf32>,
        %add3A_1457 = arith.constant 6144 : i32
        %add3A_1458 = vector.broadcast %add3A_1457 : i32 to vector<16xi32>
        %add3A_1459 = arith.addi %add3A_157, %add3A_1458 : vector<16xi32>
        %add3A_1460 = vector.broadcast %mul3A_974 : i32 to vector<16xi32>
        %add3A_1461 = arith.addi %add3A_1459, %add3A_1460 : vector<16xi32>
        tpu.vector_store_idx %arg8[%add3A_1461], %gather3A_1456 : memref<8192xf32, #tpu.memory_space<vmem>>[vector<16xi32>], vector<16xf32>,
        %add3A_1462 = arith.constant 48 : i32
        %add3A_1463 = vector.broadcast %add3A_1462 : i32 to vector<16xi32>
        %add3A_1464 = arith.addi %and3A_43, %add3A_1463 : vector<16xi32>
        %gather3A_1465 = tpu.vector_load_idx %arg6[%add3A_976, %add3A_1464] : memref<128x128xf32, #tpu.memory_space<vmem>>[vector<16xi32>, vector<16xi32>], vector<16xf32>,
        %add3A_1466 = arith.constant 6144 : i32
        %add3A_1467 = vector.broadcast %add3A_1466 : i32 to vector<16xi32>
        %add3A_1468 = arith.addi %add3A_167, %add3A_1467 : vector<16xi32>
        %add3A_1469 = vector.broadcast %mul3A_974 : i32 to vector<16xi32>
        %add3A_1470 = arith.addi %add3A_1468, %add3A_1469 : vector<16xi32>
        tpu.vector_store_idx %arg8[%add3A_1470], %gather3A_1465 : memref<8192xf32, #tpu.memory_space<vmem>>[vector<16xi32>], vector<16xf32>,
        %add3A_1471 = arith.constant 48 : i32
        %add3A_1472 = vector.broadcast %add3A_1471 : i32 to vector<16xi32>
        %add3A_1473 = arith.addi %and3A_49, %add3A_1472 : vector<16xi32>
        %gather3A_1474 = tpu.vector_load_idx %arg6[%add3A_976, %add3A_1473] : memref<128x128xf32, #tpu.memory_space<vmem>>[vector<16xi32>, vector<16xi32>], vector<16xf32>,
        %add3A_1475 = arith.constant 6144 : i32
        %add3A_1476 = vector.broadcast %add3A_1475 : i32 to vector<16xi32>
        %add3A_1477 = arith.addi %add3A_177, %add3A_1476 : vector<16xi32>
        %add3A_1478 = vector.broadcast %mul3A_974 : i32 to vector<16xi32>
        %add3A_1479 = arith.addi %add3A_1477, %add3A_1478 : vector<16xi32>
        tpu.vector_store_idx %arg8[%add3A_1479], %gather3A_1474 : memref<8192xf32, #tpu.memory_space<vmem>>[vector<16xi32>], vector<16xf32>,
        %add3A_1480 = arith.constant 48 : i32
        %add3A_1481 = vector.broadcast %add3A_1480 : i32 to vector<16xi32>
        %add3A_1482 = arith.addi %and3A_55, %add3A_1481 : vector<16xi32>
        %gather3A_1483 = tpu.vector_load_idx %arg6[%add3A_976, %add3A_1482] : memref<128x128xf32, #tpu.memory_space<vmem>>[vector<16xi32>, vector<16xi32>], vector<16xf32>,
        %add3A_1484 = arith.constant 6144 : i32
        %add3A_1485 = vector.broadcast %add3A_1484 : i32 to vector<16xi32>
        %add3A_1486 = arith.addi %add3A_187, %add3A_1485 : vector<16xi32>
        %add3A_1487 = vector.broadcast %mul3A_974 : i32 to vector<16xi32>
        %add3A_1488 = arith.addi %add3A_1486, %add3A_1487 : vector<16xi32>
        tpu.vector_store_idx %arg8[%add3A_1488], %gather3A_1483 : memref<8192xf32, #tpu.memory_space<vmem>>[vector<16xi32>], vector<16xf32>,
        %add3A_1489 = arith.constant 48 : i32
        %add3A_1490 = vector.broadcast %add3A_1489 : i32 to vector<16xi32>
        %add3A_1491 = arith.addi %and3A_61, %add3A_1490 : vector<16xi32>
        %gather3A_1492 = tpu.vector_load_idx %arg6[%add3A_976, %add3A_1491] : memref<128x128xf32, #tpu.memory_space<vmem>>[vector<16xi32>, vector<16xi32>], vector<16xf32>,
        %add3A_1493 = arith.constant 6144 : i32
        %add3A_1494 = vector.broadcast %add3A_1493 : i32 to vector<16xi32>
        %add3A_1495 = arith.addi %add3A_197, %add3A_1494 : vector<16xi32>
        %add3A_1496 = vector.broadcast %mul3A_974 : i32 to vector<16xi32>
        %add3A_1497 = arith.addi %add3A_1495, %add3A_1496 : vector<16xi32>
        tpu.vector_store_idx %arg8[%add3A_1497], %gather3A_1492 : memref<8192xf32, #tpu.memory_space<vmem>>[vector<16xi32>], vector<16xf32>,
        %add3A_1498 = arith.constant 48 : i32
        %add3A_1499 = vector.broadcast %add3A_1498 : i32 to vector<16xi32>
        %add3A_1500 = arith.addi %and3A_67, %add3A_1499 : vector<16xi32>
        %gather3A_1501 = tpu.vector_load_idx %arg6[%add3A_976, %add3A_1500] : memref<128x128xf32, #tpu.memory_space<vmem>>[vector<16xi32>, vector<16xi32>], vector<16xf32>,
        %add3A_1502 = arith.constant 6144 : i32
        %add3A_1503 = vector.broadcast %add3A_1502 : i32 to vector<16xi32>
        %add3A_1504 = arith.addi %add3A_207, %add3A_1503 : vector<16xi32>
        %add3A_1505 = vector.broadcast %mul3A_974 : i32 to vector<16xi32>
        %add3A_1506 = arith.addi %add3A_1504, %add3A_1505 : vector<16xi32>
        tpu.vector_store_idx %arg8[%add3A_1506], %gather3A_1501 : memref<8192xf32, #tpu.memory_space<vmem>>[vector<16xi32>], vector<16xf32>,
        %add3A_1507 = arith.constant 48 : i32
        %add3A_1508 = vector.broadcast %add3A_1507 : i32 to vector<16xi32>
        %add3A_1509 = arith.addi %and3A_73, %add3A_1508 : vector<16xi32>
        %gather3A_1510 = tpu.vector_load_idx %arg6[%add3A_976, %add3A_1509] : memref<128x128xf32, #tpu.memory_space<vmem>>[vector<16xi32>, vector<16xi32>], vector<16xf32>,
        %add3A_1511 = arith.constant 6144 : i32
        %add3A_1512 = vector.broadcast %add3A_1511 : i32 to vector<16xi32>
        %add3A_1513 = arith.addi %add3A_217, %add3A_1512 : vector<16xi32>
        %add3A_1514 = vector.broadcast %mul3A_974 : i32 to vector<16xi32>
        %add3A_1515 = arith.addi %add3A_1513, %add3A_1514 : vector<16xi32>
        tpu.vector_store_idx %arg8[%add3A_1515], %gather3A_1510 : memref<8192xf32, #tpu.memory_space<vmem>>[vector<16xi32>], vector<16xf32>,
        %add3A_1516 = arith.constant 48 : i32
        %add3A_1517 = vector.broadcast %add3A_1516 : i32 to vector<16xi32>
        %add3A_1518 = arith.addi %and3A_79, %add3A_1517 : vector<16xi32>
        %gather3A_1519 = tpu.vector_load_idx %arg6[%add3A_976, %add3A_1518] : memref<128x128xf32, #tpu.memory_space<vmem>>[vector<16xi32>, vector<16xi32>], vector<16xf32>,
        %add3A_1520 = arith.constant 6144 : i32
        %add3A_1521 = vector.broadcast %add3A_1520 : i32 to vector<16xi32>
        %add3A_1522 = arith.addi %add3A_227, %add3A_1521 : vector<16xi32>
        %add3A_1523 = vector.broadcast %mul3A_974 : i32 to vector<16xi32>
        %add3A_1524 = arith.addi %add3A_1522, %add3A_1523 : vector<16xi32>
        tpu.vector_store_idx %arg8[%add3A_1524], %gather3A_1519 : memref<8192xf32, #tpu.memory_space<vmem>>[vector<16xi32>], vector<16xf32>,
        %add3A_1525 = arith.constant 48 : i32
        %add3A_1526 = vector.broadcast %add3A_1525 : i32 to vector<16xi32>
        %add3A_1527 = arith.addi %and3A_85, %add3A_1526 : vector<16xi32>
        %gather3A_1528 = tpu.vector_load_idx %arg6[%add3A_976, %add3A_1527] : memref<128x128xf32, #tpu.memory_space<vmem>>[vector<16xi32>, vector<16xi32>], vector<16xf32>,
        %add3A_1529 = arith.constant 6144 : i32
        %add3A_1530 = vector.broadcast %add3A_1529 : i32 to vector<16xi32>
        %add3A_1531 = arith.addi %add3A_237, %add3A_1530 : vector<16xi32>
        %add3A_1532 = vector.broadcast %mul3A_974 : i32 to vector<16xi32>
        %add3A_1533 = arith.addi %add3A_1531, %add3A_1532 : vector<16xi32>
        tpu.vector_store_idx %arg8[%add3A_1533], %gather3A_1528 : memref<8192xf32, #tpu.memory_space<vmem>>[vector<16xi32>], vector<16xf32>,
        %add3A_1534 = arith.constant 48 : i32
        %add3A_1535 = vector.broadcast %add3A_1534 : i32 to vector<16xi32>
        %add3A_1536 = arith.addi %and3A_91, %add3A_1535 : vector<16xi32>
        %gather3A_1537 = tpu.vector_load_idx %arg6[%add3A_976, %add3A_1536] : memref<128x128xf32, #tpu.memory_space<vmem>>[vector<16xi32>, vector<16xi32>], vector<16xf32>,
        %add3A_1538 = arith.constant 6144 : i32
        %add3A_1539 = vector.broadcast %add3A_1538 : i32 to vector<16xi32>
        %add3A_1540 = arith.addi %add3A_247, %add3A_1539 : vector<16xi32>
        %add3A_1541 = vector.broadcast %mul3A_974 : i32 to vector<16xi32>
        %add3A_1542 = arith.addi %add3A_1540, %add3A_1541 : vector<16xi32>
        tpu.vector_store_idx %arg8[%add3A_1542], %gather3A_1537 : memref<8192xf32, #tpu.memory_space<vmem>>[vector<16xi32>], vector<16xf32>,
        %add3A_1543 = arith.constant 48 : i32
        %add3A_1544 = vector.broadcast %add3A_1543 : i32 to vector<16xi32>
        %add3A_1545 = arith.addi %and3A_97, %add3A_1544 : vector<16xi32>
        %gather3A_1546 = tpu.vector_load_idx %arg6[%add3A_976, %add3A_1545] : memref<128x128xf32, #tpu.memory_space<vmem>>[vector<16xi32>, vector<16xi32>], vector<16xf32>,
        %add3A_1547 = arith.constant 6144 : i32
        %add3A_1548 = vector.broadcast %add3A_1547 : i32 to vector<16xi32>
        %add3A_1549 = arith.addi %add3A_257, %add3A_1548 : vector<16xi32>
        %add3A_1550 = vector.broadcast %mul3A_974 : i32 to vector<16xi32>
        %add3A_1551 = arith.addi %add3A_1549, %add3A_1550 : vector<16xi32>
        tpu.vector_store_idx %arg8[%add3A_1551], %gather3A_1546 : memref<8192xf32, #tpu.memory_space<vmem>>[vector<16xi32>], vector<16xf32>,
      }
      %scan3A_612 = arith.constant 8 : i32
      %add3A_613 = arith.addi %mul3A_2, %add3A_598 : i32
      %jit3A_614 = arith.constant 128 : i32
      %div3A_615 = arith.divsi %add3A_613, %jit3A_614 : i32
      %sign3A_616 = arith.constant 0 : i32
      %sign3A_617 = arith.cmpi sgt, %add3A_613, %sign3A_616 : i32
      %sign3A_618 = arith.extui %sign3A_617 : i1 to i32
      %sign3A_619 = arith.constant 0 : i32
      %sign3A_620 = arith.cmpi slt, %add3A_613, %sign3A_619 : i32
      %sign3A_621 = arith.extui %sign3A_620 : i1 to i32
      %sign3A_622 = arith.subi %sign3A_618, %sign3A_621 : i32
      %sign3A_623 = arith.constant 0 : i32
      %sign3A_624 = arith.cmpi sgt, %jit3A_614, %sign3A_623 : i32
      %sign3A_625 = arith.extui %sign3A_624 : i1 to i32
      %sign3A_626 = arith.constant 0 : i32
      %sign3A_627 = arith.cmpi slt, %jit3A_614, %sign3A_626 : i32
      %sign3A_628 = arith.extui %sign3A_627 : i1 to i32
      %sign3A_629 = arith.subi %sign3A_625, %sign3A_628 : i32
      %ne3A_630 = arith.cmpi ne, %sign3A_622, %sign3A_629 : i32
      %rem3A_631 = arith.remsi %add3A_613, %jit3A_614 : i32
      %ne3A_632 = arith.constant 0 : i32
      %ne3A_633 = arith.cmpi ne, %rem3A_631, %ne3A_632 : i32
      %and3A_634 = arith.andi %ne3A_630, %ne3A_633 : i1
      %sub3A_635 = arith.constant 1 : i32
      %sub3A_636 = arith.subi %div3A_615, %sub3A_635 : i32
      %select_n3A_637 = arith.select %and3A_634, %sub3A_636, %div3A_615 : i32
      %add3A_638 = arith.addi %mul3A_2, %add3A_598 : i32
      %jit3A_639 = arith.constant 128 : i32
      %eq3A_640 = arith.constant 0 : i32
      %eq3A_641 = arith.cmpi eq, %jit3A_639, %eq3A_640 : i32
      %jit3A_642 = arith.constant 1 : i32
      %select_n3A_643 = arith.select %eq3A_641, %jit3A_642, %jit3A_639 : i32
      %rem3A_644 = arith.remsi %add3A_638, %select_n3A_643 : i32
      %ne3A_645 = arith.constant 0 : i32
      %ne3A_646 = arith.cmpi ne, %rem3A_644, %ne3A_645 : i32
      %lt3A_647 = arith.constant 0 : i32
      %lt3A_648 = arith.cmpi slt, %rem3A_644, %lt3A_647 : i32
      %lt3A_649 = arith.constant 0 : i32
      %lt3A_650 = arith.cmpi slt, %select_n3A_643, %lt3A_649 : i32
      %ne3A_651 = arith.xori %lt3A_648, %lt3A_650 : i1
      %and3A_652 = arith.andi %ne3A_651, %ne3A_646 : i1
      %add3A_653 = arith.addi %rem3A_644, %select_n3A_643 : i32
      %select_n3A_654 = arith.select %and3A_652, %add3A_653, %rem3A_644 : i32
      %mul3A_655 = arith.constant 8 : i32
      %mul3A_656 = arith.muli %select_n3A_637, %mul3A_655 : i32
      %add3A_657 = arith.constant 0 : i32
      %add3A_658 = arith.addi %mul3A_656, %add3A_657 : i32
      %mul3A_659 = arith.constant 128 : i32
      %mul3A_660 = arith.muli %add3A_658, %mul3A_659 : i32
      %add3A_661 = arith.addi %mul3A_660, %select_n3A_654 : i32
      %mul3A_662 = arith.constant 1024 : i32
      %mul3A_663 = arith.muli %add3A_661, %mul3A_662 : i32
      %mul3A_664 = arith.constant 8 : i32
      %mul3A_665 = arith.muli %select_n3A_637, %mul3A_664 : i32
      %add3A_666 = arith.constant 1 : i32
      %add3A_667 = arith.addi %mul3A_665, %add3A_666 : i32
      %mul3A_668 = arith.constant 128 : i32
      %mul3A_669 = arith.muli %add3A_667, %mul3A_668 : i32
      %add3A_670 = arith.addi %mul3A_669, %select_n3A_654 : i32
      %mul3A_671 = arith.constant 1024 : i32
      %mul3A_672 = arith.muli %add3A_670, %mul3A_671 : i32
      %mul3A_673 = arith.constant 8 : i32
      %mul3A_674 = arith.muli %select_n3A_637, %mul3A_673 : i32
      %add3A_675 = arith.constant 2 : i32
      %add3A_676 = arith.addi %mul3A_674, %add3A_675 : i32
      %mul3A_677 = arith.constant 128 : i32
      %mul3A_678 = arith.muli %add3A_676, %mul3A_677 : i32
      %add3A_679 = arith.addi %mul3A_678, %select_n3A_654 : i32
      %mul3A_680 = arith.constant 1024 : i32
      %mul3A_681 = arith.muli %add3A_679, %mul3A_680 : i32
      %mul3A_682 = arith.constant 8 : i32
      %mul3A_683 = arith.muli %select_n3A_637, %mul3A_682 : i32
      %add3A_684 = arith.constant 3 : i32
      %add3A_685 = arith.addi %mul3A_683, %add3A_684 : i32
      %mul3A_686 = arith.constant 128 : i32
      %mul3A_687 = arith.muli %add3A_685, %mul3A_686 : i32
      %add3A_688 = arith.addi %mul3A_687, %select_n3A_654 : i32
      %mul3A_689 = arith.constant 1024 : i32
      %mul3A_690 = arith.muli %add3A_688, %mul3A_689 : i32
      %mul3A_691 = arith.constant 8 : i32
      %mul3A_692 = arith.muli %select_n3A_637, %mul3A_691 : i32
      %add3A_693 = arith.constant 4 : i32
      %add3A_694 = arith.addi %mul3A_692, %add3A_693 : i32
      %mul3A_695 = arith.constant 128 : i32
      %mul3A_696 = arith.muli %add3A_694, %mul3A_695 : i32
      %add3A_697 = arith.addi %mul3A_696, %select_n3A_654 : i32
      %mul3A_698 = arith.constant 1024 : i32
      %mul3A_699 = arith.muli %add3A_697, %mul3A_698 : i32
      %mul3A_700 = arith.constant 8 : i32
      %mul3A_701 = arith.muli %select_n3A_637, %mul3A_700 : i32
      %add3A_702 = arith.constant 5 : i32
      %add3A_703 = arith.addi %mul3A_701, %add3A_702 : i32
      %mul3A_704 = arith.constant 128 : i32
      %mul3A_705 = arith.muli %add3A_703, %mul3A_704 : i32
      %add3A_706 = arith.addi %mul3A_705, %select_n3A_654 : i32
      %mul3A_707 = arith.constant 1024 : i32
      %mul3A_708 = arith.muli %add3A_706, %mul3A_707 : i32
      %mul3A_709 = arith.constant 8 : i32
      %mul3A_710 = arith.muli %select_n3A_637, %mul3A_709 : i32
      %add3A_711 = arith.constant 6 : i32
      %add3A_712 = arith.addi %mul3A_710, %add3A_711 : i32
      %mul3A_713 = arith.constant 128 : i32
      %mul3A_714 = arith.muli %add3A_712, %mul3A_713 : i32
      %add3A_715 = arith.addi %mul3A_714, %select_n3A_654 : i32
      %mul3A_716 = arith.constant 1024 : i32
      %mul3A_717 = arith.muli %add3A_715, %mul3A_716 : i32
      %mul3A_718 = arith.constant 8 : i32
      %mul3A_719 = arith.muli %select_n3A_637, %mul3A_718 : i32
      %add3A_720 = arith.constant 7 : i32
      %add3A_721 = arith.addi %mul3A_719, %add3A_720 : i32
      %mul3A_722 = arith.constant 128 : i32
      %mul3A_723 = arith.muli %add3A_721, %mul3A_722 : i32
      %add3A_724 = arith.addi %mul3A_723, %select_n3A_654 : i32
      %mul3A_725 = arith.constant 1024 : i32
      %mul3A_726 = arith.muli %add3A_724, %mul3A_725 : i32
      %dma_start3A_727 = arith.constant 0 : i32
      %dma_start3A_728 = tpu.memref_slice %arg8[%dma_start3A_727] : memref<8192xf32, #tpu.memory_space<vmem>> -> memref<1024xf32, #tpu.memory_space<vmem>>
      %dma_start3A_729 = tpu.memref_slice %arg4[%mul3A_663] : memref<27262976xf32, #tpu.memory_space<hbm>> -> memref<1024xf32, #tpu.memory_space<hbm>>
      %dma_start3A_730 = tpu.memref_slice %arg4[%mul3A_663] : memref<27262976xf32, #tpu.memory_space<hbm>> -> memref<1024xf32, #tpu.memory_space<hbm>>
      %dma_start3A_731 = arith.constant 0 : i32
      %dma_start3A_732 = tpu.memref_slice %arg8[%dma_start3A_731] : memref<8192xf32, #tpu.memory_space<vmem>> -> memref<1024xf32, #tpu.memory_space<vmem>>
      tpu.enqueue_dma source(%dma_start3A_732 : memref<1024xf32, #tpu.memory_space<vmem>>) target(%dma_start3A_730 : memref<1024xf32, #tpu.memory_space<hbm>>) target_semaphore(%arg11 : memref<!tpu.dma_semaphore, #tpu.memory_space<semaphore_mem>>)
      %dma_start3A_733 = arith.constant 1024 : i32
      %dma_start3A_734 = tpu.memref_slice %arg8[%dma_start3A_733] : memref<8192xf32, #tpu.memory_space<vmem>> -> memref<1024xf32, #tpu.memory_space<vmem>>
      %dma_start3A_735 = tpu.memref_slice %arg4[%mul3A_672] : memref<27262976xf32, #tpu.memory_space<hbm>> -> memref<1024xf32, #tpu.memory_space<hbm>>
      %dma_start3A_736 = tpu.memref_slice %arg4[%mul3A_672] : memref<27262976xf32, #tpu.memory_space<hbm>> -> memref<1024xf32, #tpu.memory_space<hbm>>
      %dma_start3A_737 = arith.constant 1024 : i32
      %dma_start3A_738 = tpu.memref_slice %arg8[%dma_start3A_737] : memref<8192xf32, #tpu.memory_space<vmem>> -> memref<1024xf32, #tpu.memory_space<vmem>>
      tpu.enqueue_dma source(%dma_start3A_738 : memref<1024xf32, #tpu.memory_space<vmem>>) target(%dma_start3A_736 : memref<1024xf32, #tpu.memory_space<hbm>>) target_semaphore(%arg11 : memref<!tpu.dma_semaphore, #tpu.memory_space<semaphore_mem>>)
      %dma_start3A_739 = arith.constant 2048 : i32
      %dma_start3A_740 = tpu.memref_slice %arg8[%dma_start3A_739] : memref<8192xf32, #tpu.memory_space<vmem>> -> memref<1024xf32, #tpu.memory_space<vmem>>
      %dma_start3A_741 = tpu.memref_slice %arg4[%mul3A_681] : memref<27262976xf32, #tpu.memory_space<hbm>> -> memref<1024xf32, #tpu.memory_space<hbm>>
      %dma_start3A_742 = tpu.memref_slice %arg4[%mul3A_681] : memref<27262976xf32, #tpu.memory_space<hbm>> -> memref<1024xf32, #tpu.memory_space<hbm>>
      %dma_start3A_743 = arith.constant 2048 : i32
      %dma_start3A_744 = tpu.memref_slice %arg8[%dma_start3A_743] : memref<8192xf32, #tpu.memory_space<vmem>> -> memref<1024xf32, #tpu.memory_space<vmem>>
      tpu.enqueue_dma source(%dma_start3A_744 : memref<1024xf32, #tpu.memory_space<vmem>>) target(%dma_start3A_742 : memref<1024xf32, #tpu.memory_space<hbm>>) target_semaphore(%arg11 : memref<!tpu.dma_semaphore, #tpu.memory_space<semaphore_mem>>)
      %dma_start3A_745 = arith.constant 3072 : i32
      %dma_start3A_746 = tpu.memref_slice %arg8[%dma_start3A_745] : memref<8192xf32, #tpu.memory_space<vmem>> -> memref<1024xf32, #tpu.memory_space<vmem>>
      %dma_start3A_747 = tpu.memref_slice %arg4[%mul3A_690] : memref<27262976xf32, #tpu.memory_space<hbm>> -> memref<1024xf32, #tpu.memory_space<hbm>>
      %dma_start3A_748 = tpu.memref_slice %arg4[%mul3A_690] : memref<27262976xf32, #tpu.memory_space<hbm>> -> memref<1024xf32, #tpu.memory_space<hbm>>
      %dma_start3A_749 = arith.constant 3072 : i32
      %dma_start3A_750 = tpu.memref_slice %arg8[%dma_start3A_749] : memref<8192xf32, #tpu.memory_space<vmem>> -> memref<1024xf32, #tpu.memory_space<vmem>>
      tpu.enqueue_dma source(%dma_start3A_750 : memref<1024xf32, #tpu.memory_space<vmem>>) target(%dma_start3A_748 : memref<1024xf32, #tpu.memory_space<hbm>>) target_semaphore(%arg11 : memref<!tpu.dma_semaphore, #tpu.memory_space<semaphore_mem>>)
      %dma_start3A_751 = arith.constant 4096 : i32
      %dma_start3A_752 = tpu.memref_slice %arg8[%dma_start3A_751] : memref<8192xf32, #tpu.memory_space<vmem>> -> memref<1024xf32, #tpu.memory_space<vmem>>
      %dma_start3A_753 = tpu.memref_slice %arg4[%mul3A_699] : memref<27262976xf32, #tpu.memory_space<hbm>> -> memref<1024xf32, #tpu.memory_space<hbm>>
      %dma_start3A_754 = tpu.memref_slice %arg4[%mul3A_699] : memref<27262976xf32, #tpu.memory_space<hbm>> -> memref<1024xf32, #tpu.memory_space<hbm>>
      %dma_start3A_755 = arith.constant 4096 : i32
      %dma_start3A_756 = tpu.memref_slice %arg8[%dma_start3A_755] : memref<8192xf32, #tpu.memory_space<vmem>> -> memref<1024xf32, #tpu.memory_space<vmem>>
      tpu.enqueue_dma source(%dma_start3A_756 : memref<1024xf32, #tpu.memory_space<vmem>>) target(%dma_start3A_754 : memref<1024xf32, #tpu.memory_space<hbm>>) target_semaphore(%arg11 : memref<!tpu.dma_semaphore, #tpu.memory_space<semaphore_mem>>)
      %dma_start3A_757 = arith.constant 5120 : i32
      %dma_start3A_758 = tpu.memref_slice %arg8[%dma_start3A_757] : memref<8192xf32, #tpu.memory_space<vmem>> -> memref<1024xf32, #tpu.memory_space<vmem>>
      %dma_start3A_759 = tpu.memref_slice %arg4[%mul3A_708] : memref<27262976xf32, #tpu.memory_space<hbm>> -> memref<1024xf32, #tpu.memory_space<hbm>>
      %dma_start3A_760 = tpu.memref_slice %arg4[%mul3A_708] : memref<27262976xf32, #tpu.memory_space<hbm>> -> memref<1024xf32, #tpu.memory_space<hbm>>
      %dma_start3A_761 = arith.constant 5120 : i32
      %dma_start3A_762 = tpu.memref_slice %arg8[%dma_start3A_761] : memref<8192xf32, #tpu.memory_space<vmem>> -> memref<1024xf32, #tpu.memory_space<vmem>>
      tpu.enqueue_dma source(%dma_start3A_762 : memref<1024xf32, #tpu.memory_space<vmem>>) target(%dma_start3A_760 : memref<1024xf32, #tpu.memory_space<hbm>>) target_semaphore(%arg11 : memref<!tpu.dma_semaphore, #tpu.memory_space<semaphore_mem>>)
      %dma_start3A_763 = arith.constant 6144 : i32
      %dma_start3A_764 = tpu.memref_slice %arg8[%dma_start3A_763] : memref<8192xf32, #tpu.memory_space<vmem>> -> memref<1024xf32, #tpu.memory_space<vmem>>
      %dma_start3A_765 = tpu.memref_slice %arg4[%mul3A_717] : memref<27262976xf32, #tpu.memory_space<hbm>> -> memref<1024xf32, #tpu.memory_space<hbm>>
      %dma_start3A_766 = tpu.memref_slice %arg4[%mul3A_717] : memref<27262976xf32, #tpu.memory_space<hbm>> -> memref<1024xf32, #tpu.memory_space<hbm>>
      %dma_start3A_767 = arith.constant 6144 : i32
      %dma_start3A_768 = tpu.memref_slice %arg8[%dma_start3A_767] : memref<8192xf32, #tpu.memory_space<vmem>> -> memref<1024xf32, #tpu.memory_space<vmem>>
      tpu.enqueue_dma source(%dma_start3A_768 : memref<1024xf32, #tpu.memory_space<vmem>>) target(%dma_start3A_766 : memref<1024xf32, #tpu.memory_space<hbm>>) target_semaphore(%arg11 : memref<!tpu.dma_semaphore, #tpu.memory_space<semaphore_mem>>)
      %dma_start3A_769 = arith.constant 7168 : i32
      %dma_start3A_770 = tpu.memref_slice %arg8[%dma_start3A_769] : memref<8192xf32, #tpu.memory_space<vmem>> -> memref<1024xf32, #tpu.memory_space<vmem>>
      %dma_start3A_771 = tpu.memref_slice %arg4[%mul3A_726] : memref<27262976xf32, #tpu.memory_space<hbm>> -> memref<1024xf32, #tpu.memory_space<hbm>>
      %dma_start3A_772 = tpu.memref_slice %arg4[%mul3A_726] : memref<27262976xf32, #tpu.memory_space<hbm>> -> memref<1024xf32, #tpu.memory_space<hbm>>
      %dma_start3A_773 = arith.constant 7168 : i32
      %dma_start3A_774 = tpu.memref_slice %arg8[%dma_start3A_773] : memref<8192xf32, #tpu.memory_space<vmem>> -> memref<1024xf32, #tpu.memory_space<vmem>>
      tpu.enqueue_dma source(%dma_start3A_774 : memref<1024xf32, #tpu.memory_space<vmem>>) target(%dma_start3A_772 : memref<1024xf32, #tpu.memory_space<hbm>>) target_semaphore(%arg11 : memref<!tpu.dma_semaphore, #tpu.memory_space<semaphore_mem>>)
      %add3A_775 = arith.constant 2 : i32
      %add3A_776 = arith.addi %add3A_598, %add3A_775 : i32
      %lt3A_777 = arith.constant 104 : i32
      %lt3A_778 = arith.cmpi slt, %add3A_776, %lt3A_777 : i32
      %convert_element_type3A_779 = arith.extui %lt3A_778 : i1 to i32
      %cond3A_780 = arith.constant 0 : i32
      %cond3A_781 = arith.cmpi ne, %convert_element_type3A_779, %cond3A_780 : i32
      scf.if %cond3A_781 {
        %add3A_972 = arith.constant 2 : i32
        %add3A_973 = arith.addi %add3A_598, %add3A_972 : i32
        %dma_start3A_974 = arith.constant 0 : i32
        %dma_start3A_975 = tpu.memref_slice %arg5[%add3A_973, %dma_start3A_974] : memref<104x128xi32, #tpu.memory_space<vmem>> -> memref<1x128xi32, #tpu.memory_space<vmem>>
        %dma_start3A_976 = tpu.memref_squeeze %dma_start3A_975 : memref<1x128xi32, #tpu.memory_space<vmem>> -> memref<128xi32, #tpu.memory_space<vmem>>
        %dma_start3A_977 = arith.constant 0 : i32
        %dma_start3A_978 = arith.constant 0 : i32
        %dma_start3A_979 = tpu.memref_slice %arg2[%dma_start3A_977, %dma_start3A_978] : memref<1000000x128xf32, #tpu.memory_space<hbm>> -> memref<1000000x128xf32, #tpu.memory_space<hbm>>
        tpu.enqueue_indirect_dma source(%dma_start3A_979 : memref<1000000x128xf32, #tpu.memory_space<hbm>>) target(%arg6 : memref<128x128xf32, #tpu.memory_space<vmem>>) offsets(%dma_start3A_976 : memref<128xi32, #tpu.memory_space<vmem>>) semaphore(%arg10 : memref<!tpu.dma_semaphore, #tpu.memory_space<semaphore_mem>>)
      } else {
      }
      %mul3A_782 = arith.constant 2 : i32
      %mul3A_783 = arith.muli %scan3A_594, %mul3A_782 : i32
      %add3A_784 = arith.constant 1 : i32
      %add3A_785 = arith.addi %mul3A_783, %add3A_784 : i32
      %dma_wait3A_786 = arith.constant 0 : i32
      %dma_wait3A_787 = tpu.memref_slice %arg5[%add3A_785, %dma_wait3A_786] : memref<104x128xi32, #tpu.memory_space<vmem>> -> memref<1x128xi32, #tpu.memory_space<vmem>>
      %dma_wait3A_788 = tpu.memref_squeeze %dma_wait3A_787 : memref<1x128xi32, #tpu.memory_space<vmem>> -> memref<128xi32, #tpu.memory_space<vmem>>
      %dma_wait3A_789 = arith.constant 0 : i32
      %dma_wait3A_790 = arith.constant 0 : i32
      %dma_wait3A_791 = tpu.memref_slice %arg2[%dma_wait3A_789, %dma_wait3A_790] : memref<1000000x128xf32, #tpu.memory_space<hbm>> -> memref<1000000x128xf32, #tpu.memory_space<hbm>>
      tpu.wait_indirect_dma semaphore(%arg10 : memref<!tpu.dma_semaphore, #tpu.memory_space<semaphore_mem>>) src(%dma_wait3A_791 : memref<1000000x128xf32, #tpu.memory_space<hbm>>) dst(%arg7 : memref<128x128xf32, #tpu.memory_space<vmem>>)
      %ge3A_792 = arith.constant 2 : i32
      %ge3A_793 = arith.cmpi sge, %add3A_785, %ge3A_792 : i32
      %convert_element_type3A_794 = arith.extui %ge3A_793 : i1 to i32
      %cond3A_795 = arith.constant 0 : i32
      %cond3A_796 = arith.cmpi ne, %convert_element_type3A_794, %cond3A_795 : i32
      scf.if %cond3A_796 {
        %sub3A_972 = arith.constant 2 : i32
        %sub3A_973 = arith.subi %add3A_785, %sub3A_972 : i32
        %add3A_974 = arith.addi %mul3A_2, %sub3A_973 : i32
        %jit3A_975 = arith.constant 128 : i32
        %div3A_976 = arith.divsi %add3A_974, %jit3A_975 : i32
        %sign3A_977 = arith.constant 0 : i32
        %sign3A_978 = arith.cmpi sgt, %add3A_974, %sign3A_977 : i32
        %sign3A_979 = arith.extui %sign3A_978 : i1 to i32
        %sign3A_980 = arith.constant 0 : i32
        %sign3A_981 = arith.cmpi slt, %add3A_974, %sign3A_980 : i32
        %sign3A_982 = arith.extui %sign3A_981 : i1 to i32
        %sign3A_983 = arith.subi %sign3A_979, %sign3A_982 : i32
        %sign3A_984 = arith.constant 0 : i32
        %sign3A_985 = arith.cmpi sgt, %jit3A_975, %sign3A_984 : i32
        %sign3A_986 = arith.extui %sign3A_985 : i1 to i32
        %sign3A_987 = arith.constant 0 : i32
        %sign3A_988 = arith.cmpi slt, %jit3A_975, %sign3A_987 : i32
        %sign3A_989 = arith.extui %sign3A_988 : i1 to i32
        %sign3A_990 = arith.subi %sign3A_986, %sign3A_989 : i32
        %ne3A_991 = arith.cmpi ne, %sign3A_983, %sign3A_990 : i32
        %rem3A_992 = arith.remsi %add3A_974, %jit3A_975 : i32
        %ne3A_993 = arith.constant 0 : i32
        %ne3A_994 = arith.cmpi ne, %rem3A_992, %ne3A_993 : i32
        %and3A_995 = arith.andi %ne3A_991, %ne3A_994 : i1
        %sub3A_996 = arith.constant 1 : i32
        %sub3A_997 = arith.subi %div3A_976, %sub3A_996 : i32
        %select_n3A_998 = arith.select %and3A_995, %sub3A_997, %div3A_976 : i32
        %add3A_999 = arith.addi %mul3A_2, %sub3A_973 : i32
        %jit3A_1000 = arith.constant 128 : i32
        %eq3A_1001 = arith.constant 0 : i32
        %eq3A_1002 = arith.cmpi eq, %jit3A_1000, %eq3A_1001 : i32
        %jit3A_1003 = arith.constant 1 : i32
        %select_n3A_1004 = arith.select %eq3A_1002, %jit3A_1003, %jit3A_1000 : i32
        %rem3A_1005 = arith.remsi %add3A_999, %select_n3A_1004 : i32
        %ne3A_1006 = arith.constant 0 : i32
        %ne3A_1007 = arith.cmpi ne, %rem3A_1005, %ne3A_1006 : i32
        %lt3A_1008 = arith.constant 0 : i32
        %lt3A_1009 = arith.cmpi slt, %rem3A_1005, %lt3A_1008 : i32
        %lt3A_1010 = arith.constant 0 : i32
        %lt3A_1011 = arith.cmpi slt, %select_n3A_1004, %lt3A_1010 : i32
        %ne3A_1012 = arith.xori %lt3A_1009, %lt3A_1011 : i1
        %and3A_1013 = arith.andi %ne3A_1012, %ne3A_1007 : i1
        %add3A_1014 = arith.addi %rem3A_1005, %select_n3A_1004 : i32
        %select_n3A_1015 = arith.select %and3A_1013, %add3A_1014, %rem3A_1005 : i32
        %mul3A_1016 = arith.constant 8 : i32
        %mul3A_1017 = arith.muli %select_n3A_998, %mul3A_1016 : i32
        %add3A_1018 = arith.constant 0 : i32
        %add3A_1019 = arith.addi %mul3A_1017, %add3A_1018 : i32
        %mul3A_1020 = arith.constant 128 : i32
        %mul3A_1021 = arith.muli %add3A_1019, %mul3A_1020 : i32
        %add3A_1022 = arith.addi %mul3A_1021, %select_n3A_1015 : i32
        %mul3A_1023 = arith.constant 1024 : i32
        %mul3A_1024 = arith.muli %add3A_1022, %mul3A_1023 : i32
        %mul3A_1025 = arith.constant 8 : i32
        %mul3A_1026 = arith.muli %select_n3A_998, %mul3A_1025 : i32
        %add3A_1027 = arith.constant 1 : i32
        %add3A_1028 = arith.addi %mul3A_1026, %add3A_1027 : i32
        %mul3A_1029 = arith.constant 128 : i32
        %mul3A_1030 = arith.muli %add3A_1028, %mul3A_1029 : i32
        %add3A_1031 = arith.addi %mul3A_1030, %select_n3A_1015 : i32
        %mul3A_1032 = arith.constant 1024 : i32
        %mul3A_1033 = arith.muli %add3A_1031, %mul3A_1032 : i32
        %mul3A_1034 = arith.constant 8 : i32
        %mul3A_1035 = arith.muli %select_n3A_998, %mul3A_1034 : i32
        %add3A_1036 = arith.constant 2 : i32
        %add3A_1037 = arith.addi %mul3A_1035, %add3A_1036 : i32
        %mul3A_1038 = arith.constant 128 : i32
        %mul3A_1039 = arith.muli %add3A_1037, %mul3A_1038 : i32
        %add3A_1040 = arith.addi %mul3A_1039, %select_n3A_1015 : i32
        %mul3A_1041 = arith.constant 1024 : i32
        %mul3A_1042 = arith.muli %add3A_1040, %mul3A_1041 : i32
        %mul3A_1043 = arith.constant 8 : i32
        %mul3A_1044 = arith.muli %select_n3A_998, %mul3A_1043 : i32
        %add3A_1045 = arith.constant 3 : i32
        %add3A_1046 = arith.addi %mul3A_1044, %add3A_1045 : i32
        %mul3A_1047 = arith.constant 128 : i32
        %mul3A_1048 = arith.muli %add3A_1046, %mul3A_1047 : i32
        %add3A_1049 = arith.addi %mul3A_1048, %select_n3A_1015 : i32
        %mul3A_1050 = arith.constant 1024 : i32
        %mul3A_1051 = arith.muli %add3A_1049, %mul3A_1050 : i32
        %mul3A_1052 = arith.constant 8 : i32
        %mul3A_1053 = arith.muli %select_n3A_998, %mul3A_1052 : i32
        %add3A_1054 = arith.constant 4 : i32
        %add3A_1055 = arith.addi %mul3A_1053, %add3A_1054 : i32
        %mul3A_1056 = arith.constant 128 : i32
        %mul3A_1057 = arith.muli %add3A_1055, %mul3A_1056 : i32
        %add3A_1058 = arith.addi %mul3A_1057, %select_n3A_1015 : i32
        %mul3A_1059 = arith.constant 1024 : i32
        %mul3A_1060 = arith.muli %add3A_1058, %mul3A_1059 : i32
        %mul3A_1061 = arith.constant 8 : i32
        %mul3A_1062 = arith.muli %select_n3A_998, %mul3A_1061 : i32
        %add3A_1063 = arith.constant 5 : i32
        %add3A_1064 = arith.addi %mul3A_1062, %add3A_1063 : i32
        %mul3A_1065 = arith.constant 128 : i32
        %mul3A_1066 = arith.muli %add3A_1064, %mul3A_1065 : i32
        %add3A_1067 = arith.addi %mul3A_1066, %select_n3A_1015 : i32
        %mul3A_1068 = arith.constant 1024 : i32
        %mul3A_1069 = arith.muli %add3A_1067, %mul3A_1068 : i32
        %mul3A_1070 = arith.constant 8 : i32
        %mul3A_1071 = arith.muli %select_n3A_998, %mul3A_1070 : i32
        %add3A_1072 = arith.constant 6 : i32
        %add3A_1073 = arith.addi %mul3A_1071, %add3A_1072 : i32
        %mul3A_1074 = arith.constant 128 : i32
        %mul3A_1075 = arith.muli %add3A_1073, %mul3A_1074 : i32
        %add3A_1076 = arith.addi %mul3A_1075, %select_n3A_1015 : i32
        %mul3A_1077 = arith.constant 1024 : i32
        %mul3A_1078 = arith.muli %add3A_1076, %mul3A_1077 : i32
        %mul3A_1079 = arith.constant 8 : i32
        %mul3A_1080 = arith.muli %select_n3A_998, %mul3A_1079 : i32
        %add3A_1081 = arith.constant 7 : i32
        %add3A_1082 = arith.addi %mul3A_1080, %add3A_1081 : i32
        %mul3A_1083 = arith.constant 128 : i32
        %mul3A_1084 = arith.muli %add3A_1082, %mul3A_1083 : i32
        %add3A_1085 = arith.addi %mul3A_1084, %select_n3A_1015 : i32
        %mul3A_1086 = arith.constant 1024 : i32
        %mul3A_1087 = arith.muli %add3A_1085, %mul3A_1086 : i32
        %dma_wait3A_1088 = arith.constant 0 : i32
        %dma_wait3A_1089 = tpu.memref_slice %arg9[%dma_wait3A_1088] : memref<8192xf32, #tpu.memory_space<vmem>> -> memref<1024xf32, #tpu.memory_space<vmem>>
        %dma_wait3A_1090 = tpu.memref_slice %arg4[%mul3A_1024] : memref<27262976xf32, #tpu.memory_space<hbm>> -> memref<1024xf32, #tpu.memory_space<hbm>>
        %dma_wait3A_1091 = tpu.memref_slice %arg4[%mul3A_1024] : memref<27262976xf32, #tpu.memory_space<hbm>> -> memref<1024xf32, #tpu.memory_space<hbm>>
        %dma_wait3A_1092 = arith.constant 0 : i32
        %dma_wait3A_1093 = tpu.memref_slice %arg9[%dma_wait3A_1092] : memref<8192xf32, #tpu.memory_space<vmem>> -> memref<1024xf32, #tpu.memory_space<vmem>>
        tpu.wait_dma2 semaphore(%arg11 : memref<!tpu.dma_semaphore, #tpu.memory_space<semaphore_mem>>) src(%dma_wait3A_1093 : memref<1024xf32, #tpu.memory_space<vmem>>) dst(%dma_wait3A_1091 : memref<1024xf32, #tpu.memory_space<hbm>>)
        %dma_wait3A_1094 = arith.constant 1024 : i32
        %dma_wait3A_1095 = tpu.memref_slice %arg9[%dma_wait3A_1094] : memref<8192xf32, #tpu.memory_space<vmem>> -> memref<1024xf32, #tpu.memory_space<vmem>>
        %dma_wait3A_1096 = tpu.memref_slice %arg4[%mul3A_1033] : memref<27262976xf32, #tpu.memory_space<hbm>> -> memref<1024xf32, #tpu.memory_space<hbm>>
        %dma_wait3A_1097 = tpu.memref_slice %arg4[%mul3A_1033] : memref<27262976xf32, #tpu.memory_space<hbm>> -> memref<1024xf32, #tpu.memory_space<hbm>>
        %dma_wait3A_1098 = arith.constant 1024 : i32
        %dma_wait3A_1099 = tpu.memref_slice %arg9[%dma_wait3A_1098] : memref<8192xf32, #tpu.memory_space<vmem>> -> memref<1024xf32, #tpu.memory_space<vmem>>
        tpu.wait_dma2 semaphore(%arg11 : memref<!tpu.dma_semaphore, #tpu.memory_space<semaphore_mem>>) src(%dma_wait3A_1099 : memref<1024xf32, #tpu.memory_space<vmem>>) dst(%dma_wait3A_1097 : memref<1024xf32, #tpu.memory_space<hbm>>)
        %dma_wait3A_1100 = arith.constant 2048 : i32
        %dma_wait3A_1101 = tpu.memref_slice %arg9[%dma_wait3A_1100] : memref<8192xf32, #tpu.memory_space<vmem>> -> memref<1024xf32, #tpu.memory_space<vmem>>
        %dma_wait3A_1102 = tpu.memref_slice %arg4[%mul3A_1042] : memref<27262976xf32, #tpu.memory_space<hbm>> -> memref<1024xf32, #tpu.memory_space<hbm>>
        %dma_wait3A_1103 = tpu.memref_slice %arg4[%mul3A_1042] : memref<27262976xf32, #tpu.memory_space<hbm>> -> memref<1024xf32, #tpu.memory_space<hbm>>
        %dma_wait3A_1104 = arith.constant 2048 : i32
        %dma_wait3A_1105 = tpu.memref_slice %arg9[%dma_wait3A_1104] : memref<8192xf32, #tpu.memory_space<vmem>> -> memref<1024xf32, #tpu.memory_space<vmem>>
        tpu.wait_dma2 semaphore(%arg11 : memref<!tpu.dma_semaphore, #tpu.memory_space<semaphore_mem>>) src(%dma_wait3A_1105 : memref<1024xf32, #tpu.memory_space<vmem>>) dst(%dma_wait3A_1103 : memref<1024xf32, #tpu.memory_space<hbm>>)
        %dma_wait3A_1106 = arith.constant 3072 : i32
        %dma_wait3A_1107 = tpu.memref_slice %arg9[%dma_wait3A_1106] : memref<8192xf32, #tpu.memory_space<vmem>> -> memref<1024xf32, #tpu.memory_space<vmem>>
        %dma_wait3A_1108 = tpu.memref_slice %arg4[%mul3A_1051] : memref<27262976xf32, #tpu.memory_space<hbm>> -> memref<1024xf32, #tpu.memory_space<hbm>>
        %dma_wait3A_1109 = tpu.memref_slice %arg4[%mul3A_1051] : memref<27262976xf32, #tpu.memory_space<hbm>> -> memref<1024xf32, #tpu.memory_space<hbm>>
        %dma_wait3A_1110 = arith.constant 3072 : i32
        %dma_wait3A_1111 = tpu.memref_slice %arg9[%dma_wait3A_1110] : memref<8192xf32, #tpu.memory_space<vmem>> -> memref<1024xf32, #tpu.memory_space<vmem>>
        tpu.wait_dma2 semaphore(%arg11 : memref<!tpu.dma_semaphore, #tpu.memory_space<semaphore_mem>>) src(%dma_wait3A_1111 : memref<1024xf32, #tpu.memory_space<vmem>>) dst(%dma_wait3A_1109 : memref<1024xf32, #tpu.memory_space<hbm>>)
        %dma_wait3A_1112 = arith.constant 4096 : i32
        %dma_wait3A_1113 = tpu.memref_slice %arg9[%dma_wait3A_1112] : memref<8192xf32, #tpu.memory_space<vmem>> -> memref<1024xf32, #tpu.memory_space<vmem>>
        %dma_wait3A_1114 = tpu.memref_slice %arg4[%mul3A_1060] : memref<27262976xf32, #tpu.memory_space<hbm>> -> memref<1024xf32, #tpu.memory_space<hbm>>
        %dma_wait3A_1115 = tpu.memref_slice %arg4[%mul3A_1060] : memref<27262976xf32, #tpu.memory_space<hbm>> -> memref<1024xf32, #tpu.memory_space<hbm>>
        %dma_wait3A_1116 = arith.constant 4096 : i32
        %dma_wait3A_1117 = tpu.memref_slice %arg9[%dma_wait3A_1116] : memref<8192xf32, #tpu.memory_space<vmem>> -> memref<1024xf32, #tpu.memory_space<vmem>>
        tpu.wait_dma2 semaphore(%arg11 : memref<!tpu.dma_semaphore, #tpu.memory_space<semaphore_mem>>) src(%dma_wait3A_1117 : memref<1024xf32, #tpu.memory_space<vmem>>) dst(%dma_wait3A_1115 : memref<1024xf32, #tpu.memory_space<hbm>>)
        %dma_wait3A_1118 = arith.constant 5120 : i32
        %dma_wait3A_1119 = tpu.memref_slice %arg9[%dma_wait3A_1118] : memref<8192xf32, #tpu.memory_space<vmem>> -> memref<1024xf32, #tpu.memory_space<vmem>>
        %dma_wait3A_1120 = tpu.memref_slice %arg4[%mul3A_1069] : memref<27262976xf32, #tpu.memory_space<hbm>> -> memref<1024xf32, #tpu.memory_space<hbm>>
        %dma_wait3A_1121 = tpu.memref_slice %arg4[%mul3A_1069] : memref<27262976xf32, #tpu.memory_space<hbm>> -> memref<1024xf32, #tpu.memory_space<hbm>>
        %dma_wait3A_1122 = arith.constant 5120 : i32
        %dma_wait3A_1123 = tpu.memref_slice %arg9[%dma_wait3A_1122] : memref<8192xf32, #tpu.memory_space<vmem>> -> memref<1024xf32, #tpu.memory_space<vmem>>
        tpu.wait_dma2 semaphore(%arg11 : memref<!tpu.dma_semaphore, #tpu.memory_space<semaphore_mem>>) src(%dma_wait3A_1123 : memref<1024xf32, #tpu.memory_space<vmem>>) dst(%dma_wait3A_1121 : memref<1024xf32, #tpu.memory_space<hbm>>)
        %dma_wait3A_1124 = arith.constant 6144 : i32
        %dma_wait3A_1125 = tpu.memref_slice %arg9[%dma_wait3A_1124] : memref<8192xf32, #tpu.memory_space<vmem>> -> memref<1024xf32, #tpu.memory_space<vmem>>
        %dma_wait3A_1126 = tpu.memref_slice %arg4[%mul3A_1078] : memref<27262976xf32, #tpu.memory_space<hbm>> -> memref<1024xf32, #tpu.memory_space<hbm>>
        %dma_wait3A_1127 = tpu.memref_slice %arg4[%mul3A_1078] : memref<27262976xf32, #tpu.memory_space<hbm>> -> memref<1024xf32, #tpu.memory_space<hbm>>
        %dma_wait3A_1128 = arith.constant 6144 : i32
        %dma_wait3A_1129 = tpu.memref_slice %arg9[%dma_wait3A_1128] : memref<8192xf32, #tpu.memory_space<vmem>> -> memref<1024xf32, #tpu.memory_space<vmem>>
        tpu.wait_dma2 semaphore(%arg11 : memref<!tpu.dma_semaphore, #tpu.memory_space<semaphore_mem>>) src(%dma_wait3A_1129 : memref<1024xf32, #tpu.memory_space<vmem>>) dst(%dma_wait3A_1127 : memref<1024xf32, #tpu.memory_space<hbm>>)
        %dma_wait3A_1130 = arith.constant 7168 : i32
        %dma_wait3A_1131 = tpu.memref_slice %arg9[%dma_wait3A_1130] : memref<8192xf32, #tpu.memory_space<vmem>> -> memref<1024xf32, #tpu.memory_space<vmem>>
        %dma_wait3A_1132 = tpu.memref_slice %arg4[%mul3A_1087] : memref<27262976xf32, #tpu.memory_space<hbm>> -> memref<1024xf32, #tpu.memory_space<hbm>>
        %dma_wait3A_1133 = tpu.memref_slice %arg4[%mul3A_1087] : memref<27262976xf32, #tpu.memory_space<hbm>> -> memref<1024xf32, #tpu.memory_space<hbm>>
        %dma_wait3A_1134 = arith.constant 7168 : i32
        %dma_wait3A_1135 = tpu.memref_slice %arg9[%dma_wait3A_1134] : memref<8192xf32, #tpu.memory_space<vmem>> -> memref<1024xf32, #tpu.memory_space<vmem>>
        tpu.wait_dma2 semaphore(%arg11 : memref<!tpu.dma_semaphore, #tpu.memory_space<semaphore_mem>>) src(%dma_wait3A_1135 : memref<1024xf32, #tpu.memory_space<vmem>>) dst(%dma_wait3A_1133 : memref<1024xf32, #tpu.memory_space<hbm>>)
      } else {
      }
      %scan3A_797 = arith.constant 0 : i32
      %scan3A_798 = arith.constant 0 : i32
      %scan3A_799 = arith.constant 8 : i32
      %scan3A_800 = arith.addi %scan3A_798, %scan3A_799 : i32
      %scan3A_801 = arith.constant 1 : i32
      scf.for %scan3A_972 = %scan3A_798 to %scan3A_800 step %scan3A_801  : i32 {
        %mul3A_973 = arith.constant 16 : i32
        %mul3A_974 = arith.muli %scan3A_972, %mul3A_973 : i32
        %add3A_975 = vector.broadcast %mul3A_974 : i32 to vector<16xi32>
        %add3A_976 = arith.addi %iota3A, %add3A_975 : vector<16xi32>
        %add3A_977 = arith.constant 0 : i32
        %add3A_978 = vector.broadcast %add3A_977 : i32 to vector<16xi32>
        %add3A_979 = arith.addi %and3A_7, %add3A_978 : vector<16xi32>
        %gather3A = tpu.vector_load_idx %arg7[%add3A_976, %add3A_979] : memref<128x128xf32, #tpu.memory_space<vmem>>[vector<16xi32>, vector<16xi32>], vector<16xf32>,
        %add3A_980 = arith.constant 0 : i32
        %add3A_981 = vector.broadcast %add3A_980 : i32 to vector<16xi32>
        %add3A_982 = arith.addi %add3A_107, %add3A_981 : vector<16xi32>
        %add3A_983 = vector.broadcast %mul3A_974 : i32 to vector<16xi32>
        %add3A_984 = arith.addi %add3A_982, %add3A_983 : vector<16xi32>
        tpu.vector_store_idx %arg9[%add3A_984], %gather3A : memref<8192xf32, #tpu.memory_space<vmem>>[vector<16xi32>], vector<16xf32>,
        %add3A_985 = arith.constant 0 : i32
        %add3A_986 = vector.broadcast %add3A_985 : i32 to vector<16xi32>
        %add3A_987 = arith.addi %and3A_13, %add3A_986 : vector<16xi32>
        %gather3A_988 = tpu.vector_load_idx %arg7[%add3A_976, %add3A_987] : memref<128x128xf32, #tpu.memory_space<vmem>>[vector<16xi32>, vector<16xi32>], vector<16xf32>,
        %add3A_989 = arith.constant 0 : i32
        %add3A_990 = vector.broadcast %add3A_989 : i32 to vector<16xi32>
        %add3A_991 = arith.addi %add3A_117, %add3A_990 : vector<16xi32>
        %add3A_992 = vector.broadcast %mul3A_974 : i32 to vector<16xi32>
        %add3A_993 = arith.addi %add3A_991, %add3A_992 : vector<16xi32>
        tpu.vector_store_idx %arg9[%add3A_993], %gather3A_988 : memref<8192xf32, #tpu.memory_space<vmem>>[vector<16xi32>], vector<16xf32>,
        %add3A_994 = arith.constant 0 : i32
        %add3A_995 = vector.broadcast %add3A_994 : i32 to vector<16xi32>
        %add3A_996 = arith.addi %and3A_19, %add3A_995 : vector<16xi32>
        %gather3A_997 = tpu.vector_load_idx %arg7[%add3A_976, %add3A_996] : memref<128x128xf32, #tpu.memory_space<vmem>>[vector<16xi32>, vector<16xi32>], vector<16xf32>,
        %add3A_998 = arith.constant 0 : i32
        %add3A_999 = vector.broadcast %add3A_998 : i32 to vector<16xi32>
        %add3A_1000 = arith.addi %add3A_127, %add3A_999 : vector<16xi32>
        %add3A_1001 = vector.broadcast %mul3A_974 : i32 to vector<16xi32>
        %add3A_1002 = arith.addi %add3A_1000, %add3A_1001 : vector<16xi32>
        tpu.vector_store_idx %arg9[%add3A_1002], %gather3A_997 : memref<8192xf32, #tpu.memory_space<vmem>>[vector<16xi32>], vector<16xf32>,
        %add3A_1003 = arith.constant 0 : i32
        %add3A_1004 = vector.broadcast %add3A_1003 : i32 to vector<16xi32>
        %add3A_1005 = arith.addi %and3A_25, %add3A_1004 : vector<16xi32>
        %gather3A_1006 = tpu.vector_load_idx %arg7[%add3A_976, %add3A_1005] : memref<128x128xf32, #tpu.memory_space<vmem>>[vector<16xi32>, vector<16xi32>], vector<16xf32>,
        %add3A_1007 = arith.constant 0 : i32
        %add3A_1008 = vector.broadcast %add3A_1007 : i32 to vector<16xi32>
        %add3A_1009 = arith.addi %add3A_137, %add3A_1008 : vector<16xi32>
        %add3A_1010 = vector.broadcast %mul3A_974 : i32 to vector<16xi32>
        %add3A_1011 = arith.addi %add3A_1009, %add3A_1010 : vector<16xi32>
        tpu.vector_store_idx %arg9[%add3A_1011], %gather3A_1006 : memref<8192xf32, #tpu.memory_space<vmem>>[vector<16xi32>], vector<16xf32>,
        %add3A_1012 = arith.constant 0 : i32
        %add3A_1013 = vector.broadcast %add3A_1012 : i32 to vector<16xi32>
        %add3A_1014 = arith.addi %and3A_31, %add3A_1013 : vector<16xi32>
        %gather3A_1015 = tpu.vector_load_idx %arg7[%add3A_976, %add3A_1014] : memref<128x128xf32, #tpu.memory_space<vmem>>[vector<16xi32>, vector<16xi32>], vector<16xf32>,
        %add3A_1016 = arith.constant 0 : i32
        %add3A_1017 = vector.broadcast %add3A_1016 : i32 to vector<16xi32>
        %add3A_1018 = arith.addi %add3A_147, %add3A_1017 : vector<16xi32>
        %add3A_1019 = vector.broadcast %mul3A_974 : i32 to vector<16xi32>
        %add3A_1020 = arith.addi %add3A_1018, %add3A_1019 : vector<16xi32>
        tpu.vector_store_idx %arg9[%add3A_1020], %gather3A_1015 : memref<8192xf32, #tpu.memory_space<vmem>>[vector<16xi32>], vector<16xf32>,
        %add3A_1021 = arith.constant 0 : i32
        %add3A_1022 = vector.broadcast %add3A_1021 : i32 to vector<16xi32>
        %add3A_1023 = arith.addi %and3A_37, %add3A_1022 : vector<16xi32>
        %gather3A_1024 = tpu.vector_load_idx %arg7[%add3A_976, %add3A_1023] : memref<128x128xf32, #tpu.memory_space<vmem>>[vector<16xi32>, vector<16xi32>], vector<16xf32>,
        %add3A_1025 = arith.constant 0 : i32
        %add3A_1026 = vector.broadcast %add3A_1025 : i32 to vector<16xi32>
        %add3A_1027 = arith.addi %add3A_157, %add3A_1026 : vector<16xi32>
        %add3A_1028 = vector.broadcast %mul3A_974 : i32 to vector<16xi32>
        %add3A_1029 = arith.addi %add3A_1027, %add3A_1028 : vector<16xi32>
        tpu.vector_store_idx %arg9[%add3A_1029], %gather3A_1024 : memref<8192xf32, #tpu.memory_space<vmem>>[vector<16xi32>], vector<16xf32>,
        %add3A_1030 = arith.constant 0 : i32
        %add3A_1031 = vector.broadcast %add3A_1030 : i32 to vector<16xi32>
        %add3A_1032 = arith.addi %and3A_43, %add3A_1031 : vector<16xi32>
        %gather3A_1033 = tpu.vector_load_idx %arg7[%add3A_976, %add3A_1032] : memref<128x128xf32, #tpu.memory_space<vmem>>[vector<16xi32>, vector<16xi32>], vector<16xf32>,
        %add3A_1034 = arith.constant 0 : i32
        %add3A_1035 = vector.broadcast %add3A_1034 : i32 to vector<16xi32>
        %add3A_1036 = arith.addi %add3A_167, %add3A_1035 : vector<16xi32>
        %add3A_1037 = vector.broadcast %mul3A_974 : i32 to vector<16xi32>
        %add3A_1038 = arith.addi %add3A_1036, %add3A_1037 : vector<16xi32>
        tpu.vector_store_idx %arg9[%add3A_1038], %gather3A_1033 : memref<8192xf32, #tpu.memory_space<vmem>>[vector<16xi32>], vector<16xf32>,
        %add3A_1039 = arith.constant 0 : i32
        %add3A_1040 = vector.broadcast %add3A_1039 : i32 to vector<16xi32>
        %add3A_1041 = arith.addi %and3A_49, %add3A_1040 : vector<16xi32>
        %gather3A_1042 = tpu.vector_load_idx %arg7[%add3A_976, %add3A_1041] : memref<128x128xf32, #tpu.memory_space<vmem>>[vector<16xi32>, vector<16xi32>], vector<16xf32>,
        %add3A_1043 = arith.constant 0 : i32
        %add3A_1044 = vector.broadcast %add3A_1043 : i32 to vector<16xi32>
        %add3A_1045 = arith.addi %add3A_177, %add3A_1044 : vector<16xi32>
        %add3A_1046 = vector.broadcast %mul3A_974 : i32 to vector<16xi32>
        %add3A_1047 = arith.addi %add3A_1045, %add3A_1046 : vector<16xi32>
        tpu.vector_store_idx %arg9[%add3A_1047], %gather3A_1042 : memref<8192xf32, #tpu.memory_space<vmem>>[vector<16xi32>], vector<16xf32>,
        %add3A_1048 = arith.constant 0 : i32
        %add3A_1049 = vector.broadcast %add3A_1048 : i32 to vector<16xi32>
        %add3A_1050 = arith.addi %and3A_55, %add3A_1049 : vector<16xi32>
        %gather3A_1051 = tpu.vector_load_idx %arg7[%add3A_976, %add3A_1050] : memref<128x128xf32, #tpu.memory_space<vmem>>[vector<16xi32>, vector<16xi32>], vector<16xf32>,
        %add3A_1052 = arith.constant 0 : i32
        %add3A_1053 = vector.broadcast %add3A_1052 : i32 to vector<16xi32>
        %add3A_1054 = arith.addi %add3A_187, %add3A_1053 : vector<16xi32>
        %add3A_1055 = vector.broadcast %mul3A_974 : i32 to vector<16xi32>
        %add3A_1056 = arith.addi %add3A_1054, %add3A_1055 : vector<16xi32>
        tpu.vector_store_idx %arg9[%add3A_1056], %gather3A_1051 : memref<8192xf32, #tpu.memory_space<vmem>>[vector<16xi32>], vector<16xf32>,
        %add3A_1057 = arith.constant 0 : i32
        %add3A_1058 = vector.broadcast %add3A_1057 : i32 to vector<16xi32>
        %add3A_1059 = arith.addi %and3A_61, %add3A_1058 : vector<16xi32>
        %gather3A_1060 = tpu.vector_load_idx %arg7[%add3A_976, %add3A_1059] : memref<128x128xf32, #tpu.memory_space<vmem>>[vector<16xi32>, vector<16xi32>], vector<16xf32>,
        %add3A_1061 = arith.constant 0 : i32
        %add3A_1062 = vector.broadcast %add3A_1061 : i32 to vector<16xi32>
        %add3A_1063 = arith.addi %add3A_197, %add3A_1062 : vector<16xi32>
        %add3A_1064 = vector.broadcast %mul3A_974 : i32 to vector<16xi32>
        %add3A_1065 = arith.addi %add3A_1063, %add3A_1064 : vector<16xi32>
        tpu.vector_store_idx %arg9[%add3A_1065], %gather3A_1060 : memref<8192xf32, #tpu.memory_space<vmem>>[vector<16xi32>], vector<16xf32>,
        %add3A_1066 = arith.constant 0 : i32
        %add3A_1067 = vector.broadcast %add3A_1066 : i32 to vector<16xi32>
        %add3A_1068 = arith.addi %and3A_67, %add3A_1067 : vector<16xi32>
        %gather3A_1069 = tpu.vector_load_idx %arg7[%add3A_976, %add3A_1068] : memref<128x128xf32, #tpu.memory_space<vmem>>[vector<16xi32>, vector<16xi32>], vector<16xf32>,
        %add3A_1070 = arith.constant 0 : i32
        %add3A_1071 = vector.broadcast %add3A_1070 : i32 to vector<16xi32>
        %add3A_1072 = arith.addi %add3A_207, %add3A_1071 : vector<16xi32>
        %add3A_1073 = vector.broadcast %mul3A_974 : i32 to vector<16xi32>
        %add3A_1074 = arith.addi %add3A_1072, %add3A_1073 : vector<16xi32>
        tpu.vector_store_idx %arg9[%add3A_1074], %gather3A_1069 : memref<8192xf32, #tpu.memory_space<vmem>>[vector<16xi32>], vector<16xf32>,
        %add3A_1075 = arith.constant 0 : i32
        %add3A_1076 = vector.broadcast %add3A_1075 : i32 to vector<16xi32>
        %add3A_1077 = arith.addi %and3A_73, %add3A_1076 : vector<16xi32>
        %gather3A_1078 = tpu.vector_load_idx %arg7[%add3A_976, %add3A_1077] : memref<128x128xf32, #tpu.memory_space<vmem>>[vector<16xi32>, vector<16xi32>], vector<16xf32>,
        %add3A_1079 = arith.constant 0 : i32
        %add3A_1080 = vector.broadcast %add3A_1079 : i32 to vector<16xi32>
        %add3A_1081 = arith.addi %add3A_217, %add3A_1080 : vector<16xi32>
        %add3A_1082 = vector.broadcast %mul3A_974 : i32 to vector<16xi32>
        %add3A_1083 = arith.addi %add3A_1081, %add3A_1082 : vector<16xi32>
        tpu.vector_store_idx %arg9[%add3A_1083], %gather3A_1078 : memref<8192xf32, #tpu.memory_space<vmem>>[vector<16xi32>], vector<16xf32>,
        %add3A_1084 = arith.constant 0 : i32
        %add3A_1085 = vector.broadcast %add3A_1084 : i32 to vector<16xi32>
        %add3A_1086 = arith.addi %and3A_79, %add3A_1085 : vector<16xi32>
        %gather3A_1087 = tpu.vector_load_idx %arg7[%add3A_976, %add3A_1086] : memref<128x128xf32, #tpu.memory_space<vmem>>[vector<16xi32>, vector<16xi32>], vector<16xf32>,
        %add3A_1088 = arith.constant 0 : i32
        %add3A_1089 = vector.broadcast %add3A_1088 : i32 to vector<16xi32>
        %add3A_1090 = arith.addi %add3A_227, %add3A_1089 : vector<16xi32>
        %add3A_1091 = vector.broadcast %mul3A_974 : i32 to vector<16xi32>
        %add3A_1092 = arith.addi %add3A_1090, %add3A_1091 : vector<16xi32>
        tpu.vector_store_idx %arg9[%add3A_1092], %gather3A_1087 : memref<8192xf32, #tpu.memory_space<vmem>>[vector<16xi32>], vector<16xf32>,
        %add3A_1093 = arith.constant 0 : i32
        %add3A_1094 = vector.broadcast %add3A_1093 : i32 to vector<16xi32>
        %add3A_1095 = arith.addi %and3A_85, %add3A_1094 : vector<16xi32>
        %gather3A_1096 = tpu.vector_load_idx %arg7[%add3A_976, %add3A_1095] : memref<128x128xf32, #tpu.memory_space<vmem>>[vector<16xi32>, vector<16xi32>], vector<16xf32>,
        %add3A_1097 = arith.constant 0 : i32
        %add3A_1098 = vector.broadcast %add3A_1097 : i32 to vector<16xi32>
        %add3A_1099 = arith.addi %add3A_237, %add3A_1098 : vector<16xi32>
        %add3A_1100 = vector.broadcast %mul3A_974 : i32 to vector<16xi32>
        %add3A_1101 = arith.addi %add3A_1099, %add3A_1100 : vector<16xi32>
        tpu.vector_store_idx %arg9[%add3A_1101], %gather3A_1096 : memref<8192xf32, #tpu.memory_space<vmem>>[vector<16xi32>], vector<16xf32>,
        %add3A_1102 = arith.constant 0 : i32
        %add3A_1103 = vector.broadcast %add3A_1102 : i32 to vector<16xi32>
        %add3A_1104 = arith.addi %and3A_91, %add3A_1103 : vector<16xi32>
        %gather3A_1105 = tpu.vector_load_idx %arg7[%add3A_976, %add3A_1104] : memref<128x128xf32, #tpu.memory_space<vmem>>[vector<16xi32>, vector<16xi32>], vector<16xf32>,
        %add3A_1106 = arith.constant 0 : i32
        %add3A_1107 = vector.broadcast %add3A_1106 : i32 to vector<16xi32>
        %add3A_1108 = arith.addi %add3A_247, %add3A_1107 : vector<16xi32>
        %add3A_1109 = vector.broadcast %mul3A_974 : i32 to vector<16xi32>
        %add3A_1110 = arith.addi %add3A_1108, %add3A_1109 : vector<16xi32>
        tpu.vector_store_idx %arg9[%add3A_1110], %gather3A_1105 : memref<8192xf32, #tpu.memory_space<vmem>>[vector<16xi32>], vector<16xf32>,
        %add3A_1111 = arith.constant 0 : i32
        %add3A_1112 = vector.broadcast %add3A_1111 : i32 to vector<16xi32>
        %add3A_1113 = arith.addi %and3A_97, %add3A_1112 : vector<16xi32>
        %gather3A_1114 = tpu.vector_load_idx %arg7[%add3A_976, %add3A_1113] : memref<128x128xf32, #tpu.memory_space<vmem>>[vector<16xi32>, vector<16xi32>], vector<16xf32>,
        %add3A_1115 = arith.constant 0 : i32
        %add3A_1116 = vector.broadcast %add3A_1115 : i32 to vector<16xi32>
        %add3A_1117 = arith.addi %add3A_257, %add3A_1116 : vector<16xi32>
        %add3A_1118 = vector.broadcast %mul3A_974 : i32 to vector<16xi32>
        %add3A_1119 = arith.addi %add3A_1117, %add3A_1118 : vector<16xi32>
        tpu.vector_store_idx %arg9[%add3A_1119], %gather3A_1114 : memref<8192xf32, #tpu.memory_space<vmem>>[vector<16xi32>], vector<16xf32>,
        %add3A_1120 = arith.constant 16 : i32
        %add3A_1121 = vector.broadcast %add3A_1120 : i32 to vector<16xi32>
        %add3A_1122 = arith.addi %and3A_7, %add3A_1121 : vector<16xi32>
        %gather3A_1123 = tpu.vector_load_idx %arg7[%add3A_976, %add3A_1122] : memref<128x128xf32, #tpu.memory_space<vmem>>[vector<16xi32>, vector<16xi32>], vector<16xf32>,
        %add3A_1124 = arith.constant 2048 : i32
        %add3A_1125 = vector.broadcast %add3A_1124 : i32 to vector<16xi32>
        %add3A_1126 = arith.addi %add3A_107, %add3A_1125 : vector<16xi32>
        %add3A_1127 = vector.broadcast %mul3A_974 : i32 to vector<16xi32>
        %add3A_1128 = arith.addi %add3A_1126, %add3A_1127 : vector<16xi32>
        tpu.vector_store_idx %arg9[%add3A_1128], %gather3A_1123 : memref<8192xf32, #tpu.memory_space<vmem>>[vector<16xi32>], vector<16xf32>,
        %add3A_1129 = arith.constant 16 : i32
        %add3A_1130 = vector.broadcast %add3A_1129 : i32 to vector<16xi32>
        %add3A_1131 = arith.addi %and3A_13, %add3A_1130 : vector<16xi32>
        %gather3A_1132 = tpu.vector_load_idx %arg7[%add3A_976, %add3A_1131] : memref<128x128xf32, #tpu.memory_space<vmem>>[vector<16xi32>, vector<16xi32>], vector<16xf32>,
        %add3A_1133 = arith.constant 2048 : i32
        %add3A_1134 = vector.broadcast %add3A_1133 : i32 to vector<16xi32>
        %add3A_1135 = arith.addi %add3A_117, %add3A_1134 : vector<16xi32>
        %add3A_1136 = vector.broadcast %mul3A_974 : i32 to vector<16xi32>
        %add3A_1137 = arith.addi %add3A_1135, %add3A_1136 : vector<16xi32>
        tpu.vector_store_idx %arg9[%add3A_1137], %gather3A_1132 : memref<8192xf32, #tpu.memory_space<vmem>>[vector<16xi32>], vector<16xf32>,
        %add3A_1138 = arith.constant 16 : i32
        %add3A_1139 = vector.broadcast %add3A_1138 : i32 to vector<16xi32>
        %add3A_1140 = arith.addi %and3A_19, %add3A_1139 : vector<16xi32>
        %gather3A_1141 = tpu.vector_load_idx %arg7[%add3A_976, %add3A_1140] : memref<128x128xf32, #tpu.memory_space<vmem>>[vector<16xi32>, vector<16xi32>], vector<16xf32>,
        %add3A_1142 = arith.constant 2048 : i32
        %add3A_1143 = vector.broadcast %add3A_1142 : i32 to vector<16xi32>
        %add3A_1144 = arith.addi %add3A_127, %add3A_1143 : vector<16xi32>
        %add3A_1145 = vector.broadcast %mul3A_974 : i32 to vector<16xi32>
        %add3A_1146 = arith.addi %add3A_1144, %add3A_1145 : vector<16xi32>
        tpu.vector_store_idx %arg9[%add3A_1146], %gather3A_1141 : memref<8192xf32, #tpu.memory_space<vmem>>[vector<16xi32>], vector<16xf32>,
        %add3A_1147 = arith.constant 16 : i32
        %add3A_1148 = vector.broadcast %add3A_1147 : i32 to vector<16xi32>
        %add3A_1149 = arith.addi %and3A_25, %add3A_1148 : vector<16xi32>
        %gather3A_1150 = tpu.vector_load_idx %arg7[%add3A_976, %add3A_1149] : memref<128x128xf32, #tpu.memory_space<vmem>>[vector<16xi32>, vector<16xi32>], vector<16xf32>,
        %add3A_1151 = arith.constant 2048 : i32
        %add3A_1152 = vector.broadcast %add3A_1151 : i32 to vector<16xi32>
        %add3A_1153 = arith.addi %add3A_137, %add3A_1152 : vector<16xi32>
        %add3A_1154 = vector.broadcast %mul3A_974 : i32 to vector<16xi32>
        %add3A_1155 = arith.addi %add3A_1153, %add3A_1154 : vector<16xi32>
        tpu.vector_store_idx %arg9[%add3A_1155], %gather3A_1150 : memref<8192xf32, #tpu.memory_space<vmem>>[vector<16xi32>], vector<16xf32>,
        %add3A_1156 = arith.constant 16 : i32
        %add3A_1157 = vector.broadcast %add3A_1156 : i32 to vector<16xi32>
        %add3A_1158 = arith.addi %and3A_31, %add3A_1157 : vector<16xi32>
        %gather3A_1159 = tpu.vector_load_idx %arg7[%add3A_976, %add3A_1158] : memref<128x128xf32, #tpu.memory_space<vmem>>[vector<16xi32>, vector<16xi32>], vector<16xf32>,
        %add3A_1160 = arith.constant 2048 : i32
        %add3A_1161 = vector.broadcast %add3A_1160 : i32 to vector<16xi32>
        %add3A_1162 = arith.addi %add3A_147, %add3A_1161 : vector<16xi32>
        %add3A_1163 = vector.broadcast %mul3A_974 : i32 to vector<16xi32>
        %add3A_1164 = arith.addi %add3A_1162, %add3A_1163 : vector<16xi32>
        tpu.vector_store_idx %arg9[%add3A_1164], %gather3A_1159 : memref<8192xf32, #tpu.memory_space<vmem>>[vector<16xi32>], vector<16xf32>,
        %add3A_1165 = arith.constant 16 : i32
        %add3A_1166 = vector.broadcast %add3A_1165 : i32 to vector<16xi32>
        %add3A_1167 = arith.addi %and3A_37, %add3A_1166 : vector<16xi32>
        %gather3A_1168 = tpu.vector_load_idx %arg7[%add3A_976, %add3A_1167] : memref<128x128xf32, #tpu.memory_space<vmem>>[vector<16xi32>, vector<16xi32>], vector<16xf32>,
        %add3A_1169 = arith.constant 2048 : i32
        %add3A_1170 = vector.broadcast %add3A_1169 : i32 to vector<16xi32>
        %add3A_1171 = arith.addi %add3A_157, %add3A_1170 : vector<16xi32>
        %add3A_1172 = vector.broadcast %mul3A_974 : i32 to vector<16xi32>
        %add3A_1173 = arith.addi %add3A_1171, %add3A_1172 : vector<16xi32>
        tpu.vector_store_idx %arg9[%add3A_1173], %gather3A_1168 : memref<8192xf32, #tpu.memory_space<vmem>>[vector<16xi32>], vector<16xf32>,
        %add3A_1174 = arith.constant 16 : i32
        %add3A_1175 = vector.broadcast %add3A_1174 : i32 to vector<16xi32>
        %add3A_1176 = arith.addi %and3A_43, %add3A_1175 : vector<16xi32>
        %gather3A_1177 = tpu.vector_load_idx %arg7[%add3A_976, %add3A_1176] : memref<128x128xf32, #tpu.memory_space<vmem>>[vector<16xi32>, vector<16xi32>], vector<16xf32>,
        %add3A_1178 = arith.constant 2048 : i32
        %add3A_1179 = vector.broadcast %add3A_1178 : i32 to vector<16xi32>
        %add3A_1180 = arith.addi %add3A_167, %add3A_1179 : vector<16xi32>
        %add3A_1181 = vector.broadcast %mul3A_974 : i32 to vector<16xi32>
        %add3A_1182 = arith.addi %add3A_1180, %add3A_1181 : vector<16xi32>
        tpu.vector_store_idx %arg9[%add3A_1182], %gather3A_1177 : memref<8192xf32, #tpu.memory_space<vmem>>[vector<16xi32>], vector<16xf32>,
        %add3A_1183 = arith.constant 16 : i32
        %add3A_1184 = vector.broadcast %add3A_1183 : i32 to vector<16xi32>
        %add3A_1185 = arith.addi %and3A_49, %add3A_1184 : vector<16xi32>
        %gather3A_1186 = tpu.vector_load_idx %arg7[%add3A_976, %add3A_1185] : memref<128x128xf32, #tpu.memory_space<vmem>>[vector<16xi32>, vector<16xi32>], vector<16xf32>,
        %add3A_1187 = arith.constant 2048 : i32
        %add3A_1188 = vector.broadcast %add3A_1187 : i32 to vector<16xi32>
        %add3A_1189 = arith.addi %add3A_177, %add3A_1188 : vector<16xi32>
        %add3A_1190 = vector.broadcast %mul3A_974 : i32 to vector<16xi32>
        %add3A_1191 = arith.addi %add3A_1189, %add3A_1190 : vector<16xi32>
        tpu.vector_store_idx %arg9[%add3A_1191], %gather3A_1186 : memref<8192xf32, #tpu.memory_space<vmem>>[vector<16xi32>], vector<16xf32>,
        %add3A_1192 = arith.constant 16 : i32
        %add3A_1193 = vector.broadcast %add3A_1192 : i32 to vector<16xi32>
        %add3A_1194 = arith.addi %and3A_55, %add3A_1193 : vector<16xi32>
        %gather3A_1195 = tpu.vector_load_idx %arg7[%add3A_976, %add3A_1194] : memref<128x128xf32, #tpu.memory_space<vmem>>[vector<16xi32>, vector<16xi32>], vector<16xf32>,
        %add3A_1196 = arith.constant 2048 : i32
        %add3A_1197 = vector.broadcast %add3A_1196 : i32 to vector<16xi32>
        %add3A_1198 = arith.addi %add3A_187, %add3A_1197 : vector<16xi32>
        %add3A_1199 = vector.broadcast %mul3A_974 : i32 to vector<16xi32>
        %add3A_1200 = arith.addi %add3A_1198, %add3A_1199 : vector<16xi32>
        tpu.vector_store_idx %arg9[%add3A_1200], %gather3A_1195 : memref<8192xf32, #tpu.memory_space<vmem>>[vector<16xi32>], vector<16xf32>,
        %add3A_1201 = arith.constant 16 : i32
        %add3A_1202 = vector.broadcast %add3A_1201 : i32 to vector<16xi32>
        %add3A_1203 = arith.addi %and3A_61, %add3A_1202 : vector<16xi32>
        %gather3A_1204 = tpu.vector_load_idx %arg7[%add3A_976, %add3A_1203] : memref<128x128xf32, #tpu.memory_space<vmem>>[vector<16xi32>, vector<16xi32>], vector<16xf32>,
        %add3A_1205 = arith.constant 2048 : i32
        %add3A_1206 = vector.broadcast %add3A_1205 : i32 to vector<16xi32>
        %add3A_1207 = arith.addi %add3A_197, %add3A_1206 : vector<16xi32>
        %add3A_1208 = vector.broadcast %mul3A_974 : i32 to vector<16xi32>
        %add3A_1209 = arith.addi %add3A_1207, %add3A_1208 : vector<16xi32>
        tpu.vector_store_idx %arg9[%add3A_1209], %gather3A_1204 : memref<8192xf32, #tpu.memory_space<vmem>>[vector<16xi32>], vector<16xf32>,
        %add3A_1210 = arith.constant 16 : i32
        %add3A_1211 = vector.broadcast %add3A_1210 : i32 to vector<16xi32>
        %add3A_1212 = arith.addi %and3A_67, %add3A_1211 : vector<16xi32>
        %gather3A_1213 = tpu.vector_load_idx %arg7[%add3A_976, %add3A_1212] : memref<128x128xf32, #tpu.memory_space<vmem>>[vector<16xi32>, vector<16xi32>], vector<16xf32>,
        %add3A_1214 = arith.constant 2048 : i32
        %add3A_1215 = vector.broadcast %add3A_1214 : i32 to vector<16xi32>
        %add3A_1216 = arith.addi %add3A_207, %add3A_1215 : vector<16xi32>
        %add3A_1217 = vector.broadcast %mul3A_974 : i32 to vector<16xi32>
        %add3A_1218 = arith.addi %add3A_1216, %add3A_1217 : vector<16xi32>
        tpu.vector_store_idx %arg9[%add3A_1218], %gather3A_1213 : memref<8192xf32, #tpu.memory_space<vmem>>[vector<16xi32>], vector<16xf32>,
        %add3A_1219 = arith.constant 16 : i32
        %add3A_1220 = vector.broadcast %add3A_1219 : i32 to vector<16xi32>
        %add3A_1221 = arith.addi %and3A_73, %add3A_1220 : vector<16xi32>
        %gather3A_1222 = tpu.vector_load_idx %arg7[%add3A_976, %add3A_1221] : memref<128x128xf32, #tpu.memory_space<vmem>>[vector<16xi32>, vector<16xi32>], vector<16xf32>,
        %add3A_1223 = arith.constant 2048 : i32
        %add3A_1224 = vector.broadcast %add3A_1223 : i32 to vector<16xi32>
        %add3A_1225 = arith.addi %add3A_217, %add3A_1224 : vector<16xi32>
        %add3A_1226 = vector.broadcast %mul3A_974 : i32 to vector<16xi32>
        %add3A_1227 = arith.addi %add3A_1225, %add3A_1226 : vector<16xi32>
        tpu.vector_store_idx %arg9[%add3A_1227], %gather3A_1222 : memref<8192xf32, #tpu.memory_space<vmem>>[vector<16xi32>], vector<16xf32>,
        %add3A_1228 = arith.constant 16 : i32
        %add3A_1229 = vector.broadcast %add3A_1228 : i32 to vector<16xi32>
        %add3A_1230 = arith.addi %and3A_79, %add3A_1229 : vector<16xi32>
        %gather3A_1231 = tpu.vector_load_idx %arg7[%add3A_976, %add3A_1230] : memref<128x128xf32, #tpu.memory_space<vmem>>[vector<16xi32>, vector<16xi32>], vector<16xf32>,
        %add3A_1232 = arith.constant 2048 : i32
        %add3A_1233 = vector.broadcast %add3A_1232 : i32 to vector<16xi32>
        %add3A_1234 = arith.addi %add3A_227, %add3A_1233 : vector<16xi32>
        %add3A_1235 = vector.broadcast %mul3A_974 : i32 to vector<16xi32>
        %add3A_1236 = arith.addi %add3A_1234, %add3A_1235 : vector<16xi32>
        tpu.vector_store_idx %arg9[%add3A_1236], %gather3A_1231 : memref<8192xf32, #tpu.memory_space<vmem>>[vector<16xi32>], vector<16xf32>,
        %add3A_1237 = arith.constant 16 : i32
        %add3A_1238 = vector.broadcast %add3A_1237 : i32 to vector<16xi32>
        %add3A_1239 = arith.addi %and3A_85, %add3A_1238 : vector<16xi32>
        %gather3A_1240 = tpu.vector_load_idx %arg7[%add3A_976, %add3A_1239] : memref<128x128xf32, #tpu.memory_space<vmem>>[vector<16xi32>, vector<16xi32>], vector<16xf32>,
        %add3A_1241 = arith.constant 2048 : i32
        %add3A_1242 = vector.broadcast %add3A_1241 : i32 to vector<16xi32>
        %add3A_1243 = arith.addi %add3A_237, %add3A_1242 : vector<16xi32>
        %add3A_1244 = vector.broadcast %mul3A_974 : i32 to vector<16xi32>
        %add3A_1245 = arith.addi %add3A_1243, %add3A_1244 : vector<16xi32>
        tpu.vector_store_idx %arg9[%add3A_1245], %gather3A_1240 : memref<8192xf32, #tpu.memory_space<vmem>>[vector<16xi32>], vector<16xf32>,
        %add3A_1246 = arith.constant 16 : i32
        %add3A_1247 = vector.broadcast %add3A_1246 : i32 to vector<16xi32>
        %add3A_1248 = arith.addi %and3A_91, %add3A_1247 : vector<16xi32>
        %gather3A_1249 = tpu.vector_load_idx %arg7[%add3A_976, %add3A_1248] : memref<128x128xf32, #tpu.memory_space<vmem>>[vector<16xi32>, vector<16xi32>], vector<16xf32>,
        %add3A_1250 = arith.constant 2048 : i32
        %add3A_1251 = vector.broadcast %add3A_1250 : i32 to vector<16xi32>
        %add3A_1252 = arith.addi %add3A_247, %add3A_1251 : vector<16xi32>
        %add3A_1253 = vector.broadcast %mul3A_974 : i32 to vector<16xi32>
        %add3A_1254 = arith.addi %add3A_1252, %add3A_1253 : vector<16xi32>
        tpu.vector_store_idx %arg9[%add3A_1254], %gather3A_1249 : memref<8192xf32, #tpu.memory_space<vmem>>[vector<16xi32>], vector<16xf32>,
        %add3A_1255 = arith.constant 16 : i32
        %add3A_1256 = vector.broadcast %add3A_1255 : i32 to vector<16xi32>
        %add3A_1257 = arith.addi %and3A_97, %add3A_1256 : vector<16xi32>
        %gather3A_1258 = tpu.vector_load_idx %arg7[%add3A_976, %add3A_1257] : memref<128x128xf32, #tpu.memory_space<vmem>>[vector<16xi32>, vector<16xi32>], vector<16xf32>,
        %add3A_1259 = arith.constant 2048 : i32
        %add3A_1260 = vector.broadcast %add3A_1259 : i32 to vector<16xi32>
        %add3A_1261 = arith.addi %add3A_257, %add3A_1260 : vector<16xi32>
        %add3A_1262 = vector.broadcast %mul3A_974 : i32 to vector<16xi32>
        %add3A_1263 = arith.addi %add3A_1261, %add3A_1262 : vector<16xi32>
        tpu.vector_store_idx %arg9[%add3A_1263], %gather3A_1258 : memref<8192xf32, #tpu.memory_space<vmem>>[vector<16xi32>], vector<16xf32>,
        %add3A_1264 = arith.constant 32 : i32
        %add3A_1265 = vector.broadcast %add3A_1264 : i32 to vector<16xi32>
        %add3A_1266 = arith.addi %and3A_7, %add3A_1265 : vector<16xi32>
        %gather3A_1267 = tpu.vector_load_idx %arg7[%add3A_976, %add3A_1266] : memref<128x128xf32, #tpu.memory_space<vmem>>[vector<16xi32>, vector<16xi32>], vector<16xf32>,
        %add3A_1268 = arith.constant 4096 : i32
        %add3A_1269 = vector.broadcast %add3A_1268 : i32 to vector<16xi32>
        %add3A_1270 = arith.addi %add3A_107, %add3A_1269 : vector<16xi32>
        %add3A_1271 = vector.broadcast %mul3A_974 : i32 to vector<16xi32>
        %add3A_1272 = arith.addi %add3A_1270, %add3A_1271 : vector<16xi32>
        tpu.vector_store_idx %arg9[%add3A_1272], %gather3A_1267 : memref<8192xf32, #tpu.memory_space<vmem>>[vector<16xi32>], vector<16xf32>,
        %add3A_1273 = arith.constant 32 : i32
        %add3A_1274 = vector.broadcast %add3A_1273 : i32 to vector<16xi32>
        %add3A_1275 = arith.addi %and3A_13, %add3A_1274 : vector<16xi32>
        %gather3A_1276 = tpu.vector_load_idx %arg7[%add3A_976, %add3A_1275] : memref<128x128xf32, #tpu.memory_space<vmem>>[vector<16xi32>, vector<16xi32>], vector<16xf32>,
        %add3A_1277 = arith.constant 4096 : i32
        %add3A_1278 = vector.broadcast %add3A_1277 : i32 to vector<16xi32>
        %add3A_1279 = arith.addi %add3A_117, %add3A_1278 : vector<16xi32>
        %add3A_1280 = vector.broadcast %mul3A_974 : i32 to vector<16xi32>
        %add3A_1281 = arith.addi %add3A_1279, %add3A_1280 : vector<16xi32>
        tpu.vector_store_idx %arg9[%add3A_1281], %gather3A_1276 : memref<8192xf32, #tpu.memory_space<vmem>>[vector<16xi32>], vector<16xf32>,
        %add3A_1282 = arith.constant 32 : i32
        %add3A_1283 = vector.broadcast %add3A_1282 : i32 to vector<16xi32>
        %add3A_1284 = arith.addi %and3A_19, %add3A_1283 : vector<16xi32>
        %gather3A_1285 = tpu.vector_load_idx %arg7[%add3A_976, %add3A_1284] : memref<128x128xf32, #tpu.memory_space<vmem>>[vector<16xi32>, vector<16xi32>], vector<16xf32>,
        %add3A_1286 = arith.constant 4096 : i32
        %add3A_1287 = vector.broadcast %add3A_1286 : i32 to vector<16xi32>
        %add3A_1288 = arith.addi %add3A_127, %add3A_1287 : vector<16xi32>
        %add3A_1289 = vector.broadcast %mul3A_974 : i32 to vector<16xi32>
        %add3A_1290 = arith.addi %add3A_1288, %add3A_1289 : vector<16xi32>
        tpu.vector_store_idx %arg9[%add3A_1290], %gather3A_1285 : memref<8192xf32, #tpu.memory_space<vmem>>[vector<16xi32>], vector<16xf32>,
        %add3A_1291 = arith.constant 32 : i32
        %add3A_1292 = vector.broadcast %add3A_1291 : i32 to vector<16xi32>
        %add3A_1293 = arith.addi %and3A_25, %add3A_1292 : vector<16xi32>
        %gather3A_1294 = tpu.vector_load_idx %arg7[%add3A_976, %add3A_1293] : memref<128x128xf32, #tpu.memory_space<vmem>>[vector<16xi32>, vector<16xi32>], vector<16xf32>,
        %add3A_1295 = arith.constant 4096 : i32
        %add3A_1296 = vector.broadcast %add3A_1295 : i32 to vector<16xi32>
        %add3A_1297 = arith.addi %add3A_137, %add3A_1296 : vector<16xi32>
        %add3A_1298 = vector.broadcast %mul3A_974 : i32 to vector<16xi32>
        %add3A_1299 = arith.addi %add3A_1297, %add3A_1298 : vector<16xi32>
        tpu.vector_store_idx %arg9[%add3A_1299], %gather3A_1294 : memref<8192xf32, #tpu.memory_space<vmem>>[vector<16xi32>], vector<16xf32>,
        %add3A_1300 = arith.constant 32 : i32
        %add3A_1301 = vector.broadcast %add3A_1300 : i32 to vector<16xi32>
        %add3A_1302 = arith.addi %and3A_31, %add3A_1301 : vector<16xi32>
        %gather3A_1303 = tpu.vector_load_idx %arg7[%add3A_976, %add3A_1302] : memref<128x128xf32, #tpu.memory_space<vmem>>[vector<16xi32>, vector<16xi32>], vector<16xf32>,
        %add3A_1304 = arith.constant 4096 : i32
        %add3A_1305 = vector.broadcast %add3A_1304 : i32 to vector<16xi32>
        %add3A_1306 = arith.addi %add3A_147, %add3A_1305 : vector<16xi32>
        %add3A_1307 = vector.broadcast %mul3A_974 : i32 to vector<16xi32>
        %add3A_1308 = arith.addi %add3A_1306, %add3A_1307 : vector<16xi32>
        tpu.vector_store_idx %arg9[%add3A_1308], %gather3A_1303 : memref<8192xf32, #tpu.memory_space<vmem>>[vector<16xi32>], vector<16xf32>,
        %add3A_1309 = arith.constant 32 : i32
        %add3A_1310 = vector.broadcast %add3A_1309 : i32 to vector<16xi32>
        %add3A_1311 = arith.addi %and3A_37, %add3A_1310 : vector<16xi32>
        %gather3A_1312 = tpu.vector_load_idx %arg7[%add3A_976, %add3A_1311] : memref<128x128xf32, #tpu.memory_space<vmem>>[vector<16xi32>, vector<16xi32>], vector<16xf32>,
        %add3A_1313 = arith.constant 4096 : i32
        %add3A_1314 = vector.broadcast %add3A_1313 : i32 to vector<16xi32>
        %add3A_1315 = arith.addi %add3A_157, %add3A_1314 : vector<16xi32>
        %add3A_1316 = vector.broadcast %mul3A_974 : i32 to vector<16xi32>
        %add3A_1317 = arith.addi %add3A_1315, %add3A_1316 : vector<16xi32>
        tpu.vector_store_idx %arg9[%add3A_1317], %gather3A_1312 : memref<8192xf32, #tpu.memory_space<vmem>>[vector<16xi32>], vector<16xf32>,
        %add3A_1318 = arith.constant 32 : i32
        %add3A_1319 = vector.broadcast %add3A_1318 : i32 to vector<16xi32>
        %add3A_1320 = arith.addi %and3A_43, %add3A_1319 : vector<16xi32>
        %gather3A_1321 = tpu.vector_load_idx %arg7[%add3A_976, %add3A_1320] : memref<128x128xf32, #tpu.memory_space<vmem>>[vector<16xi32>, vector<16xi32>], vector<16xf32>,
        %add3A_1322 = arith.constant 4096 : i32
        %add3A_1323 = vector.broadcast %add3A_1322 : i32 to vector<16xi32>
        %add3A_1324 = arith.addi %add3A_167, %add3A_1323 : vector<16xi32>
        %add3A_1325 = vector.broadcast %mul3A_974 : i32 to vector<16xi32>
        %add3A_1326 = arith.addi %add3A_1324, %add3A_1325 : vector<16xi32>
        tpu.vector_store_idx %arg9[%add3A_1326], %gather3A_1321 : memref<8192xf32, #tpu.memory_space<vmem>>[vector<16xi32>], vector<16xf32>,
        %add3A_1327 = arith.constant 32 : i32
        %add3A_1328 = vector.broadcast %add3A_1327 : i32 to vector<16xi32>
        %add3A_1329 = arith.addi %and3A_49, %add3A_1328 : vector<16xi32>
        %gather3A_1330 = tpu.vector_load_idx %arg7[%add3A_976, %add3A_1329] : memref<128x128xf32, #tpu.memory_space<vmem>>[vector<16xi32>, vector<16xi32>], vector<16xf32>,
        %add3A_1331 = arith.constant 4096 : i32
        %add3A_1332 = vector.broadcast %add3A_1331 : i32 to vector<16xi32>
        %add3A_1333 = arith.addi %add3A_177, %add3A_1332 : vector<16xi32>
        %add3A_1334 = vector.broadcast %mul3A_974 : i32 to vector<16xi32>
        %add3A_1335 = arith.addi %add3A_1333, %add3A_1334 : vector<16xi32>
        tpu.vector_store_idx %arg9[%add3A_1335], %gather3A_1330 : memref<8192xf32, #tpu.memory_space<vmem>>[vector<16xi32>], vector<16xf32>,
        %add3A_1336 = arith.constant 32 : i32
        %add3A_1337 = vector.broadcast %add3A_1336 : i32 to vector<16xi32>
        %add3A_1338 = arith.addi %and3A_55, %add3A_1337 : vector<16xi32>
        %gather3A_1339 = tpu.vector_load_idx %arg7[%add3A_976, %add3A_1338] : memref<128x128xf32, #tpu.memory_space<vmem>>[vector<16xi32>, vector<16xi32>], vector<16xf32>,
        %add3A_1340 = arith.constant 4096 : i32
        %add3A_1341 = vector.broadcast %add3A_1340 : i32 to vector<16xi32>
        %add3A_1342 = arith.addi %add3A_187, %add3A_1341 : vector<16xi32>
        %add3A_1343 = vector.broadcast %mul3A_974 : i32 to vector<16xi32>
        %add3A_1344 = arith.addi %add3A_1342, %add3A_1343 : vector<16xi32>
        tpu.vector_store_idx %arg9[%add3A_1344], %gather3A_1339 : memref<8192xf32, #tpu.memory_space<vmem>>[vector<16xi32>], vector<16xf32>,
        %add3A_1345 = arith.constant 32 : i32
        %add3A_1346 = vector.broadcast %add3A_1345 : i32 to vector<16xi32>
        %add3A_1347 = arith.addi %and3A_61, %add3A_1346 : vector<16xi32>
        %gather3A_1348 = tpu.vector_load_idx %arg7[%add3A_976, %add3A_1347] : memref<128x128xf32, #tpu.memory_space<vmem>>[vector<16xi32>, vector<16xi32>], vector<16xf32>,
        %add3A_1349 = arith.constant 4096 : i32
        %add3A_1350 = vector.broadcast %add3A_1349 : i32 to vector<16xi32>
        %add3A_1351 = arith.addi %add3A_197, %add3A_1350 : vector<16xi32>
        %add3A_1352 = vector.broadcast %mul3A_974 : i32 to vector<16xi32>
        %add3A_1353 = arith.addi %add3A_1351, %add3A_1352 : vector<16xi32>
        tpu.vector_store_idx %arg9[%add3A_1353], %gather3A_1348 : memref<8192xf32, #tpu.memory_space<vmem>>[vector<16xi32>], vector<16xf32>,
        %add3A_1354 = arith.constant 32 : i32
        %add3A_1355 = vector.broadcast %add3A_1354 : i32 to vector<16xi32>
        %add3A_1356 = arith.addi %and3A_67, %add3A_1355 : vector<16xi32>
        %gather3A_1357 = tpu.vector_load_idx %arg7[%add3A_976, %add3A_1356] : memref<128x128xf32, #tpu.memory_space<vmem>>[vector<16xi32>, vector<16xi32>], vector<16xf32>,
        %add3A_1358 = arith.constant 4096 : i32
        %add3A_1359 = vector.broadcast %add3A_1358 : i32 to vector<16xi32>
        %add3A_1360 = arith.addi %add3A_207, %add3A_1359 : vector<16xi32>
        %add3A_1361 = vector.broadcast %mul3A_974 : i32 to vector<16xi32>
        %add3A_1362 = arith.addi %add3A_1360, %add3A_1361 : vector<16xi32>
        tpu.vector_store_idx %arg9[%add3A_1362], %gather3A_1357 : memref<8192xf32, #tpu.memory_space<vmem>>[vector<16xi32>], vector<16xf32>,
        %add3A_1363 = arith.constant 32 : i32
        %add3A_1364 = vector.broadcast %add3A_1363 : i32 to vector<16xi32>
        %add3A_1365 = arith.addi %and3A_73, %add3A_1364 : vector<16xi32>
        %gather3A_1366 = tpu.vector_load_idx %arg7[%add3A_976, %add3A_1365] : memref<128x128xf32, #tpu.memory_space<vmem>>[vector<16xi32>, vector<16xi32>], vector<16xf32>,
        %add3A_1367 = arith.constant 4096 : i32
        %add3A_1368 = vector.broadcast %add3A_1367 : i32 to vector<16xi32>
        %add3A_1369 = arith.addi %add3A_217, %add3A_1368 : vector<16xi32>
        %add3A_1370 = vector.broadcast %mul3A_974 : i32 to vector<16xi32>
        %add3A_1371 = arith.addi %add3A_1369, %add3A_1370 : vector<16xi32>
        tpu.vector_store_idx %arg9[%add3A_1371], %gather3A_1366 : memref<8192xf32, #tpu.memory_space<vmem>>[vector<16xi32>], vector<16xf32>,
        %add3A_1372 = arith.constant 32 : i32
        %add3A_1373 = vector.broadcast %add3A_1372 : i32 to vector<16xi32>
        %add3A_1374 = arith.addi %and3A_79, %add3A_1373 : vector<16xi32>
        %gather3A_1375 = tpu.vector_load_idx %arg7[%add3A_976, %add3A_1374] : memref<128x128xf32, #tpu.memory_space<vmem>>[vector<16xi32>, vector<16xi32>], vector<16xf32>,
        %add3A_1376 = arith.constant 4096 : i32
        %add3A_1377 = vector.broadcast %add3A_1376 : i32 to vector<16xi32>
        %add3A_1378 = arith.addi %add3A_227, %add3A_1377 : vector<16xi32>
        %add3A_1379 = vector.broadcast %mul3A_974 : i32 to vector<16xi32>
        %add3A_1380 = arith.addi %add3A_1378, %add3A_1379 : vector<16xi32>
        tpu.vector_store_idx %arg9[%add3A_1380], %gather3A_1375 : memref<8192xf32, #tpu.memory_space<vmem>>[vector<16xi32>], vector<16xf32>,
        %add3A_1381 = arith.constant 32 : i32
        %add3A_1382 = vector.broadcast %add3A_1381 : i32 to vector<16xi32>
        %add3A_1383 = arith.addi %and3A_85, %add3A_1382 : vector<16xi32>
        %gather3A_1384 = tpu.vector_load_idx %arg7[%add3A_976, %add3A_1383] : memref<128x128xf32, #tpu.memory_space<vmem>>[vector<16xi32>, vector<16xi32>], vector<16xf32>,
        %add3A_1385 = arith.constant 4096 : i32
        %add3A_1386 = vector.broadcast %add3A_1385 : i32 to vector<16xi32>
        %add3A_1387 = arith.addi %add3A_237, %add3A_1386 : vector<16xi32>
        %add3A_1388 = vector.broadcast %mul3A_974 : i32 to vector<16xi32>
        %add3A_1389 = arith.addi %add3A_1387, %add3A_1388 : vector<16xi32>
        tpu.vector_store_idx %arg9[%add3A_1389], %gather3A_1384 : memref<8192xf32, #tpu.memory_space<vmem>>[vector<16xi32>], vector<16xf32>,
        %add3A_1390 = arith.constant 32 : i32
        %add3A_1391 = vector.broadcast %add3A_1390 : i32 to vector<16xi32>
        %add3A_1392 = arith.addi %and3A_91, %add3A_1391 : vector<16xi32>
        %gather3A_1393 = tpu.vector_load_idx %arg7[%add3A_976, %add3A_1392] : memref<128x128xf32, #tpu.memory_space<vmem>>[vector<16xi32>, vector<16xi32>], vector<16xf32>,
        %add3A_1394 = arith.constant 4096 : i32
        %add3A_1395 = vector.broadcast %add3A_1394 : i32 to vector<16xi32>
        %add3A_1396 = arith.addi %add3A_247, %add3A_1395 : vector<16xi32>
        %add3A_1397 = vector.broadcast %mul3A_974 : i32 to vector<16xi32>
        %add3A_1398 = arith.addi %add3A_1396, %add3A_1397 : vector<16xi32>
        tpu.vector_store_idx %arg9[%add3A_1398], %gather3A_1393 : memref<8192xf32, #tpu.memory_space<vmem>>[vector<16xi32>], vector<16xf32>,
        %add3A_1399 = arith.constant 32 : i32
        %add3A_1400 = vector.broadcast %add3A_1399 : i32 to vector<16xi32>
        %add3A_1401 = arith.addi %and3A_97, %add3A_1400 : vector<16xi32>
        %gather3A_1402 = tpu.vector_load_idx %arg7[%add3A_976, %add3A_1401] : memref<128x128xf32, #tpu.memory_space<vmem>>[vector<16xi32>, vector<16xi32>], vector<16xf32>,
        %add3A_1403 = arith.constant 4096 : i32
        %add3A_1404 = vector.broadcast %add3A_1403 : i32 to vector<16xi32>
        %add3A_1405 = arith.addi %add3A_257, %add3A_1404 : vector<16xi32>
        %add3A_1406 = vector.broadcast %mul3A_974 : i32 to vector<16xi32>
        %add3A_1407 = arith.addi %add3A_1405, %add3A_1406 : vector<16xi32>
        tpu.vector_store_idx %arg9[%add3A_1407], %gather3A_1402 : memref<8192xf32, #tpu.memory_space<vmem>>[vector<16xi32>], vector<16xf32>,
        %add3A_1408 = arith.constant 48 : i32
        %add3A_1409 = vector.broadcast %add3A_1408 : i32 to vector<16xi32>
        %add3A_1410 = arith.addi %and3A_7, %add3A_1409 : vector<16xi32>
        %gather3A_1411 = tpu.vector_load_idx %arg7[%add3A_976, %add3A_1410] : memref<128x128xf32, #tpu.memory_space<vmem>>[vector<16xi32>, vector<16xi32>], vector<16xf32>,
        %add3A_1412 = arith.constant 6144 : i32
        %add3A_1413 = vector.broadcast %add3A_1412 : i32 to vector<16xi32>
        %add3A_1414 = arith.addi %add3A_107, %add3A_1413 : vector<16xi32>
        %add3A_1415 = vector.broadcast %mul3A_974 : i32 to vector<16xi32>
        %add3A_1416 = arith.addi %add3A_1414, %add3A_1415 : vector<16xi32>
        tpu.vector_store_idx %arg9[%add3A_1416], %gather3A_1411 : memref<8192xf32, #tpu.memory_space<vmem>>[vector<16xi32>], vector<16xf32>,
        %add3A_1417 = arith.constant 48 : i32
        %add3A_1418 = vector.broadcast %add3A_1417 : i32 to vector<16xi32>
        %add3A_1419 = arith.addi %and3A_13, %add3A_1418 : vector<16xi32>
        %gather3A_1420 = tpu.vector_load_idx %arg7[%add3A_976, %add3A_1419] : memref<128x128xf32, #tpu.memory_space<vmem>>[vector<16xi32>, vector<16xi32>], vector<16xf32>,
        %add3A_1421 = arith.constant 6144 : i32
        %add3A_1422 = vector.broadcast %add3A_1421 : i32 to vector<16xi32>
        %add3A_1423 = arith.addi %add3A_117, %add3A_1422 : vector<16xi32>
        %add3A_1424 = vector.broadcast %mul3A_974 : i32 to vector<16xi32>
        %add3A_1425 = arith.addi %add3A_1423, %add3A_1424 : vector<16xi32>
        tpu.vector_store_idx %arg9[%add3A_1425], %gather3A_1420 : memref<8192xf32, #tpu.memory_space<vmem>>[vector<16xi32>], vector<16xf32>,
        %add3A_1426 = arith.constant 48 : i32
        %add3A_1427 = vector.broadcast %add3A_1426 : i32 to vector<16xi32>
        %add3A_1428 = arith.addi %and3A_19, %add3A_1427 : vector<16xi32>
        %gather3A_1429 = tpu.vector_load_idx %arg7[%add3A_976, %add3A_1428] : memref<128x128xf32, #tpu.memory_space<vmem>>[vector<16xi32>, vector<16xi32>], vector<16xf32>,
        %add3A_1430 = arith.constant 6144 : i32
        %add3A_1431 = vector.broadcast %add3A_1430 : i32 to vector<16xi32>
        %add3A_1432 = arith.addi %add3A_127, %add3A_1431 : vector<16xi32>
        %add3A_1433 = vector.broadcast %mul3A_974 : i32 to vector<16xi32>
        %add3A_1434 = arith.addi %add3A_1432, %add3A_1433 : vector<16xi32>
        tpu.vector_store_idx %arg9[%add3A_1434], %gather3A_1429 : memref<8192xf32, #tpu.memory_space<vmem>>[vector<16xi32>], vector<16xf32>,
        %add3A_1435 = arith.constant 48 : i32
        %add3A_1436 = vector.broadcast %add3A_1435 : i32 to vector<16xi32>
        %add3A_1437 = arith.addi %and3A_25, %add3A_1436 : vector<16xi32>
        %gather3A_1438 = tpu.vector_load_idx %arg7[%add3A_976, %add3A_1437] : memref<128x128xf32, #tpu.memory_space<vmem>>[vector<16xi32>, vector<16xi32>], vector<16xf32>,
        %add3A_1439 = arith.constant 6144 : i32
        %add3A_1440 = vector.broadcast %add3A_1439 : i32 to vector<16xi32>
        %add3A_1441 = arith.addi %add3A_137, %add3A_1440 : vector<16xi32>
        %add3A_1442 = vector.broadcast %mul3A_974 : i32 to vector<16xi32>
        %add3A_1443 = arith.addi %add3A_1441, %add3A_1442 : vector<16xi32>
        tpu.vector_store_idx %arg9[%add3A_1443], %gather3A_1438 : memref<8192xf32, #tpu.memory_space<vmem>>[vector<16xi32>], vector<16xf32>,
        %add3A_1444 = arith.constant 48 : i32
        %add3A_1445 = vector.broadcast %add3A_1444 : i32 to vector<16xi32>
        %add3A_1446 = arith.addi %and3A_31, %add3A_1445 : vector<16xi32>
        %gather3A_1447 = tpu.vector_load_idx %arg7[%add3A_976, %add3A_1446] : memref<128x128xf32, #tpu.memory_space<vmem>>[vector<16xi32>, vector<16xi32>], vector<16xf32>,
        %add3A_1448 = arith.constant 6144 : i32
        %add3A_1449 = vector.broadcast %add3A_1448 : i32 to vector<16xi32>
        %add3A_1450 = arith.addi %add3A_147, %add3A_1449 : vector<16xi32>
        %add3A_1451 = vector.broadcast %mul3A_974 : i32 to vector<16xi32>
        %add3A_1452 = arith.addi %add3A_1450, %add3A_1451 : vector<16xi32>
        tpu.vector_store_idx %arg9[%add3A_1452], %gather3A_1447 : memref<8192xf32, #tpu.memory_space<vmem>>[vector<16xi32>], vector<16xf32>,
        %add3A_1453 = arith.constant 48 : i32
        %add3A_1454 = vector.broadcast %add3A_1453 : i32 to vector<16xi32>
        %add3A_1455 = arith.addi %and3A_37, %add3A_1454 : vector<16xi32>
        %gather3A_1456 = tpu.vector_load_idx %arg7[%add3A_976, %add3A_1455] : memref<128x128xf32, #tpu.memory_space<vmem>>[vector<16xi32>, vector<16xi32>], vector<16xf32>,
        %add3A_1457 = arith.constant 6144 : i32
        %add3A_1458 = vector.broadcast %add3A_1457 : i32 to vector<16xi32>
        %add3A_1459 = arith.addi %add3A_157, %add3A_1458 : vector<16xi32>
        %add3A_1460 = vector.broadcast %mul3A_974 : i32 to vector<16xi32>
        %add3A_1461 = arith.addi %add3A_1459, %add3A_1460 : vector<16xi32>
        tpu.vector_store_idx %arg9[%add3A_1461], %gather3A_1456 : memref<8192xf32, #tpu.memory_space<vmem>>[vector<16xi32>], vector<16xf32>,
        %add3A_1462 = arith.constant 48 : i32
        %add3A_1463 = vector.broadcast %add3A_1462 : i32 to vector<16xi32>
        %add3A_1464 = arith.addi %and3A_43, %add3A_1463 : vector<16xi32>
        %gather3A_1465 = tpu.vector_load_idx %arg7[%add3A_976, %add3A_1464] : memref<128x128xf32, #tpu.memory_space<vmem>>[vector<16xi32>, vector<16xi32>], vector<16xf32>,
        %add3A_1466 = arith.constant 6144 : i32
        %add3A_1467 = vector.broadcast %add3A_1466 : i32 to vector<16xi32>
        %add3A_1468 = arith.addi %add3A_167, %add3A_1467 : vector<16xi32>
        %add3A_1469 = vector.broadcast %mul3A_974 : i32 to vector<16xi32>
        %add3A_1470 = arith.addi %add3A_1468, %add3A_1469 : vector<16xi32>
        tpu.vector_store_idx %arg9[%add3A_1470], %gather3A_1465 : memref<8192xf32, #tpu.memory_space<vmem>>[vector<16xi32>], vector<16xf32>,
        %add3A_1471 = arith.constant 48 : i32
        %add3A_1472 = vector.broadcast %add3A_1471 : i32 to vector<16xi32>
        %add3A_1473 = arith.addi %and3A_49, %add3A_1472 : vector<16xi32>
        %gather3A_1474 = tpu.vector_load_idx %arg7[%add3A_976, %add3A_1473] : memref<128x128xf32, #tpu.memory_space<vmem>>[vector<16xi32>, vector<16xi32>], vector<16xf32>,
        %add3A_1475 = arith.constant 6144 : i32
        %add3A_1476 = vector.broadcast %add3A_1475 : i32 to vector<16xi32>
        %add3A_1477 = arith.addi %add3A_177, %add3A_1476 : vector<16xi32>
        %add3A_1478 = vector.broadcast %mul3A_974 : i32 to vector<16xi32>
        %add3A_1479 = arith.addi %add3A_1477, %add3A_1478 : vector<16xi32>
        tpu.vector_store_idx %arg9[%add3A_1479], %gather3A_1474 : memref<8192xf32, #tpu.memory_space<vmem>>[vector<16xi32>], vector<16xf32>,
        %add3A_1480 = arith.constant 48 : i32
        %add3A_1481 = vector.broadcast %add3A_1480 : i32 to vector<16xi32>
        %add3A_1482 = arith.addi %and3A_55, %add3A_1481 : vector<16xi32>
        %gather3A_1483 = tpu.vector_load_idx %arg7[%add3A_976, %add3A_1482] : memref<128x128xf32, #tpu.memory_space<vmem>>[vector<16xi32>, vector<16xi32>], vector<16xf32>,
        %add3A_1484 = arith.constant 6144 : i32
        %add3A_1485 = vector.broadcast %add3A_1484 : i32 to vector<16xi32>
        %add3A_1486 = arith.addi %add3A_187, %add3A_1485 : vector<16xi32>
        %add3A_1487 = vector.broadcast %mul3A_974 : i32 to vector<16xi32>
        %add3A_1488 = arith.addi %add3A_1486, %add3A_1487 : vector<16xi32>
        tpu.vector_store_idx %arg9[%add3A_1488], %gather3A_1483 : memref<8192xf32, #tpu.memory_space<vmem>>[vector<16xi32>], vector<16xf32>,
        %add3A_1489 = arith.constant 48 : i32
        %add3A_1490 = vector.broadcast %add3A_1489 : i32 to vector<16xi32>
        %add3A_1491 = arith.addi %and3A_61, %add3A_1490 : vector<16xi32>
        %gather3A_1492 = tpu.vector_load_idx %arg7[%add3A_976, %add3A_1491] : memref<128x128xf32, #tpu.memory_space<vmem>>[vector<16xi32>, vector<16xi32>], vector<16xf32>,
        %add3A_1493 = arith.constant 6144 : i32
        %add3A_1494 = vector.broadcast %add3A_1493 : i32 to vector<16xi32>
        %add3A_1495 = arith.addi %add3A_197, %add3A_1494 : vector<16xi32>
        %add3A_1496 = vector.broadcast %mul3A_974 : i32 to vector<16xi32>
        %add3A_1497 = arith.addi %add3A_1495, %add3A_1496 : vector<16xi32>
        tpu.vector_store_idx %arg9[%add3A_1497], %gather3A_1492 : memref<8192xf32, #tpu.memory_space<vmem>>[vector<16xi32>], vector<16xf32>,
        %add3A_1498 = arith.constant 48 : i32
        %add3A_1499 = vector.broadcast %add3A_1498 : i32 to vector<16xi32>
        %add3A_1500 = arith.addi %and3A_67, %add3A_1499 : vector<16xi32>
        %gather3A_1501 = tpu.vector_load_idx %arg7[%add3A_976, %add3A_1500] : memref<128x128xf32, #tpu.memory_space<vmem>>[vector<16xi32>, vector<16xi32>], vector<16xf32>,
        %add3A_1502 = arith.constant 6144 : i32
        %add3A_1503 = vector.broadcast %add3A_1502 : i32 to vector<16xi32>
        %add3A_1504 = arith.addi %add3A_207, %add3A_1503 : vector<16xi32>
        %add3A_1505 = vector.broadcast %mul3A_974 : i32 to vector<16xi32>
        %add3A_1506 = arith.addi %add3A_1504, %add3A_1505 : vector<16xi32>
        tpu.vector_store_idx %arg9[%add3A_1506], %gather3A_1501 : memref<8192xf32, #tpu.memory_space<vmem>>[vector<16xi32>], vector<16xf32>,
        %add3A_1507 = arith.constant 48 : i32
        %add3A_1508 = vector.broadcast %add3A_1507 : i32 to vector<16xi32>
        %add3A_1509 = arith.addi %and3A_73, %add3A_1508 : vector<16xi32>
        %gather3A_1510 = tpu.vector_load_idx %arg7[%add3A_976, %add3A_1509] : memref<128x128xf32, #tpu.memory_space<vmem>>[vector<16xi32>, vector<16xi32>], vector<16xf32>,
        %add3A_1511 = arith.constant 6144 : i32
        %add3A_1512 = vector.broadcast %add3A_1511 : i32 to vector<16xi32>
        %add3A_1513 = arith.addi %add3A_217, %add3A_1512 : vector<16xi32>
        %add3A_1514 = vector.broadcast %mul3A_974 : i32 to vector<16xi32>
        %add3A_1515 = arith.addi %add3A_1513, %add3A_1514 : vector<16xi32>
        tpu.vector_store_idx %arg9[%add3A_1515], %gather3A_1510 : memref<8192xf32, #tpu.memory_space<vmem>>[vector<16xi32>], vector<16xf32>,
        %add3A_1516 = arith.constant 48 : i32
        %add3A_1517 = vector.broadcast %add3A_1516 : i32 to vector<16xi32>
        %add3A_1518 = arith.addi %and3A_79, %add3A_1517 : vector<16xi32>
        %gather3A_1519 = tpu.vector_load_idx %arg7[%add3A_976, %add3A_1518] : memref<128x128xf32, #tpu.memory_space<vmem>>[vector<16xi32>, vector<16xi32>], vector<16xf32>,
        %add3A_1520 = arith.constant 6144 : i32
        %add3A_1521 = vector.broadcast %add3A_1520 : i32 to vector<16xi32>
        %add3A_1522 = arith.addi %add3A_227, %add3A_1521 : vector<16xi32>
        %add3A_1523 = vector.broadcast %mul3A_974 : i32 to vector<16xi32>
        %add3A_1524 = arith.addi %add3A_1522, %add3A_1523 : vector<16xi32>
        tpu.vector_store_idx %arg9[%add3A_1524], %gather3A_1519 : memref<8192xf32, #tpu.memory_space<vmem>>[vector<16xi32>], vector<16xf32>,
        %add3A_1525 = arith.constant 48 : i32
        %add3A_1526 = vector.broadcast %add3A_1525 : i32 to vector<16xi32>
        %add3A_1527 = arith.addi %and3A_85, %add3A_1526 : vector<16xi32>
        %gather3A_1528 = tpu.vector_load_idx %arg7[%add3A_976, %add3A_1527] : memref<128x128xf32, #tpu.memory_space<vmem>>[vector<16xi32>, vector<16xi32>], vector<16xf32>,
        %add3A_1529 = arith.constant 6144 : i32
        %add3A_1530 = vector.broadcast %add3A_1529 : i32 to vector<16xi32>
        %add3A_1531 = arith.addi %add3A_237, %add3A_1530 : vector<16xi32>
        %add3A_1532 = vector.broadcast %mul3A_974 : i32 to vector<16xi32>
        %add3A_1533 = arith.addi %add3A_1531, %add3A_1532 : vector<16xi32>
        tpu.vector_store_idx %arg9[%add3A_1533], %gather3A_1528 : memref<8192xf32, #tpu.memory_space<vmem>>[vector<16xi32>], vector<16xf32>,
        %add3A_1534 = arith.constant 48 : i32
        %add3A_1535 = vector.broadcast %add3A_1534 : i32 to vector<16xi32>
        %add3A_1536 = arith.addi %and3A_91, %add3A_1535 : vector<16xi32>
        %gather3A_1537 = tpu.vector_load_idx %arg7[%add3A_976, %add3A_1536] : memref<128x128xf32, #tpu.memory_space<vmem>>[vector<16xi32>, vector<16xi32>], vector<16xf32>,
        %add3A_1538 = arith.constant 6144 : i32
        %add3A_1539 = vector.broadcast %add3A_1538 : i32 to vector<16xi32>
        %add3A_1540 = arith.addi %add3A_247, %add3A_1539 : vector<16xi32>
        %add3A_1541 = vector.broadcast %mul3A_974 : i32 to vector<16xi32>
        %add3A_1542 = arith.addi %add3A_1540, %add3A_1541 : vector<16xi32>
        tpu.vector_store_idx %arg9[%add3A_1542], %gather3A_1537 : memref<8192xf32, #tpu.memory_space<vmem>>[vector<16xi32>], vector<16xf32>,
        %add3A_1543 = arith.constant 48 : i32
        %add3A_1544 = vector.broadcast %add3A_1543 : i32 to vector<16xi32>
        %add3A_1545 = arith.addi %and3A_97, %add3A_1544 : vector<16xi32>
        %gather3A_1546 = tpu.vector_load_idx %arg7[%add3A_976, %add3A_1545] : memref<128x128xf32, #tpu.memory_space<vmem>>[vector<16xi32>, vector<16xi32>], vector<16xf32>,
        %add3A_1547 = arith.constant 6144 : i32
        %add3A_1548 = vector.broadcast %add3A_1547 : i32 to vector<16xi32>
        %add3A_1549 = arith.addi %add3A_257, %add3A_1548 : vector<16xi32>
        %add3A_1550 = vector.broadcast %mul3A_974 : i32 to vector<16xi32>
        %add3A_1551 = arith.addi %add3A_1549, %add3A_1550 : vector<16xi32>
        tpu.vector_store_idx %arg9[%add3A_1551], %gather3A_1546 : memref<8192xf32, #tpu.memory_space<vmem>>[vector<16xi32>], vector<16xf32>,
      }
      %scan3A_802 = arith.constant 8 : i32
      %add3A_803 = arith.addi %mul3A_2, %add3A_785 : i32
      %jit3A_804 = arith.constant 128 : i32
      %div3A_805 = arith.divsi %add3A_803, %jit3A_804 : i32
      %sign3A_806 = arith.constant 0 : i32
      %sign3A_807 = arith.cmpi sgt, %add3A_803, %sign3A_806 : i32
      %sign3A_808 = arith.extui %sign3A_807 : i1 to i32
      %sign3A_809 = arith.constant 0 : i32
      %sign3A_810 = arith.cmpi slt, %add3A_803, %sign3A_809 : i32
      %sign3A_811 = arith.extui %sign3A_810 : i1 to i32
      %sign3A_812 = arith.subi %sign3A_808, %sign3A_811 : i32
      %sign3A_813 = arith.constant 0 : i32
      %sign3A_814 = arith.cmpi sgt, %jit3A_804, %sign3A_813 : i32
      %sign3A_815 = arith.extui %sign3A_814 : i1 to i32
      %sign3A_816 = arith.constant 0 : i32
      %sign3A_817 = arith.cmpi slt, %jit3A_804, %sign3A_816 : i32
      %sign3A_818 = arith.extui %sign3A_817 : i1 to i32
      %sign3A_819 = arith.subi %sign3A_815, %sign3A_818 : i32
      %ne3A_820 = arith.cmpi ne, %sign3A_812, %sign3A_819 : i32
      %rem3A_821 = arith.remsi %add3A_803, %jit3A_804 : i32
      %ne3A_822 = arith.constant 0 : i32
      %ne3A_823 = arith.cmpi ne, %rem3A_821, %ne3A_822 : i32
      %and3A_824 = arith.andi %ne3A_820, %ne3A_823 : i1
      %sub3A_825 = arith.constant 1 : i32
      %sub3A_826 = arith.subi %div3A_805, %sub3A_825 : i32
      %select_n3A_827 = arith.select %and3A_824, %sub3A_826, %div3A_805 : i32
      %add3A_828 = arith.addi %mul3A_2, %add3A_785 : i32
      %jit3A_829 = arith.constant 128 : i32
      %eq3A_830 = arith.constant 0 : i32
      %eq3A_831 = arith.cmpi eq, %jit3A_829, %eq3A_830 : i32
      %jit3A_832 = arith.constant 1 : i32
      %select_n3A_833 = arith.select %eq3A_831, %jit3A_832, %jit3A_829 : i32
      %rem3A_834 = arith.remsi %add3A_828, %select_n3A_833 : i32
      %ne3A_835 = arith.constant 0 : i32
      %ne3A_836 = arith.cmpi ne, %rem3A_834, %ne3A_835 : i32
      %lt3A_837 = arith.constant 0 : i32
      %lt3A_838 = arith.cmpi slt, %rem3A_834, %lt3A_837 : i32
      %lt3A_839 = arith.constant 0 : i32
      %lt3A_840 = arith.cmpi slt, %select_n3A_833, %lt3A_839 : i32
      %ne3A_841 = arith.xori %lt3A_838, %lt3A_840 : i1
      %and3A_842 = arith.andi %ne3A_841, %ne3A_836 : i1
      %add3A_843 = arith.addi %rem3A_834, %select_n3A_833 : i32
      %select_n3A_844 = arith.select %and3A_842, %add3A_843, %rem3A_834 : i32
      %mul3A_845 = arith.constant 8 : i32
      %mul3A_846 = arith.muli %select_n3A_827, %mul3A_845 : i32
      %add3A_847 = arith.constant 0 : i32
      %add3A_848 = arith.addi %mul3A_846, %add3A_847 : i32
      %mul3A_849 = arith.constant 128 : i32
      %mul3A_850 = arith.muli %add3A_848, %mul3A_849 : i32
      %add3A_851 = arith.addi %mul3A_850, %select_n3A_844 : i32
      %mul3A_852 = arith.constant 1024 : i32
      %mul3A_853 = arith.muli %add3A_851, %mul3A_852 : i32
      %mul3A_854 = arith.constant 8 : i32
      %mul3A_855 = arith.muli %select_n3A_827, %mul3A_854 : i32
      %add3A_856 = arith.constant 1 : i32
      %add3A_857 = arith.addi %mul3A_855, %add3A_856 : i32
      %mul3A_858 = arith.constant 128 : i32
      %mul3A_859 = arith.muli %add3A_857, %mul3A_858 : i32
      %add3A_860 = arith.addi %mul3A_859, %select_n3A_844 : i32
      %mul3A_861 = arith.constant 1024 : i32
      %mul3A_862 = arith.muli %add3A_860, %mul3A_861 : i32
      %mul3A_863 = arith.constant 8 : i32
      %mul3A_864 = arith.muli %select_n3A_827, %mul3A_863 : i32
      %add3A_865 = arith.constant 2 : i32
      %add3A_866 = arith.addi %mul3A_864, %add3A_865 : i32
      %mul3A_867 = arith.constant 128 : i32
      %mul3A_868 = arith.muli %add3A_866, %mul3A_867 : i32
      %add3A_869 = arith.addi %mul3A_868, %select_n3A_844 : i32
      %mul3A_870 = arith.constant 1024 : i32
      %mul3A_871 = arith.muli %add3A_869, %mul3A_870 : i32
      %mul3A_872 = arith.constant 8 : i32
      %mul3A_873 = arith.muli %select_n3A_827, %mul3A_872 : i32
      %add3A_874 = arith.constant 3 : i32
      %add3A_875 = arith.addi %mul3A_873, %add3A_874 : i32
      %mul3A_876 = arith.constant 128 : i32
      %mul3A_877 = arith.muli %add3A_875, %mul3A_876 : i32
      %add3A_878 = arith.addi %mul3A_877, %select_n3A_844 : i32
      %mul3A_879 = arith.constant 1024 : i32
      %mul3A_880 = arith.muli %add3A_878, %mul3A_879 : i32
      %mul3A_881 = arith.constant 8 : i32
      %mul3A_882 = arith.muli %select_n3A_827, %mul3A_881 : i32
      %add3A_883 = arith.constant 4 : i32
      %add3A_884 = arith.addi %mul3A_882, %add3A_883 : i32
      %mul3A_885 = arith.constant 128 : i32
      %mul3A_886 = arith.muli %add3A_884, %mul3A_885 : i32
      %add3A_887 = arith.addi %mul3A_886, %select_n3A_844 : i32
      %mul3A_888 = arith.constant 1024 : i32
      %mul3A_889 = arith.muli %add3A_887, %mul3A_888 : i32
      %mul3A_890 = arith.constant 8 : i32
      %mul3A_891 = arith.muli %select_n3A_827, %mul3A_890 : i32
      %add3A_892 = arith.constant 5 : i32
      %add3A_893 = arith.addi %mul3A_891, %add3A_892 : i32
      %mul3A_894 = arith.constant 128 : i32
      %mul3A_895 = arith.muli %add3A_893, %mul3A_894 : i32
      %add3A_896 = arith.addi %mul3A_895, %select_n3A_844 : i32
      %mul3A_897 = arith.constant 1024 : i32
      %mul3A_898 = arith.muli %add3A_896, %mul3A_897 : i32
      %mul3A_899 = arith.constant 8 : i32
      %mul3A_900 = arith.muli %select_n3A_827, %mul3A_899 : i32
      %add3A_901 = arith.constant 6 : i32
      %add3A_902 = arith.addi %mul3A_900, %add3A_901 : i32
      %mul3A_903 = arith.constant 128 : i32
      %mul3A_904 = arith.muli %add3A_902, %mul3A_903 : i32
      %add3A_905 = arith.addi %mul3A_904, %select_n3A_844 : i32
      %mul3A_906 = arith.constant 1024 : i32
      %mul3A_907 = arith.muli %add3A_905, %mul3A_906 : i32
      %mul3A_908 = arith.constant 8 : i32
      %mul3A_909 = arith.muli %select_n3A_827, %mul3A_908 : i32
      %add3A_910 = arith.constant 7 : i32
      %add3A_911 = arith.addi %mul3A_909, %add3A_910 : i32
      %mul3A_912 = arith.constant 128 : i32
      %mul3A_913 = arith.muli %add3A_911, %mul3A_912 : i32
      %add3A_914 = arith.addi %mul3A_913, %select_n3A_844 : i32
      %mul3A_915 = arith.constant 1024 : i32
      %mul3A_916 = arith.muli %add3A_914, %mul3A_915 : i32
      %dma_start3A_917 = arith.constant 0 : i32
      %dma_start3A_918 = tpu.memref_slice %arg9[%dma_start3A_917] : memref<8192xf32, #tpu.memory_space<vmem>> -> memref<1024xf32, #tpu.memory_space<vmem>>
      %dma_start3A_919 = tpu.memref_slice %arg4[%mul3A_853] : memref<27262976xf32, #tpu.memory_space<hbm>> -> memref<1024xf32, #tpu.memory_space<hbm>>
      %dma_start3A_920 = tpu.memref_slice %arg4[%mul3A_853] : memref<27262976xf32, #tpu.memory_space<hbm>> -> memref<1024xf32, #tpu.memory_space<hbm>>
      %dma_start3A_921 = arith.constant 0 : i32
      %dma_start3A_922 = tpu.memref_slice %arg9[%dma_start3A_921] : memref<8192xf32, #tpu.memory_space<vmem>> -> memref<1024xf32, #tpu.memory_space<vmem>>
      tpu.enqueue_dma source(%dma_start3A_922 : memref<1024xf32, #tpu.memory_space<vmem>>) target(%dma_start3A_920 : memref<1024xf32, #tpu.memory_space<hbm>>) target_semaphore(%arg11 : memref<!tpu.dma_semaphore, #tpu.memory_space<semaphore_mem>>)
      %dma_start3A_923 = arith.constant 1024 : i32
      %dma_start3A_924 = tpu.memref_slice %arg9[%dma_start3A_923] : memref<8192xf32, #tpu.memory_space<vmem>> -> memref<1024xf32, #tpu.memory_space<vmem>>
      %dma_start3A_925 = tpu.memref_slice %arg4[%mul3A_862] : memref<27262976xf32, #tpu.memory_space<hbm>> -> memref<1024xf32, #tpu.memory_space<hbm>>
      %dma_start3A_926 = tpu.memref_slice %arg4[%mul3A_862] : memref<27262976xf32, #tpu.memory_space<hbm>> -> memref<1024xf32, #tpu.memory_space<hbm>>
      %dma_start3A_927 = arith.constant 1024 : i32
      %dma_start3A_928 = tpu.memref_slice %arg9[%dma_start3A_927] : memref<8192xf32, #tpu.memory_space<vmem>> -> memref<1024xf32, #tpu.memory_space<vmem>>
      tpu.enqueue_dma source(%dma_start3A_928 : memref<1024xf32, #tpu.memory_space<vmem>>) target(%dma_start3A_926 : memref<1024xf32, #tpu.memory_space<hbm>>) target_semaphore(%arg11 : memref<!tpu.dma_semaphore, #tpu.memory_space<semaphore_mem>>)
      %dma_start3A_929 = arith.constant 2048 : i32
      %dma_start3A_930 = tpu.memref_slice %arg9[%dma_start3A_929] : memref<8192xf32, #tpu.memory_space<vmem>> -> memref<1024xf32, #tpu.memory_space<vmem>>
      %dma_start3A_931 = tpu.memref_slice %arg4[%mul3A_871] : memref<27262976xf32, #tpu.memory_space<hbm>> -> memref<1024xf32, #tpu.memory_space<hbm>>
      %dma_start3A_932 = tpu.memref_slice %arg4[%mul3A_871] : memref<27262976xf32, #tpu.memory_space<hbm>> -> memref<1024xf32, #tpu.memory_space<hbm>>
      %dma_start3A_933 = arith.constant 2048 : i32
      %dma_start3A_934 = tpu.memref_slice %arg9[%dma_start3A_933] : memref<8192xf32, #tpu.memory_space<vmem>> -> memref<1024xf32, #tpu.memory_space<vmem>>
      tpu.enqueue_dma source(%dma_start3A_934 : memref<1024xf32, #tpu.memory_space<vmem>>) target(%dma_start3A_932 : memref<1024xf32, #tpu.memory_space<hbm>>) target_semaphore(%arg11 : memref<!tpu.dma_semaphore, #tpu.memory_space<semaphore_mem>>)
      %dma_start3A_935 = arith.constant 3072 : i32
      %dma_start3A_936 = tpu.memref_slice %arg9[%dma_start3A_935] : memref<8192xf32, #tpu.memory_space<vmem>> -> memref<1024xf32, #tpu.memory_space<vmem>>
      %dma_start3A_937 = tpu.memref_slice %arg4[%mul3A_880] : memref<27262976xf32, #tpu.memory_space<hbm>> -> memref<1024xf32, #tpu.memory_space<hbm>>
      %dma_start3A_938 = tpu.memref_slice %arg4[%mul3A_880] : memref<27262976xf32, #tpu.memory_space<hbm>> -> memref<1024xf32, #tpu.memory_space<hbm>>
      %dma_start3A_939 = arith.constant 3072 : i32
      %dma_start3A_940 = tpu.memref_slice %arg9[%dma_start3A_939] : memref<8192xf32, #tpu.memory_space<vmem>> -> memref<1024xf32, #tpu.memory_space<vmem>>
      tpu.enqueue_dma source(%dma_start3A_940 : memref<1024xf32, #tpu.memory_space<vmem>>) target(%dma_start3A_938 : memref<1024xf32, #tpu.memory_space<hbm>>) target_semaphore(%arg11 : memref<!tpu.dma_semaphore, #tpu.memory_space<semaphore_mem>>)
      %dma_start3A_941 = arith.constant 4096 : i32
      %dma_start3A_942 = tpu.memref_slice %arg9[%dma_start3A_941] : memref<8192xf32, #tpu.memory_space<vmem>> -> memref<1024xf32, #tpu.memory_space<vmem>>
      %dma_start3A_943 = tpu.memref_slice %arg4[%mul3A_889] : memref<27262976xf32, #tpu.memory_space<hbm>> -> memref<1024xf32, #tpu.memory_space<hbm>>
      %dma_start3A_944 = tpu.memref_slice %arg4[%mul3A_889] : memref<27262976xf32, #tpu.memory_space<hbm>> -> memref<1024xf32, #tpu.memory_space<hbm>>
      %dma_start3A_945 = arith.constant 4096 : i32
      %dma_start3A_946 = tpu.memref_slice %arg9[%dma_start3A_945] : memref<8192xf32, #tpu.memory_space<vmem>> -> memref<1024xf32, #tpu.memory_space<vmem>>
      tpu.enqueue_dma source(%dma_start3A_946 : memref<1024xf32, #tpu.memory_space<vmem>>) target(%dma_start3A_944 : memref<1024xf32, #tpu.memory_space<hbm>>) target_semaphore(%arg11 : memref<!tpu.dma_semaphore, #tpu.memory_space<semaphore_mem>>)
      %dma_start3A_947 = arith.constant 5120 : i32
      %dma_start3A_948 = tpu.memref_slice %arg9[%dma_start3A_947] : memref<8192xf32, #tpu.memory_space<vmem>> -> memref<1024xf32, #tpu.memory_space<vmem>>
      %dma_start3A_949 = tpu.memref_slice %arg4[%mul3A_898] : memref<27262976xf32, #tpu.memory_space<hbm>> -> memref<1024xf32, #tpu.memory_space<hbm>>
      %dma_start3A_950 = tpu.memref_slice %arg4[%mul3A_898] : memref<27262976xf32, #tpu.memory_space<hbm>> -> memref<1024xf32, #tpu.memory_space<hbm>>
      %dma_start3A_951 = arith.constant 5120 : i32
      %dma_start3A_952 = tpu.memref_slice %arg9[%dma_start3A_951] : memref<8192xf32, #tpu.memory_space<vmem>> -> memref<1024xf32, #tpu.memory_space<vmem>>
      tpu.enqueue_dma source(%dma_start3A_952 : memref<1024xf32, #tpu.memory_space<vmem>>) target(%dma_start3A_950 : memref<1024xf32, #tpu.memory_space<hbm>>) target_semaphore(%arg11 : memref<!tpu.dma_semaphore, #tpu.memory_space<semaphore_mem>>)
      %dma_start3A_953 = arith.constant 6144 : i32
      %dma_start3A_954 = tpu.memref_slice %arg9[%dma_start3A_953] : memref<8192xf32, #tpu.memory_space<vmem>> -> memref<1024xf32, #tpu.memory_space<vmem>>
      %dma_start3A_955 = tpu.memref_slice %arg4[%mul3A_907] : memref<27262976xf32, #tpu.memory_space<hbm>> -> memref<1024xf32, #tpu.memory_space<hbm>>
      %dma_start3A_956 = tpu.memref_slice %arg4[%mul3A_907] : memref<27262976xf32, #tpu.memory_space<hbm>> -> memref<1024xf32, #tpu.memory_space<hbm>>
      %dma_start3A_957 = arith.constant 6144 : i32
      %dma_start3A_958 = tpu.memref_slice %arg9[%dma_start3A_957] : memref<8192xf32, #tpu.memory_space<vmem>> -> memref<1024xf32, #tpu.memory_space<vmem>>
      tpu.enqueue_dma source(%dma_start3A_958 : memref<1024xf32, #tpu.memory_space<vmem>>) target(%dma_start3A_956 : memref<1024xf32, #tpu.memory_space<hbm>>) target_semaphore(%arg11 : memref<!tpu.dma_semaphore, #tpu.memory_space<semaphore_mem>>)
      %dma_start3A_959 = arith.constant 7168 : i32
      %dma_start3A_960 = tpu.memref_slice %arg9[%dma_start3A_959] : memref<8192xf32, #tpu.memory_space<vmem>> -> memref<1024xf32, #tpu.memory_space<vmem>>
      %dma_start3A_961 = tpu.memref_slice %arg4[%mul3A_916] : memref<27262976xf32, #tpu.memory_space<hbm>> -> memref<1024xf32, #tpu.memory_space<hbm>>
      %dma_start3A_962 = tpu.memref_slice %arg4[%mul3A_916] : memref<27262976xf32, #tpu.memory_space<hbm>> -> memref<1024xf32, #tpu.memory_space<hbm>>
      %dma_start3A_963 = arith.constant 7168 : i32
      %dma_start3A_964 = tpu.memref_slice %arg9[%dma_start3A_963] : memref<8192xf32, #tpu.memory_space<vmem>> -> memref<1024xf32, #tpu.memory_space<vmem>>
      tpu.enqueue_dma source(%dma_start3A_964 : memref<1024xf32, #tpu.memory_space<vmem>>) target(%dma_start3A_962 : memref<1024xf32, #tpu.memory_space<hbm>>) target_semaphore(%arg11 : memref<!tpu.dma_semaphore, #tpu.memory_space<semaphore_mem>>)
      %add3A_965 = arith.constant 2 : i32
      %add3A_966 = arith.addi %add3A_785, %add3A_965 : i32
      %lt3A_967 = arith.constant 104 : i32
      %lt3A_968 = arith.cmpi slt, %add3A_966, %lt3A_967 : i32
      %convert_element_type3A_969 = arith.extui %lt3A_968 : i1 to i32
      %cond3A_970 = arith.constant 0 : i32
      %cond3A_971 = arith.cmpi ne, %convert_element_type3A_969, %cond3A_970 : i32
      scf.if %cond3A_971 {
        %add3A_972 = arith.constant 2 : i32
        %add3A_973 = arith.addi %add3A_785, %add3A_972 : i32
        %dma_start3A_974 = arith.constant 0 : i32
        %dma_start3A_975 = tpu.memref_slice %arg5[%add3A_973, %dma_start3A_974] : memref<104x128xi32, #tpu.memory_space<vmem>> -> memref<1x128xi32, #tpu.memory_space<vmem>>
        %dma_start3A_976 = tpu.memref_squeeze %dma_start3A_975 : memref<1x128xi32, #tpu.memory_space<vmem>> -> memref<128xi32, #tpu.memory_space<vmem>>
        %dma_start3A_977 = arith.constant 0 : i32
        %dma_start3A_978 = arith.constant 0 : i32
        %dma_start3A_979 = tpu.memref_slice %arg2[%dma_start3A_977, %dma_start3A_978] : memref<1000000x128xf32, #tpu.memory_space<hbm>> -> memref<1000000x128xf32, #tpu.memory_space<hbm>>
        tpu.enqueue_indirect_dma source(%dma_start3A_979 : memref<1000000x128xf32, #tpu.memory_space<hbm>>) target(%arg7 : memref<128x128xf32, #tpu.memory_space<vmem>>) offsets(%dma_start3A_976 : memref<128xi32, #tpu.memory_space<vmem>>) semaphore(%arg10 : memref<!tpu.dma_semaphore, #tpu.memory_space<semaphore_mem>>)
      } else {
      }
    }
    %scan3A_275 = arith.constant 52 : i32
    %add3A_276 = arith.constant 102 : i32
    %add3A_277 = arith.addi %mul3A_2, %add3A_276 : i32
    %jit3A = arith.constant 128 : i32
    %div3A = arith.divsi %add3A_277, %jit3A : i32
    %sign3A = arith.constant 0 : i32
    %sign3A_278 = arith.cmpi sgt, %add3A_277, %sign3A : i32
    %sign3A_279 = arith.extui %sign3A_278 : i1 to i32
    %sign3A_280 = arith.constant 0 : i32
    %sign3A_281 = arith.cmpi slt, %add3A_277, %sign3A_280 : i32
    %sign3A_282 = arith.extui %sign3A_281 : i1 to i32
    %sign3A_283 = arith.subi %sign3A_279, %sign3A_282 : i32
    %sign3A_284 = arith.constant 0 : i32
    %sign3A_285 = arith.cmpi sgt, %jit3A, %sign3A_284 : i32
    %sign3A_286 = arith.extui %sign3A_285 : i1 to i32
    %sign3A_287 = arith.constant 0 : i32
    %sign3A_288 = arith.cmpi slt, %jit3A, %sign3A_287 : i32
    %sign3A_289 = arith.extui %sign3A_288 : i1 to i32
    %sign3A_290 = arith.subi %sign3A_286, %sign3A_289 : i32
    %ne3A = arith.cmpi ne, %sign3A_283, %sign3A_290 : i32
    %rem3A = arith.remsi %add3A_277, %jit3A : i32
    %ne3A_291 = arith.constant 0 : i32
    %ne3A_292 = arith.cmpi ne, %rem3A, %ne3A_291 : i32
    %and3A_293 = arith.andi %ne3A, %ne3A_292 : i1
    %sub3A = arith.constant 1 : i32
    %sub3A_294 = arith.subi %div3A, %sub3A : i32
    %select_n3A = arith.select %and3A_293, %sub3A_294, %div3A : i32
    %add3A_295 = arith.constant 102 : i32
    %add3A_296 = arith.addi %mul3A_2, %add3A_295 : i32
    %jit3A_297 = arith.constant 128 : i32
    %eq3A = arith.constant 0 : i32
    %eq3A_298 = arith.cmpi eq, %jit3A_297, %eq3A : i32
    %jit3A_299 = arith.constant 1 : i32
    %select_n3A_300 = arith.select %eq3A_298, %jit3A_299, %jit3A_297 : i32
    %rem3A_301 = arith.remsi %add3A_296, %select_n3A_300 : i32
    %ne3A_302 = arith.constant 0 : i32
    %ne3A_303 = arith.cmpi ne, %rem3A_301, %ne3A_302 : i32
    %lt3A = arith.constant 0 : i32
    %lt3A_304 = arith.cmpi slt, %rem3A_301, %lt3A : i32
    %lt3A_305 = arith.constant 0 : i32
    %lt3A_306 = arith.cmpi slt, %select_n3A_300, %lt3A_305 : i32
    %ne3A_307 = arith.xori %lt3A_304, %lt3A_306 : i1
    %and3A_308 = arith.andi %ne3A_307, %ne3A_303 : i1
    %add3A_309 = arith.addi %rem3A_301, %select_n3A_300 : i32
    %select_n3A_310 = arith.select %and3A_308, %add3A_309, %rem3A_301 : i32
    %mul3A_311 = arith.constant 8 : i32
    %mul3A_312 = arith.muli %select_n3A, %mul3A_311 : i32
    %add3A_313 = arith.constant 0 : i32
    %add3A_314 = arith.addi %mul3A_312, %add3A_313 : i32
    %mul3A_315 = arith.constant 128 : i32
    %mul3A_316 = arith.muli %add3A_314, %mul3A_315 : i32
    %add3A_317 = arith.addi %mul3A_316, %select_n3A_310 : i32
    %mul3A_318 = arith.constant 1024 : i32
    %mul3A_319 = arith.muli %add3A_317, %mul3A_318 : i32
    %mul3A_320 = arith.constant 8 : i32
    %mul3A_321 = arith.muli %select_n3A, %mul3A_320 : i32
    %add3A_322 = arith.constant 1 : i32
    %add3A_323 = arith.addi %mul3A_321, %add3A_322 : i32
    %mul3A_324 = arith.constant 128 : i32
    %mul3A_325 = arith.muli %add3A_323, %mul3A_324 : i32
    %add3A_326 = arith.addi %mul3A_325, %select_n3A_310 : i32
    %mul3A_327 = arith.constant 1024 : i32
    %mul3A_328 = arith.muli %add3A_326, %mul3A_327 : i32
    %mul3A_329 = arith.constant 8 : i32
    %mul3A_330 = arith.muli %select_n3A, %mul3A_329 : i32
    %add3A_331 = arith.constant 2 : i32
    %add3A_332 = arith.addi %mul3A_330, %add3A_331 : i32
    %mul3A_333 = arith.constant 128 : i32
    %mul3A_334 = arith.muli %add3A_332, %mul3A_333 : i32
    %add3A_335 = arith.addi %mul3A_334, %select_n3A_310 : i32
    %mul3A_336 = arith.constant 1024 : i32
    %mul3A_337 = arith.muli %add3A_335, %mul3A_336 : i32
    %mul3A_338 = arith.constant 8 : i32
    %mul3A_339 = arith.muli %select_n3A, %mul3A_338 : i32
    %add3A_340 = arith.constant 3 : i32
    %add3A_341 = arith.addi %mul3A_339, %add3A_340 : i32
    %mul3A_342 = arith.constant 128 : i32
    %mul3A_343 = arith.muli %add3A_341, %mul3A_342 : i32
    %add3A_344 = arith.addi %mul3A_343, %select_n3A_310 : i32
    %mul3A_345 = arith.constant 1024 : i32
    %mul3A_346 = arith.muli %add3A_344, %mul3A_345 : i32
    %mul3A_347 = arith.constant 8 : i32
    %mul3A_348 = arith.muli %select_n3A, %mul3A_347 : i32
    %add3A_349 = arith.constant 4 : i32
    %add3A_350 = arith.addi %mul3A_348, %add3A_349 : i32
    %mul3A_351 = arith.constant 128 : i32
    %mul3A_352 = arith.muli %add3A_350, %mul3A_351 : i32
    %add3A_353 = arith.addi %mul3A_352, %select_n3A_310 : i32
    %mul3A_354 = arith.constant 1024 : i32
    %mul3A_355 = arith.muli %add3A_353, %mul3A_354 : i32
    %mul3A_356 = arith.constant 8 : i32
    %mul3A_357 = arith.muli %select_n3A, %mul3A_356 : i32
    %add3A_358 = arith.constant 5 : i32
    %add3A_359 = arith.addi %mul3A_357, %add3A_358 : i32
    %mul3A_360 = arith.constant 128 : i32
    %mul3A_361 = arith.muli %add3A_359, %mul3A_360 : i32
    %add3A_362 = arith.addi %mul3A_361, %select_n3A_310 : i32
    %mul3A_363 = arith.constant 1024 : i32
    %mul3A_364 = arith.muli %add3A_362, %mul3A_363 : i32
    %mul3A_365 = arith.constant 8 : i32
    %mul3A_366 = arith.muli %select_n3A, %mul3A_365 : i32
    %add3A_367 = arith.constant 6 : i32
    %add3A_368 = arith.addi %mul3A_366, %add3A_367 : i32
    %mul3A_369 = arith.constant 128 : i32
    %mul3A_370 = arith.muli %add3A_368, %mul3A_369 : i32
    %add3A_371 = arith.addi %mul3A_370, %select_n3A_310 : i32
    %mul3A_372 = arith.constant 1024 : i32
    %mul3A_373 = arith.muli %add3A_371, %mul3A_372 : i32
    %mul3A_374 = arith.constant 8 : i32
    %mul3A_375 = arith.muli %select_n3A, %mul3A_374 : i32
    %add3A_376 = arith.constant 7 : i32
    %add3A_377 = arith.addi %mul3A_375, %add3A_376 : i32
    %mul3A_378 = arith.constant 128 : i32
    %mul3A_379 = arith.muli %add3A_377, %mul3A_378 : i32
    %add3A_380 = arith.addi %mul3A_379, %select_n3A_310 : i32
    %mul3A_381 = arith.constant 1024 : i32
    %mul3A_382 = arith.muli %add3A_380, %mul3A_381 : i32
    %dma_wait3A = arith.constant 0 : i32
    %dma_wait3A_383 = tpu.memref_slice %arg8[%dma_wait3A] : memref<8192xf32, #tpu.memory_space<vmem>> -> memref<1024xf32, #tpu.memory_space<vmem>>
    %dma_wait3A_384 = tpu.memref_slice %arg4[%mul3A_319] : memref<27262976xf32, #tpu.memory_space<hbm>> -> memref<1024xf32, #tpu.memory_space<hbm>>
    %dma_wait3A_385 = tpu.memref_slice %arg4[%mul3A_319] : memref<27262976xf32, #tpu.memory_space<hbm>> -> memref<1024xf32, #tpu.memory_space<hbm>>
    %dma_wait3A_386 = arith.constant 0 : i32
    %dma_wait3A_387 = tpu.memref_slice %arg8[%dma_wait3A_386] : memref<8192xf32, #tpu.memory_space<vmem>> -> memref<1024xf32, #tpu.memory_space<vmem>>
    tpu.wait_dma2 semaphore(%arg11 : memref<!tpu.dma_semaphore, #tpu.memory_space<semaphore_mem>>) src(%dma_wait3A_387 : memref<1024xf32, #tpu.memory_space<vmem>>) dst(%dma_wait3A_385 : memref<1024xf32, #tpu.memory_space<hbm>>)
    %dma_wait3A_388 = arith.constant 1024 : i32
    %dma_wait3A_389 = tpu.memref_slice %arg8[%dma_wait3A_388] : memref<8192xf32, #tpu.memory_space<vmem>> -> memref<1024xf32, #tpu.memory_space<vmem>>
    %dma_wait3A_390 = tpu.memref_slice %arg4[%mul3A_328] : memref<27262976xf32, #tpu.memory_space<hbm>> -> memref<1024xf32, #tpu.memory_space<hbm>>
    %dma_wait3A_391 = tpu.memref_slice %arg4[%mul3A_328] : memref<27262976xf32, #tpu.memory_space<hbm>> -> memref<1024xf32, #tpu.memory_space<hbm>>
    %dma_wait3A_392 = arith.constant 1024 : i32
    %dma_wait3A_393 = tpu.memref_slice %arg8[%dma_wait3A_392] : memref<8192xf32, #tpu.memory_space<vmem>> -> memref<1024xf32, #tpu.memory_space<vmem>>
    tpu.wait_dma2 semaphore(%arg11 : memref<!tpu.dma_semaphore, #tpu.memory_space<semaphore_mem>>) src(%dma_wait3A_393 : memref<1024xf32, #tpu.memory_space<vmem>>) dst(%dma_wait3A_391 : memref<1024xf32, #tpu.memory_space<hbm>>)
    %dma_wait3A_394 = arith.constant 2048 : i32
    %dma_wait3A_395 = tpu.memref_slice %arg8[%dma_wait3A_394] : memref<8192xf32, #tpu.memory_space<vmem>> -> memref<1024xf32, #tpu.memory_space<vmem>>
    %dma_wait3A_396 = tpu.memref_slice %arg4[%mul3A_337] : memref<27262976xf32, #tpu.memory_space<hbm>> -> memref<1024xf32, #tpu.memory_space<hbm>>
    %dma_wait3A_397 = tpu.memref_slice %arg4[%mul3A_337] : memref<27262976xf32, #tpu.memory_space<hbm>> -> memref<1024xf32, #tpu.memory_space<hbm>>
    %dma_wait3A_398 = arith.constant 2048 : i32
    %dma_wait3A_399 = tpu.memref_slice %arg8[%dma_wait3A_398] : memref<8192xf32, #tpu.memory_space<vmem>> -> memref<1024xf32, #tpu.memory_space<vmem>>
    tpu.wait_dma2 semaphore(%arg11 : memref<!tpu.dma_semaphore, #tpu.memory_space<semaphore_mem>>) src(%dma_wait3A_399 : memref<1024xf32, #tpu.memory_space<vmem>>) dst(%dma_wait3A_397 : memref<1024xf32, #tpu.memory_space<hbm>>)
    %dma_wait3A_400 = arith.constant 3072 : i32
    %dma_wait3A_401 = tpu.memref_slice %arg8[%dma_wait3A_400] : memref<8192xf32, #tpu.memory_space<vmem>> -> memref<1024xf32, #tpu.memory_space<vmem>>
    %dma_wait3A_402 = tpu.memref_slice %arg4[%mul3A_346] : memref<27262976xf32, #tpu.memory_space<hbm>> -> memref<1024xf32, #tpu.memory_space<hbm>>
    %dma_wait3A_403 = tpu.memref_slice %arg4[%mul3A_346] : memref<27262976xf32, #tpu.memory_space<hbm>> -> memref<1024xf32, #tpu.memory_space<hbm>>
    %dma_wait3A_404 = arith.constant 3072 : i32
    %dma_wait3A_405 = tpu.memref_slice %arg8[%dma_wait3A_404] : memref<8192xf32, #tpu.memory_space<vmem>> -> memref<1024xf32, #tpu.memory_space<vmem>>
    tpu.wait_dma2 semaphore(%arg11 : memref<!tpu.dma_semaphore, #tpu.memory_space<semaphore_mem>>) src(%dma_wait3A_405 : memref<1024xf32, #tpu.memory_space<vmem>>) dst(%dma_wait3A_403 : memref<1024xf32, #tpu.memory_space<hbm>>)
    %dma_wait3A_406 = arith.constant 4096 : i32
    %dma_wait3A_407 = tpu.memref_slice %arg8[%dma_wait3A_406] : memref<8192xf32, #tpu.memory_space<vmem>> -> memref<1024xf32, #tpu.memory_space<vmem>>
    %dma_wait3A_408 = tpu.memref_slice %arg4[%mul3A_355] : memref<27262976xf32, #tpu.memory_space<hbm>> -> memref<1024xf32, #tpu.memory_space<hbm>>
    %dma_wait3A_409 = tpu.memref_slice %arg4[%mul3A_355] : memref<27262976xf32, #tpu.memory_space<hbm>> -> memref<1024xf32, #tpu.memory_space<hbm>>
    %dma_wait3A_410 = arith.constant 4096 : i32
    %dma_wait3A_411 = tpu.memref_slice %arg8[%dma_wait3A_410] : memref<8192xf32, #tpu.memory_space<vmem>> -> memref<1024xf32, #tpu.memory_space<vmem>>
    tpu.wait_dma2 semaphore(%arg11 : memref<!tpu.dma_semaphore, #tpu.memory_space<semaphore_mem>>) src(%dma_wait3A_411 : memref<1024xf32, #tpu.memory_space<vmem>>) dst(%dma_wait3A_409 : memref<1024xf32, #tpu.memory_space<hbm>>)
    %dma_wait3A_412 = arith.constant 5120 : i32
    %dma_wait3A_413 = tpu.memref_slice %arg8[%dma_wait3A_412] : memref<8192xf32, #tpu.memory_space<vmem>> -> memref<1024xf32, #tpu.memory_space<vmem>>
    %dma_wait3A_414 = tpu.memref_slice %arg4[%mul3A_364] : memref<27262976xf32, #tpu.memory_space<hbm>> -> memref<1024xf32, #tpu.memory_space<hbm>>
    %dma_wait3A_415 = tpu.memref_slice %arg4[%mul3A_364] : memref<27262976xf32, #tpu.memory_space<hbm>> -> memref<1024xf32, #tpu.memory_space<hbm>>
    %dma_wait3A_416 = arith.constant 5120 : i32
    %dma_wait3A_417 = tpu.memref_slice %arg8[%dma_wait3A_416] : memref<8192xf32, #tpu.memory_space<vmem>> -> memref<1024xf32, #tpu.memory_space<vmem>>
    tpu.wait_dma2 semaphore(%arg11 : memref<!tpu.dma_semaphore, #tpu.memory_space<semaphore_mem>>) src(%dma_wait3A_417 : memref<1024xf32, #tpu.memory_space<vmem>>) dst(%dma_wait3A_415 : memref<1024xf32, #tpu.memory_space<hbm>>)
    %dma_wait3A_418 = arith.constant 6144 : i32
    %dma_wait3A_419 = tpu.memref_slice %arg8[%dma_wait3A_418] : memref<8192xf32, #tpu.memory_space<vmem>> -> memref<1024xf32, #tpu.memory_space<vmem>>
    %dma_wait3A_420 = tpu.memref_slice %arg4[%mul3A_373] : memref<27262976xf32, #tpu.memory_space<hbm>> -> memref<1024xf32, #tpu.memory_space<hbm>>
    %dma_wait3A_421 = tpu.memref_slice %arg4[%mul3A_373] : memref<27262976xf32, #tpu.memory_space<hbm>> -> memref<1024xf32, #tpu.memory_space<hbm>>
    %dma_wait3A_422 = arith.constant 6144 : i32
    %dma_wait3A_423 = tpu.memref_slice %arg8[%dma_wait3A_422] : memref<8192xf32, #tpu.memory_space<vmem>> -> memref<1024xf32, #tpu.memory_space<vmem>>
    tpu.wait_dma2 semaphore(%arg11 : memref<!tpu.dma_semaphore, #tpu.memory_space<semaphore_mem>>) src(%dma_wait3A_423 : memref<1024xf32, #tpu.memory_space<vmem>>) dst(%dma_wait3A_421 : memref<1024xf32, #tpu.memory_space<hbm>>)
    %dma_wait3A_424 = arith.constant 7168 : i32
    %dma_wait3A_425 = tpu.memref_slice %arg8[%dma_wait3A_424] : memref<8192xf32, #tpu.memory_space<vmem>> -> memref<1024xf32, #tpu.memory_space<vmem>>
    %dma_wait3A_426 = tpu.memref_slice %arg4[%mul3A_382] : memref<27262976xf32, #tpu.memory_space<hbm>> -> memref<1024xf32, #tpu.memory_space<hbm>>
    %dma_wait3A_427 = tpu.memref_slice %arg4[%mul3A_382] : memref<27262976xf32, #tpu.memory_space<hbm>> -> memref<1024xf32, #tpu.memory_space<hbm>>
    %dma_wait3A_428 = arith.constant 7168 : i32
    %dma_wait3A_429 = tpu.memref_slice %arg8[%dma_wait3A_428] : memref<8192xf32, #tpu.memory_space<vmem>> -> memref<1024xf32, #tpu.memory_space<vmem>>
    tpu.wait_dma2 semaphore(%arg11 : memref<!tpu.dma_semaphore, #tpu.memory_space<semaphore_mem>>) src(%dma_wait3A_429 : memref<1024xf32, #tpu.memory_space<vmem>>) dst(%dma_wait3A_427 : memref<1024xf32, #tpu.memory_space<hbm>>)
    %add3A_430 = arith.constant 103 : i32
    %add3A_431 = arith.addi %mul3A_2, %add3A_430 : i32
    %jit3A_432 = arith.constant 128 : i32
    %div3A_433 = arith.divsi %add3A_431, %jit3A_432 : i32
    %sign3A_434 = arith.constant 0 : i32
    %sign3A_435 = arith.cmpi sgt, %add3A_431, %sign3A_434 : i32
    %sign3A_436 = arith.extui %sign3A_435 : i1 to i32
    %sign3A_437 = arith.constant 0 : i32
    %sign3A_438 = arith.cmpi slt, %add3A_431, %sign3A_437 : i32
    %sign3A_439 = arith.extui %sign3A_438 : i1 to i32
    %sign3A_440 = arith.subi %sign3A_436, %sign3A_439 : i32
    %sign3A_441 = arith.constant 0 : i32
    %sign3A_442 = arith.cmpi sgt, %jit3A_432, %sign3A_441 : i32
    %sign3A_443 = arith.extui %sign3A_442 : i1 to i32
    %sign3A_444 = arith.constant 0 : i32
    %sign3A_445 = arith.cmpi slt, %jit3A_432, %sign3A_444 : i32
    %sign3A_446 = arith.extui %sign3A_445 : i1 to i32
    %sign3A_447 = arith.subi %sign3A_443, %sign3A_446 : i32
    %ne3A_448 = arith.cmpi ne, %sign3A_440, %sign3A_447 : i32
    %rem3A_449 = arith.remsi %add3A_431, %jit3A_432 : i32
    %ne3A_450 = arith.constant 0 : i32
    %ne3A_451 = arith.cmpi ne, %rem3A_449, %ne3A_450 : i32
    %and3A_452 = arith.andi %ne3A_448, %ne3A_451 : i1
    %sub3A_453 = arith.constant 1 : i32
    %sub3A_454 = arith.subi %div3A_433, %sub3A_453 : i32
    %select_n3A_455 = arith.select %and3A_452, %sub3A_454, %div3A_433 : i32
    %add3A_456 = arith.constant 103 : i32
    %add3A_457 = arith.addi %mul3A_2, %add3A_456 : i32
    %jit3A_458 = arith.constant 128 : i32
    %eq3A_459 = arith.constant 0 : i32
    %eq3A_460 = arith.cmpi eq, %jit3A_458, %eq3A_459 : i32
    %jit3A_461 = arith.constant 1 : i32
    %select_n3A_462 = arith.select %eq3A_460, %jit3A_461, %jit3A_458 : i32
    %rem3A_463 = arith.remsi %add3A_457, %select_n3A_462 : i32
    %ne3A_464 = arith.constant 0 : i32
    %ne3A_465 = arith.cmpi ne, %rem3A_463, %ne3A_464 : i32
    %lt3A_466 = arith.constant 0 : i32
    %lt3A_467 = arith.cmpi slt, %rem3A_463, %lt3A_466 : i32
    %lt3A_468 = arith.constant 0 : i32
    %lt3A_469 = arith.cmpi slt, %select_n3A_462, %lt3A_468 : i32
    %ne3A_470 = arith.xori %lt3A_467, %lt3A_469 : i1
    %and3A_471 = arith.andi %ne3A_470, %ne3A_465 : i1
    %add3A_472 = arith.addi %rem3A_463, %select_n3A_462 : i32
    %select_n3A_473 = arith.select %and3A_471, %add3A_472, %rem3A_463 : i32
    %mul3A_474 = arith.constant 8 : i32
    %mul3A_475 = arith.muli %select_n3A_455, %mul3A_474 : i32
    %add3A_476 = arith.constant 0 : i32
    %add3A_477 = arith.addi %mul3A_475, %add3A_476 : i32
    %mul3A_478 = arith.constant 128 : i32
    %mul3A_479 = arith.muli %add3A_477, %mul3A_478 : i32
    %add3A_480 = arith.addi %mul3A_479, %select_n3A_473 : i32
    %mul3A_481 = arith.constant 1024 : i32
    %mul3A_482 = arith.muli %add3A_480, %mul3A_481 : i32
    %mul3A_483 = arith.constant 8 : i32
    %mul3A_484 = arith.muli %select_n3A_455, %mul3A_483 : i32
    %add3A_485 = arith.constant 1 : i32
    %add3A_486 = arith.addi %mul3A_484, %add3A_485 : i32
    %mul3A_487 = arith.constant 128 : i32
    %mul3A_488 = arith.muli %add3A_486, %mul3A_487 : i32
    %add3A_489 = arith.addi %mul3A_488, %select_n3A_473 : i32
    %mul3A_490 = arith.constant 1024 : i32
    %mul3A_491 = arith.muli %add3A_489, %mul3A_490 : i32
    %mul3A_492 = arith.constant 8 : i32
    %mul3A_493 = arith.muli %select_n3A_455, %mul3A_492 : i32
    %add3A_494 = arith.constant 2 : i32
    %add3A_495 = arith.addi %mul3A_493, %add3A_494 : i32
    %mul3A_496 = arith.constant 128 : i32
    %mul3A_497 = arith.muli %add3A_495, %mul3A_496 : i32
    %add3A_498 = arith.addi %mul3A_497, %select_n3A_473 : i32
    %mul3A_499 = arith.constant 1024 : i32
    %mul3A_500 = arith.muli %add3A_498, %mul3A_499 : i32
    %mul3A_501 = arith.constant 8 : i32
    %mul3A_502 = arith.muli %select_n3A_455, %mul3A_501 : i32
    %add3A_503 = arith.constant 3 : i32
    %add3A_504 = arith.addi %mul3A_502, %add3A_503 : i32
    %mul3A_505 = arith.constant 128 : i32
    %mul3A_506 = arith.muli %add3A_504, %mul3A_505 : i32
    %add3A_507 = arith.addi %mul3A_506, %select_n3A_473 : i32
    %mul3A_508 = arith.constant 1024 : i32
    %mul3A_509 = arith.muli %add3A_507, %mul3A_508 : i32
    %mul3A_510 = arith.constant 8 : i32
    %mul3A_511 = arith.muli %select_n3A_455, %mul3A_510 : i32
    %add3A_512 = arith.constant 4 : i32
    %add3A_513 = arith.addi %mul3A_511, %add3A_512 : i32
    %mul3A_514 = arith.constant 128 : i32
    %mul3A_515 = arith.muli %add3A_513, %mul3A_514 : i32
    %add3A_516 = arith.addi %mul3A_515, %select_n3A_473 : i32
    %mul3A_517 = arith.constant 1024 : i32
    %mul3A_518 = arith.muli %add3A_516, %mul3A_517 : i32
    %mul3A_519 = arith.constant 8 : i32
    %mul3A_520 = arith.muli %select_n3A_455, %mul3A_519 : i32
    %add3A_521 = arith.constant 5 : i32
    %add3A_522 = arith.addi %mul3A_520, %add3A_521 : i32
    %mul3A_523 = arith.constant 128 : i32
    %mul3A_524 = arith.muli %add3A_522, %mul3A_523 : i32
    %add3A_525 = arith.addi %mul3A_524, %select_n3A_473 : i32
    %mul3A_526 = arith.constant 1024 : i32
    %mul3A_527 = arith.muli %add3A_525, %mul3A_526 : i32
    %mul3A_528 = arith.constant 8 : i32
    %mul3A_529 = arith.muli %select_n3A_455, %mul3A_528 : i32
    %add3A_530 = arith.constant 6 : i32
    %add3A_531 = arith.addi %mul3A_529, %add3A_530 : i32
    %mul3A_532 = arith.constant 128 : i32
    %mul3A_533 = arith.muli %add3A_531, %mul3A_532 : i32
    %add3A_534 = arith.addi %mul3A_533, %select_n3A_473 : i32
    %mul3A_535 = arith.constant 1024 : i32
    %mul3A_536 = arith.muli %add3A_534, %mul3A_535 : i32
    %mul3A_537 = arith.constant 8 : i32
    %mul3A_538 = arith.muli %select_n3A_455, %mul3A_537 : i32
    %add3A_539 = arith.constant 7 : i32
    %add3A_540 = arith.addi %mul3A_538, %add3A_539 : i32
    %mul3A_541 = arith.constant 128 : i32
    %mul3A_542 = arith.muli %add3A_540, %mul3A_541 : i32
    %add3A_543 = arith.addi %mul3A_542, %select_n3A_473 : i32
    %mul3A_544 = arith.constant 1024 : i32
    %mul3A_545 = arith.muli %add3A_543, %mul3A_544 : i32
    %dma_wait3A_546 = arith.constant 0 : i32
    %dma_wait3A_547 = tpu.memref_slice %arg9[%dma_wait3A_546] : memref<8192xf32, #tpu.memory_space<vmem>> -> memref<1024xf32, #tpu.memory_space<vmem>>
    %dma_wait3A_548 = tpu.memref_slice %arg4[%mul3A_482] : memref<27262976xf32, #tpu.memory_space<hbm>> -> memref<1024xf32, #tpu.memory_space<hbm>>
    %dma_wait3A_549 = tpu.memref_slice %arg4[%mul3A_482] : memref<27262976xf32, #tpu.memory_space<hbm>> -> memref<1024xf32, #tpu.memory_space<hbm>>
    %dma_wait3A_550 = arith.constant 0 : i32
    %dma_wait3A_551 = tpu.memref_slice %arg9[%dma_wait3A_550] : memref<8192xf32, #tpu.memory_space<vmem>> -> memref<1024xf32, #tpu.memory_space<vmem>>
    tpu.wait_dma2 semaphore(%arg11 : memref<!tpu.dma_semaphore, #tpu.memory_space<semaphore_mem>>) src(%dma_wait3A_551 : memref<1024xf32, #tpu.memory_space<vmem>>) dst(%dma_wait3A_549 : memref<1024xf32, #tpu.memory_space<hbm>>)
    %dma_wait3A_552 = arith.constant 1024 : i32
    %dma_wait3A_553 = tpu.memref_slice %arg9[%dma_wait3A_552] : memref<8192xf32, #tpu.memory_space<vmem>> -> memref<1024xf32, #tpu.memory_space<vmem>>
    %dma_wait3A_554 = tpu.memref_slice %arg4[%mul3A_491] : memref<27262976xf32, #tpu.memory_space<hbm>> -> memref<1024xf32, #tpu.memory_space<hbm>>
    %dma_wait3A_555 = tpu.memref_slice %arg4[%mul3A_491] : memref<27262976xf32, #tpu.memory_space<hbm>> -> memref<1024xf32, #tpu.memory_space<hbm>>
    %dma_wait3A_556 = arith.constant 1024 : i32
    %dma_wait3A_557 = tpu.memref_slice %arg9[%dma_wait3A_556] : memref<8192xf32, #tpu.memory_space<vmem>> -> memref<1024xf32, #tpu.memory_space<vmem>>
    tpu.wait_dma2 semaphore(%arg11 : memref<!tpu.dma_semaphore, #tpu.memory_space<semaphore_mem>>) src(%dma_wait3A_557 : memref<1024xf32, #tpu.memory_space<vmem>>) dst(%dma_wait3A_555 : memref<1024xf32, #tpu.memory_space<hbm>>)
    %dma_wait3A_558 = arith.constant 2048 : i32
    %dma_wait3A_559 = tpu.memref_slice %arg9[%dma_wait3A_558] : memref<8192xf32, #tpu.memory_space<vmem>> -> memref<1024xf32, #tpu.memory_space<vmem>>
    %dma_wait3A_560 = tpu.memref_slice %arg4[%mul3A_500] : memref<27262976xf32, #tpu.memory_space<hbm>> -> memref<1024xf32, #tpu.memory_space<hbm>>
    %dma_wait3A_561 = tpu.memref_slice %arg4[%mul3A_500] : memref<27262976xf32, #tpu.memory_space<hbm>> -> memref<1024xf32, #tpu.memory_space<hbm>>
    %dma_wait3A_562 = arith.constant 2048 : i32
    %dma_wait3A_563 = tpu.memref_slice %arg9[%dma_wait3A_562] : memref<8192xf32, #tpu.memory_space<vmem>> -> memref<1024xf32, #tpu.memory_space<vmem>>
    tpu.wait_dma2 semaphore(%arg11 : memref<!tpu.dma_semaphore, #tpu.memory_space<semaphore_mem>>) src(%dma_wait3A_563 : memref<1024xf32, #tpu.memory_space<vmem>>) dst(%dma_wait3A_561 : memref<1024xf32, #tpu.memory_space<hbm>>)
    %dma_wait3A_564 = arith.constant 3072 : i32
    %dma_wait3A_565 = tpu.memref_slice %arg9[%dma_wait3A_564] : memref<8192xf32, #tpu.memory_space<vmem>> -> memref<1024xf32, #tpu.memory_space<vmem>>
    %dma_wait3A_566 = tpu.memref_slice %arg4[%mul3A_509] : memref<27262976xf32, #tpu.memory_space<hbm>> -> memref<1024xf32, #tpu.memory_space<hbm>>
    %dma_wait3A_567 = tpu.memref_slice %arg4[%mul3A_509] : memref<27262976xf32, #tpu.memory_space<hbm>> -> memref<1024xf32, #tpu.memory_space<hbm>>
    %dma_wait3A_568 = arith.constant 3072 : i32
    %dma_wait3A_569 = tpu.memref_slice %arg9[%dma_wait3A_568] : memref<8192xf32, #tpu.memory_space<vmem>> -> memref<1024xf32, #tpu.memory_space<vmem>>
    tpu.wait_dma2 semaphore(%arg11 : memref<!tpu.dma_semaphore, #tpu.memory_space<semaphore_mem>>) src(%dma_wait3A_569 : memref<1024xf32, #tpu.memory_space<vmem>>) dst(%dma_wait3A_567 : memref<1024xf32, #tpu.memory_space<hbm>>)
    %dma_wait3A_570 = arith.constant 4096 : i32
    %dma_wait3A_571 = tpu.memref_slice %arg9[%dma_wait3A_570] : memref<8192xf32, #tpu.memory_space<vmem>> -> memref<1024xf32, #tpu.memory_space<vmem>>
    %dma_wait3A_572 = tpu.memref_slice %arg4[%mul3A_518] : memref<27262976xf32, #tpu.memory_space<hbm>> -> memref<1024xf32, #tpu.memory_space<hbm>>
    %dma_wait3A_573 = tpu.memref_slice %arg4[%mul3A_518] : memref<27262976xf32, #tpu.memory_space<hbm>> -> memref<1024xf32, #tpu.memory_space<hbm>>
    %dma_wait3A_574 = arith.constant 4096 : i32
    %dma_wait3A_575 = tpu.memref_slice %arg9[%dma_wait3A_574] : memref<8192xf32, #tpu.memory_space<vmem>> -> memref<1024xf32, #tpu.memory_space<vmem>>
    tpu.wait_dma2 semaphore(%arg11 : memref<!tpu.dma_semaphore, #tpu.memory_space<semaphore_mem>>) src(%dma_wait3A_575 : memref<1024xf32, #tpu.memory_space<vmem>>) dst(%dma_wait3A_573 : memref<1024xf32, #tpu.memory_space<hbm>>)
    %dma_wait3A_576 = arith.constant 5120 : i32
    %dma_wait3A_577 = tpu.memref_slice %arg9[%dma_wait3A_576] : memref<8192xf32, #tpu.memory_space<vmem>> -> memref<1024xf32, #tpu.memory_space<vmem>>
    %dma_wait3A_578 = tpu.memref_slice %arg4[%mul3A_527] : memref<27262976xf32, #tpu.memory_space<hbm>> -> memref<1024xf32, #tpu.memory_space<hbm>>
    %dma_wait3A_579 = tpu.memref_slice %arg4[%mul3A_527] : memref<27262976xf32, #tpu.memory_space<hbm>> -> memref<1024xf32, #tpu.memory_space<hbm>>
    %dma_wait3A_580 = arith.constant 5120 : i32
    %dma_wait3A_581 = tpu.memref_slice %arg9[%dma_wait3A_580] : memref<8192xf32, #tpu.memory_space<vmem>> -> memref<1024xf32, #tpu.memory_space<vmem>>
    tpu.wait_dma2 semaphore(%arg11 : memref<!tpu.dma_semaphore, #tpu.memory_space<semaphore_mem>>) src(%dma_wait3A_581 : memref<1024xf32, #tpu.memory_space<vmem>>) dst(%dma_wait3A_579 : memref<1024xf32, #tpu.memory_space<hbm>>)
    %dma_wait3A_582 = arith.constant 6144 : i32
    %dma_wait3A_583 = tpu.memref_slice %arg9[%dma_wait3A_582] : memref<8192xf32, #tpu.memory_space<vmem>> -> memref<1024xf32, #tpu.memory_space<vmem>>
    %dma_wait3A_584 = tpu.memref_slice %arg4[%mul3A_536] : memref<27262976xf32, #tpu.memory_space<hbm>> -> memref<1024xf32, #tpu.memory_space<hbm>>
    %dma_wait3A_585 = tpu.memref_slice %arg4[%mul3A_536] : memref<27262976xf32, #tpu.memory_space<hbm>> -> memref<1024xf32, #tpu.memory_space<hbm>>
    %dma_wait3A_586 = arith.constant 6144 : i32
    %dma_wait3A_587 = tpu.memref_slice %arg9[%dma_wait3A_586] : memref<8192xf32, #tpu.memory_space<vmem>> -> memref<1024xf32, #tpu.memory_space<vmem>>
    tpu.wait_dma2 semaphore(%arg11 : memref<!tpu.dma_semaphore, #tpu.memory_space<semaphore_mem>>) src(%dma_wait3A_587 : memref<1024xf32, #tpu.memory_space<vmem>>) dst(%dma_wait3A_585 : memref<1024xf32, #tpu.memory_space<hbm>>)
    %dma_wait3A_588 = arith.constant 7168 : i32
    %dma_wait3A_589 = tpu.memref_slice %arg9[%dma_wait3A_588] : memref<8192xf32, #tpu.memory_space<vmem>> -> memref<1024xf32, #tpu.memory_space<vmem>>
    %dma_wait3A_590 = tpu.memref_slice %arg4[%mul3A_545] : memref<27262976xf32, #tpu.memory_space<hbm>> -> memref<1024xf32, #tpu.memory_space<hbm>>
    %dma_wait3A_591 = tpu.memref_slice %arg4[%mul3A_545] : memref<27262976xf32, #tpu.memory_space<hbm>> -> memref<1024xf32, #tpu.memory_space<hbm>>
    %dma_wait3A_592 = arith.constant 7168 : i32
    %dma_wait3A_593 = tpu.memref_slice %arg9[%dma_wait3A_592] : memref<8192xf32, #tpu.memory_space<vmem>> -> memref<1024xf32, #tpu.memory_space<vmem>>
    tpu.wait_dma2 semaphore(%arg11 : memref<!tpu.dma_semaphore, #tpu.memory_space<semaphore_mem>>) src(%dma_wait3A_593 : memref<1024xf32, #tpu.memory_space<vmem>>) dst(%dma_wait3A_591 : memref<1024xf32, #tpu.memory_space<hbm>>)
    return
  }
}

module attributes {stable_mosaic.version = 14 : i64} {
  func.func @_tc_pairs(%arg0: i32, %arg1: memref<64x8192xf32, #tpu.memory_space<vmem>>, %arg2: memref<8192x128xf32, #tpu.memory_space<vmem>>) attributes {dimension_semantics = [#tpu.dimension_semantics<arbitrary>], iteration_bounds = array<i64: 123>, scalar_prefetch = 0 : i64, scratch_operands = 0 : i64, tpu.core_type = #tpu.core_type<tc>, window_params = [{transform_indices = @transform_0, window_bounds = array<i64: 64, 8192>}, {transform_indices = @transform_1, window_bounds = array<i64: 8192, 128>}]} {
    %get3A = arith.constant 0 : index
    %get3A_0 = arith.constant 0 : index
    %get3A_1 = vector.load %arg1[%get3A, %get3A_0] : memref<64x8192xf32, #tpu.memory_space<vmem>>, vector<64x8192xf32>
    %transpose3A = tpu.transpose %get3A_1, [1, 0] : vector<64x8192xf32> -> vector<8192x64xf32>
    %swap3A = arith.constant 0 : index
    %swap3A_2 = arith.constant 0 : index
    %swap3A_3 = vector.load %arg2[%swap3A, %swap3A_2] : memref<8192x128xf32, #tpu.memory_space<vmem>>, vector<8192x64xf32>
    tpu.vector_store %arg2[%swap3A, %swap3A_2], %transpose3A {strides = array<i32>} : memref<8192x128xf32, #tpu.memory_space<vmem>>, vector<8192x64xf32>,
    return
  }
  func.func @transform_0(%arg0: i32) -> (i32, i32) {
    %c0_i32 = arith.constant 0 : i32
    %c0_i32_0 = arith.constant 0 : i32
    return %c0_i32, %arg0 : i32, i32
  }
  func.func @transform_1(%arg0: i32) -> (i32, i32) {
    %c0_i32 = arith.constant 0 : i32
    %c0_i32_0 = arith.constant 0 : i32
    return %arg0, %c0_i32 : i32, i32
  }
}

</mosaic_0001>

<sc_bundles>
// kernel: kernel.4.cloned.1.call-start
scs
__scs_entry_jumppad:
0x0: {  	(pc) =	sbr.rel $0x88, $3  }
0x1: {  	(tag) =	ssettag $0x0;
	lr =	simm.s32 $0x1  }
0x2: {  	[smem:$0x3F9F] =	sst lr;
	_ =	strace $0xD0000000  }
0x3: {  	_ = 	snop  }
0x4: {  	_ = 	snop  }
0x5: {  	_ = 	snop  }
0x6: {  	_ = 	snop  }
0x7: {  	_ = 	snop  }
__scs_overlays_trampoline_lowered:
0x8: {  	[smem:$0x3FAE] =	sst s0  }
0x9: {  	[smem:$0x3FAF] =	sst s1  }
0xa: {  	[smem:$0x3FB0] =	sst s2  }
0xb: {  	[smem:$0x3FB1] =	sst s3  }
0xc: {  	[smem:$0x3FB2] =	sst s4  }
0xd: {  	[smem:$0x3FB3] =	sst s5  }
0xe: {  	[smem:$0x3FB4] =	sst s6  }
0xf: {  	[smem:$0x3FB5] =	sst s7  }
0x10: {  	[smem:$0x3FB6] =	sst s8  }
0x11: {  	[smem:$0x3FB7] =	sst s9;
	s0 =	simm.s32 @!p0 $0x0  }
0x12: {  	s1 =	sld [smem:$0x3F9D];
	s0 =	simm.s32 @p0 $0x1  }
0x13: {  	[smem:$0x3FB8] =	sst s0;
	s0 =	simm.s32 @!p1 $0x0  }
0x14: {  	s2 =	sld [smem:$0x3F9C];
	s0 =	simm.s32 @p1 $0x1  }
0x15: {  	[smem:$0x3FB9] =	sst s0;
	s0 =	simm.s32 @!p2 $0x0  }
0x16: {  	s3 =	sld [smem:$0x3FDB];
	s0 =	simm.s32 @p2 $0x1  }
0x17: {  	s4 =	simm.s32 $0x1BF5;
	[smem:$0x3FBB] =	sst s0  }
0x18: {  	s0 =	sld [smem:$0x3F9E];
	_ =	swait.ge [sflag:s4], $0x0  }
0x19: {  	s7 =	sld [smem:$0x3F9F]  }
0x1a: {  	s8 =	sadd.s32 $0xFFFFE003, lr  }
0x1b: {  	s9 =	sadd.s32 $0xFFFFFEF7, lr;
	s5 =	simm.s32 $0xFFFFFFFF;
	p2 =	slt.u32 s8, $0xFFFFF086  }
0x1c: {  	p1 =	slt.u32 s9, $0xF7A;
	s5 =	simm.s32 @!p2 $0x0  }
0x1d: {  	s5 =	simm.s32 @p1 $0x1;
	p0 =	seq.s32 s7, s2  }
0x1e: {  	s7 =	smul.u32 @!p0 $0xF7A, s2;
	p2 =	seq.s32 @!p0 s5, $0x0  }
0x1f: {  	s9 =	smul.u32 $0xF7A, s1;
	s8 =	simm.s32 @!p0 $0x1BF5;
	p2 =	por !p2, p0  }
0x20: {  	[sflag:s8] =	ssyncset.s32 @!p0 $0xFFFFF086;
	s6 =	sadd.s32 @!p0 s3, s7;
	s7 =	simm.s32 @!p0 $0x108  }
0x21: {  	s3 =	sadd.s32 s3, s9;
	s6 =	sadd.s32 @!p0 $0x88, s6;
	s7 =	simm.s32 @p2 $0x1082  }
0x22: {  	[simem:s7], [sflag:s8] =	dma.local @!p0 [hbm:s6], $0xF7A  }
0x23: {  	s9 =	sor.u32 $0xD0000000, s2;
	s6 =	simm.s32 $0x108;
	_ =	swait.ge @!p0 [sflag:s8], $0x0  }
0x24: {  	s3 =	sadd.s32 $0x88, s3;
	s6 =	simm.s32 @!p1 $0x1082;
	[sflag:s4] =	ssyncset.s32 $0xFFFFF086  }
0x25: {  	[simem:s6], [sflag:s4] =	dma.local [hbm:s3], $0xF7A  }
0x26: {  	[smem:$0x3F9F] =	sst s1;
	(tag) =	ssettag s2;
	_ =	strace s9  }
0x27: {  	s1 =	sld [smem:$0x3FAF]  }
0x28: {  	s2 =	sld [smem:$0x3FB0]  }
0x29: {  	s4 =	sld [smem:$0x3FB2]  }
0x2a: {  	p0 =	seq.s32 s5, $0x0;
	s5 =	sld [smem:$0x3FB3]  }
0x2b: {  	s6 =	sld [smem:$0x3FB4]  }
0x2c: {  	s7 =	sld [smem:$0x3FB5]  }
0x2d: {  	s3 =	simm.s32 $0x108;
	s8 =	sld [smem:$0x3FB6]  }
0x2e: {  	s3 =	simm.s32 @!p0 $0x1082;
	s9 =	sld [smem:$0x3FB7]  }
0x2f: {  	lr =	sadd.s32 s0, s3;
	s0 =	sld [smem:$0x3FAE]  }
0x30: {  	s3 =	sld [smem:$0x3FB1]  }
0x31: {  	[smem:$0x3FBA] =	sst s10  }
0x32: {  	s10 =	sld [smem:$0x3FB8];
	_ =	sdelay $0x3  }
0x33: {  	p0 =	seq.s32 s10, $0x1;
	s10 =	sld [smem:$0x3FBA];
	_ =	sdelay $0x3  }
0x34: {  	[smem:$0x3FBA] =	sst s10  }
0x35: {  	s10 =	sld [smem:$0x3FB9];
	_ =	sdelay $0x3  }
0x36: {  	p1 =	seq.s32 s10, $0x1;
	s10 =	sld [smem:$0x3FBA];
	_ =	sdelay $0x3  }
0x37: {  	[smem:$0x3FBA] =	sst s10  }
0x38: {  	s10 =	sld [smem:$0x3FBB]  }
0x39: {  	_ = 	snop;
	(pc) =	sbr.ind lr, $3  }
0x3a: {  	_ = 	snop  }
0x3b: {  	_ = 	snop  }
0x3c: {  	p2 =	seq.s32 s10, $0x1;
	s10 =	sld [smem:$0x3FBA]  }
0x3d: {  	_ =	shalt  }
0x3e: {  	_ =	shalt  }
0x3f: {  	_ =	shalt  }
0x40: {  	_ =	shalt  }
0x41: {  	_ =	shalt  }
0x42: {  	_ =	shalt  }
0x43: {  	_ =	shalt  }
0x44: {  	_ =	shalt  }
0x45: {  	_ =	shalt  }
0x46: {  	_ =	shalt  }
0x47: {  	_ =	shalt  }
0x48: {  	_ =	shalt  }
0x49: {  	_ =	shalt  }
0x4a: {  	_ =	shalt  }
0x4b: {  	_ =	shalt  }
0x4c: {  	_ =	shalt  }
0x4d: {  	_ =	shalt  }
0x4e: {  	_ =	shalt  }
0x4f: {  	_ =	shalt  }
0x50: {  	_ =	shalt  }
0x51: {  	_ =	shalt  }
0x52: {  	_ =	shalt  }
0x53: {  	_ =	shalt  }
0x54: {  	_ =	shalt  }
0x55: {  	_ =	shalt  }
0x56: {  	_ =	shalt  }
0x57: {  	_ =	shalt  }
0x58: {  	_ =	shalt  }
0x59: {  	_ =	shalt  }
0x5a: {  	_ =	shalt  }
0x5b: {  	_ =	shalt  }
0x5c: {  	_ =	shalt  }
0x5d: {  	_ =	shalt  }
0x5e: {  	_ =	shalt  }
0x5f: {  	_ =	shalt  }
0x60: {  	_ =	shalt  }
0x61: {  	_ =	shalt  }
0x62: {  	_ =	shalt  }
0x63: {  	_ =	shalt  }
0x64: {  	_ =	shalt  }
0x65: {  	_ =	shalt  }
0x66: {  	_ =	shalt  }
0x67: {  	_ =	shalt  }
0x68: {  	_ =	shalt  }
0x69: {  	_ =	shalt  }
0x6a: {  	_ =	shalt  }
0x6b: {  	_ =	shalt  }
0x6c: {  	_ =	shalt  }
0x6d: {  	_ =	shalt  }
0x6e: {  	_ =	shalt  }
0x6f: {  	_ =	shalt  }
0x70: {  	_ =	shalt  }
0x71: {  	_ =	shalt  }
0x72: {  	_ =	shalt  }
0x73: {  	_ =	shalt  }
0x74: {  	_ =	shalt  }
0x75: {  	_ =	shalt  }
0x76: {  	_ =	shalt  }
0x77: {  	_ =	shalt  }
0x78: {  	_ =	shalt  }
0x79: {  	_ =	shalt  }
0x7a: {  	_ =	shalt  }
0x7b: {  	_ =	shalt  }
0x7c: {  	_ =	shalt  }
0x7d: {  	_ =	shalt  }
0x7e: {  	_ =	shalt  }
0x7f: {  	_ =	shalt  }
0x80: {  	_ =	shalt  }
0x81: {  	_ =	shalt  }
0x82: {  	_ =	shalt  }
0x83: {  	_ =	shalt  }
0x84: {  	_ =	shalt  }
0x85: {  	_ =	shalt  }
0x86: {  	_ =	shalt  }
0x87: {  	_ =	shalt  }
.Lfunc_end0:
.L_simem_size_0:
called_computation_lowered:
.L_overlay_start_0:
0x88: {  	s2 =	sld [smem:$0x3FD9]  }
0x89: {  	s3 =	sld [smem:$0x3FFE];
	_ =	sdelay $0x1  }
0x8a: {  	s1 =	srdreg.scid  }
0x8b: {  	s0 =	sand.u32 $0x1, s1  }
0x8c: {  	s17 =	sshll.u32 s0, $0xA;
	s2 =	sadd.s32 s3, s2  }
0x8d: {  	s2 =	sadd.s32 s2, s17  }
0x8e: {  	[smem:$0x3FC6] =	sst s2  }
0x8f: {  	_ = 	snop  }
0x90: {  	s2 =	sld [smem:$0x3FD0];
	(tm) =	ssettm $0x1  }
0x91: {  	s18 =	sld [smem:$0x3FFB];
	_ =	sdelay $0x3  }
0x92: {  	_ =	strace s18  }
0x93: {  	s3 =	sld [smem:$0x3FFC];
	_ =	sdelay $0x3  }
0x94: {  	_ =	strace s3  }
0x95: {  	s3 =	sld [smem:$0x3FFD];
	_ =	sdelay $0x3  }
0x96: {  	_ =	strace s3  }
0x97: {  	_ =	strace $0x8FFFFFFF  }
0x98: {  	s19 =	sld [smem:$0x3FDB];
	_ =	sdelay $0x1  }
0x99: {  	s4 =	simm.s32 $_scs_section_size  }
0x9a: {  	s5 =	simm.s32 $_size__tile_overlayer_lowered;
	s6 =	simm.s32 $_tile_overlayer_lowered  }
0x9b: {  	s22 =	simm.s32 $0x1BFF;
	s21 =	sshll.u32 s6, $0x1;
	s3 =	sadd.s32 s4, s19  }
0x9c: {  	s7 =	simm.s32 $0x0;
	s20 =	sshll.u32 s5, $0x1;
	s5 =	sadd.s32 s21, s3  }
0x9d: {  	[timem:s7], [sflag:s22] =	dma.local [hbm:s5], s20  }
0x9e: {  	_ =	swait.ge [sflag:s22], s20  }
0x9f: {  	s4 =	ssub.s32 $0x0, s20;
	[sflag:s22] =	ssyncset.done $0x0  }
0xa0: {  	[sflag:s22] =	ssyncadd.s32 s4;
	_ =	sdelay $0x1  }
0xa1: {  	s23 =	simm.s32 $0x1B8B  }
0xa2: {  	_ =	swait.ge [sflag:s23], $0x1  }
0xa3: {  	[sflag:s23] =	ssyncset.done $0x0  }
0xa4: {  	s25 =	simm.s32 $0x1B8E;
	s24 =	sld [smem:$0x3FFE];
	[sflag:s23] =	ssyncadd.s32 $0xFFFFFFFF  }
0xa5: {  	s26 =	simm.s32 $execute0_lowered;
	[smem:$0x3FD2] =	sst s25  }
0xa6: {  	s5 =	sshll.u32 s26, $0x1;
	_ =	strace $0x80000046;
	[dreg:$0x1] =	wrdreg $0xFFFFFFFF  }
0xa7: {  	s28 =	simm.s32 $_size_execute0_lowered;
	s3 =	sadd.s32 s3, s5;
	[dreg:$0x0] =	wrdreg $0x0  }
0xa8: {  	s5 =	sshll.u32 s28, $0x1;
	[dreg:$0x2] =	wrdreg s3  }
0xa9: {  	[dreg:$0x3] =	wrdreg s5  }
0xaa: {  	[dreg:$0x4] =	wrdreg $0xC0  }
0xab: {  	_ =	task [dreg:s7], $0x5FFFF  }
0xac: {  	[dreg:$0x1] =	wrdreg $0xFFFFFFFF  }
0xad: {  	[dreg:$0x0] =	wrdreg $0x60  }
0xae: {  	[dreg:$0x2] =	wrdreg s24  }
0xaf: {  	[dreg:$0x3] =	wrdreg s2  }
0xb0: {  	[dreg:$0x4] =	wrdreg $0x9  }
0xb1: {  	_ =	task.clear_ibuf [dreg:s7], $0x5FFFF;
	_ =	strace $0x90000046  }
0xb2: {  	s29 =	simm.s32 $0x9;
	_ =	strace $0x80000048  }
0xb3: {  	_ =	swait.ge [sflag:s29], $0x1  }
0xb4: {  	[sflag:s29] =	ssyncadd.s32 $0xFFFFFFFF  }
0xb5: {  	_ =	strace $0x90000048  }
0xb6: {  	_ =	sfence  }
0xb7: {  	s30 =	sld [smem:$0x0];
	_ =	sdelay $0x2  }
0xb8: {  	s31 =	sshll.u32 s1, $0xD;
	s1 =	sshrl.u32 s1, $0x2  }
0xb9: {  	s3 =	sand.u32 $0x4000, s31;
	s1 =	sadd.s32 s1, s30  }
0xba: {  	s0 =	sor.u32 s3, s0;
	s1 =	sshll.u32 s1, $0x11  }
0xbb: {  	s0 =	sor.u32 s1, s0  }
0xbc: {  	s0 =	sadd.s32 $0x8F2B, s0  }
0xbd: {  	[sflag:s0] =	ssyncadd.remote.s32 $0x1  }
0xbe: {  	_ =	sfence.sel $0xFFFF  }
0xbf: {  	[dreg:$0x0] =	wrdreg $0xFFFFFFFF;
	(pc) =	sbr.abs _section_cstart, $3  }
0xc0: {  	[dreg:$0x1] =	wrdreg $0xFFFFFFFF  }
0xc1: {  	_ =	task.clear_ibuf [dreg:s7], $0x2FFFF;
	_ =	strace $0x9FFFFFFF  }
0xc2: {  	(tm) =	ssettm $0x7FFFFFFF  }
0xc3: {  	_ =	shalt  }
tec
execute0_lowered:
.L_overlay_start_1:
0x0: {  	(tag) =	ssettag $0x1  }
0x1: {  	v0 =	vimm.s32 $0xFEDCBA9;
	v1 =	vimm.s32 $0x87654321;
	vm14 =	vcmask $0x300  }
0x2: {  	v2 =	vimm.s32 $0xF;
	vm13 =	vcmask $0x704;
	vm12 =	vcmask $0xB08  }
0x3: {  	vm11 =	vcmask $0xF0C;
	vm10 =	vcmask $0x1310;
	vm9 =	vcmask $0x1714  }
0x4: {  	vm8 =	vcmask $0x1B18;
	vm7 =	vcmask $0x1F1C;
	vm5 =	vcmask $0x2320  }
0x5: {  	vm6 =	vcmask $0x2724;
	vm4 =	vcmask $0x2B28;
	vm2 =	vcmask $0x2F2C  }
0x6: {  	vm3 =	vcmask $0x3330;
	vm1 =	vcmask $0x3734;
	vm0 =	vcmask $0x3B38  }
0x7: {  	v4 =	vimm.s32 $0x98765432;
	v5 =	vimm.s32 $0x10F;
	v33 =	vimm.s32 $0x30F  }
0x8: {  	v34 =	vimm.s32 $0x543210FE;
	v35 =	vimm.s32 $0xDCBA9876;
	v14 =	vimm.s32 $0x6543210F  }
0x9: {  	v15 =	vimm.s32 $0xEDCBA987;
	v40 =	vimm.s32 $0x38F;
	v43 =	vimm.s32 $0x76543210  }
0xa: {  	v44 =	vimm.s32 $0x40F;
	v45 =	vimm.s32 $0xFEDCBA98;
	v47 =	vimm.s32 $0x48F  }
0xb: {  	v50 =	vimm.s32 $0xE8F;
	v52 =	vimm.s32 $0xF0F;
	v53 =	vimm.s32 $0x100F  }
0xc: {  	v54 =	vimm.s32 $0x108F;
	v55 =	vimm.s32 $0x110F;
	v56 =	vimm.s32 $0x118F  }
0xd: {  	v57 =	vimm.s32 $0x120F;
	v19 =	vimm.s32 $0x128F;
	v20 =	vimm.s32 $0x130F  }
0xe: {  	v21 =	vimm.s32 $0x138F;
	v22 =	vimm.s32 $0x140F;
	v23 =	vimm.s32 $0x148F  }
0xf: {  	v24 =	vimm.s32 $0x150F;
	v25 =	vimm.s32 $0x158F;
	v26 =	vimm.s32 $0x160F  }
0x10: {  	v27 =	vimm.s32 $0x168F;
	v28 =	vimm.s32 $0x170F;
	v29 =	vimm.s32 $0x180F  }
0x11: {  	v30 =	vimm.s32 $0x188F;
	v31 =	vimm.s32 $0x190F;
	v58 =	vimm.s32 $0x19181716  }
0x12: {  	v0 =	vunpack.c.l.s4.s8 v0;
	v1 =	vunpack.c.l.s4.s8 v1;
	v2 =	vsel vm14, $0x80, v2  }
0x13: {  	v4 =	vunpack.c.l.s4.s8 v4;
	v14 =	vunpack.c.l.s4.s8 v14;
	v15 =	vunpack.c.l.s4.s8 v15  }
0x14: {  	v41 =	vsel vm14, $0x400, v40;
	v19 =	vsel vm14, $0x1300, v19;
	v20 =	vsel vm14, $0x1380, v20  }
0x15: {  	v21 =	vsel vm14, $0x1400, v21;
	v22 =	vsel vm14, $0x1480, v22;
	v23 =	vsel vm14, $0x1500, v23  }
0x16: {  	v24 =	vsel vm14, $0x1580, v24;
	v25 =	vsel vm14, $0x1600, v25;
	v26 =	vsel vm14, $0x1680, v26  }
0x17: {  	v27 =	vsel vm14, $0x1700, v27;
	v28 =	vsel vm14, $0x1780, v28;
	v29 =	vsel vm14, $0x1880, v29  }
0x18: {  	v30 =	vsel vm14, $0x1900, v30;
	v31 =	vsel vm14, $0x1980, v31;
	v40 =	vimm.s32 $0x1D8F  }
0x19: {  	v2 =	vsel vm13, $0x101, v2;
	v42 =	vsel vm13, $0x481, v41;
	v40 =	vsel vm14, $0x1E00, v40  }
0x1a: {  	v41 =	vimm.s32 $0x1E0F;
	v19 =	vsel vm13, $0x1381, v19;
	v20 =	vsel vm13, $0x1401, v20  }
0x1b: {  	v21 =	vsel vm13, $0x1481, v21;
	v22 =	vsel vm13, $0x1501, v22;
	v23 =	vsel vm13, $0x1581, v23  }
0x1c: {  	v24 =	vsel vm13, $0x1601, v24;
	v25 =	vsel vm13, $0x1681, v25;
	v26 =	vsel vm13, $0x1701, v26  }
0x1d: {  	v27 =	vsel vm13, $0x1781, v27;
	v28 =	vsel vm13, $0x1001, v28;
	v29 =	vsel vm13, $0x1901, v29  }
0x1e: {  	v30 =	vsel vm13, $0x1981, v30;
	v31 =	vsel vm13, $0x1A01, v31;
	v0 =	vunpack.c.0.s8.s32 v0  }
0x1f: {  	v1 =	vunpack.c.0.s8.s32 v1;
	v2 =	vsel vm12, $0x182, v2;
	v7 =	vunpack.c.0.s8.s32 v4  }
0x20: {  	v4 =	vimm.s32 $0x210FEDCB;
	v41 =	vsel vm14, $0x1E80, v41;
	v40 =	vsel vm13, $0x1E81, v40  }
0x21: {  	v60 =	vsel vm12, $0x1582, v22;
	v61 =	vsel vm12, $0x1602, v23;
	v62 =	vsel vm12, $0x1682, v24  }
0x22: {  	v24 =	vsel vm12, $0x1702, v25;
	v25 =	vsel vm12, $0x1782, v26;
	v26 =	vsel vm12, $0x1002, v27  }
0x23: {  	v27 =	vsel vm12, $0x1082, v28;
	v28 =	vsel vm12, $0x1982, v29;
	v29 =	vsel vm12, $0x1A02, v30  }
0x24: {  	v30 =	vsel vm12, $0x1A82, v31;
	v2 =	vsel vm11, $0x203, v2;
	v4 =	vunpack.c.l.s4.s8 v4  }
0x25: {  	v41 =	vsel vm13, $0x1F01, v41;
	v22 =	vsel vm11, $0x1683, v61;
	v23 =	vsel vm11, $0x1703, v62  }
0x26: {  	v24 =	vsel vm11, $0x1783, v24;
	v25 =	vsel vm11, $0x1003, v25;
	v26 =	vsel vm11, $0x1083, v26  }
0x27: {  	v27 =	vsel vm11, $0x1103, v27;
	v28 =	vsel vm11, $0x1A03, v28;
	v29 =	vsel vm11, $0x1A83, v29  }
0x28: {  	v30 =	vsel vm11, $0x1B03, v30;
	v61 =	vimm.s32 $0x16151413;
	v62 =	vimm.s32 $0x1A191817  }
0x29: {  	v3 =	vcombine.low v1, v0;
	v2 =	vsel vm10, $0x284, v2;
	v0 =	vcombine.low v0, v1  }
0x2a: {  	v22 =	vsel vm10, $0x1704, v22;
	v23 =	vsel vm10, $0x1784, v23;
	v24 =	vsel vm10, $0x1004, v24  }
0x2b: {  	v25 =	vsel vm10, $0x1084, v25;
	v26 =	vsel vm10, $0x1104, v26;
	v27 =	vsel vm10, $0x1184, v27  }
0x2c: {  	v28 =	vsel vm10, $0x1A84, v28;
	v29 =	vsel vm10, $0x1B04, v29;
	v30 =	vsel vm10, $0x1B84, v30  }
0x2d: {  	v2 =	vsel vm9, $0x305, v2;
	v22 =	vsel vm9, $0x1785, v22;
	v23 =	vsel vm9, $0x1005, v23  }
0x2e: {  	v24 =	vsel vm9, $0x1085, v24;
	v25 =	vsel vm9, $0x1105, v25;
	v26 =	vsel vm9, $0x1185, v26  }
0x2f: {  	v27 =	vsel vm9, $0x1205, v27;
	v28 =	vsel vm9, $0x1B05, v28;
	v2 =	vsel vm8, $0x386, v2  }
0x30: {  	v29 =	vsel vm9, $0x1B85, v29;
	v3 =	vand.u32 $0xF, v3;
	v2 =	vsel vm7, $0x407, v2  }
0x31: {  	v30 =	vsel vm9, $0x1C05, v30;
	[tilespmem:$0x1FDA0] =	vst v3;
	v3 =	vimm.s32 $0x8F;
	v2 =	vsel vm5, $0x488, v2  }
0x32: {  	v0 =	vand.u32 $0xF, v0;
	v3 =	vsel vm14, $0x100, v3;
	v2 =	vsel vm6, $0x509, v2  }
0x33: {  	v22 =	vsel vm8, $0x1006, v22;
	v3 =	vsel vm13, $0x181, v3;
	v2 =	vsel vm4, $0x58A, v2  }
0x34: {  	v23 =	vsel vm8, $0x1086, v23;
	v3 =	vsel vm12, $0x202, v3;
	v2 =	vsel vm2, $0x60B, v2  }
0x35: {  	v24 =	vsel vm8, $0x1106, v24;
	v3 =	vsel vm11, $0x283, v3;
	v2 =	vsel vm3, $0x68C, v2  }
0x36: {  	v25 =	vsel vm8, $0x1186, v25;
	v3 =	vsel vm10, $0x304, v3;
	v2 =	vsel vm1, $0x70D, v2  }
0x37: {  	v26 =	vsel vm8, $0x1206, v26;
	v3 =	vsel vm9, $0x385, v3;
	v2 =	vsel vm0, $0x78E, v2  }
0x38: {  	v27 =	vsel vm8, $0x1286, v27;
	v3 =	vsel vm8, $0x406, v3;
	[tilespmem:$0x1FA80] =	vst v2;
	v2 =	vimm.s32 $0x10FEDCBA  }
0x39: {  	v28 =	vsel vm8, $0x1B86, v28;
	v3 =	vsel vm7, $0x487, v3;
	v2 =	vunpack.c.l.s4.s8 v2  }
0x3a: {  	v29 =	vsel vm8, $0x1C06, v29;
	v30 =	vsel vm8, $0x1C86, v30;
	v3 =	vsel vm5, $0x508, v3  }
0x3b: {  	v6 =	vunpack.c.0.s8.s32 v2;
	v2 =	vsel vm6, $0x589, v3;
	v3 =	vsel vm14, $0x180, v5  }
0x3c: {  	v5 =	vimm.s32 $0xA9876543;
	v2 =	vsel vm4, $0x60A, v2;
	v3 =	vsel vm13, $0x201, v3  }
0x3d: {  	v5 =	vunpack.c.l.s4.s8 v5;
	v3 =	vsel vm12, $0x282, v3;
	v8 =	vcombine.low v7, v6  }
0x3e: {  	v9 =	vsel vm2, $0x68B, v2;
	v6 =	vcombine.low v6, v7;
	v3 =	vsel vm11, $0x303, v3  }
0x3f: {  	v2 =	vunpack.c.0.s8.s32 v4;
	v7 =	vimm.s32 $0x50F;
	v10 =	vsel vm10, $0x384, v3  }
0x40: {  	v3 =	vunpack.c.0.s8.s32 v5;
	v5 =	vand.u32 $0xF, v8;
	v6 =	vand.u32 $0xF, v6  }
0x41: {  	v4 =	vsel vm9, $0x405, v10;
	[tilespmem:$0x1FA70] =	vst v5;
	v5 =	vsel vm3, $0x70C, v9;
	v9 =	vimm.s32 $0xBA987654  }
0x42: {  	[tilespmem:$0x1F800] =	vst v6;
	v6 =	vimm.s32 $0x58F;
	v4 =	vsel vm8, $0x486, v4;
	v5 =	vsel vm1, $0x78D, v5  }
0x43: {  	v8 =	vcombine.low v3, v2;
	v9 =	vunpack.c.l.s4.s8 v9;
	v6 =	vsel vm14, $0x600, v6  }
0x44: {  	v2 =	vcombine.low v2, v3;
	v4 =	vsel vm7, $0x507, v4;
	v5 =	vsel vm0, $0xE, v5  }
0x45: {  	v6 =	vsel vm13, $0x681, v6;
	[tilespmem:$0x1FA60] =	vst v5;
	v4 =	vsel vm5, $0x588, v4;
	v5 =	vimm.s32 $0x18F  }
0x46: {  	v8 =	vand.u32 $0xF, v8;
	v6 =	vsel vm12, $0x702, v6;
	v2 =	vand.u32 $0xF, v2  }
0x47: {  	[tilespmem:$0x1FA50] =	vst v8;
	v4 =	vsel vm6, $0x609, v4;
	v5 =	vsel vm14, $0x200, v5;
	v8 =	vimm.s32 $0x3210FEDC  }
0x48: {  	v6 =	vsel vm11, $0x783, v6;
	[tilespmem:$0x1F820] =	vst v2;
	v2 =	vimm.s32 $0x60F;
	v4 =	vsel vm4, $0x68A, v4  }
0x49: {  	v5 =	vsel vm13, $0x281, v5;
	v8 =	vunpack.c.l.s4.s8 v8;
	v3 =	vsel vm10, $0x4, v6  }
0x4a: {  	v2 =	vsel vm14, $0x680, v2;
	v6 =	vimm.s32 $0xB8F;
	v5 =	vsel vm12, $0x302, v5  }
0x4b: {  	v4 =	vsel vm2, $0x70B, v4;
	v2 =	vsel vm13, $0x701, v2;
	v6 =	vsel vm14, $0xC00, v6  }
0x4c: {  	v5 =	vsel vm11, $0x383, v5;
	v10 =	vsel vm3, $0x78C, v4;
	v4 =	vunpack.c.0.s8.s32 v8  }
0x4d: {  	v2 =	vsel vm12, $0x782, v2;
	v6 =	vsel vm13, $0xC81, v6;
	v8 =	vsel vm10, $0x404, v5  }
0x4e: {  	v5 =	vunpack.c.0.s8.s32 v9;
	v9 =	vimm.s32 $0x20F;
	v10 =	vsel vm1, $0xD, v10  }
0x4f: {  	v2 =	vsel vm11, $0x3, v2;
	v8 =	vsel vm9, $0x485, v8;
	v9 =	vsel vm14, $0x280, v9  }
0x50: {  	v8 =	vsel vm8, $0x506, v8;
	v11 =	vcombine.low v5, v4;
	v9 =	vsel vm13, $0x301, v9  }
0x51: {  	v10 =	vsel vm0, $0x8E, v10;
	v8 =	vsel vm7, $0x587, v8;
	v9 =	vsel vm12, $0x382, v9  }
0x52: {  	[tilespmem:$0x1F7C0] =	vst v10;
	v8 =	vsel vm5, $0x608, v8;
	v10 =	vand.u32 $0xF, v11;
	v9 =	vsel vm11, $0x403, v9  }
0x53: {  	v11 =	vimm.s32 $0xCBA98765;
	[tilespmem:$0x1F7D0] =	vst v10;
	v8 =	vsel vm6, $0x689, v8;
	v10 =	vimm.s32 $0x43210FED  }
0x54: {  	v9 =	vsel vm10, $0x484, v9;
	v8 =	vsel vm4, $0x70A, v8;
	v10 =	vunpack.c.l.s4.s8 v10  }
0x55: {  	v11 =	vunpack.c.l.s4.s8 v11;
	v9 =	vsel vm9, $0x505, v9;
	v8 =	vsel vm2, $0x78B, v8  }
0x56: {  	v9 =	vsel vm8, $0x586, v9;
	v12 =	vsel vm3, $0xC, v8;
	v8 =	vunpack.c.0.s8.s32 v10  }
0x57: {  	v10 =	vsel vm7, $0x607, v9;
	v9 =	vunpack.c.0.s8.s32 v11;
	v11 =	vimm.s32 $0x28F  }
0x58: {  	v10 =	vsel vm5, $0x688, v10;
	v12 =	vsel vm1, $0x8D, v12;
	v11 =	vsel vm14, $0x300, v11  }
0x59: {  	v10 =	vsel vm6, $0x709, v10;
	v13 =	vcombine.low v9, v8;
	v11 =	vsel vm13, $0x381, v11  }
0x5a: {  	v12 =	vsel vm0, $0x10E, v12;
	v10 =	vsel vm4, $0x78A, v10;
	v11 =	vsel vm12, $0x402, v11  }
0x5b: {  	[tilespmem:$0x1FD30] =	vst v12;
	v12 =	vunpack.c.l.s4.s8 v34;
	v34 =	vimm.s32 $0x1A8F;
	v10 =	vsel vm2, $0xB, v10  }
0x5c: {  	v32 =	vand.u32 $0xF, v13;
	v11 =	vsel vm11, $0x483, v11;
	v13 =	vunpack.c.l.s4.s8 v35  }
0x5d: {  	v34 =	vsel vm14, $0x1B00, v34;
	v35 =	vimm.s32 $0x1B0F;
	v10 =	vsel vm3, $0x8C, v10  }
0x5e: {  	[tilespmem:$0x1FB00] =	vst v32;
	v11 =	vsel vm10, $0x504, v11;
	v12 =	vunpack.c.0.s8.s32 v12;
	v32 =	vimm.s32 $0x198F  }
0x5f: {  	v35 =	vsel vm14, $0x1B80, v35;
	v34 =	vsel vm13, $0x1B81, v34;
	v10 =	vsel vm1, $0x10D, v10  }
0x60: {  	v13 =	vunpack.c.0.s8.s32 v13;
	v32 =	vsel vm14, $0x1A00, v32;
	v10 =	vsel vm0, $0x18E, v10  }
0x61: {  	v35 =	vsel vm13, $0x1C01, v35;
	v32 =	vsel vm13, $0x1A81, v32;
	[tilespmem:$0x1FAF0] =	vst v10;
	v10 =	vsel vm9, $0x585, v11  }
0x62: {  	v11 =	vsel vm14, $0x380, v33;
	v16 =	vcombine.low v13, v12;
	v33 =	vimm.s32 $0x1A0F  }
0x63: {  	v31 =	vsel vm12, $0x1B02, v32;
	v10 =	vsel vm8, $0x606, v10;
	v11 =	vsel vm13, $0x401, v11  }
0x64: {  	v33 =	vsel vm14, $0x1A80, v33;
	v31 =	vsel vm11, $0x1B83, v31;
	v10 =	vsel vm7, $0x687, v10  }
0x65: {  	v11 =	vsel vm12, $0x482, v11;
	v37 =	vand.u32 $0xF, v16;
	v33 =	vsel vm13, $0x1B01, v33  }
0x66: {  	v31 =	vsel vm10, $0x1C04, v31;
	v10 =	vsel vm5, $0x708, v10;
	v11 =	vsel vm11, $0x503, v11  }
0x67: {  	[tilespmem:$0x1FAE0] =	vst v37;
	v37 =	vimm.s32 $0x1C0F;
	v63 =	vsel vm12, $0x1B82, v33;
	v31 =	vsel vm9, $0x1C85, v31  }
0x68: {  	v10 =	vsel vm6, $0x789, v10;
	v11 =	vsel vm10, $0x584, v11;
	v37 =	vsel vm14, $0x1C80, v37  }
0x69: {  	v32 =	vsel vm11, $0x1C03, v63;
	v31 =	vsel vm8, $0x1D06, v31;
	v63 =	vimm.s32 $0x1F1E1D1C  }
0x6a: {  	v10 =	vsel vm4, $0xA, v10;
	v11 =	vsel vm9, $0x605, v11;
	v37 =	vsel vm13, $0x1D01, v37  }
0x6b: {  	v32 =	vsel vm10, $0x1C84, v32;
	v10 =	vsel vm2, $0x8B, v10;
	v11 =	vsel vm8, $0x686, v11  }
0x6c: {  	v32 =	vsel vm9, $0x1D05, v32;
	v11 =	vsel vm7, $0x707, v11;
	v17 =	vsel vm3, $0x10C, v10  }
0x6d: {  	v10 =	vunpack.c.0.s8.s32 v14;
	v32 =	vsel vm8, $0x1D86, v32;
	v11 =	vsel vm5, $0x788, v11  }
0x6e: {  	v38 =	vsel vm1, $0x18D, v17;
	v17 =	vunpack.c.l.s4.s8 v45;
	v45 =	vsel vm12, $0x1C02, v34  }
0x6f: {  	v18 =	vsel vm6, $0x9, v11;
	v11 =	vunpack.c.0.s8.s32 v15;
	v15 =	vsel vm0, $0x20E, v38  }
0x70: {  	v38 =	vimm.s32 $0x1C8F;
	v33 =	vsel vm11, $0x1C83, v45;
	v36 =	vsel vm4, $0x8A, v18  }
0x71: {  	[tilespmem:$0x1FAD0] =	vst v15;
	v15 =	vunpack.c.l.s4.s8 v43;
	v17 =	vunpack.c.0.s8.s32 v17;
	v18 =	vsel vm14, $0x1280, v57  }
0x72: {  	v38 =	vsel vm14, $0x1D00, v38;
	v43 =	vimm.s32 $0x1F0F;
	v57 =	vunpack.c.0.s8.s32 v58  }
0x73: {  	v58 =	vimm.s32 $0x1E1D1C1B;
	v33 =	vsel vm10, $0x1D04, v33;
	v14 =	vsel vm2, $0x10B, v36  }
0x74: {  	v39 =	vcombine.low v11, v10;
	v36 =	vimm.s32 $0x1B8F;
	v43 =	vsel vm14, $0x1F80, v43  }
0x75: {  	v18 =	vsel vm13, $0x1301, v18;
	v38 =	vsel vm13, $0x1D81, v38;
	v33 =	vsel vm9, $0x1D85, v33  }
0x76: {  	v14 =	vsel vm3, $0x18C, v14;
	v15 =	vunpack.c.0.s8.s32 v15;
	v17 =	vand.u32 $0xF, v17  }
0x77: {  	v36 =	vsel vm14, $0x1C00, v36;
	v43 =	vsel vm13, $0x1801, v43;
	v33 =	vsel vm8, $0x1E06, v33  }
0x78: {  	v14 =	vsel vm1, $0x20D, v14;
	v16 =	vand.u32 $0xF, v39;
	v39 =	vimm.s32 $0x1D0F  }
0x79: {  	v36 =	vsel vm13, $0x1C81, v36;
	[tilespmem:$0x1FAC0] =	vst v16;
	v14 =	vsel vm0, $0x28E, v14;
	v16 =	vsel vm14, $0x480, v44  }
0x7a: {  	v15 =	vcombine.low v17, v15;
	v17 =	vsel vm14, $0x1200, v56;
	v39 =	vsel vm14, $0x1D80, v39  }
0x7b: {  	v44 =	vimm.s32 $0x15141312;
	v56 =	vsel vm12, $0x1882, v43;
	v43 =	vunpack.c.0.s8.s32 v58  }
0x7c: {  	[tilespmem:$0x1FAB0] =	vst v14;
	v14 =	vsel vm12, $0x502, v42;
	v16 =	vsel vm13, $0x501, v16;
	v42 =	vimm.s32 $0x1E8F  }
0x7d: {  	v17 =	vsel vm13, $0x1281, v17;
	v14 =	vsel vm11, $0x583, v14;
	v16 =	vsel vm12, $0x582, v16  }
0x7e: {  	v39 =	vsel vm13, $0x1E01, v39;
	v14 =	vsel vm10, $0x604, v14;
	v16 =	vsel vm11, $0x603, v16  }
0x7f: {  	v42 =	vsel vm14, $0x1F00, v42;
	v14 =	vsel vm9, $0x685, v14;
	v16 =	vsel vm10, $0x684, v16  }
0x80: {  	v42 =	vsel vm13, $0x1F81, v42;
	v14 =	vsel vm8, $0x706, v14;
	v16 =	vsel vm9, $0x705, v16  }
0x81: {  	v14 =	vsel vm7, $0x787, v14;
	v46 =	vsel vm8, $0x786, v16;
	v16 =	vsel vm14, $0x500, v47  }
0x82: {  	[tilespmem:$0x1FAA0] =	vst v15;
	v47 =	vsel vm12, $0x1D02, v36;
	v14 =	vsel vm5, $0x8, v14;
	v15 =	vsel vm7, $0x7, v46  }
0x83: {  	v16 =	vsel vm13, $0x581, v16;
	v46 =	vsel vm12, $0x1C82, v35;
	v35 =	vsel vm11, $0x1D83, v47  }
0x84: {  	v47 =	vsel vm7, $0x1107, v23;
	v14 =	vsel vm6, $0x89, v14;
	v15 =	vsel vm5, $0x88, v15  }
0x85: {  	v16 =	vsel vm12, $0x602, v16;
	v34 =	vsel vm11, $0x1D03, v46;
	v35 =	vsel vm10, $0x1E04, v35  }
0x86: {  	v46 =	vsel vm7, $0x1087, v22;
	v22 =	vsel vm5, $0x1188, v47;
	v14 =	vsel vm4, $0x10A, v14  }
0x87: {  	v15 =	vsel vm6, $0x109, v15;
	v48 =	vsel vm11, $0x683, v16;
	v16 =	vsel vm14, $0x1180, v55  }
0x88: {  	v55 =	vsel vm12, $0x1802, v42;
	v42 =	vsel vm11, $0x1903, v56;
	v34 =	vsel vm10, $0x1D84, v34  }
0x89: {  	v35 =	vsel vm9, $0x1E85, v35;
	v22 =	vsel vm6, $0x1209, v22;
	v14 =	vsel vm2, $0x18B, v14  }
0x8a: {  	v15 =	vsel vm4, $0x18A, v15;
	v49 =	vsel vm10, $0x704, v48;
	v16 =	vsel vm13, $0x1201, v16  }
0x8b: {  	v48 =	vsel vm12, $0x1D82, v37;
	v42 =	vsel vm10, $0x1984, v42;
	v34 =	vsel vm9, $0x1E05, v34  }
0x8c: {  	v35 =	vsel vm8, $0x1F06, v35;
	v14 =	vsel vm3, $0x20C, v14;
	v1 =	vsel vm2, $0x20B, v15  }
0x8d: {  	v15 =	vsel vm14, $0x1100, v54;
	v54 =	vsel vm12, $0x1F82, v41;
	v36 =	vsel vm11, $0x1E03, v48  }
0x8e: {  	v41 =	vsel vm11, $0x1883, v55;
	v42 =	vsel vm9, $0x1A05, v42;
	v34 =	vsel vm8, $0x1E86, v34  }
0x8f: {  	v48 =	vsel vm7, $0x1187, v24;
	v24 =	vsel vm7, $0x1207, v25;
	v25 =	vsel vm7, $0x1287, v26  }
0x90: {  	v26 =	vsel vm7, $0x1307, v27;
	v27 =	vsel vm7, $0x1C07, v28;
	v28 =	vsel vm7, $0x1C87, v29  }
0x91: {  	v29 =	vsel vm7, $0x1D07, v30;
	v30 =	vsel vm7, $0x1D87, v31;
	v31 =	vsel vm7, $0x1E07, v32  }
0x92: {  	v14 =	vsel vm1, $0x28D, v14;
	v1 =	vsel vm3, $0x28C, v1;
	v15 =	vsel vm13, $0x1181, v15  }
0x93: {  	v36 =	vsel vm10, $0x1E84, v36;
	v41 =	vsel vm10, $0x1904, v41;
	v42 =	vsel vm8, $0x1A86, v42  }
0x94: {  	v23 =	vsel vm5, $0x1208, v48;
	v24 =	vsel vm5, $0x1288, v24;
	v25 =	vsel vm5, $0x1308, v25  }
0x95: {  	v26 =	vsel vm5, $0x1388, v26;
	v27 =	vsel vm5, $0x1C88, v27;
	v28 =	vsel vm5, $0x1D08, v28  }
0x96: {  	v29 =	vsel vm5, $0x1D88, v29;
	v30 =	vsel vm5, $0x1E08, v30;
	v31 =	vsel vm5, $0x1E88, v31  }
0x97: {  	[tilespmem:$0x1F7F0] =	vst v0;
	v14 =	vsel vm0, $0x30E, v14;
	v0 =	vsel vm1, $0x30D, v1;
	v1 =	vsel vm9, $0x785, v49  }
0x98: {  	v49 =	vsel vm12, $0x1E02, v38;
	v36 =	vsel vm9, $0x1F05, v36;
	v41 =	vsel vm9, $0x1985, v41  }
0x99: {  	v23 =	vsel vm6, $0x1289, v23;
	v24 =	vsel vm6, $0x1309, v24;
	v25 =	vsel vm6, $0x1389, v25  }
0x9a: {  	v26 =	vsel vm6, $0x1409, v26;
	v27 =	vsel vm6, $0x1D09, v27;
	v28 =	vsel vm6, $0x1D89, v28  }
0x9b: {  	v29 =	vsel vm6, $0x1E09, v29;
	v30 =	vsel vm6, $0x1E89, v30;
	v31 =	vsel vm6, $0x1F09, v31  }
0x9c: {  	[tilespmem:$0x1F7E0] =	vst v14;
	v1 =	vsel vm8, $0x6, v1;
	v0 =	vsel vm0, $0x38E, v0;
	v14 =	vsel vm14, $0x1080, v53  }
0x9d: {  	v53 =	vsel vm12, $0x1F02, v40;
	v37 =	vsel vm11, $0x1E83, v49;
	v40 =	vsel vm11, $0x1803, v54  }
0x9e: {  	v36 =	vsel vm8, $0x1F86, v36;
	v41 =	vsel vm8, $0x1A06, v41;
	v49 =	vsel vm7, $0x1E87, v33  }
0x9f: {  	v48 =	vsel vm4, $0x138A, v24;
	[tilespmem:$0x1FA90] =	vst v0;
	v0 =	vsel vm7, $0x87, v1;
	v1 =	vsel vm14, $0x580, v7  }
0xa0: {  	v7 =	vimm.s32 $0xC0F;
	v14 =	vsel vm13, $0x1101, v14;
	v37 =	vsel vm10, $0x1F04, v37  }
0xa1: {  	v40 =	vsel vm10, $0x1884, v40;
	v54 =	vsel vm7, $0x1807, v36;
	v32 =	vsel vm5, $0x1F08, v49  }
0xa2: {  	v49 =	vsel vm4, $0x140A, v25;
	v0 =	vsel vm5, $0x108, v0;
	v1 =	vsel vm13, $0x601, v1  }
0xa3: {  	v7 =	vsel vm14, $0xC80, v7;
	v37 =	vsel vm9, $0x1F85, v37;
	v40 =	vsel vm9, $0x1905, v40  }
0xa4: {  	v32 =	vsel vm6, $0x1F89, v32;
	v0 =	vsel vm6, $0x189, v0;
	v1 =	vsel vm12, $0x682, v1  }
0xa5: {  	v7 =	vsel vm13, $0xD01, v7;
	v37 =	vsel vm8, $0x1806, v37;
	v40 =	vsel vm8, $0x1986, v40  }
0xa6: {  	v0 =	vsel vm4, $0x20A, v0;
	v1 =	vsel vm11, $0x703, v1;
	v55 =	vsel vm7, $0x1887, v37  }
0xa7: {  	v0 =	vsel vm2, $0x28B, v0;
	v1 =	vsel vm10, $0x784, v1;
	v36 =	vsel vm5, $0x1908, v55  }
0xa8: {  	v55 =	vsel vm4, $0x1E8A, v29;
	v0 =	vsel vm3, $0x30C, v0;
	v1 =	vsel vm9, $0x5, v1  }
0xa9: {  	v36 =	vsel vm6, $0x1989, v36;
	v0 =	vsel vm1, $0x38D, v0;
	v1 =	vsel vm8, $0x86, v1  }
0xaa: {  	v24 =	vsel vm4, $0x1A0A, v36;
	v1 =	vsel vm7, $0x107, v1;
	v0 =	vsel vm0, $0x40E, v0  }
0xab: {  	v24 =	vsel vm2, $0x1A8B, v24;
	[tilespmem:$0x1F810] =	vst v0;
	v0 =	vsel vm5, $0x188, v1;
	v1 =	vsel vm9, $0x85, v3  }
0xac: {  	v3 =	vcombine.low v4, v5;
	v4 =	vimm.s32 $0xA8F;
	v5 =	vimm.s32 $0xB0F  }
0xad: {  	v24 =	vsel vm3, $0x1B0C, v24;
	v0 =	vsel vm6, $0x209, v0;
	v1 =	vsel vm8, $0x106, v1  }
0xae: {  	v4 =	vsel vm14, $0xB00, v4;
	v0 =	vsel vm4, $0x28A, v0;
	v1 =	vsel vm7, $0x187, v1  }
0xaf: {  	v5 =	vsel vm14, $0xB80, v5;
	v0 =	vsel vm2, $0x30B, v0;
	v1 =	vsel vm5, $0x208, v1  }
0xb0: {  	v24 =	vsel vm1, $0x1B8D, v24;
	v0 =	vsel vm3, $0x38C, v0;
	v1 =	vsel vm6, $0x289, v1  }
0xb1: {  	v4 =	vsel vm13, $0xB81, v4;
	v0 =	vsel vm1, $0x40D, v0;
	v1 =	vsel vm4, $0x30A, v1  }
0xb2: {  	v5 =	vsel vm13, $0xC01, v5;
	v1 =	vsel vm2, $0x38B, v1;
	v0 =	vsel vm0, $0x48E, v0  }
0xb3: {  	v24 =	vsel vm0, $0x1C0E, v24;
	[tilespmem:$0x1F830] =	vst v0;
	v0 =	vsel vm3, $0x40C, v1;
	v1 =	vsel vm10, $0x84, v2  }
0xb4: {  	v2 =	vand.u32 $0xF, v3;
	v3 =	vimm.s32 $0x68F;
	v0 =	vsel vm1, $0x48D, v0  }
0xb5: {  	[tilespmem:$0x1F840] =	vst v2;
	v1 =	vsel vm9, $0x105, v1;
	v2 =	vcombine.low v8, v9;
	v8 =	vimm.s32 $0xC8F  }
0xb6: {  	v9 =	vimm.s32 $0xD0F;
	v1 =	vsel vm8, $0x186, v1;
	v0 =	vsel vm0, $0x50E, v0  }
0xb7: {  	v8 =	vsel vm14, $0xD00, v8;
	v9 =	vsel vm14, $0xD80, v9;
	[tilespmem:$0x1F850] =	vst v0;
	v0 =	vsel vm7, $0x207, v1  }
0xb8: {  	v1 =	vsel vm14, $0x700, v3;
	v2 =	vand.u32 $0xF, v2;
	v3 =	vcombine.low v12, v13  }
0xb9: {  	v12 =	vsel vm14, $0xF00, v50;
	v13 =	vsel vm14, $0xF80, v52;
	v50 =	vunpack.c.0.s8.s32 v44  }
0xba: {  	v8 =	vsel vm13, $0xD81, v8;
	v9 =	vsel vm13, $0xE01, v9;
	v52 =	vsel vm12, $0x1E82, v39  }
0xbb: {  	v39 =	vsel vm11, $0x1F83, v53;
	v53 =	vsel vm7, $0x1F87, v35;
	v35 =	vsel vm5, $0x1888, v54  }
0xbc: {  	v54 =	vsel vm4, $0x1E0A, v28;
	v0 =	vsel vm5, $0x288, v0;
	v1 =	vsel vm13, $0x781, v1  }
0xbd: {  	[tilespmem:$0x1F860] =	vst v2;
	v2 =	vimm.s32 $0x70F;
	v12 =	vsel vm13, $0xF81, v12;
	v13 =	vsel vm13, $0x801, v13  }
0xbe: {  	v38 =	vsel vm11, $0x1F03, v52;
	v39 =	vsel vm10, $0x1804, v39;
	v52 =	vsel vm7, $0x1F07, v34  }
0xbf: {  	v34 =	vsel vm5, $0x1808, v53;
	v35 =	vsel vm6, $0x1909, v35;
	v53 =	vsel vm4, $0x1D8A, v27  }
0xc0: {  	v0 =	vsel vm6, $0x309, v0;
	v1 =	vsel vm12, $0x2, v1;
	v2 =	vsel vm14, $0x780, v2  }
0xc1: {  	v38 =	vsel vm10, $0x1F84, v38;
	v39 =	vsel vm9, $0x1885, v39;
	v33 =	vsel vm5, $0x1F88, v52  }
0xc2: {  	v34 =	vsel vm6, $0x1889, v34;
	v52 =	vsel vm4, $0x148A, v26;
	v0 =	vsel vm4, $0x38A, v0  }
0xc3: {  	v1 =	vsel vm11, $0x83, v1;
	v2 =	vsel vm13, $0x1, v2;
	v38 =	vsel vm9, $0x1805, v38  }
0xc4: {  	v39 =	vsel vm8, $0x1906, v39;
	v33 =	vsel vm6, $0x1809, v33;
	v0 =	vsel vm2, $0x40B, v0  }
0xc5: {  	v1 =	vsel vm10, $0x104, v1;
	v2 =	vsel vm12, $0x82, v2;
	v38 =	vsel vm8, $0x1886, v38  }
0xc6: {  	v58 =	vsel vm7, $0x1987, v39;
	v0 =	vsel vm3, $0x48C, v0;
	v1 =	vsel vm9, $0x185, v1  }
0xc7: {  	v2 =	vsel vm11, $0x103, v2;
	v56 =	vsel vm7, $0x1907, v38;
	v38 =	vsel vm5, $0x1A08, v58  }
0xc8: {  	v58 =	vsel vm4, $0x1F8A, v31;
	v31 =	vimm.s32 $0x24232221;
	v0 =	vsel vm1, $0x50D, v0  }
0xc9: {  	v1 =	vsel vm8, $0x206, v1;
	v2 =	vsel vm10, $0x184, v2;
	v37 =	vsel vm5, $0x1988, v56  }
0xca: {  	v38 =	vsel vm6, $0x1A89, v38;
	v56 =	vsel vm4, $0x1F0A, v30;
	v30 =	vimm.s32 $0x2C2B2A29  }
0xcb: {  	v1 =	vsel vm7, $0x287, v1;
	v0 =	vsel vm0, $0x58E, v0;
	v37 =	vsel vm6, $0x1A09, v37  }
0xcc: {  	v26 =	vsel vm4, $0x1B0A, v38;
	[tilespmem:$0x1F870] =	vst v0;
	v0 =	vsel vm5, $0x308, v1;
	v1 =	vsel vm9, $0x205, v2  }
0xcd: {  	v30 =	vunpack.c.0.s8.s32 v30;
	v0 =	vsel vm6, $0x389, v0;
	v1 =	vsel vm8, $0x286, v1  }
0xce: {  	v2 =	vand.u32 $0xF, v3;
	v0 =	vsel vm4, $0x40A, v0;
	v1 =	vsel vm7, $0x307, v1  }
0xcf: {  	v3 =	vcombine.low v10, v11;
	v0 =	vsel vm2, $0x48B, v0;
	v1 =	vsel vm5, $0x388, v1  }
0xd0: {  	v10 =	vimm.s32 $0xD8F;
	v0 =	vsel vm3, $0x50C, v0;
	v1 =	vsel vm6, $0x409, v1  }
0xd1: {  	v11 =	vimm.s32 $0xE0F;
	v0 =	vsel vm1, $0x58D, v0;
	v1 =	vsel vm4, $0x48A, v1  }
0xd2: {  	v25 =	vsel vm4, $0x1A8A, v37;
	[tilespmem:$0x1F880] =	vst v2;
	v1 =	vsel vm2, $0x50B, v1;
	v0 =	vsel vm0, $0x60E, v0  }
0xd3: {  	v26 =	vsel vm2, $0x1B8B, v26;
	v2 =	vimm.s32 $0x80F;
	[tilespmem:$0x1F890] =	vst v0;
	v0 =	vsel vm3, $0x58C, v1  }
0xd4: {  	v10 =	vsel vm14, $0xE00, v10;
	v2 =	vsel vm14, $0x880, v2;
	v0 =	vsel vm1, $0x60D, v0  }
0xd5: {  	v11 =	vsel vm14, $0xE80, v11;
	v2 =	vsel vm13, $0x901, v2;
	v0 =	vsel vm0, $0x68E, v0  }
0xd6: {  	v25 =	vsel vm2, $0x1B0B, v25;
	v2 =	vsel vm12, $0x982, v2;
	[tilespmem:$0x1F8B0] =	vst v0;
	v0 =	vimm.s32 $0x1C1B1A19  }
0xd7: {  	v26 =	vsel vm3, $0x1C0C, v26;
	v2 =	vsel vm11, $0xA03, v2;
	v0 =	vunpack.c.0.s8.s32 v0  }
0xd8: {  	[tilespmem:$0x1FA10] =	vst v30;
	v30 =	vimm.s32 $0x202F2E2D;
	v10 =	vsel vm13, $0xE81, v10;
	v1 =	vsel vm10, $0xA84, v2  }
0xd9: {  	v11 =	vsel vm13, $0xF01, v11;
	v1 =	vsel vm9, $0xB05, v1;
	[tilespmem:$0x1FCD0] =	vst v0;
	v0 =	vimm.s32 $0x101F1E1D  }
0xda: {  	v2 =	vand.u32 $0xF, v3;
	v1 =	vsel vm8, $0xB86, v1;
	v0 =	vunpack.c.0.s8.s32 v0  }
0xdb: {  	v25 =	vsel vm3, $0x1B8C, v25;
	v30 =	vunpack.c.0.s8.s32 v30;
	[tilespmem:$0x1F8A0] =	vst v2;
	v1 =	vsel vm7, $0xC07, v1  }
0xdc: {  	v26 =	vsel vm1, $0x1C8D, v26;
	v2 =	vimm.s32 $0x14131211;
	[tilespmem:$0x1FCE0] =	vst v0;
	v0 =	vsel vm5, $0xC88, v1  }
0xdd: {  	v2 =	vunpack.c.0.s8.s32 v2;
	v1 =	vimm.s32 $0x88F;
	v0 =	vsel vm6, $0xD09, v0  }
0xde: {  	[tilespmem:$0x1FA20] =	vst v30;
	v30 =	vunpack.c.0.s8.s32 v31;
	v1 =	vsel vm14, $0x900, v1;
	v0 =	vsel vm4, $0xD8A, v0  }
0xdf: {  	[tilespmem:$0x1FCF0] =	vst v2;
	v2 =	vimm.s32 $0x18171615;
	v1 =	vsel vm13, $0x981, v1;
	v0 =	vsel vm2, $0xE0B, v0  }
0xe0: {  	v2 =	vunpack.c.0.s8.s32 v2;
	v1 =	vsel vm12, $0xA02, v1;
	v0 =	vsel vm3, $0xE8C, v0  }
0xe1: {  	v25 =	vsel vm1, $0x1C0D, v25;
	[tilespmem:$0x1FA30] =	vst v30;
	v1 =	vsel vm11, $0xA83, v1;
	v0 =	vsel vm1, $0xF0D, v0  }
0xe2: {  	v30 =	vimm.s32 $0x28272625;
	[tilespmem:$0x1FD00] =	vst v2;
	v1 =	vsel vm10, $0xB04, v1;
	v0 =	vsel vm0, $0xF8E, v0  }
0xe3: {  	v3 =	vimm.s32 $0xA0F;
	v2 =	vimm.s32 $0x90F;
	[tilespmem:$0x1F8C0] =	vst v0;
	v0 =	vsel vm9, $0xB85, v1  }
0xe4: {  	v30 =	vunpack.c.0.s8.s32 v30;
	v1 =	vsel vm14, $0x980, v2;
	v0 =	vsel vm8, $0xC06, v0  }
0xe5: {  	v3 =	vsel vm14, $0xA80, v3;
	v1 =	vsel vm13, $0xA01, v1;
	v0 =	vsel vm7, $0xC87, v0  }
0xe6: {  	v2 =	vimm.s32 $0x1D1C1B1A;
	v1 =	vsel vm12, $0xA82, v1;
	v0 =	vsel vm5, $0xD08, v0  }
0xe7: {  	v59 =	vunpack.c.0.s8.s32 v2;
	v1 =	vsel vm11, $0xB03, v1;
	v0 =	vsel vm6, $0xD89, v0  }
0xe8: {  	v2 =	vimm.s32 $0x11101F1E;
	v1 =	vsel vm10, $0xB84, v1;
	v0 =	vsel vm4, $0xE0A, v0  }
0xe9: {  	v51 =	vunpack.c.0.s8.s32 v2;
	v1 =	vsel vm9, $0xC05, v1;
	v0 =	vsel vm2, $0xE8B, v0  }
0xea: {  	v2 =	vimm.s32 $0x98F;
	v1 =	vsel vm8, $0xC86, v1;
	v0 =	vsel vm3, $0xF0C, v0  }
0xeb: {  	v2 =	vsel vm14, $0xA00, v2;
	v1 =	vsel vm7, $0xD07, v1;
	v0 =	vsel vm1, $0xF8D, v0  }
0xec: {  	v2 =	vsel vm13, $0xA81, v2;
	v1 =	vsel vm5, $0xD88, v1;
	v0 =	vsel vm0, $0x80E, v0  }
0xed: {  	v3 =	vsel vm13, $0xB01, v3;
	[tilespmem:$0x1F8D0] =	vst v0;
	v0 =	vsel vm6, $0xE09, v1;
	v1 =	vsel vm12, $0xB02, v2  }
0xee: {  	v2 =	vsel vm12, $0xB82, v3;
	v3 =	vsel vm12, $0xC02, v4;
	v4 =	vsel vm12, $0xC82, v5  }
0xef: {  	v5 =	vsel vm12, $0xD02, v6;
	v6 =	vsel vm12, $0xD82, v7;
	v7 =	vsel vm12, $0xE02, v8  }
0xf0: {  	v8 =	vsel vm12, $0xE82, v9;
	v9 =	vsel vm12, $0xF02, v10;
	v10 =	vsel vm12, $0xF82, v11  }
0xf1: {  	v11 =	vsel vm12, $0x802, v12;
	v12 =	vsel vm12, $0x882, v13;
	v13 =	vsel vm12, $0x1182, v14  }
0xf2: {  	v14 =	vsel vm12, $0x1202, v15;
	v15 =	vsel vm12, $0x1282, v16;
	v16 =	vsel vm12, $0x1302, v17  }
0xf3: {  	v17 =	vsel vm12, $0x1382, v18;
	v18 =	vsel vm12, $0x1402, v19;
	v19 =	vsel vm12, $0x1482, v20  }
0xf4: {  	v20 =	vsel vm12, $0x1502, v21;
	v21 =	vsel vm11, $0x1603, v60;
	v60 =	vimm.s32 $0x1211101F  }
0xf5: {  	v0 =	vsel vm4, $0xE8A, v0;
	v1 =	vsel vm11, $0xB83, v1;
	v2 =	vsel vm11, $0xC03, v2  }
0xf6: {  	v3 =	vsel vm11, $0xC83, v3;
	v4 =	vsel vm11, $0xD03, v4;
	v5 =	vsel vm11, $0xD83, v5  }
0xf7: {  	v6 =	vsel vm11, $0xE03, v6;
	v7 =	vsel vm11, $0xE83, v7;
	v8 =	vsel vm11, $0xF03, v8  }
0xf8: {  	v9 =	vsel vm11, $0xF83, v9;
	v10 =	vsel vm11, $0x803, v10;
	v11 =	vsel vm11, $0x883, v11  }
0xf9: {  	v12 =	vsel vm11, $0x903, v12;
	v13 =	vsel vm11, $0x1203, v13;
	v14 =	vsel vm11, $0x1283, v14  }
0xfa: {  	v15 =	vsel vm11, $0x1303, v15;
	v16 =	vsel vm11, $0x1383, v16;
	v17 =	vsel vm11, $0x1403, v17  }
0xfb: {  	v18 =	vsel vm11, $0x1483, v18;
	v19 =	vsel vm11, $0x1503, v19;
	v20 =	vsel vm11, $0x1583, v20  }
0xfc: {  	[tilespmem:$0x1F8E0] =	vst v43;
	v43 =	vunpack.c.0.s8.s32 v60;
	v21 =	vsel vm10, $0x1684, v21;
	v60 =	vsel vm7, $0x1A07, v40  }
0xfd: {  	v0 =	vsel vm2, $0xF0B, v0;
	v1 =	vsel vm10, $0xC04, v1;
	v2 =	vsel vm10, $0xC84, v2  }
0xfe: {  	v3 =	vsel vm10, $0xD04, v3;
	v4 =	vsel vm10, $0xD84, v4;
	v5 =	vsel vm10, $0xE04, v5  }
0xff: {  	v6 =	vsel vm10, $0xE84, v6;
	v7 =	vsel vm10, $0xF04, v7;
	v8 =	vsel vm10, $0xF84, v8  }
0x100: {  	v9 =	vsel vm10, $0x804, v9;
	v10 =	vsel vm10, $0x884, v10;
	v11 =	vsel vm10, $0x904, v11  }
0x101: {  	v12 =	vsel vm10, $0x984, v12;
	v13 =	vsel vm10, $0x1284, v13;
	v14 =	vsel vm10, $0x1304, v14  }
0x102: {  	v15 =	vsel vm10, $0x1384, v15;
	v16 =	vsel vm10, $0x1404, v16;
	v17 =	vsel vm10, $0x1484, v17  }
0x103: {  	v18 =	vsel vm10, $0x1504, v18;
	v19 =	vsel vm10, $0x1584, v19;
	v20 =	vsel vm10, $0x1604, v20  }
0x104: {  	v21 =	vsel vm9, $0x1705, v21;
	v39 =	vsel vm5, $0x1A88, v60;
	v60 =	vsel vm4, $0x180A, v32  }
0x105: {  	[tilespmem:$0x1F8F0] =	vst v43;
	v43 =	vunpack.c.0.s8.s32 v61;
	v0 =	vsel vm3, $0xF8C, v0;
	v1 =	vsel vm9, $0xC85, v1  }
0x106: {  	v2 =	vsel vm9, $0xD05, v2;
	v3 =	vsel vm9, $0xD85, v3;
	v4 =	vsel vm9, $0xE05, v4  }
0x107: {  	v5 =	vsel vm9, $0xE85, v5;
	v6 =	vsel vm9, $0xF05, v6;
	v7 =	vsel vm9, $0xF85, v7  }
0x108: {  	v8 =	vsel vm9, $0x805, v8;
	v9 =	vsel vm9, $0x885, v9;
	v10 =	vsel vm9, $0x905, v10  }
0x109: {  	v11 =	vsel vm9, $0x985, v11;
	v12 =	vsel vm9, $0xA05, v12;
	v13 =	vsel vm9, $0x1305, v13  }
0x10a: {  	v14 =	vsel vm9, $0x1385, v14;
	v15 =	vsel vm9, $0x1405, v15;
	v16 =	vsel vm9, $0x1485, v16  }
0x10b: {  	v17 =	vsel vm9, $0x1505, v17;
	v18 =	vsel vm9, $0x1585, v18;
	v19 =	vsel vm9, $0x1605, v19  }
0x10c: {  	v20 =	vsel vm9, $0x1685, v20;
	v21 =	vsel vm8, $0x1786, v21;
	v61 =	vsel vm7, $0x1A87, v41  }
0x10d: {  	v39 =	vsel vm6, $0x1B09, v39;
	v0 =	vsel vm1, $0x80D, v0;
	v1 =	vsel vm8, $0xD06, v1  }
0x10e: {  	v2 =	vsel vm8, $0xD86, v2;
	v3 =	vsel vm8, $0xE06, v3;
	v4 =	vsel vm8, $0xE86, v4  }
0x10f: {  	v5 =	vsel vm8, $0xF06, v5;
	v6 =	vsel vm8, $0xF86, v6;
	v7 =	vsel vm8, $0x806, v7  }
0x110: {  	v8 =	vsel vm8, $0x886, v8;
	v9 =	vsel vm8, $0x906, v9;
	v10 =	vsel vm8, $0x986, v10  }
0x111: {  	v11 =	vsel vm8, $0xA06, v11;
	v12 =	vsel vm8, $0xA86, v12;
	v13 =	vsel vm8, $0x1386, v13  }
0x112: {  	v14 =	vsel vm8, $0x1406, v14;
	v15 =	vsel vm8, $0x1486, v15;
	v16 =	vsel vm8, $0x1506, v16  }
0x113: {  	v17 =	vsel vm8, $0x1586, v17;
	v18 =	vsel vm8, $0x1606, v18;
	v19 =	vsel vm8, $0x1686, v19  }
0x114: {  	v20 =	vsel vm8, $0x1706, v20;
	v45 =	vsel vm7, $0x1007, v21;
	v21 =	vsel vm5, $0x1108, v46  }
0x115: {  	v40 =	vsel vm5, $0x1B08, v61;
	v46 =	vimm.s32 $0x1B1A1918;
	v61 =	vsel vm4, $0x188A, v33  }
0x116: {  	v27 =	vsel vm4, $0x1B8A, v39;
	[tilespmem:$0x1F900] =	vst v43;
	v43 =	vunpack.c.0.s8.s32 v62;
	v0 =	vsel vm0, $0x88E, v0  }
0x117: {  	v62 =	vsel vm7, $0x1B07, v42;
	v21 =	vsel vm6, $0x1189, v21;
	v40 =	vsel vm6, $0x1B89, v40  }
0x118: {  	v47 =	vunpack.c.0.s8.s32 v46;
	v27 =	vsel vm2, $0x1C0B, v27;
	[tilespmem:$0x1F920] =	vst v0;
	v0 =	vunpack.c.0.s8.s32 v63  }
0x119: {  	v63 =	vimm.s32 $0x13121110;
	v41 =	vsel vm5, $0x1B88, v62;
	v62 =	vsel vm4, $0x190A, v34  }
0x11a: {  	v28 =	vsel vm4, $0x1C0A, v40;
	v27 =	vsel vm3, $0x1C8C, v27;
	v42 =	vunpack.c.0.s8.s32 v63  }
0x11b: {  	v41 =	vsel vm6, $0x1C09, v41;
	v63 =	vsel vm4, $0x198A, v35;
	v28 =	vsel vm2, $0x1C8B, v28  }
0x11c: {  	v27 =	vsel vm1, $0x1D0D, v27;
	[tilespmem:$0x1F930] =	vst v0;
	v0 =	vsel vm7, $0xD87, v1;
	v1 =	vsel vm7, $0xE07, v2  }
0x11d: {  	v2 =	vsel vm7, $0xE87, v3;
	v3 =	vsel vm7, $0xF07, v4;
	v4 =	vsel vm7, $0xF87, v5  }
0x11e: {  	v5 =	vsel vm7, $0x807, v6;
	v6 =	vsel vm7, $0x887, v7;
	v7 =	vsel vm7, $0x907, v8  }
0x11f: {  	v8 =	vsel vm7, $0x987, v9;
	v9 =	vsel vm7, $0xA07, v10;
	v10 =	vsel vm7, $0xA87, v11  }
0x120: {  	v11 =	vsel vm7, $0xB07, v12;
	v12 =	vsel vm7, $0x1407, v13;
	v13 =	vsel vm7, $0x1487, v14  }
0x121: {  	v14 =	vsel vm7, $0x1507, v15;
	v15 =	vsel vm7, $0x1587, v16;
	v16 =	vsel vm7, $0x1607, v17  }
0x122: {  	v17 =	vsel vm7, $0x1687, v18;
	v18 =	vsel vm7, $0x1707, v19;
	v19 =	vsel vm7, $0x1787, v20  }
0x123: {  	v20 =	vsel vm5, $0x1088, v45;
	v45 =	vimm.s32 $0x17161514;
	v29 =	vsel vm4, $0x1C8A, v41  }
0x124: {  	v28 =	vsel vm3, $0x1D0C, v28;
	v0 =	vsel vm5, $0xE08, v0;
	v1 =	vsel vm5, $0xE88, v1  }
0x125: {  	v2 =	vsel vm5, $0xF08, v2;
	v3 =	vsel vm5, $0xF88, v3;
	v4 =	vsel vm5, $0x808, v4  }
0x126: {  	v5 =	vsel vm5, $0x888, v5;
	v6 =	vsel vm5, $0x908, v6;
	v7 =	vsel vm5, $0x988, v7  }
0x127: {  	v8 =	vsel vm5, $0xA08, v8;
	v9 =	vsel vm5, $0xA88, v9;
	v10 =	vsel vm5, $0xB08, v10  }
0x128: {  	v11 =	vsel vm5, $0xB88, v11;
	v12 =	vsel vm5, $0x1488, v12;
	v13 =	vsel vm5, $0x1508, v13  }
0x129: {  	v14 =	vsel vm5, $0x1588, v14;
	v15 =	vsel vm5, $0x1608, v15;
	v16 =	vsel vm5, $0x1688, v16  }
0x12a: {  	v17 =	vsel vm5, $0x1708, v17;
	v18 =	vsel vm5, $0x1788, v18;
	v19 =	vsel vm5, $0x1008, v19  }
0x12b: {  	[tilespmem:$0x1F940] =	vst v42;
	v20 =	vsel vm6, $0x1109, v20;
	v42 =	vunpack.c.0.s8.s32 v45;
	v29 =	vsel vm2, $0x1D0B, v29  }
0x12c: {  	v28 =	vsel vm1, $0x1D8D, v28;
	v0 =	vsel vm6, $0xE89, v0;
	v1 =	vsel vm6, $0xF09, v1  }
0x12d: {  	v2 =	vsel vm6, $0xF89, v2;
	v3 =	vsel vm6, $0x809, v3;
	v4 =	vsel vm6, $0x889, v4  }
0x12e: {  	v5 =	vsel vm6, $0x909, v5;
	v6 =	vsel vm6, $0x989, v6;
	v7 =	vsel vm6, $0xA09, v7  }
0x12f: {  	v8 =	vsel vm6, $0xA89, v8;
	v9 =	vsel vm6, $0xB09, v9;
	v10 =	vsel vm6, $0xB89, v10  }
0x130: {  	v11 =	vsel vm6, $0xC09, v11;
	v12 =	vsel vm6, $0x1509, v12;
	v0 =	vsel vm4, $0xF0A, v0  }
0x131: {  	v1 =	vsel vm4, $0xF8A, v1;
	v2 =	vsel vm4, $0x80A, v2;
	v0 =	vsel vm2, $0xF8B, v0  }
0x132: {  	v1 =	vsel vm2, $0x80B, v1;
	v2 =	vsel vm2, $0x88B, v2;
	v0 =	vsel vm3, $0x80C, v0  }
0x133: {  	v1 =	vsel vm3, $0x88C, v1;
	v2 =	vsel vm3, $0x90C, v2;
	v0 =	vsel vm1, $0x88D, v0  }
0x134: {  	v46 =	vsel vm0, $0x90E, v0;
	v0 =	vsel vm1, $0x90D, v1;
	v1 =	vsel vm1, $0x98D, v2  }
0x135: {  	[tilespmem:$0x1F910] =	vst v43;
	v13 =	vsel vm6, $0x1589, v13;
	v43 =	vsel vm0, $0x98E, v0;
	v0 =	vsel vm0, $0xA0E, v1  }
0x136: {  	v14 =	vsel vm6, $0x1609, v14;
	v15 =	vsel vm6, $0x1689, v15;
	[tilespmem:$0x1F970] =	vst v0;
	v0 =	vsel vm4, $0x88A, v3  }
0x137: {  	v16 =	vsel vm6, $0x1709, v16;
	v17 =	vsel vm6, $0x1789, v17;
	v0 =	vsel vm2, $0x90B, v0  }
0x138: {  	v18 =	vsel vm6, $0x1009, v18;
	v1 =	vsel vm4, $0x90A, v4;
	v0 =	vsel vm3, $0x98C, v0  }
0x139: {  	v2 =	vsel vm4, $0x98A, v5;
	v1 =	vsel vm2, $0x98B, v1;
	v0 =	vsel vm1, $0xA0D, v0  }
0x13a: {  	v2 =	vsel vm2, $0xA0B, v2;
	v1 =	vsel vm3, $0xA0C, v1;
	v0 =	vsel vm0, $0xA8E, v0  }
0x13b: {  	v29 =	vsel vm3, $0x1D8C, v29;
	v2 =	vsel vm3, $0xA8C, v2;
	[tilespmem:$0x1F980] =	vst v0;
	v0 =	vsel vm1, $0xA8D, v1  }
0x13c: {  	v29 =	vsel vm1, $0x1E0D, v29;
	v1 =	vsel vm1, $0xB0D, v2;
	v0 =	vsel vm0, $0xB0E, v0  }
0x13d: {  	v19 =	vsel vm6, $0x1089, v19;
	v36 =	vsel vm0, $0x1E8E, v29;
	[tilespmem:$0x1F990] =	vst v0;
	v0 =	vsel vm0, $0xB8E, v1  }
0x13e: {  	v5 =	vsel vm4, $0x100A, v17;
	v17 =	vsel vm2, $0x1F0B, v55;
	[tilespmem:$0x1F9A0] =	vst v0;
	v0 =	vsel vm4, $0xA0A, v6  }
0x13f: {  	v4 =	vsel vm4, $0x178A, v16;
	v5 =	vsel vm2, $0x108B, v5;
	v0 =	vsel vm2, $0xA8B, v0  }
0x140: {  	v16 =	vsel vm2, $0x1E8B, v54;
	v1 =	vsel vm4, $0xA8A, v7;
	v0 =	vsel vm3, $0xB0C, v0  }
0x141: {  	v2 =	vsel vm4, $0xB0A, v8;
	v1 =	vsel vm2, $0xB0B, v1;
	v0 =	vsel vm1, $0xB8D, v0  }
0x142: {  	v2 =	vsel vm2, $0xB8B, v2;
	v1 =	vsel vm3, $0xB8C, v1;
	v0 =	vsel vm0, $0xC0E, v0  }
0x143: {  	v17 =	vsel vm3, $0x1F8C, v17;
	v2 =	vsel vm3, $0xC0C, v2;
	[tilespmem:$0x1F9B0] =	vst v0;
	v0 =	vsel vm1, $0xC0D, v1  }
0x144: {  	v3 =	vsel vm4, $0x170A, v15;
	v1 =	vsel vm1, $0xC8D, v2;
	v0 =	vsel vm0, $0xC8E, v0  }
0x145: {  	v4 =	vsel vm2, $0x100B, v4;
	v5 =	vsel vm3, $0x110C, v5;
	[tilespmem:$0x1F9C0] =	vst v0;
	v0 =	vsel vm0, $0xD0E, v1  }
0x146: {  	v15 =	vsel vm2, $0x1E0B, v53;
	v16 =	vsel vm3, $0x1F0C, v16;
	[tilespmem:$0x1F9D0] =	vst v0;
	v0 =	vsel vm4, $0xB8A, v9  }
0x147: {  	v17 =	vsel vm1, $0x180D, v17;
	v3 =	vsel vm2, $0x178B, v3;
	v0 =	vsel vm2, $0xC0B, v0  }
0x148: {  	v4 =	vsel vm3, $0x108C, v4;
	v1 =	vsel vm4, $0xC0A, v10;
	v0 =	vsel vm3, $0xC8C, v0  }
0x149: {  	v2 =	vsel vm4, $0xC8A, v11;
	v1 =	vsel vm2, $0xC8B, v1;
	v0 =	vsel vm1, $0xD0D, v0  }
0x14a: {  	v2 =	vsel vm2, $0xD0B, v2;
	v1 =	vsel vm3, $0xD0C, v1;
	v0 =	vsel vm0, $0xD8E, v0  }
0x14b: {  	v15 =	vsel vm3, $0x1E8C, v15;
	v2 =	vsel vm3, $0xD8C, v2;
	[tilespmem:$0x1F9E0] =	vst v0;
	v0 =	vsel vm1, $0xD8D, v1  }
0x14c: {  	v5 =	vsel vm1, $0x118D, v5;
	v1 =	vsel vm1, $0xE0D, v2;
	v0 =	vsel vm0, $0xE0E, v0  }
0x14d: {  	v16 =	vsel vm1, $0x1F8D, v16;
	v33 =	vsel vm0, $0x188E, v17;
	[tilespmem:$0x1F9F0] =	vst v0;
	v0 =	vsel vm0, $0xE8E, v1  }
0x14e: {  	v3 =	vsel vm3, $0x100C, v3;
	v4 =	vsel vm1, $0x110D, v4;
	[tilespmem:$0x1FA00] =	vst v0;
	v0 =	vsel vm4, $0x158A, v12  }
0x14f: {  	v15 =	vsel vm1, $0x1F0D, v15;
	v35 =	vsel vm0, $0x120E, v5;
	v0 =	vsel vm2, $0x160B, v0  }
0x150: {  	v16 =	vsel vm0, $0x180E, v16;
	v1 =	vsel vm4, $0x160A, v13;
	v0 =	vsel vm3, $0x168C, v0  }
0x151: {  	v5 =	vsel vm0, $0x1C8E, v25;
	v1 =	vsel vm2, $0x168B, v1;
	v0 =	vsel vm1, $0x170D, v0  }
0x152: {  	v1 =	vsel vm3, $0x170C, v1;
	v55 =	vsel vm0, $0x178E, v0;
	v0 =	vimm.s32 $0x2D2C2B2A  }
0x153: {  	v3 =	vsel vm1, $0x108D, v3;
	v1 =	vsel vm1, $0x178D, v1;
	v0 =	vunpack.c.0.s8.s32 v0  }
0x154: {  	[tilespmem:$0x1F950] =	vst v42;
	v34 =	vsel vm0, $0x118E, v4;
	v42 =	vsel vm0, $0x100E, v1;
	v1 =	vimm.s32 $0x21202F2E  }
0x155: {  	v41 =	vsel vm0, $0x1F8E, v15;
	v8 =	vsel vm4, $0x118A, v20;
	[tilespmem:$0x1FB10] =	vst v0;
	v0 =	vunpack.c.0.s8.s32 v1  }
0x156: {  	v32 =	vsel vm0, $0x110E, v3;
	v20 =	vsel vm2, $0x188B, v60;
	v8 =	vsel vm2, $0x120B, v8  }
0x157: {  	v20 =	vsel vm3, $0x190C, v20;
	v7 =	vsel vm4, $0x110A, v19;
	[tilespmem:$0x1FB20] =	vst v0;
	v0 =	vimm.s32 $0x25242322  }
0x158: {  	v8 =	vsel vm3, $0x128C, v8;
	v19 =	vsel vm2, $0x180B, v58;
	v0 =	vunpack.c.0.s8.s32 v0  }
0x159: {  	v20 =	vsel vm1, $0x198D, v20;
	v6 =	vsel vm4, $0x108A, v18;
	v7 =	vsel vm2, $0x118B, v7  }
0x15a: {  	v18 =	vsel vm2, $0x1F8B, v56;
	v19 =	vsel vm3, $0x188C, v19;
	[tilespmem:$0x1FB30] =	vst v0;
	v0 =	vimm.s32 $0x29282726  }
0x15b: {  	v8 =	vsel vm1, $0x130D, v8;
	v20 =	vsel vm0, $0x1A0E, v20;
	v0 =	vunpack.c.0.s8.s32 v0  }
0x15c: {  	v6 =	vsel vm2, $0x110B, v6;
	v7 =	vsel vm3, $0x120C, v7;
	v1 =	vimm.s32 $0x2E2D2C2B  }
0x15d: {  	v18 =	vsel vm3, $0x180C, v18;
	v19 =	vsel vm1, $0x190D, v19;
	[tilespmem:$0x1FB40] =	vst v0;
	v0 =	vunpack.c.0.s8.s32 v1  }
0x15e: {  	v8 =	vsel vm0, $0x138E, v8;
	v6 =	vsel vm3, $0x118C, v6;
	v7 =	vsel vm1, $0x128D, v7  }
0x15f: {  	v18 =	vsel vm1, $0x188D, v18;
	v19 =	vsel vm0, $0x198E, v19;
	[tilespmem:$0x1FB50] =	vst v0;
	v0 =	vimm.s32 $0x2221202F  }
0x160: {  	v6 =	vsel vm1, $0x120D, v6;
	v7 =	vsel vm0, $0x130E, v7;
	v0 =	vunpack.c.0.s8.s32 v0  }
0x161: {  	v18 =	vsel vm0, $0x190E, v18;
	v11 =	vsel vm4, $0x130A, v23;
	v23 =	vsel vm2, $0x1A0B, v63  }
0x162: {  	v63 =	vsel vm0, $0x128E, v6;
	v11 =	vsel vm2, $0x138B, v11;
	[tilespmem:$0x1FB60] =	vst v0;
	v0 =	vimm.s32 $0x26252423  }
0x163: {  	v23 =	vsel vm3, $0x1A8C, v23;
	v10 =	vsel vm4, $0x128A, v22;
	v0 =	vunpack.c.0.s8.s32 v0  }
0x164: {  	v11 =	vsel vm3, $0x140C, v11;
	v22 =	vsel vm2, $0x198B, v62;
	v1 =	vimm.s32 $0x2A292827  }
0x165: {  	v23 =	vsel vm1, $0x1B0D, v23;
	v9 =	vsel vm4, $0x120A, v21;
	[tilespmem:$0x1FB70] =	vst v0;
	v0 =	vunpack.c.0.s8.s32 v1  }
0x166: {  	v10 =	vsel vm2, $0x130B, v10;
	v21 =	vsel vm2, $0x190B, v61;
	v22 =	vsel vm3, $0x1A0C, v22  }
0x167: {  	v11 =	vsel vm1, $0x148D, v11;
	v23 =	vsel vm0, $0x1B8E, v23;
	[tilespmem:$0x1FB80] =	vst v0;
	v0 =	vimm.s32 $0x2F2E2D2C  }
0x168: {  	v44 =	vld [tilespmem:$0x1FA50];
	v9 =	vsel vm2, $0x128B, v9;
	v10 =	vsel vm3, $0x138C, v10;
	v0 =	vunpack.c.0.s8.s32 v0  }
0x169: {  	v54 =	vld [tilespmem:$0x1FB00];
	v21 =	vsel vm3, $0x198C, v21;
	v22 =	vsel vm1, $0x1A8D, v22;
	v37 =	vsel vm0, $0x150E, v11  }
0x16a: {  	v53 =	vld [tilespmem:$0x1FA70];
	v9 =	vsel vm3, $0x130C, v9;
	v10 =	vsel vm1, $0x140D, v10;
	[tilespmem:$0x1FB90] =	vst v0;
	v0 =	vimm.s32 $0x23222120  }
0x16b: {  	v60 =	vld [tilespmem:$0x1FAA0];
	v21 =	vsel vm1, $0x1A0D, v21;
	v22 =	vsel vm0, $0x1B0E, v22;
	v0 =	vunpack.c.0.s8.s32 v0  }
0x16c: {  	v58 =	vld [tilespmem:$0x1FAC0];
	v9 =	vsel vm1, $0x138D, v9;
	v10 =	vsel vm0, $0x148E, v10;
	v1 =	vimm.s32 $0x27262524  }
0x16d: {  	v56 =	vld [tilespmem:$0x1FAE0];
	v6 =	vmovc v43;
	v43 =	vsel vm0, $0x1A8E, v21;
	v21 =	vsel vm0, $0x1E0E, v28;
	[tilespmem:$0x1FBA0] =	vst v0;
	v0 =	vunpack.c.0.s8.s32 v1  }
0x16e: {  	v62 =	vld [tilespmem:$0x1FAF0];
	v9 =	vsel vm0, $0x140E, v9;
	v2 =	vsel vm4, $0x168A, v14;
	v14 =	vsel vm2, $0x150B, v52  }
0x16f: {  	v11 =	vld [tilespmem:$0x1FA90];
	v2 =	vsel vm2, $0x170B, v2;
	v14 =	vsel vm3, $0x158C, v14;
	[tilespmem:$0x1FBB0] =	vst v0;
	v0 =	vimm.s32 $0x2B2A2928  }
0x170: {  	s3 =	stileid.u32;
	[tilespmem:$0x1FA40] =	vst v30;
	v52 =	vld [tilespmem:$0x1FAB0];
	v2 =	vsel vm3, $0x178C, v2;
	v13 =	vsel vm2, $0x148B, v49;
	v0 =	vunpack.c.0.s8.s32 v0  }
0x171: {  	s0 =	rddreg [dreg:$0x0];
	s4 =	sshll.u32 s3, $0x1;
	s3 =	simm.s32 $0x0;
	[tilespmem:$0x1F960] =	vst v47;
	v14 =	vsel vm1, $0x160D, v14;
	v49 =	vld [tilespmem:$0x1FA60];
	v12 =	vsel vm2, $0x140B, v48;
	v13 =	vsel vm3, $0x150C, v13  }
0x172: {  	[smem:$0x7FF] =	sst s3;
	v2 =	vsel vm1, $0x100D, v2;
	v48 =	vld [tilespmem:$0x1FAD0];
	v40 =	vsel vm0, $0x168E, v14;
	v12 =	vsel vm3, $0x148C, v12;
	[tilespmem:$0x1FBC0] =	vst v0  }
0x173: {  	s2 =	rddreg [dreg:$0x1];
	v13 =	vsel vm1, $0x158D, v13;
	v47 =	vsel vm0, $0x108E, v2;
	v2 =	vld [tilespmem:$0x1FA80];
	_ =	strace $0x80000047;
	[tilespmem:$0x1FD10] =	vst v59  }
0x174: {  	v12 =	vsel vm1, $0x150D, v12;
	v39 =	vsel vm0, $0x160E, v13;
	v13 =	vsel vm0, $0x1D8E, v27;
	[tilespmem:$0x1FD20] =	vst v51  }
0x175: {  	v38 =	vsel vm0, $0x158E, v12;
	v12 =	vsel vm0, $0x1D0E, v26;
	vm0 =	vcmask $0x1F10;
	[tilespmem:$0x1FD40] =	vst v50  }
0x176: {  	v25 =	vsel vm0, v51, v59;
	[tilespmem:$0x1FD50] =	vst v57  }
0x177: {  	v26 =	vsel vm0, v57, v50;
	[tilespmem:$0x1FD80] =	vst v25  }
0x178: {  	[tilespmem:$0x1FD90] =	vst v26  }
0x179: {  	[tilespmem:$0x1FDB0] =	vst v55  }
0x17a: {  	[tilespmem:$0x1FDC0] =	vst v42  }
0x17b: {  	[tilespmem:$0x1FDD0] =	vst v47  }
0x17c: {  	v0 =	vimm.s32 $0x3C3B3A39;
	[tilespmem:$0x1FDE0] =	vst v32  }
0x17d: {  	v0 =	vunpack.c.0.s8.s32 v0;
	[tilespmem:$0x1FDF0] =	vst v34  }
0x17e: {  	v1 =	vimm.s32 $0x303F3E3D;
	[tilespmem:$0x1FE00] =	vst v35  }
0x17f: {  	[tilespmem:$0x1FBD0] =	vst v0;
	v0 =	vunpack.c.0.s8.s32 v1  }
0x180: {  	[tilespmem:$0x1FE10] =	vst v63  }
0x181: {  	[tilespmem:$0x1FBE0] =	vst v0;
	v0 =	vimm.s32 $0x34333231  }
0x182: {  	[tilespmem:$0x1FE20] =	vst v7;
	v0 =	vunpack.c.0.s8.s32 v0  }
0x183: {  	[tilespmem:$0x1FE30] =	vst v8  }
0x184: {  	[tilespmem:$0x1FBF0] =	vst v0;
	v0 =	vimm.s32 $0x38373635  }
0x185: {  	[tilespmem:$0x1FE40] =	vst v9;
	v0 =	vunpack.c.0.s8.s32 v0  }
0x186: {  	[tilespmem:$0x1FE50] =	vst v10;
	v1 =	vimm.s32 $0x3D3C3B3A  }
0x187: {  	[tilespmem:$0x1FC00] =	vst v0;
	v0 =	vunpack.c.0.s8.s32 v1  }
0x188: {  	[tilespmem:$0x1FE60] =	vst v37  }
0x189: {  	[tilespmem:$0x1FC10] =	vst v0;
	v0 =	vimm.s32 $0x31303F3E  }
0x18a: {  	[tilespmem:$0x1FE70] =	vst v38;
	v0 =	vunpack.c.0.s8.s32 v0  }
0x18b: {  	[tilespmem:$0x1FE80] =	vst v39  }
0x18c: {  	[tilespmem:$0x1FC20] =	vst v0;
	v0 =	vimm.s32 $0x35343332  }
0x18d: {  	[tilespmem:$0x1FE90] =	vst v40;
	v0 =	vunpack.c.0.s8.s32 v0  }
0x18e: {  	[tilespmem:$0x1FEA0] =	vst v41;
	v1 =	vimm.s32 $0x39383736  }
0x18f: {  	[tilespmem:$0x1FC30] =	vst v0;
	v0 =	vunpack.c.0.s8.s32 v1  }
0x190: {  	[tilespmem:$0x1FEB0] =	vst v16  }
0x191: {  	[tilespmem:$0x1FC40] =	vst v0;
	v0 =	vimm.s32 $0x3E3D3C3B  }
0x192: {  	[tilespmem:$0x1FEC0] =	vst v33;
	v0 =	vunpack.c.0.s8.s32 v0  }
0x193: {  	[tilespmem:$0x1FED0] =	vst v18  }
0x194: {  	[tilespmem:$0x1FC50] =	vst v0;
	v0 =	vimm.s32 $0x3231303F  }
0x195: {  	[tilespmem:$0x1FEE0] =	vst v19;
	v0 =	vunpack.c.0.s8.s32 v0  }
0x196: {  	[tilespmem:$0x1FEF0] =	vst v20;
	v1 =	vimm.s32 $0x36353433  }
0x197: {  	[tilespmem:$0x1FC60] =	vst v0;
	v0 =	vunpack.c.0.s8.s32 v1  }
0x198: {  	[tilespmem:$0x1FF00] =	vst v43  }
0x199: {  	[tilespmem:$0x1FC70] =	vst v0;
	v0 =	vimm.s32 $0x3A393837  }
0x19a: {  	[tilespmem:$0x1FF10] =	vst v22;
	v0 =	vunpack.c.0.s8.s32 v0  }
0x19b: {  	[tilespmem:$0x1FF20] =	vst v23  }
0x19c: {  	[tilespmem:$0x1FC80] =	vst v0;
	v0 =	vimm.s32 $0x3F3E3D3C  }
0x19d: {  	[tilespmem:$0x1FF30] =	vst v24;
	v0 =	vunpack.c.0.s8.s32 v0  }
0x19e: {  	[tilespmem:$0x1FF40] =	vst v5;
	v1 =	vimm.s32 $0x33323130  }
0x19f: {  	[tilespmem:$0x1FC90] =	vst v0;
	v0 =	vunpack.c.0.s8.s32 v1  }
0x1a0: {  	[tilespmem:$0x1FF50] =	vst v12  }
0x1a1: {  	[tilespmem:$0x1FCA0] =	vst v0;
	v0 =	vimm.s32 $0x37363534  }
0x1a2: {  	[tilespmem:$0x1FF60] =	vst v13;
	v0 =	vunpack.c.0.s8.s32 v0  }
0x1a3: {  	s17 =	simm.s32 $0x3400;
	s18 =	simm.s32 $0x7400;
	[tilespmem:$0x1FF70] =	vst v21  }
0x1a4: {  	s1 =	srdreg.scid;
	s20 =	simm.s32 $0xB400;
	s28 =	simm.s32 $0xD000;
	v45 =	vld [tilespmem:$0x1FCD0];
	[tilespmem:$0x1FCB0] =	vst v0;
	v0 =	vimm.s32 $0x3B3A3938  }
0x1a5: {  	s29 =	simm.s32 $0xD400;
	s30 =	simm.s32 $0xD800;
	s31 =	simm.s32 $0xDC00;
	v25 =	vcombine.low v26, v25;
	[tilespmem:$0x1FF80] =	vst v36;
	v61 =	vld [tilespmem:$0x1FCF0];
	v1 =	vlaneseq.u32;
	v0 =	vunpack.c.0.s8.s32 v0  }
0x1a6: {  	s16 =	simm.s32 $0x80;
	s19 =	simm.s32 $0x1;
	s14 =	simm.s32 $0xEC00;
	[tilespmem:$0x1FFF0] =	vst v6;
	v3 =	vmul.u32 $0x80, v1;
	v4 =	vmul.u32 $0x81, v1;
	v31 =	vor.u32 $0x10, v1;
	v1 =	vld [tilespmem:$0x1FD00]  }
0x1a7: {  	s15 =	simm.s32 $0xF000;
	s21 =	simm.s32 $0x2;
	s1 =	sand.u32 $0x1, s1;
	[tilespmem:$0x1FCC0] =	vst v0;
	v0 =	vld [tilespmem:$0x1FCE0]  }
0x1a8: {  	s23 =	simm.s32 $0x0;
	s7 =	sadd.s32 $0x4000, s2;
	s5 =	sor.u32 s1, s4;
	[tilespmem:$0x1FFE0] =	vst v25  }
0x1a9: {  	s8 =	sadd.s32 $0x8000, s2;
	s9 =	sadd.s32 $0xC000, s2;
	s6 =	smul.u32 $0x680, s5;
	[tilespmem:$0x1FFB0] =	vst v31  }
0x1aa: {  	s10 =	sadd.s32 $0x10000, s2;
	s11 =	sadd.s32 $0x14000, s2;
	s4 =	sadd.s32 $0xD400, s0;
	[tilespmem:$0x1FF90] =	vst v3  }
.Ltmp0:
0x1ab: {  	s1 =	ssub.s32 $0x2, s1;
	s0 =	sadd.s32 s6, s0;
	v27 =	vor.u32 $0x800, v4;
	[tilespmem:$0x1FFA0] =	vst v4;
	(pc) =	sbr.rel .LBB2_1-.Ltmp0, $4  }
0x1ac: {  	s12 =	sadd.s32 $0x18000, s2;
	s26 =	sshrl.u32 s1, $0x1;
	s0 =	sadd.s32 $0x400, s0;
	[tilespmem:$0x1FFC0] =	vst v27;
	v1 =	vsel vm0, v1, v61;
	v0 =	vsel vm0, v0, v45  }
0x1ad: {  	s13 =	sadd.s32 $0x1C000, s2;
	[dreg:$0x3] =	wrdreg s0;
	s0 =	ssub.s32 s1, s26;
	[tilespmem:$0x1FD70] =	vst v1;
	v28 =	vcombine.low v1, v0  }
0x1ae: {  	s5 =	smul.u32 $0x68, s5;
	s6 =	simm.s32 $0xE800;
	s0 =	smax.u32 s0, $0x1;
	v29 =	vld [tilespmem:$0x1FD30];
	[tilespmem:$0x1FD60] =	vst v0  }
0x1af: {  	s1 =	simm.s32 $0xE000;
	v26 =	vld [tilespmem:$0x1FDA0];
	[dreg:$0x4] =	wrdreg s0;
	s0 =	simm.s32 $0xE400;
	[tilespmem:$0x1FFD0] =	vst v28  }
.LBB2_8:
0x1b0: {  	_ =	swait.ge [sflag:s21], $0x400  }
0x1b1: {  	[sflag:s21] =	ssyncset.done $0x0  }
0x1b2: {  	[sflag:s21] =	ssyncadd.s32 $0xFFFFFC00  }
0x1b3: {  	_ =	swait.ge [sflag:s21], $0x400  }
0x1b4: {  	[sflag:s21] =	ssyncset.done $0x0  }
0x1b5: {  	[sflag:s21] =	ssyncadd.s32 $0xFFFFFC00  }
0x1b6: {  	_ =	swait.ge [sflag:s21], $0x400  }
0x1b7: {  	[sflag:s21] =	ssyncset.done $0x0  }
0x1b8: {  	[sflag:s21] =	ssyncadd.s32 $0xFFFFFC00  }
0x1b9: {  	_ =	swait.ge [sflag:s21], $0x400  }
0x1ba: {  	[sflag:s21] =	ssyncset.done $0x0  }
0x1bb: {  	[sflag:s21] =	ssyncadd.s32 $0xFFFFFC00  }
0x1bc: {  	_ =	swait.ge [sflag:s21], $0x400  }
0x1bd: {  	[sflag:s21] =	ssyncset.done $0x0  }
0x1be: {  	[sflag:s21] =	ssyncadd.s32 $0xFFFFFC00  }
0x1bf: {  	_ =	swait.ge [sflag:s21], $0x400  }
0x1c0: {  	[sflag:s21] =	ssyncset.done $0x0  }
0x1c1: {  	[sflag:s21] =	ssyncadd.s32 $0xFFFFFC00  }
0x1c2: {  	_ =	swait.ge [sflag:s21], $0x400  }
0x1c3: {  	[sflag:s21] =	ssyncset.done $0x0  }
0x1c4: {  	[sflag:s21] =	ssyncadd.s32 $0xFFFFFC00  }
0x1c5: {  	_ =	swait.ge [sflag:s21], $0x400  }
0x1c6: {  	[sflag:s21] =	ssyncset.done $0x0  }
0x1c7: {  	[sflag:s21] =	ssyncadd.s32 $0xFFFFFC00  }
0x1c8: {  	_ =	swait.ge [sflag:s21], $0x400  }
0x1c9: {  	[sflag:s21] =	ssyncset.done $0x0  }
0x1ca: {  	[sflag:s21] =	ssyncadd.s32 $0xFFFFFC00  }
0x1cb: {  	_ =	swait.ge [sflag:s21], $0x400  }
0x1cc: {  	[sflag:s21] =	ssyncset.done $0x0  }
0x1cd: {  	[sflag:s21] =	ssyncadd.s32 $0xFFFFFC00  }
0x1ce: {  	_ =	swait.ge [sflag:s21], $0x400  }
0x1cf: {  	[sflag:s21] =	ssyncset.done $0x0  }
0x1d0: {  	[sflag:s21] =	ssyncadd.s32 $0xFFFFFC00  }
0x1d1: {  	_ =	swait.ge [sflag:s21], $0x400  }
0x1d2: {  	[sflag:s21] =	ssyncset.done $0x0  }
0x1d3: {  	[sflag:s21] =	ssyncadd.s32 $0xFFFFFC00  }
0x1d4: {  	_ =	swait.ge [sflag:s21], $0x400  }
0x1d5: {  	[sflag:s21] =	ssyncset.done $0x0  }
0x1d6: {  	[sflag:s21] =	ssyncadd.s32 $0xFFFFFC00  }
0x1d7: {  	_ =	swait.ge [sflag:s21], $0x400  }
0x1d8: {  	[sflag:s21] =	ssyncset.done $0x0  }
0x1d9: {  	[sflag:s21] =	ssyncadd.s32 $0xFFFFFC00  }
0x1da: {  	_ =	swait.ge [sflag:s21], $0x400  }
0x1db: {  	[sflag:s21] =	ssyncset.done $0x0  }
0x1dc: {  	[sflag:s21] =	ssyncadd.s32 $0xFFFFFC00  }
0x1dd: {  	_ =	swait.ge [sflag:s21], $0x400  }
0x1de: {  	s23 =	rddreg [dreg:$0x5];
	v26 =	vld [tilespmem:$0x1FDA0]  }
0x1df: {  	s22 =	rddreg [dreg:$0x4];
	v29 =	vld [tilespmem:$0x1FD30];
	s23 =	sadd.s32 $0x1, s23  }
0x1e0: {  	v3 =	vld [tilespmem:$0x1FF90];
	p0 =	sne.s32 s23, s22  }
.Ltmp1:
0x1e1: {  	v4 =	vld [tilespmem:$0x1FFA0];
	(pc) =	sbr.rel @!p0 .LBB2_9-.Ltmp1, $4  }
0x1e2: {  	v31 =	vld [tilespmem:$0x1FFB0]  }
0x1e3: {  	v27 =	vld [tilespmem:$0x1FFC0]  }
0x1e4: {  	[sflag:s21] =	ssyncset.done $0x0;
	v28 =	vld [tilespmem:$0x1FFD0]  }
0x1e5: {  	v46 =	vmov v45;
	v11 =	vmov v0;
	v25 =	vld [tilespmem:$0x1FFE0];
	[sflag:s21] =	ssyncadd.s32 $0xFFFFFC00  }
.LBB2_1:
0x1e6: {  	[dreg:$0x5] =	wrdreg s23  }
0x1e7: {  	s22 =	rddreg [dreg:$0x3];
	s26 =	simm.s32 $0x3  }
0x1e8: {  	[tilespmem:s3], [sflag:$0x3] =	stream.linear.gather [hbm4b:s22+s3], $0x3400, $0x38;
	[tilespmem:$0xF400] =	vst v63  }
0x1e9: {  	_ =	swait.ge [sflag:s26], $0x3400  }
0x1ea: {  	[sflag:s26] =	ssyncset.done $0x0  }
0x1eb: {  	[sflag:s26] =	ssyncadd.s32 $0xFFFFCC00  }
0x1ec: {  	[tilespmem:s17], [sflag:$0x1] =	stream.indirect.gather [hbm4b:s4+s16], $0x80, s3, s16, $0xb8;
	[tilespmem:$0xF400] =	vst v63  }
0x1ed: {  	s22 =	simm.s32 $0x0  }
0x1ee: {  	v57 =	vmov v44;
	[tilespmem:s18], [sflag:$0x1] =	stream.indirect.gather [hbm4b:s4+s16], $0x80, s16, s16, $0xb8;
	[tilespmem:$0xF400] =	vst v63  }
.LBB2_2:
0x1ef: {  	_ =	swait.ge [sflag:s19], $0x4000  }
0x1f0: {  	p0 =	seq.s32 s22, $0x0;
	[sflag:s19] =	ssyncset.done $0x0  }
0x1f1: {  	s23 =	simm.s32 @!p0 $0x2;
	[sflag:s19] =	ssyncadd.s32 $0xFFFFC000  }
0x1f2: {  	_ =	swait.ge @!p0 [sflag:s23], $0x400  }
0x1f3: {  	[sflag:s23] =	ssyncset.done @!p0 $0x0  }
0x1f4: {  	[sflag:s23] =	ssyncadd.s32 @!p0 $0xFFFFFC00  }
0x1f5: {  	_ =	swait.ge @!p0 [sflag:s23], $0x400  }
0x1f6: {  	[sflag:s23] =	ssyncset.done @!p0 $0x0  }
0x1f7: {  	[sflag:s23] =	ssyncadd.s32 @!p0 $0xFFFFFC00  }
0x1f8: {  	_ =	swait.ge @!p0 [sflag:s23], $0x400  }
0x1f9: {  	[sflag:s23] =	ssyncset.done @!p0 $0x0  }
0x1fa: {  	[sflag:s23] =	ssyncadd.s32 @!p0 $0xFFFFFC00  }
0x1fb: {  	_ =	swait.ge @!p0 [sflag:s23], $0x400  }
0x1fc: {  	[sflag:s23] =	ssyncset.done @!p0 $0x0  }
0x1fd: {  	[sflag:s23] =	ssyncadd.s32 @!p0 $0xFFFFFC00  }
0x1fe: {  	_ =	swait.ge @!p0 [sflag:s23], $0x400  }
0x1ff: {  	[sflag:s23] =	ssyncset.done @!p0 $0x0  }
0x200: {  	[sflag:s23] =	ssyncadd.s32 @!p0 $0xFFFFFC00  }
0x201: {  	s24 =	simm.s32 $0x0;
	_ =	swait.ge @!p0 [sflag:s23], $0x400  }
0x202: {  	v0 =	vmov s24;
	[sflag:s23] =	ssyncset.done @!p0 $0x0  }
0x203: {  	v0 =	vshll.u32 v0, $0x7;
	[sflag:s23] =	ssyncadd.s32 @!p0 $0xFFFFFC00  }
0x204: {  	v1 =	vlaneseq.u32;
	v0 =	vor.u32 v3, v0;
	_ =	swait.ge @!p0 [sflag:s23], $0x400  }
0x205: {  	v1 =	vor.u32 v1, v0;
	[sflag:s23] =	ssyncset.done @!p0 $0x0  }
0x206: {  	[sflag:s23] =	ssyncadd.s32 @!p0 $0xFFFFFC00  }
0x207: {  	_ =	swait.ge @!p0 [sflag:s23], $0x400  }
0x208: {  	[sflag:s23] =	ssyncset.done @!p0 $0x0  }
0x209: {  	[sflag:s23] =	ssyncadd.s32 @!p0 $0xFFFFFC00  }
0x20a: {  	v17 =	vor.u32 s24, v4;
	v1 =	vld.idx.msk [tilespmem:v1+s17+$0x0], $0xffff  }
0x20b: {  	v18 =	vor.u32 v26, v0;
	_ =	sdelay $0x3  }
0x20c: {  	[tilespmem:v17+s20+$0x0] =	vst.idx.msk $0xffff, v1  }
0x20d: {  	v17 =	vor.u32 s24, v2;
	v1 =	vld.idx.msk [tilespmem:v18+s17+$0x0], $0xffff  }
0x20e: {  	v18 =	vor.u32 v53, v0;
	_ =	sdelay $0x3  }
0x20f: {  	[tilespmem:v17+s20+$0x0] =	vst.idx.msk $0xffff, v1  }
0x210: {  	v17 =	vor.u32 s24, v49;
	v1 =	vld.idx.msk [tilespmem:v18+s17+$0x0], $0xffff  }
0x211: {  	v44 =	vld [tilespmem:$0x1F7C0];
	v18 =	vor.u32 v57, v0  }
0x212: {  	v49 =	vld [tilespmem:$0x1F7D0];
	_ =	sdelay $0x2  }
0x213: {  	[tilespmem:v17+s20+$0x0] =	vst.idx.msk $0xffff, v1  }
0x214: {  	v17 =	vor.u32 s24, v44;
	v1 =	vld.idx.msk [tilespmem:v18+s17+$0x0], $0xffff  }
0x215: {  	v18 =	vor.u32 v49, v0;
	_ =	sdelay $0x3  }
0x216: {  	[tilespmem:v17+s20+$0x0] =	vst.idx.msk $0xffff, v1  }
0x217: {  	v17 =	vor.u32 s24, v29;
	v1 =	vld.idx.msk [tilespmem:v18+s17+$0x0], $0xffff  }
0x218: {  	v18 =	vor.u32 v54, v0;
	_ =	sdelay $0x3  }
0x219: {  	[tilespmem:v17+s20+$0x0] =	vst.idx.msk $0xffff, v1  }
0x21a: {  	v17 =	vor.u32 s24, v62;
	v1 =	vld.idx.msk [tilespmem:v18+s17+$0x0], $0xffff  }
0x21b: {  	v18 =	vor.u32 v56, v0;
	_ =	sdelay $0x3  }
0x21c: {  	[tilespmem:v17+s20+$0x0] =	vst.idx.msk $0xffff, v1  }
0x21d: {  	v17 =	vor.u32 s24, v48;
	v1 =	vld.idx.msk [tilespmem:v18+s17+$0x0], $0xffff  }
0x21e: {  	v18 =	vor.u32 v58, v0;
	_ =	sdelay $0x3  }
0x21f: {  	[tilespmem:v17+s20+$0x0] =	vst.idx.msk $0xffff, v1  }
0x220: {  	v17 =	vor.u32 s24, v52;
	v1 =	vld.idx.msk [tilespmem:v18+s17+$0x0], $0xffff  }
0x221: {  	v61 =	vld [tilespmem:$0x1F7E0];
	v18 =	vor.u32 v60, v0  }
0x222: {  	v55 =	vmov v62;
	v62 =	vld [tilespmem:$0x1F7F0];
	_ =	sdelay $0x2  }
0x223: {  	[tilespmem:v17+s20+$0x0] =	vst.idx.msk $0xffff, v1  }
0x224: {  	v17 =	vor.u32 s24, v61;
	v1 =	vld.idx.msk [tilespmem:v18+s17+$0x0], $0xffff  }
0x225: {  	v18 =	vor.u32 v62, v0  }
0x226: {  	v45 =	vld [tilespmem:$0x1F800];
	_ =	sdelay $0x2  }
0x227: {  	[tilespmem:v17+s20+$0x0] =	vst.idx.msk $0xffff, v1  }
0x228: {  	v17 =	vor.u32 s24, v11;
	v1 =	vld.idx.msk [tilespmem:v18+s17+$0x0], $0xffff  }
0x229: {  	v11 =	vld [tilespmem:$0x1F810];
	v18 =	vor.u32 v45, v0  }
0x22a: {  	v59 =	vmov v52;
	v52 =	vld [tilespmem:$0x1F820];
	_ =	sdelay $0x2  }
0x22b: {  	[tilespmem:v17+s20+$0x0] =	vst.idx.msk $0xffff, v1  }
0x22c: {  	v17 =	vor.u32 s24, v11;
	v1 =	vld.idx.msk [tilespmem:v18+s17+$0x0], $0xffff  }
0x22d: {  	v51 =	vmov v53;
	v53 =	vld [tilespmem:$0x1F830];
	v18 =	vor.u32 v52, v0  }
0x22e: {  	v10 =	vld [tilespmem:$0x1F840];
	_ =	sdelay $0x2  }
0x22f: {  	[tilespmem:v17+s20+$0x0] =	vst.idx.msk $0xffff, v1  }
0x230: {  	v17 =	vor.u32 s24, v53;
	v1 =	vld.idx.msk [tilespmem:v18+s17+$0x0], $0xffff  }
0x231: {  	v2 =	vld [tilespmem:$0x1F850];
	v18 =	vor.u32 v10, v0;
	_ =	sdelay $0x2  }
0x232: {  	v5 =	vld [tilespmem:$0x1F870]  }
0x233: {  	v63 =	vmov v48;
	v48 =	vld [tilespmem:$0x1F860];
	[tilespmem:v17+s20+$0x0] =	vst.idx.msk $0xffff, v1  }
0x234: {  	v17 =	vor.u32 s24, v2;
	v1 =	vld.idx.msk [tilespmem:v18+s17+$0x0], $0xffff;
	_ =	sdelay $0x3  }
0x235: {  	v18 =	vor.u32 v48, v0  }
0x236: {  	[tilespmem:v17+s20+$0x0] =	vst.idx.msk $0xffff, v1;
	v17 =	vor.u32 s24, v5;
	v5 =	vld [tilespmem:$0x1F880];
	_ =	sdelay $0x3  }
0x237: {  	v1 =	vld.idx.msk [tilespmem:v18+s17+$0x0], $0xffff  }
0x238: {  	v18 =	vor.u32 v5, v0;
	v5 =	vld [tilespmem:$0x1F890];
	_ =	sdelay $0x4  }
0x239: {  	[tilespmem:v17+s20+$0x0] =	vst.idx.msk $0xffff, v1;
	v17 =	vor.u32 s24, v5;
	v5 =	vld [tilespmem:$0x1F8A0];
	_ =	sdelay $0x3  }
0x23a: {  	v1 =	vld.idx.msk [tilespmem:v18+s17+$0x0], $0xffff  }
0x23b: {  	v18 =	vor.u32 v5, v0;
	v5 =	vld [tilespmem:$0x1F8B0];
	_ =	sdelay $0x3  }
0x23c: {  	[tilespmem:v17+s20+$0x0] =	vst.idx.msk $0xffff, v1  }
0x23d: {  	v1 =	vld.idx.msk [tilespmem:v18+s17+$0x0], $0xffff;
	v17 =	vor.u32 s24, v5  }
0x23e: {  	v18 =	vor.u32 v31, v0  }
0x23f: {  	v23 =	vld [tilespmem:$0x1F8E0]  }
0x240: {  	v24 =	vld [tilespmem:$0x1F8F0]  }
0x241: {  	v33 =	vld [tilespmem:$0x1F900]  }
0x242: {  	v5 =	vld [tilespmem:$0x1F8C0];
	[tilespmem:v17+s20+$0x0] =	vst.idx.msk $0xffff, v1  }
0x243: {  	v17 =	vor.u32 s24, v27;
	v1 =	vld.idx.msk [tilespmem:v18+s17+$0x0], $0xffff  }
0x244: {  	v9 =	vld [tilespmem:$0x1F8D0];
	v18 =	vor.u32 v28, v0  }
0x245: {  	v35 =	vld [tilespmem:$0x1F930]  }
0x246: {  	v34 =	vmov v4;
	v4 =	vld [tilespmem:$0x1FCE0]  }
0x247: {  	v21 =	vld [tilespmem:$0x1FCF0]  }
0x248: {  	[tilespmem:v17+s20+$0x0] =	vst.idx.msk $0xffff, v1;
	v17 =	vor.u32 s24, v5;
	v5 =	vld [tilespmem:$0x1F910]  }
0x249: {  	v1 =	vld.idx.msk [tilespmem:v18+s17+$0x0], $0xffff  }
0x24a: {  	v36 =	vld [tilespmem:$0x1F940];
	v18 =	vor.u32 v25, v0  }
0x24b: {  	v37 =	vld [tilespmem:$0x1F950]  }
0x24c: {  	v38 =	vld [tilespmem:$0x1F960]  }
0x24d: {  	v39 =	vmovc v29;
	v29 =	vsel vm0, v21, v4;
	v4 =	vld [tilespmem:$0x1FCD0];
	v25 =	vsel vm0, v24, v23;
	v7 =	vsel vm0, v5, v33  }
0x24e: {  	v21 =	vld [tilespmem:$0x1FD00];
	[tilespmem:v17+s20+$0x0] =	vst.idx.msk $0xffff, v1;
	v8 =	vcombine.low v7, v25  }
0x24f: {  	v1 =	vld.idx.msk [tilespmem:v18+s17+$0x0], $0xffff;
	v18 =	vor.u32 s24, v9  }
0x250: {  	v9 =	vld [tilespmem:$0x1F920];
	v19 =	vor.u32 v8, v0;
	_ =	sdelay $0x2  }
0x251: {  	v22 =	vld [tilespmem:$0x1FD40];
	v30 =	vsel vm0, v4, v21  }
0x252: {  	v4 =	vld [tilespmem:$0x1FD20];
	v27 =	vsel vm0, v36, v35;
	v28 =	vsel vm0, v38, v37;
	[tilespmem:v18+s20+$0x0] =	vst.idx.msk $0xffff, v1  }
0x253: {  	[tilespmem:$0x1F530] =	vst v8;
	v8 =	vcombine.low v28, v27;
	v1 =	vld.idx.msk [tilespmem:v19+s17+$0x0], $0xffff;
	v19 =	vor.u32 s24, v9;
	_ =	sdelay $0x1  }
0x254: {  	v20 =	vor.u32 v8, v0;
	_ =	sdelay $0x2  }
0x255: {  	[tilespmem:v19+s20+$0x0] =	vst.idx.msk $0xffff, v1;
	v19 =	vmov v31;
	v31 =	vsel vm0, v22, v4;
	v4 =	vld [tilespmem:$0x1FD10]  }
0x256: {  	v16 =	vmov v3;
	v3 =	vcombine.low v30, v29;
	v22 =	vld [tilespmem:$0x1FD50]  }
0x257: {  	v1 =	vld.idx.msk [tilespmem:v20+s17+$0x0], $0xffff;
	v20 =	vor.u32 s24, v46  }
0x258: {  	v21 =	vor.u32 v3, v0;
	_ =	sdelay $0x2  }
0x259: {  	[tilespmem:$0x1F550] =	vst v3;
	v32 =	vsel vm0, v4, v22  }
0x25a: {  	[tilespmem:v20+s20+$0x0] =	vst.idx.msk $0xffff, v1;
	v3 =	vcombine.low v32, v31  }
0x25b: {  	v1 =	vld.idx.msk [tilespmem:v21+s17+$0x0], $0xffff;
	v21 =	vor.u32 s24, v6  }
0x25c: {  	[tilespmem:$0x1F560] =	vst v3;
	v22 =	vor.u32 v3, v0;
	v3 =	vsel vm0, v23, v5;
	v5 =	vld [tilespmem:$0x1F970];
	_ =	sdelay $0x2  }
0x25d: {  	v33 =	vsel vm0, v33, v24  }
0x25e: {  	v4 =	vcombine.low v3, v33;
	[tilespmem:v21+s20+$0x0] =	vst.idx.msk $0xffff, v1  }
0x25f: {  	v1 =	vld.idx.msk [tilespmem:v22+s17+$0x0], $0xffff;
	v22 =	vor.u32 s24, v5  }
0x260: {  	v23 =	vor.u32 v4, v0;
	v5 =	vld [tilespmem:$0x1F980];
	_ =	sdelay $0x3  }
0x261: {  	[tilespmem:v22+s20+$0x0] =	vst.idx.msk $0xffff, v1  }
0x262: {  	v35 =	vsel vm0, v35, v38;
	v24 =	vsel vm0, v37, v36;
	v1 =	vld.idx.msk [tilespmem:v23+s17+$0x0], $0xffff;
	v23 =	vor.u32 s24, v5  }
0x263: {  	[tilespmem:$0x1F570] =	vst v4;
	v4 =	vcombine.low v35, v24;
	_ =	sdelay $0x1  }
0x264: {  	[tilespmem:$0x1F580] =	vst v4;
	v24 =	vor.u32 v4, v0;
	v4 =	vld [tilespmem:$0x1FD70]  }
0x265: {  	v5 =	vld [tilespmem:$0x1F990]  }
0x266: {  	[tilespmem:v23+s20+$0x0] =	vst.idx.msk $0xffff, v1;
	v1 =	vld [tilespmem:$0x1FD60];
	_ =	sdelay $0x4  }
0x267: {  	v4 =	vcombine.low v1, v4;
	v1 =	vld.idx.msk [tilespmem:v24+s17+$0x0], $0xffff;
	v24 =	vor.u32 s24, v5;
	_ =	sdelay $0x3  }
0x268: {  	v18 =	vmov v46;
	[tilespmem:$0x1F590] =	vst v4;
	v46 =	vor.u32 v4, v0;
	v4 =	vld [tilespmem:$0x1FD90]  }
0x269: {  	[tilespmem:v24+s20+$0x0] =	vst.idx.msk $0xffff, v1;
	v1 =	vld [tilespmem:$0x1FD80]  }
0x26a: {  	v5 =	vld [tilespmem:$0x1F9A0];
	_ =	sdelay $0x3  }
0x26b: {  	v4 =	vcombine.low v1, v4  }
0x26c: {  	v47 =	vor.u32 s24, v5;
	v1 =	vld.idx.msk [tilespmem:v46+s17+$0x0], $0xffff  }
0x26d: {  	[tilespmem:$0x1F5A0] =	vst v4;
	v50 =	vor.u32 v4, v0;
	v4 =	vld [tilespmem:$0x1F9B0];
	_ =	sdelay $0x3  }
0x26e: {  	v5 =	vcombine.low v25, v7;
	[tilespmem:v47+s20+$0x0] =	vst.idx.msk $0xffff, v1  }
0x26f: {  	v1 =	vld.idx.msk [tilespmem:v50+s17+$0x0], $0xffff;
	v4 =	vor.u32 s24, v4  }
0x270: {  	[tilespmem:$0x1F5B0] =	vst v5;
	v37 =	vor.u32 v5, v0;
	v5 =	vld [tilespmem:$0x1F9C0];
	_ =	sdelay $0x3  }
0x271: {  	[tilespmem:v4+s20+$0x0] =	vst.idx.msk $0xffff, v1;
	v4 =	vcombine.low v27, v28  }
0x272: {  	v27 =	vor.u32 s24, v5;
	v1 =	vld.idx.msk [tilespmem:v37+s17+$0x0], $0xffff  }
0x273: {  	v5 =	vld [tilespmem:$0x1F9D0];
	v28 =	vor.u32 v4, v0;
	_ =	sdelay $0x2  }
0x274: {  	[tilespmem:$0x1F5C0] =	vst v4  }
0x275: {  	v4 =	vcombine.low v29, v30;
	[tilespmem:v27+s20+$0x0] =	vst.idx.msk $0xffff, v1  }
0x276: {  	v1 =	vld.idx.msk [tilespmem:v28+s17+$0x0], $0xffff;
	v28 =	vor.u32 s24, v5  }
0x277: {  	v29 =	vor.u32 v4, v0;
	v5 =	vld [tilespmem:$0x1F9E0];
	_ =	sdelay $0x2  }
0x278: {  	[tilespmem:$0x1F5D0] =	vst v4  }
0x279: {  	v4 =	vcombine.low v31, v32;
	[tilespmem:v28+s20+$0x0] =	vst.idx.msk $0xffff, v1  }
0x27a: {  	v1 =	vld.idx.msk [tilespmem:v29+s17+$0x0], $0xffff;
	v29 =	vor.u32 s24, v5  }
0x27b: {  	[tilespmem:$0x1F5E0] =	vst v4;
	v30 =	vor.u32 v4, v0;
	v4 =	vld [tilespmem:$0x1F9F0];
	_ =	sdelay $0x3  }
0x27c: {  	v3 =	vcombine.low v33, v3;
	[tilespmem:v29+s20+$0x0] =	vst.idx.msk $0xffff, v1  }
0x27d: {  	v1 =	vld.idx.msk [tilespmem:v30+s17+$0x0], $0xffff;
	v30 =	vor.u32 s24, v4  }
0x27e: {  	[tilespmem:$0x1F5F0] =	vst v3;
	v31 =	vor.u32 v3, v0;
	v3 =	vld [tilespmem:$0x1FA00]  }
0x27f: {  	v43 =	vld [tilespmem:$0x1FA20]  }
0x280: {  	v42 =	vld [tilespmem:$0x1FA30]  }
0x281: {  	v46 =	vld [tilespmem:$0x1FA40]  }
0x282: {  	v24 =	vlaneseq.u32;
	v4 =	vld [tilespmem:$0x1FA10];
	[tilespmem:v30+s20+$0x0] =	vst.idx.msk $0xffff, v1  }
0x283: {  	v30 =	vor.u32 s24, v3;
	v3 =	vor.u32 $0x20, v24;
	v1 =	vld.idx.msk [tilespmem:v31+s17+$0x0], $0xffff  }
0x284: {  	v12 =	vld [tilespmem:$0x1FB20];
	v31 =	vor.u32 v3, v0  }
0x285: {  	v13 =	vld [tilespmem:$0x1FB30]  }
0x286: {  	v14 =	vld [tilespmem:$0x1FB40];
	[tilespmem:$0x1F600] =	vst v3;
	v3 =	vor.u32 $0x1000, v34  }
0x287: {  	v23 =	vld [tilespmem:$0x1FB10];
	v33 =	vsel vm0, v46, v42;
	v5 =	vsel vm0, v43, v4;
	[tilespmem:$0x1F610] =	vst v3  }
0x288: {  	v7 =	vcombine.low v33, v5;
	[tilespmem:v30+s20+$0x0] =	vst.idx.msk $0xffff, v1;
	v30 =	vor.u32 s24, v3;
	v3 =	vld [tilespmem:$0x1FDB0]  }
0x289: {  	v1 =	vld.idx.msk [tilespmem:v31+s17+$0x0], $0xffff  }
0x28a: {  	v15 =	vld [tilespmem:$0x1FB50];
	v31 =	vor.u32 v7, v0  }
0x28b: {  	[tilespmem:$0x1F540] =	vst v8;
	v8 =	vmov v26;
	v26 =	vld [tilespmem:$0x1FB60]  }
0x28c: {  	v47 =	vld [tilespmem:$0x1FB70]  }
0x28d: {  	v36 =	vsel vm0, v14, v13;
	v35 =	vsel vm0, v12, v23;
	v27 =	vld [tilespmem:$0x1FB80];
	[tilespmem:$0x1F620] =	vst v7  }
0x28e: {  	v7 =	vcombine.low v36, v35;
	[tilespmem:v30+s20+$0x0] =	vst.idx.msk $0xffff, v1;
	v30 =	vor.u32 s24, v3;
	v3 =	vld [tilespmem:$0x1FDC0]  }
0x28f: {  	v1 =	vld.idx.msk [tilespmem:v31+s17+$0x0], $0xffff  }
0x290: {  	v31 =	vor.u32 v7, v0  }
0x291: {  	v17 =	vld [tilespmem:$0x1FBA0]  }
0x292: {  	v20 =	vld [tilespmem:$0x1FBC0]  }
0x293: {  	v37 =	vsel vm0, v26, v15;
	v32 =	vsel vm0, v27, v47;
	v28 =	vld [tilespmem:$0x1FB90];
	[tilespmem:$0x1F630] =	vst v7  }
0x294: {  	v7 =	vcombine.low v32, v37;
	[tilespmem:v30+s20+$0x0] =	vst.idx.msk $0xffff, v1;
	v30 =	vor.u32 s24, v3;
	v3 =	vld [tilespmem:$0x1FBB0]  }
0x295: {  	v1 =	vld.idx.msk [tilespmem:v31+s17+$0x0], $0xffff  }
0x296: {  	[tilespmem:$0x1F640] =	vst v7;
	v31 =	vor.u32 v7, v0;
	v7 =	vld [tilespmem:$0x1FDD0];
	_ =	sdelay $0x2  }
0x297: {  	v40 =	vsel vm0, v17, v28;
	v41 =	vsel vm0, v20, v3  }
0x298: {  	[tilespmem:v30+s20+$0x0] =	vst.idx.msk $0xffff, v1;
	v9 =	vcombine.low v41, v40  }
0x299: {  	v30 =	vor.u32 s24, v7;
	v1 =	vld.idx.msk [tilespmem:v31+s17+$0x0], $0xffff  }
0x29a: {  	v22 =	vmov v2;
	v2 =	vld [tilespmem:$0x1FDE0];
	v31 =	vor.u32 v9, v0;
	_ =	sdelay $0x2  }
0x29b: {  	v42 =	vsel vm0, v42, v43;
	v43 =	vsel vm0, v4, v46  }
0x29c: {  	v4 =	vcombine.low v43, v42;
	[tilespmem:v30+s20+$0x0] =	vst.idx.msk $0xffff, v1  }
0x29d: {  	v30 =	vor.u32 s24, v2;
	v1 =	vld.idx.msk [tilespmem:v31+s17+$0x0], $0xffff  }
0x29e: {  	v2 =	vld [tilespmem:$0x1FDF0];
	v31 =	vor.u32 v4, v0;
	_ =	sdelay $0x2  }
0x29f: {  	v12 =	vsel vm0, v13, v12;
	v38 =	vsel vm0, v23, v14;
	[tilespmem:$0x1F650] =	vst v9  }
0x2a0: {  	v9 =	vcombine.low v38, v12;
	[tilespmem:v30+s20+$0x0] =	vst.idx.msk $0xffff, v1  }
0x2a1: {  	v30 =	vor.u32 s24, v2;
	v1 =	vld.idx.msk [tilespmem:v31+s17+$0x0], $0xffff  }
0x2a2: {  	v2 =	vor.u32 v9, v0;
	_ =	sdelay $0x3  }
0x2a3: {  	[tilespmem:v30+s20+$0x0] =	vst.idx.msk $0xffff, v1  }
0x2a4: {  	v1 =	vld.idx.msk [tilespmem:v2+s17+$0x0], $0xffff  }
0x2a5: {  	v2 =	vld [tilespmem:$0x1FE00];
	_ =	sdelay $0x2  }
0x2a6: {  	v47 =	vsel vm0, v47, v26;
	v14 =	vsel vm0, v15, v27  }
0x2a7: {  	[tilespmem:$0x1F670] =	vst v9;
	v9 =	vcombine.low v14, v47  }
0x2a8: {  	v3 =	vsel vm0, v3, v17;
	v30 =	vor.u32 s24, v2;
	v2 =	vsel vm0, v28, v20  }
0x2a9: {  	v13 =	vor.u32 v9, v0;
	v3 =	vcombine.low v2, v3;
	v2 =	vld [tilespmem:$0x1FE10];
	_ =	sdelay $0x3  }
0x2aa: {  	[tilespmem:v30+s20+$0x0] =	vst.idx.msk $0xffff, v1  }
0x2ab: {  	v1 =	vld.idx.msk [tilespmem:v13+s17+$0x0], $0xffff;
	v30 =	vor.u32 s24, v2  }
0x2ac: {  	v2 =	vor.u32 v3, v0;
	_ =	sdelay $0x3  }
0x2ad: {  	[tilespmem:v30+s20+$0x0] =	vst.idx.msk $0xffff, v1  }
0x2ae: {  	v1 =	vld.idx.msk [tilespmem:v2+s17+$0x0], $0xffff  }
0x2af: {  	v2 =	vld [tilespmem:$0x1FE20];
	_ =	sdelay $0x3  }
0x2b0: {  	[tilespmem:$0x1F690] =	vst v3;
	v3 =	vcombine.low v5, v33  }
0x2b1: {  	v30 =	vor.u32 s24, v2  }
0x2b2: {  	v2 =	vor.u32 v3, v0;
	_ =	sdelay $0x3  }
0x2b3: {  	[tilespmem:v30+s20+$0x0] =	vst.idx.msk $0xffff, v1  }
0x2b4: {  	v1 =	vld.idx.msk [tilespmem:v2+s17+$0x0], $0xffff  }
0x2b5: {  	v2 =	vld [tilespmem:$0x1FE30];
	_ =	sdelay $0x3  }
0x2b6: {  	[tilespmem:$0x1F6A0] =	vst v3;
	v3 =	vcombine.low v35, v36  }
0x2b7: {  	v30 =	vor.u32 s24, v2  }
0x2b8: {  	v2 =	vor.u32 v3, v0;
	_ =	sdelay $0x3  }
0x2b9: {  	[tilespmem:v30+s20+$0x0] =	vst.idx.msk $0xffff, v1  }
0x2ba: {  	v1 =	vld.idx.msk [tilespmem:v2+s17+$0x0], $0xffff  }
0x2bb: {  	v2 =	vld [tilespmem:$0x1FE40];
	_ =	sdelay $0x3  }
0x2bc: {  	[tilespmem:$0x1F6B0] =	vst v3;
	v3 =	vcombine.low v37, v32  }
0x2bd: {  	v30 =	vor.u32 s24, v2  }
0x2be: {  	v2 =	vor.u32 v3, v0;
	_ =	sdelay $0x3  }
0x2bf: {  	[tilespmem:v30+s20+$0x0] =	vst.idx.msk $0xffff, v1  }
0x2c0: {  	v1 =	vld.idx.msk [tilespmem:v2+s17+$0x0], $0xffff  }
0x2c1: {  	v2 =	vld [tilespmem:$0x1FE50];
	_ =	sdelay $0x3  }
0x2c2: {  	[tilespmem:$0x1F6C0] =	vst v3;
	v3 =	vcombine.low v40, v41  }
0x2c3: {  	v30 =	vor.u32 s24, v2  }
0x2c4: {  	v2 =	vor.u32 v3, v0;
	_ =	sdelay $0x3  }
0x2c5: {  	[tilespmem:v30+s20+$0x0] =	vst.idx.msk $0xffff, v1  }
0x2c6: {  	v1 =	vld.idx.msk [tilespmem:v2+s17+$0x0], $0xffff  }
0x2c7: {  	v2 =	vld [tilespmem:$0x1FE60];
	_ =	sdelay $0x3  }
0x2c8: {  	[tilespmem:$0x1F6D0] =	vst v3;
	v3 =	vcombine.low v42, v43  }
0x2c9: {  	v30 =	vor.u32 s24, v2  }
0x2ca: {  	v2 =	vor.u32 v3, v0;
	_ =	sdelay $0x3  }
0x2cb: {  	[tilespmem:v30+s20+$0x0] =	vst.idx.msk $0xffff, v1  }
0x2cc: {  	v1 =	vld.idx.msk [tilespmem:v2+s17+$0x0], $0xffff  }
0x2cd: {  	v2 =	vld [tilespmem:$0x1FE70];
	_ =	sdelay $0x3  }
0x2ce: {  	[tilespmem:$0x1F6E0] =	vst v3;
	v3 =	vcombine.low v12, v38  }
0x2cf: {  	v30 =	vor.u32 s24, v2  }
0x2d0: {  	v2 =	vor.u32 v3, v0;
	_ =	sdelay $0x3  }
0x2d1: {  	[tilespmem:v30+s20+$0x0] =	vst.idx.msk $0xffff, v1  }
0x2d2: {  	v1 =	vld.idx.msk [tilespmem:v2+s17+$0x0], $0xffff  }
0x2d3: {  	v2 =	vld [tilespmem:$0x1FE80];
	_ =	sdelay $0x3  }
0x2d4: {  	[tilespmem:$0x1F6F0] =	vst v3;
	v3 =	vcombine.low v47, v14  }
0x2d5: {  	v30 =	vor.u32 s24, v2  }
0x2d6: {  	v2 =	vor.u32 v3, v0;
	_ =	sdelay $0x3  }
0x2d7: {  	[tilespmem:v30+s20+$0x0] =	vst.idx.msk $0xffff, v1  }
0x2d8: {  	v1 =	vld.idx.msk [tilespmem:v2+s17+$0x0], $0xffff  }
0x2d9: {  	v2 =	vld [tilespmem:$0x1FE90]  }
0x2da: {  	v46 =	vld [tilespmem:$0x1FC00]  }
0x2db: {  	v17 =	vld [tilespmem:$0x1FBF0]  }
0x2dc: {  	[tilespmem:$0x1F680] =	vst v9;
	v9 =	vld [tilespmem:$0x1FBD0]  }
0x2dd: {  	v43 =	vld [tilespmem:$0x1FBE0]  }
0x2de: {  	v30 =	vor.u32 s24, v2;
	v2 =	vor.u32 $0x30, v24  }
0x2df: {  	v7 =	vmov v19;
	v19 =	vmov v49;
	v49 =	vor.u32 v2, v0;
	_ =	sdelay $0x1  }
0x2e0: {  	[tilespmem:$0x1F700] =	vst v3  }
0x2e1: {  	v23 =	vsel vm0, v46, v17;
	v12 =	vsel vm0, v43, v9;
	[tilespmem:$0x1F710] =	vst v2  }
0x2e2: {  	v3 =	vcombine.low v23, v12;
	v2 =	vor.u32 $0x1800, v34;
	[tilespmem:v30+s20+$0x0] =	vst.idx.msk $0xffff, v1  }
0x2e3: {  	v30 =	vor.u32 s24, v2;
	v1 =	vld.idx.msk [tilespmem:v49+s17+$0x0], $0xffff  }
0x2e4: {  	v36 =	vmov v3;
	v3 =	vor.u32 v3, v0;
	_ =	sdelay $0x2  }
0x2e5: {  	v15 =	vld [tilespmem:$0x1FC30]  }
0x2e6: {  	v14 =	vld [tilespmem:$0x1FC20];
	[tilespmem:v30+s20+$0x0] =	vst.idx.msk $0xffff, v1  }
0x2e7: {  	v1 =	vld.idx.msk [tilespmem:v3+s17+$0x0], $0xffff  }
0x2e8: {  	v3 =	vld [tilespmem:$0x1FEA0]  }
0x2e9: {  	v24 =	vld [tilespmem:$0x1FC10]  }
0x2ea: {  	[tilespmem:$0x1F720] =	vst v2;
	v2 =	vld [tilespmem:$0x1FC40];
	_ =	sdelay $0x1  }
0x2eb: {  	v47 =	vld [tilespmem:$0x1FC60]  }
0x2ec: {  	v31 =	vmov v3;
	v30 =	vor.u32 s24, v3;
	v3 =	vld [tilespmem:$0x1FC50];
	_ =	sdelay $0x1  }
0x2ed: {  	v35 =	vsel vm0, v14, v24;
	v38 =	vsel vm0, v2, v15  }
0x2ee: {  	v28 =	vld [tilespmem:$0x1FC70];
	v5 =	vcombine.low v38, v35  }
0x2ef: {  	v20 =	vld [tilespmem:$0x1FEB0]  }
0x2f0: {  	[tilespmem:$0x1F660] =	vst v4;
	v4 =	vmov v8;
	v32 =	vor.u32 v5, v0;
	v8 =	vsel vm0, v47, v3;
	v3 =	vld [tilespmem:$0x1FC80];
	_ =	sdelay $0x3  }
0x2f1: {  	v26 =	vld [tilespmem:$0x1FCB0];
	[tilespmem:v30+s20+$0x0] =	vst.idx.msk $0xffff, v1  }
0x2f2: {  	v49 =	vmov v5;
	v30 =	vor.u32 s24, v20;
	v1 =	vld.idx.msk [tilespmem:v32+s17+$0x0], $0xffff;
	v5 =	vsel vm0, v3, v28  }
0x2f3: {  	v27 =	vld [tilespmem:$0x1FCC0];
	[tilespmem:$0x1F730] =	vst v5;
	v5 =	vcombine.low v5, v8  }
0x2f4: {  	v37 =	vmov v20;
	v20 =	vld [tilespmem:$0x1FCA0]  }
0x2f5: {  	v29 =	vmovc v11;
	v11 =	vmovc v39;
	v39 =	vmov v44;
	v44 =	vmov v5;
	v33 =	vor.u32 v5, v0;
	v5 =	vld [tilespmem:$0x1FC90];
	_ =	sdelay $0x1  }
0x2f6: {  	[tilespmem:v30+s20+$0x0] =	vst.idx.msk $0xffff, v1;
	v30 =	vld [tilespmem:$0x1FEC0];
	_ =	sdelay $0x2  }
0x2f7: {  	[tilespmem:$0x1F740] =	vst v8;
	v8 =	vsel vm0, v20, v5;
	v5 =	vsel vm0, v27, v26  }
0x2f8: {  	[tilespmem:$0x1F750] =	vst v5;
	v5 =	vcombine.low v5, v8  }
0x2f9: {  	v1 =	vld.idx.msk [tilespmem:v33+s17+$0x0], $0xffff;
	v33 =	vmov v30;
	v30 =	vor.u32 s24, v30  }
0x2fa: {  	v41 =	vsel vm0, v17, v43;
	v17 =	vld [tilespmem:$0x1FED0];
	v2 =	vsel vm0, v24, v2;
	v42 =	vor.u32 v5, v0  }
0x2fb: {  	[tilespmem:$0x1F780] =	vst v2  }
0x2fc: {  	[tilespmem:$0x1F760] =	vst v8;
	v32 =	vmov v5;
	v5 =	vsel vm0, v9, v46  }
0x2fd: {  	[tilespmem:$0x1F770] =	vst v5;
	v5 =	vcombine.low v5, v41  }
0x2fe: {  	[tilespmem:v30+s20+$0x0] =	vst.idx.msk $0xffff, v1  }
0x2ff: {  	v30 =	vor.u32 s24, v17;
	v8 =	vmovc v5;
	v46 =	vor.u32 v5, v0;
	v5 =	vsel vm0, v15, v14;
	v1 =	vld.idx.msk [tilespmem:v42+s17+$0x0], $0xffff  }
0x300: {  	[tilespmem:$0x1F790] =	vst v5;
	v5 =	vcombine.low v2, v5;
	v2 =	vld [tilespmem:$0x1FEE0];
	_ =	sdelay $0x3  }
0x301: {  	[tilespmem:v30+s20+$0x0] =	vst.idx.msk $0xffff, v1  }
0x302: {  	v30 =	vor.u32 s24, v2;
	v1 =	vld.idx.msk [tilespmem:v46+s17+$0x0], $0xffff;
	_ =	sdelay $0x3  }
0x303: {  	v14 =	vld [tilespmem:$0x1FC50]  }
0x304: {  	[tilespmem:v30+s20+$0x0] =	vst.idx.msk $0xffff, v1;
	v1 =	vld [tilespmem:$0x1FEF0];
	_ =	sdelay $0x4  }
0x305: {  	v3 =	vsel vm0, v14, v3;
	v40 =	vmovc v2;
	v2 =	vor.u32 v5, v0;
	v14 =	vmovc v1;
	v30 =	vor.u32 s24, v1;
	v1 =	vld [tilespmem:$0x1FC90];
	_ =	sdelay $0x2  }
0x306: {  	v9 =	vmov v5;
	v5 =	vsel vm0, v28, v47  }
0x307: {  	[tilespmem:$0x1F7A0] =	vst v3;
	v3 =	vcombine.low v3, v5  }
0x308: {  	v42 =	vld.idx.msk [tilespmem:v2+s17+$0x0], $0xffff;
	v2 =	vsel vm0, v26, v20;
	v1 =	vsel vm0, v1, v27  }
0x309: {  	v24 =	vmov v3;
	v43 =	vor.u32 v3, v0;
	v3 =	vcombine.low v1, v2;
	v2 =	vld [tilespmem:$0x1FF00];
	_ =	sdelay $0x3  }
0x30a: {  	[tilespmem:v30+s20+$0x0] =	vst.idx.msk $0xffff, v42  }
0x30b: {  	v1 =	vld.idx.msk [tilespmem:v43+s17+$0x0], $0xffff;
	v30 =	vor.u32 s24, v2  }
0x30c: {  	v47 =	vor.u32 v3, v0;
	v43 =	vmov v2;
	v2 =	vld [tilespmem:$0x1FF10];
	_ =	sdelay $0x3  }
0x30d: {  	v42 =	vmov v3;
	v3 =	vcombine.low v12, v23;
	[tilespmem:v30+s20+$0x0] =	vst.idx.msk $0xffff, v1  }
0x30e: {  	v30 =	vor.u32 s24, v2;
	v1 =	vld.idx.msk [tilespmem:v47+s17+$0x0], $0xffff  }
0x30f: {  	v28 =	vmov v2;
	v2 =	vor.u32 v3, v0;
	_ =	sdelay $0x3  }
0x310: {  	[tilespmem:v30+s20+$0x0] =	vst.idx.msk $0xffff, v1  }
0x311: {  	v1 =	vld.idx.msk [tilespmem:v2+s17+$0x0], $0xffff  }
0x312: {  	v2 =	vld [tilespmem:$0x1FF20];
	_ =	sdelay $0x4  }
0x313: {  	v30 =	vor.u32 s24, v2;
	_ =	sdelay $0x1  }
0x314: {  	v47 =	vmov v3;
	v3 =	vcombine.low v35, v38;
	_ =	sdelay $0x1  }
0x315: {  	v23 =	vmov v3;
	v46 =	vmov v2;
	v2 =	vor.u32 v3, v0;
	v3 =	vld [tilespmem:$0x1F740]  }
0x316: {  	[tilespmem:v30+s20+$0x0] =	vst.idx.msk $0xffff, v1;
	v1 =	vld [tilespmem:$0x1F730];
	_ =	sdelay $0x4  }
0x317: {  	v13 =	vmov v17;
	v17 =	vcombine.low v3, v1;
	v1 =	vld.idx.msk [tilespmem:v2+s17+$0x0], $0xffff  }
0x318: {  	v2 =	vld [tilespmem:$0x1FF30];
	_ =	sdelay $0x4  }
0x319: {  	v30 =	vor.u32 s24, v2;
	_ =	sdelay $0x3  }
0x31a: {  	v3 =	vld [tilespmem:$0x1F760]  }
0x31b: {  	v15 =	vmov v2;
	v2 =	vor.u32 v17, v0;
	[tilespmem:v30+s20+$0x0] =	vst.idx.msk $0xffff, v1;
	v1 =	vld [tilespmem:$0x1F750];
	_ =	sdelay $0x4  }
0x31c: {  	v20 =	vcombine.low v3, v1;
	v1 =	vld.idx.msk [tilespmem:v2+s17+$0x0], $0xffff  }
0x31d: {  	v2 =	vld [tilespmem:$0x1FF40];
	_ =	sdelay $0x4  }
0x31e: {  	v30 =	vor.u32 s24, v2;
	_ =	sdelay $0x3  }
0x31f: {  	[tilespmem:$0x1F7B0] =	vst v5  }
0x320: {  	v5 =	vmov v2;
	v2 =	vor.u32 v20, v0;
	[tilespmem:v30+s20+$0x0] =	vst.idx.msk $0xffff, v1;
	v1 =	vld [tilespmem:$0x1F770];
	_ =	sdelay $0x4  }
0x321: {  	v38 =	vcombine.low v41, v1;
	v1 =	vld.idx.msk [tilespmem:v2+s17+$0x0], $0xffff  }
0x322: {  	v2 =	vld [tilespmem:$0x1FF50];
	_ =	sdelay $0x4  }
0x323: {  	v30 =	vor.u32 s24, v2;
	_ =	sdelay $0x3  }
0x324: {  	v12 =	vmov v2;
	v2 =	vld [tilespmem:$0x1F790]  }
0x325: {  	[tilespmem:v30+s20+$0x0] =	vst.idx.msk $0xffff, v1;
	v1 =	vld [tilespmem:$0x1F780];
	_ =	sdelay $0x4  }
0x326: {  	v3 =	vor.u32 v38, v0;
	v27 =	vcombine.low v2, v1;
	v1 =	vld [tilespmem:$0x1FF60];
	_ =	sdelay $0x4  }
0x327: {  	v2 =	vld.idx.msk [tilespmem:v3+s17+$0x0], $0xffff;
	v30 =	vor.u32 s24, v1  }
0x328: {  	v26 =	vmov v1;
	v1 =	vor.u32 v27, v0;
	_ =	sdelay $0x3  }
0x329: {  	[tilespmem:v30+s20+$0x0] =	vst.idx.msk $0xffff, v2  }
0x32a: {  	v35 =	vld.idx.msk [tilespmem:v1+s17+$0x0], $0xffff  }
0x32b: {  	v1 =	vld [tilespmem:$0x1FF70];
	_ =	sdelay $0x1  }
0x32c: {  	v3 =	vld [tilespmem:$0x1F7B0]  }
0x32d: {  	v2 =	vld [tilespmem:$0x1F7A0];
	_ =	sdelay $0x1  }
0x32e: {  	v41 =	vmov v1;
	v1 =	vor.u32 s24, v1;
	_ =	sdelay $0x1  }
0x32f: {  	v21 =	vld [tilespmem:$0x1FA80]  }
0x330: {  	v25 =	vld [tilespmem:$0x1FA60];
	v30 =	vcombine.low v3, v2  }
0x331: {  	s25 =	simm.s32 $0x10;
	v50 =	vmov v6;
	v6 =	vmov v18;
	v18 =	vmov v63;
	v63 =	vld [tilespmem:$0x1FA90]  }
0x332: {  	s26 =	simm.s32 $0x20;
	s23 =	sshll.u32 s22, $0x1;
	v0 =	vor.u32 v30, v0;
	[tilespmem:v1+s20+$0x0] =	vst.idx.msk $0xffff, v35;
	v1 =	vmov s25;
	v35 =	vld [tilespmem:$0x1FF80]  }
.LBB2_3:
0x333: {  	_ =	sdelay $0x2  }
0x334: {  	v1 =	vshll.u32 v1, $0x7  }
0x335: {  	v2 =	vld.idx.msk [tilespmem:v0+s17+$0x0], $0xffff;
	v3 =	vlaneseq.u32;
	v0 =	vor.u32 v16, v1;
	v1 =	vor.u32 s24, v35  }
0x336: {  	v3 =	vor.u32 v3, v0;
	_ =	sdelay $0x3  }
0x337: {  	s24 =	smov.u32 s25;
	[tilespmem:v1+s20+$0x0] =	vst.idx.msk $0xffff, v2  }
0x338: {  	v2 =	vor.u32 s24, v34;
	v1 =	vld.idx.msk [tilespmem:v3+s17+$0x0], $0xffff  }
0x339: {  	v3 =	vor.u32 v4, v0;
	_ =	sdelay $0x3  }
0x33a: {  	[tilespmem:v2+s20+$0x0] =	vst.idx.msk $0xffff, v1  }
0x33b: {  	v2 =	vor.u32 s24, v21;
	v1 =	vld.idx.msk [tilespmem:v3+s17+$0x0], $0xffff  }
0x33c: {  	v3 =	vor.u32 v51, v0;
	_ =	sdelay $0x3  }
0x33d: {  	[tilespmem:v2+s20+$0x0] =	vst.idx.msk $0xffff, v1  }
0x33e: {  	v2 =	vor.u32 s24, v25;
	v1 =	vld.idx.msk [tilespmem:v3+s17+$0x0], $0xffff  }
0x33f: {  	v3 =	vor.u32 v57, v0;
	_ =	sdelay $0x3  }
0x340: {  	[tilespmem:v2+s20+$0x0] =	vst.idx.msk $0xffff, v1  }
0x341: {  	v2 =	vor.u32 s24, v39;
	v1 =	vld.idx.msk [tilespmem:v3+s17+$0x0], $0xffff  }
0x342: {  	v3 =	vor.u32 v19, v0;
	_ =	sdelay $0x3  }
0x343: {  	[tilespmem:v2+s20+$0x0] =	vst.idx.msk $0xffff, v1  }
0x344: {  	v2 =	vor.u32 s24, v11;
	v1 =	vld.idx.msk [tilespmem:v3+s17+$0x0], $0xffff  }
0x345: {  	v3 =	vor.u32 v54, v0;
	_ =	sdelay $0x3  }
0x346: {  	[tilespmem:v2+s20+$0x0] =	vst.idx.msk $0xffff, v1  }
0x347: {  	v2 =	vor.u32 s24, v55;
	v1 =	vld.idx.msk [tilespmem:v3+s17+$0x0], $0xffff  }
0x348: {  	v3 =	vor.u32 v56, v0;
	_ =	sdelay $0x3  }
0x349: {  	[tilespmem:v2+s20+$0x0] =	vst.idx.msk $0xffff, v1  }
0x34a: {  	v2 =	vor.u32 s24, v18;
	v1 =	vld.idx.msk [tilespmem:v3+s17+$0x0], $0xffff  }
0x34b: {  	v3 =	vor.u32 v58, v0;
	_ =	sdelay $0x3  }
0x34c: {  	[tilespmem:v2+s20+$0x0] =	vst.idx.msk $0xffff, v1  }
0x34d: {  	v2 =	vor.u32 s24, v59;
	v1 =	vld.idx.msk [tilespmem:v3+s17+$0x0], $0xffff  }
0x34e: {  	v3 =	vor.u32 v60, v0;
	_ =	sdelay $0x3  }
0x34f: {  	[tilespmem:v2+s20+$0x0] =	vst.idx.msk $0xffff, v1  }
0x350: {  	v2 =	vor.u32 s24, v61;
	v1 =	vld.idx.msk [tilespmem:v3+s17+$0x0], $0xffff  }
0x351: {  	v3 =	vor.u32 v62, v0;
	_ =	sdelay $0x3  }
0x352: {  	[tilespmem:v2+s20+$0x0] =	vst.idx.msk $0xffff, v1  }
0x353: {  	v2 =	vor.u32 s24, v63;
	v1 =	vld.idx.msk [tilespmem:v3+s17+$0x0], $0xffff  }
0x354: {  	v3 =	vor.u32 v45, v0;
	_ =	sdelay $0x3  }
0x355: {  	[tilespmem:v2+s20+$0x0] =	vst.idx.msk $0xffff, v1  }
0x356: {  	v2 =	vor.u32 s24, v29;
	v1 =	vld.idx.msk [tilespmem:v3+s17+$0x0], $0xffff  }
0x357: {  	v3 =	vor.u32 v52, v0;
	_ =	sdelay $0x3  }
0x358: {  	[tilespmem:v2+s20+$0x0] =	vst.idx.msk $0xffff, v1  }
0x359: {  	v2 =	vor.u32 s24, v53;
	v1 =	vld.idx.msk [tilespmem:v3+s17+$0x0], $0xffff  }
0x35a: {  	v3 =	vor.u32 v10, v0;
	_ =	sdelay $0x3  }
0x35b: {  	[tilespmem:v2+s20+$0x0] =	vst.idx.msk $0xffff, v1  }
0x35c: {  	v2 =	vor.u32 s24, v22;
	v1 =	vld.idx.msk [tilespmem:v3+s17+$0x0], $0xffff;
	_ =	sdelay $0x2  }
0x35d: {  	v3 =	vor.u32 v48, v0;
	_ =	sdelay $0x1  }
0x35e: {  	[tilespmem:v2+s20+$0x0] =	vst.idx.msk $0xffff, v1;
	v2 =	vld [tilespmem:$0x1F870];
	_ =	sdelay $0x2  }
0x35f: {  	v1 =	vld.idx.msk [tilespmem:v3+s17+$0x0], $0xffff  }
0x360: {  	v3 =	vld [tilespmem:$0x1F880]  }
0x361: {  	v2 =	vor.u32 s24, v2;
	_ =	sdelay $0x3  }
0x362: {  	v3 =	vor.u32 v3, v0  }
0x363: {  	[tilespmem:v2+s20+$0x0] =	vst.idx.msk $0xffff, v1;
	v2 =	vld [tilespmem:$0x1F890];
	_ =	sdelay $0x3  }
0x364: {  	v1 =	vld.idx.msk [tilespmem:v3+s17+$0x0], $0xffff  }
0x365: {  	v3 =	vld [tilespmem:$0x1F8A0];
	v2 =	vor.u32 s24, v2;
	_ =	sdelay $0x4  }
0x366: {  	v3 =	vor.u32 v3, v0;
	[tilespmem:v2+s20+$0x0] =	vst.idx.msk $0xffff, v1;
	v2 =	vld [tilespmem:$0x1F8B0];
	_ =	sdelay $0x4  }
0x367: {  	v1 =	vld.idx.msk [tilespmem:v3+s17+$0x0], $0xffff;
	v2 =	vor.u32 s24, v2  }
0x368: {  	v3 =	vor.u32 v7, v0;
	_ =	sdelay $0x3  }
0x369: {  	[tilespmem:v2+s20+$0x0] =	vst.idx.msk $0xffff, v1;
	v2 =	vld [tilespmem:$0x1FFC0]  }
0x36a: {  	v1 =	vld.idx.msk [tilespmem:v3+s17+$0x0], $0xffff  }
0x36b: {  	v3 =	vld [tilespmem:$0x1FFD0];
	_ =	sdelay $0x3  }
0x36c: {  	v2 =	vor.u32 s24, v2  }
0x36d: {  	v3 =	vor.u32 v3, v0;
	_ =	sdelay $0x3  }
0x36e: {  	[tilespmem:v2+s20+$0x0] =	vst.idx.msk $0xffff, v1;
	v2 =	vld [tilespmem:$0x1F8C0]  }
0x36f: {  	v1 =	vld.idx.msk [tilespmem:v3+s17+$0x0], $0xffff  }
0x370: {  	v3 =	vld [tilespmem:$0x1FFE0];
	_ =	sdelay $0x3  }
0x371: {  	v2 =	vor.u32 s24, v2  }
0x372: {  	v3 =	vor.u32 v3, v0;
	_ =	sdelay $0x3  }
0x373: {  	[tilespmem:v2+s20+$0x0] =	vst.idx.msk $0xffff, v1;
	v2 =	vld [tilespmem:$0x1F8D0]  }
0x374: {  	v1 =	vld.idx.msk [tilespmem:v3+s17+$0x0], $0xffff  }
0x375: {  	v3 =	vld [tilespmem:$0x1F530];
	_ =	sdelay $0x3  }
0x376: {  	v2 =	vor.u32 s24, v2  }
0x377: {  	v3 =	vor.u32 v3, v0;
	_ =	sdelay $0x3  }
0x378: {  	[tilespmem:v2+s20+$0x0] =	vst.idx.msk $0xffff, v1;
	v2 =	vld [tilespmem:$0x1F920]  }
0x379: {  	v1 =	vld.idx.msk [tilespmem:v3+s17+$0x0], $0xffff  }
0x37a: {  	v3 =	vld [tilespmem:$0x1F540];
	_ =	sdelay $0x3  }
0x37b: {  	v2 =	vor.u32 s24, v2  }
0x37c: {  	v3 =	vor.u32 v3, v0;
	_ =	sdelay $0x3  }
0x37d: {  	[tilespmem:v2+s20+$0x0] =	vst.idx.msk $0xffff, v1  }
0x37e: {  	v1 =	vld.idx.msk [tilespmem:v3+s17+$0x0], $0xffff  }
0x37f: {  	v3 =	vld [tilespmem:$0x1F550];
	_ =	sdelay $0x3  }
0x380: {  	v2 =	vor.u32 s24, v6  }
0x381: {  	v3 =	vor.u32 v3, v0;
	_ =	sdelay $0x3  }
0x382: {  	[tilespmem:v2+s20+$0x0] =	vst.idx.msk $0xffff, v1  }
0x383: {  	v1 =	vld.idx.msk [tilespmem:v3+s17+$0x0], $0xffff  }
0x384: {  	v3 =	vld [tilespmem:$0x1F560];
	_ =	sdelay $0x3  }
0x385: {  	v2 =	vor.u32 s24, v50  }
0x386: {  	v3 =	vor.u32 v3, v0;
	_ =	sdelay $0x3  }
0x387: {  	[tilespmem:v2+s20+$0x0] =	vst.idx.msk $0xffff, v1;
	v2 =	vld [tilespmem:$0x1F970]  }
0x388: {  	v1 =	vld.idx.msk [tilespmem:v3+s17+$0x0], $0xffff  }
0x389: {  	v3 =	vld [tilespmem:$0x1F570];
	_ =	sdelay $0x3  }
0x38a: {  	v2 =	vor.u32 s24, v2  }
0x38b: {  	v3 =	vor.u32 v3, v0;
	_ =	sdelay $0x3  }
0x38c: {  	[tilespmem:v2+s20+$0x0] =	vst.idx.msk $0xffff, v1;
	v2 =	vld [tilespmem:$0x1F980]  }
0x38d: {  	v1 =	vld.idx.msk [tilespmem:v3+s17+$0x0], $0xffff  }
0x38e: {  	v3 =	vld [tilespmem:$0x1F580];
	_ =	sdelay $0x3  }
0x38f: {  	v2 =	vor.u32 s24, v2  }
0x390: {  	v3 =	vor.u32 v3, v0;
	_ =	sdelay $0x3  }
0x391: {  	[tilespmem:v2+s20+$0x0] =	vst.idx.msk $0xffff, v1;
	v2 =	vld [tilespmem:$0x1F990]  }
0x392: {  	v1 =	vld.idx.msk [tilespmem:v3+s17+$0x0], $0xffff  }
0x393: {  	v3 =	vld [tilespmem:$0x1F590];
	_ =	sdelay $0x3  }
0x394: {  	v2 =	vor.u32 s24, v2  }
0x395: {  	v3 =	vor.u32 v3, v0;
	_ =	sdelay $0x3  }
0x396: {  	[tilespmem:v2+s20+$0x0] =	vst.idx.msk $0xffff, v1;
	v2 =	vld [tilespmem:$0x1F9A0]  }
0x397: {  	v1 =	vld.idx.msk [tilespmem:v3+s17+$0x0], $0xffff  }
0x398: {  	v3 =	vld [tilespmem:$0x1F5A0];
	_ =	sdelay $0x3  }
0x399: {  	v2 =	vor.u32 s24, v2  }
0x39a: {  	v3 =	vor.u32 v3, v0;
	_ =	sdelay $0x3  }
0x39b: {  	[tilespmem:v2+s20+$0x0] =	vst.idx.msk $0xffff, v1;
	v2 =	vld [tilespmem:$0x1F9B0]  }
0x39c: {  	v1 =	vld.idx.msk [tilespmem:v3+s17+$0x0], $0xffff  }
0x39d: {  	v3 =	vld [tilespmem:$0x1F5B0];
	_ =	sdelay $0x3  }
0x39e: {  	v2 =	vor.u32 s24, v2  }
0x39f: {  	v3 =	vor.u32 v3, v0;
	_ =	sdelay $0x3  }
0x3a0: {  	[tilespmem:v2+s20+$0x0] =	vst.idx.msk $0xffff, v1;
	v2 =	vld [tilespmem:$0x1F9C0]  }
0x3a1: {  	v1 =	vld.idx.msk [tilespmem:v3+s17+$0x0], $0xffff  }
0x3a2: {  	v3 =	vld [tilespmem:$0x1F5C0];
	_ =	sdelay $0x3  }
0x3a3: {  	v2 =	vor.u32 s24, v2  }
0x3a4: {  	v3 =	vor.u32 v3, v0;
	_ =	sdelay $0x3  }
0x3a5: {  	[tilespmem:v2+s20+$0x0] =	vst.idx.msk $0xffff, v1;
	v2 =	vld [tilespmem:$0x1F9D0]  }
0x3a6: {  	v1 =	vld.idx.msk [tilespmem:v3+s17+$0x0], $0xffff  }
0x3a7: {  	v3 =	vld [tilespmem:$0x1F5D0];
	_ =	sdelay $0x3  }
0x3a8: {  	v2 =	vor.u32 s24, v2  }
0x3a9: {  	v3 =	vor.u32 v3, v0;
	_ =	sdelay $0x3  }
0x3aa: {  	[tilespmem:v2+s20+$0x0] =	vst.idx.msk $0xffff, v1;
	v2 =	vld [tilespmem:$0x1F9E0]  }
0x3ab: {  	v1 =	vld.idx.msk [tilespmem:v3+s17+$0x0], $0xffff  }
0x3ac: {  	v3 =	vld [tilespmem:$0x1F5E0];
	_ =	sdelay $0x3  }
0x3ad: {  	v2 =	vor.u32 s24, v2  }
0x3ae: {  	v3 =	vor.u32 v3, v0;
	_ =	sdelay $0x3  }
0x3af: {  	[tilespmem:v2+s20+$0x0] =	vst.idx.msk $0xffff, v1;
	v2 =	vld [tilespmem:$0x1F9F0]  }
0x3b0: {  	v1 =	vld.idx.msk [tilespmem:v3+s17+$0x0], $0xffff  }
0x3b1: {  	v3 =	vld [tilespmem:$0x1F5F0];
	_ =	sdelay $0x3  }
0x3b2: {  	v2 =	vor.u32 s24, v2  }
0x3b3: {  	v3 =	vor.u32 v3, v0;
	_ =	sdelay $0x3  }
0x3b4: {  	[tilespmem:v2+s20+$0x0] =	vst.idx.msk $0xffff, v1;
	v2 =	vld [tilespmem:$0x1FA00]  }
0x3b5: {  	v1 =	vld.idx.msk [tilespmem:v3+s17+$0x0], $0xffff  }
0x3b6: {  	v3 =	vld [tilespmem:$0x1F600];
	_ =	sdelay $0x3  }
0x3b7: {  	v2 =	vor.u32 s24, v2  }
0x3b8: {  	v3 =	vor.u32 v3, v0;
	_ =	sdelay $0x3  }
0x3b9: {  	[tilespmem:v2+s20+$0x0] =	vst.idx.msk $0xffff, v1;
	v2 =	vld [tilespmem:$0x1F610]  }
0x3ba: {  	v1 =	vld.idx.msk [tilespmem:v3+s17+$0x0], $0xffff  }
0x3bb: {  	v3 =	vld [tilespmem:$0x1F620];
	_ =	sdelay $0x3  }
0x3bc: {  	v2 =	vor.u32 s24, v2  }
0x3bd: {  	v3 =	vor.u32 v3, v0;
	_ =	sdelay $0x3  }
0x3be: {  	[tilespmem:v2+s20+$0x0] =	vst.idx.msk $0xffff, v1;
	v2 =	vld [tilespmem:$0x1FDB0]  }
0x3bf: {  	v1 =	vld.idx.msk [tilespmem:v3+s17+$0x0], $0xffff  }
0x3c0: {  	v3 =	vld [tilespmem:$0x1F630];
	_ =	sdelay $0x3  }
0x3c1: {  	v2 =	vor.u32 s24, v2  }
0x3c2: {  	v3 =	vor.u32 v3, v0;
	_ =	sdelay $0x3  }
0x3c3: {  	[tilespmem:v2+s20+$0x0] =	vst.idx.msk $0xffff, v1;
	v2 =	vld [tilespmem:$0x1FDC0]  }
0x3c4: {  	v1 =	vld.idx.msk [tilespmem:v3+s17+$0x0], $0xffff  }
0x3c5: {  	v3 =	vld [tilespmem:$0x1F640];
	_ =	sdelay $0x3  }
0x3c6: {  	v2 =	vor.u32 s24, v2  }
0x3c7: {  	v3 =	vor.u32 v3, v0;
	_ =	sdelay $0x3  }
0x3c8: {  	[tilespmem:v2+s20+$0x0] =	vst.idx.msk $0xffff, v1;
	v2 =	vld [tilespmem:$0x1FDD0]  }
0x3c9: {  	v1 =	vld.idx.msk [tilespmem:v3+s17+$0x0], $0xffff  }
0x3ca: {  	v3 =	vld [tilespmem:$0x1F650];
	_ =	sdelay $0x3  }
0x3cb: {  	v2 =	vor.u32 s24, v2  }
0x3cc: {  	v3 =	vor.u32 v3, v0;
	_ =	sdelay $0x3  }
0x3cd: {  	[tilespmem:v2+s20+$0x0] =	vst.idx.msk $0xffff, v1;
	v2 =	vld [tilespmem:$0x1FDE0]  }
0x3ce: {  	v1 =	vld.idx.msk [tilespmem:v3+s17+$0x0], $0xffff  }
0x3cf: {  	v3 =	vld [tilespmem:$0x1F660];
	_ =	sdelay $0x3  }
0x3d0: {  	v2 =	vor.u32 s24, v2  }
0x3d1: {  	v3 =	vor.u32 v3, v0;
	_ =	sdelay $0x3  }
0x3d2: {  	[tilespmem:v2+s20+$0x0] =	vst.idx.msk $0xffff, v1;
	v2 =	vld [tilespmem:$0x1FDF0]  }
0x3d3: {  	v1 =	vld.idx.msk [tilespmem:v3+s17+$0x0], $0xffff  }
0x3d4: {  	v3 =	vld [tilespmem:$0x1F670];
	_ =	sdelay $0x3  }
0x3d5: {  	v2 =	vor.u32 s24, v2  }
0x3d6: {  	v3 =	vor.u32 v3, v0;
	_ =	sdelay $0x3  }
0x3d7: {  	[tilespmem:v2+s20+$0x0] =	vst.idx.msk $0xffff, v1;
	v2 =	vld [tilespmem:$0x1FE00]  }
0x3d8: {  	v1 =	vld.idx.msk [tilespmem:v3+s17+$0x0], $0xffff  }
0x3d9: {  	v3 =	vld [tilespmem:$0x1F680];
	_ =	sdelay $0x3  }
0x3da: {  	v2 =	vor.u32 s24, v2  }
0x3db: {  	v3 =	vor.u32 v3, v0;
	_ =	sdelay $0x3  }
0x3dc: {  	[tilespmem:v2+s20+$0x0] =	vst.idx.msk $0xffff, v1;
	v2 =	vld [tilespmem:$0x1FE10]  }
0x3dd: {  	v1 =	vld.idx.msk [tilespmem:v3+s17+$0x0], $0xffff  }
0x3de: {  	v3 =	vld [tilespmem:$0x1F690];
	_ =	sdelay $0x3  }
0x3df: {  	v2 =	vor.u32 s24, v2  }
0x3e0: {  	v3 =	vor.u32 v3, v0;
	_ =	sdelay $0x3  }
0x3e1: {  	[tilespmem:v2+s20+$0x0] =	vst.idx.msk $0xffff, v1;
	v2 =	vld [tilespmem:$0x1FE20]  }
0x3e2: {  	v1 =	vld.idx.msk [tilespmem:v3+s17+$0x0], $0xffff  }
0x3e3: {  	v3 =	vld [tilespmem:$0x1F6A0];
	_ =	sdelay $0x3  }
0x3e4: {  	v2 =	vor.u32 s24, v2  }
0x3e5: {  	v3 =	vor.u32 v3, v0;
	_ =	sdelay $0x3  }
0x3e6: {  	[tilespmem:v2+s20+$0x0] =	vst.idx.msk $0xffff, v1;
	v2 =	vld [tilespmem:$0x1FE30]  }
0x3e7: {  	v1 =	vld.idx.msk [tilespmem:v3+s17+$0x0], $0xffff  }
0x3e8: {  	v3 =	vld [tilespmem:$0x1F6B0];
	_ =	sdelay $0x3  }
0x3e9: {  	v2 =	vor.u32 s24, v2  }
0x3ea: {  	v3 =	vor.u32 v3, v0;
	_ =	sdelay $0x3  }
0x3eb: {  	[tilespmem:v2+s20+$0x0] =	vst.idx.msk $0xffff, v1;
	v2 =	vld [tilespmem:$0x1FE40]  }
0x3ec: {  	v1 =	vld.idx.msk [tilespmem:v3+s17+$0x0], $0xffff  }
0x3ed: {  	v3 =	vld [tilespmem:$0x1F6C0];
	_ =	sdelay $0x3  }
0x3ee: {  	v2 =	vor.u32 s24, v2  }
0x3ef: {  	v3 =	vor.u32 v3, v0;
	_ =	sdelay $0x3  }
0x3f0: {  	[tilespmem:v2+s20+$0x0] =	vst.idx.msk $0xffff, v1;
	v2 =	vld [tilespmem:$0x1FE50]  }
0x3f1: {  	v1 =	vld.idx.msk [tilespmem:v3+s17+$0x0], $0xffff  }
0x3f2: {  	v3 =	vld [tilespmem:$0x1F6D0];
	_ =	sdelay $0x3  }
0x3f3: {  	v2 =	vor.u32 s24, v2  }
0x3f4: {  	v3 =	vor.u32 v3, v0;
	_ =	sdelay $0x3  }
0x3f5: {  	[tilespmem:v2+s20+$0x0] =	vst.idx.msk $0xffff, v1;
	v2 =	vld [tilespmem:$0x1FE60]  }
0x3f6: {  	v1 =	vld.idx.msk [tilespmem:v3+s17+$0x0], $0xffff  }
0x3f7: {  	v3 =	vld [tilespmem:$0x1F6E0];
	_ =	sdelay $0x2  }
0x3f8: {  	v2 =	vor.u32 s24, v2;
	_ =	sdelay $0x1  }
0x3f9: {  	v3 =	vor.u32 v3, v0;
	_ =	sdelay $0x2  }
0x3fa: {  	[tilespmem:v2+s20+$0x0] =	vst.idx.msk $0xffff, v1;
	v2 =	vld [tilespmem:$0x1FE70];
	_ =	sdelay $0x1  }
0x3fb: {  	v1 =	vld.idx.msk [tilespmem:v3+s17+$0x0], $0xffff  }
0x3fc: {  	v3 =	vld [tilespmem:$0x1F6F0];
	_ =	sdelay $0x1  }
0x3fd: {  	v2 =	vor.u32 s24, v2;
	_ =	sdelay $0x2  }
0x3fe: {  	v3 =	vor.u32 v3, v0;
	_ =	sdelay $0x1  }
0x3ff: {  	[tilespmem:v2+s20+$0x0] =	vst.idx.msk $0xffff, v1;
	v2 =	vld [tilespmem:$0x1FE80];
	_ =	sdelay $0x2  }
0x400: {  	v1 =	vld.idx.msk [tilespmem:v3+s17+$0x0], $0xffff  }
0x401: {  	v3 =	vld [tilespmem:$0x1F700]  }
0x402: {  	v2 =	vor.u32 s24, v2;
	_ =	sdelay $0x3  }
0x403: {  	v3 =	vor.u32 v3, v0  }
0x404: {  	[tilespmem:v2+s20+$0x0] =	vst.idx.msk $0xffff, v1;
	v2 =	vld [tilespmem:$0x1FE90];
	_ =	sdelay $0x3  }
0x405: {  	v1 =	vld.idx.msk [tilespmem:v3+s17+$0x0], $0xffff  }
0x406: {  	v2 =	vor.u32 s24, v2;
	v3 =	vld [tilespmem:$0x1F710];
	_ =	sdelay $0x4  }
0x407: {  	v3 =	vor.u32 v3, v0;
	[tilespmem:v2+s20+$0x0] =	vst.idx.msk $0xffff, v1;
	v2 =	vld [tilespmem:$0x1F720];
	_ =	sdelay $0x4  }
0x408: {  	v1 =	vld.idx.msk [tilespmem:v3+s17+$0x0], $0xffff;
	v2 =	vor.u32 s24, v2  }
0x409: {  	v3 =	vor.u32 v36, v0;
	_ =	sdelay $0x3  }
0x40a: {  	[tilespmem:v2+s20+$0x0] =	vst.idx.msk $0xffff, v1  }
0x40b: {  	v2 =	vor.u32 s24, v31;
	v1 =	vld.idx.msk [tilespmem:v3+s17+$0x0], $0xffff  }
0x40c: {  	v3 =	vor.u32 v49, v0;
	_ =	sdelay $0x3  }
0x40d: {  	[tilespmem:v2+s20+$0x0] =	vst.idx.msk $0xffff, v1  }
0x40e: {  	v2 =	vor.u32 s24, v37;
	v1 =	vld.idx.msk [tilespmem:v3+s17+$0x0], $0xffff  }
0x40f: {  	v3 =	vor.u32 v44, v0;
	_ =	sdelay $0x3  }
0x410: {  	[tilespmem:v2+s20+$0x0] =	vst.idx.msk $0xffff, v1  }
0x411: {  	v2 =	vor.u32 s24, v33;
	v1 =	vld.idx.msk [tilespmem:v3+s17+$0x0], $0xffff  }
0x412: {  	v3 =	vor.u32 v32, v0;
	_ =	sdelay $0x3  }
0x413: {  	[tilespmem:v2+s20+$0x0] =	vst.idx.msk $0xffff, v1  }
0x414: {  	v2 =	vor.u32 s24, v13;
	v1 =	vld.idx.msk [tilespmem:v3+s17+$0x0], $0xffff  }
0x415: {  	v3 =	vor.u32 v8, v0;
	_ =	sdelay $0x3  }
0x416: {  	[tilespmem:v2+s20+$0x0] =	vst.idx.msk $0xffff, v1  }
0x417: {  	v2 =	vor.u32 s24, v40;
	v1 =	vld.idx.msk [tilespmem:v3+s17+$0x0], $0xffff  }
0x418: {  	v3 =	vor.u32 v9, v0;
	_ =	sdelay $0x3  }
0x419: {  	[tilespmem:v2+s20+$0x0] =	vst.idx.msk $0xffff, v1  }
0x41a: {  	v2 =	vor.u32 s24, v14;
	v1 =	vld.idx.msk [tilespmem:v3+s17+$0x0], $0xffff  }
0x41b: {  	v3 =	vor.u32 v24, v0;
	_ =	sdelay $0x3  }
0x41c: {  	[tilespmem:v2+s20+$0x0] =	vst.idx.msk $0xffff, v1  }
0x41d: {  	v2 =	vor.u32 s24, v43;
	v1 =	vld.idx.msk [tilespmem:v3+s17+$0x0], $0xffff  }
0x41e: {  	v3 =	vor.u32 v42, v0;
	_ =	sdelay $0x3  }
0x41f: {  	[tilespmem:v2+s20+$0x0] =	vst.idx.msk $0xffff, v1  }
0x420: {  	v2 =	vor.u32 s24, v28;
	v1 =	vld.idx.msk [tilespmem:v3+s17+$0x0], $0xffff  }
0x421: {  	v3 =	vor.u32 v47, v0;
	_ =	sdelay $0x3  }
0x422: {  	[tilespmem:v2+s20+$0x0] =	vst.idx.msk $0xffff, v1  }
0x423: {  	v2 =	vor.u32 s24, v46;
	v1 =	vld.idx.msk [tilespmem:v3+s17+$0x0], $0xffff  }
0x424: {  	v3 =	vor.u32 v23, v0;
	_ =	sdelay $0x3  }
0x425: {  	[tilespmem:v2+s20+$0x0] =	vst.idx.msk $0xffff, v1  }
0x426: {  	v2 =	vor.u32 s24, v15;
	v1 =	vld.idx.msk [tilespmem:v3+s17+$0x0], $0xffff  }
0x427: {  	v3 =	vor.u32 v17, v0;
	_ =	sdelay $0x3  }
0x428: {  	[tilespmem:v2+s20+$0x0] =	vst.idx.msk $0xffff, v1  }
0x429: {  	v2 =	vor.u32 s24, v5;
	v1 =	vld.idx.msk [tilespmem:v3+s17+$0x0], $0xffff  }
0x42a: {  	v3 =	vor.u32 v20, v0;
	_ =	sdelay $0x3  }
0x42b: {  	[tilespmem:v2+s20+$0x0] =	vst.idx.msk $0xffff, v1  }
0x42c: {  	v2 =	vor.u32 s24, v12;
	v1 =	vld.idx.msk [tilespmem:v3+s17+$0x0], $0xffff  }
0x42d: {  	v3 =	vor.u32 v38, v0;
	_ =	sdelay $0x3  }
0x42e: {  	[tilespmem:v2+s20+$0x0] =	vst.idx.msk $0xffff, v1  }
0x42f: {  	v2 =	vor.u32 s24, v26;
	v1 =	vld.idx.msk [tilespmem:v3+s17+$0x0], $0xffff  }
0x430: {  	v3 =	vor.u32 v27, v0;
	_ =	sdelay $0x3  }
0x431: {  	[tilespmem:v2+s20+$0x0] =	vst.idx.msk $0xffff, v1  }
0x432: {  	p1 =	sne.s32 s26, $0x70;
	v2 =	vld.idx.msk [tilespmem:v3+s17+$0x0], $0xffff;
	v3 =	vor.u32 s24, v41  }
.Ltmp2:
0x433: {  	_ = 	snop;
	(pc) =	sbr.rel @p1 .LBB2_3-.Ltmp2, $3  }
0x434: {  	_ =	sdelay $0x1  }
0x435: {  	s25 =	smov.u32 s26  }
0x436: {  	s26 =	sadd.s32 $0x10, s26;
	v0 =	vor.u32 v30, v0;
	v1 =	vmov s25;
	[tilespmem:v3+s20+$0x0] =	vst.idx.msk $0xffff, v2  }
0x437: {  	_ =	sdelay $0x2  }
0x438: {  	v1 =	vshll.u32 v1, $0x7  }
0x439: {  	v2 =	vld.idx.msk [tilespmem:v0+s17+$0x0], $0xffff;
	v3 =	vlaneseq.u32;
	v0 =	vor.u32 v16, v1;
	v1 =	vor.u32 s24, v35  }
0x43a: {  	v3 =	vor.u32 v3, v0;
	_ =	sdelay $0x3  }
0x43b: {  	[tilespmem:v1+s20+$0x0] =	vst.idx.msk $0xffff, v2  }
0x43c: {  	v2 =	vor.u32 s25, v34;
	v1 =	vld.idx.msk [tilespmem:v3+s17+$0x0], $0xffff  }
0x43d: {  	v3 =	vor.u32 v4, v0;
	_ =	sdelay $0x3  }
0x43e: {  	[tilespmem:v2+s20+$0x0] =	vst.idx.msk $0xffff, v1  }
0x43f: {  	v1 =	vld.idx.msk [tilespmem:v3+s17+$0x0], $0xffff;
	_ =	sdelay $0x4  }
0x440: {  	[tilespmem:$0x1F110] =	vst v1  }
0x441: {  	v2 =	vor.u32 s25, v21;
	v1 =	vld [tilespmem:$0x1F110]  }
0x442: {  	v3 =	vor.u32 v51, v0;
	_ =	sdelay $0x3  }
0x443: {  	[tilespmem:v2+s20+$0x0] =	vst.idx.msk $0xffff, v1  }
0x444: {  	v1 =	vld.idx.msk [tilespmem:v3+s17+$0x0], $0xffff;
	_ =	sdelay $0x4  }
0x445: {  	[tilespmem:$0x1F120] =	vst v1  }
0x446: {  	v2 =	vor.u32 s25, v25;
	v1 =	vld [tilespmem:$0x1F120]  }
0x447: {  	v3 =	vor.u32 v57, v0;
	_ =	sdelay $0x3  }
0x448: {  	[tilespmem:v2+s20+$0x0] =	vst.idx.msk $0xffff, v1  }
0x449: {  	v1 =	vld.idx.msk [tilespmem:v3+s17+$0x0], $0xffff;
	_ =	sdelay $0x4  }
0x44a: {  	[tilespmem:$0x1F130] =	vst v1  }
0x44b: {  	v2 =	vor.u32 s25, v39;
	v1 =	vld [tilespmem:$0x1F130]  }
0x44c: {  	v3 =	vor.u32 v19, v0;
	_ =	sdelay $0x3  }
0x44d: {  	[tilespmem:v2+s20+$0x0] =	vst.idx.msk $0xffff, v1  }
0x44e: {  	v1 =	vld.idx.msk [tilespmem:v3+s17+$0x0], $0xffff;
	_ =	sdelay $0x4  }
0x44f: {  	[tilespmem:$0x1F140] =	vst v1  }
0x450: {  	v2 =	vor.u32 s25, v11;
	v1 =	vld [tilespmem:$0x1F140]  }
0x451: {  	v3 =	vor.u32 v54, v0;
	_ =	sdelay $0x3  }
0x452: {  	[tilespmem:v2+s20+$0x0] =	vst.idx.msk $0xffff, v1  }
0x453: {  	v1 =	vld.idx.msk [tilespmem:v3+s17+$0x0], $0xffff;
	_ =	sdelay $0x4  }
0x454: {  	[tilespmem:$0x1F150] =	vst v1  }
0x455: {  	v2 =	vor.u32 s25, v55;
	v1 =	vld [tilespmem:$0x1F150]  }
0x456: {  	v3 =	vor.u32 v56, v0;
	_ =	sdelay $0x3  }
0x457: {  	[tilespmem:v2+s20+$0x0] =	vst.idx.msk $0xffff, v1  }
0x458: {  	v1 =	vld.idx.msk [tilespmem:v3+s17+$0x0], $0xffff;
	_ =	sdelay $0x4  }
0x459: {  	[tilespmem:$0x1F160] =	vst v1  }
0x45a: {  	v2 =	vor.u32 s25, v18;
	v1 =	vld [tilespmem:$0x1F160]  }
0x45b: {  	v3 =	vor.u32 v58, v0;
	_ =	sdelay $0x3  }
0x45c: {  	[tilespmem:v2+s20+$0x0] =	vst.idx.msk $0xffff, v1  }
0x45d: {  	v1 =	vld.idx.msk [tilespmem:v3+s17+$0x0], $0xffff;
	_ =	sdelay $0x4  }
0x45e: {  	[tilespmem:$0x1F170] =	vst v1  }
0x45f: {  	v2 =	vor.u32 s25, v59;
	v1 =	vld [tilespmem:$0x1F170]  }
0x460: {  	v3 =	vor.u32 v60, v0;
	_ =	sdelay $0x3  }
0x461: {  	[tilespmem:v2+s20+$0x0] =	vst.idx.msk $0xffff, v1  }
0x462: {  	v1 =	vld.idx.msk [tilespmem:v3+s17+$0x0], $0xffff;
	_ =	sdelay $0x4  }
0x463: {  	[tilespmem:$0x1F180] =	vst v1  }
0x464: {  	v2 =	vor.u32 s25, v61;
	v1 =	vld [tilespmem:$0x1F180]  }
0x465: {  	v3 =	vor.u32 v62, v0;
	_ =	sdelay $0x3  }
0x466: {  	[tilespmem:v2+s20+$0x0] =	vst.idx.msk $0xffff, v1  }
0x467: {  	v1 =	vld.idx.msk [tilespmem:v3+s17+$0x0], $0xffff;
	_ =	sdelay $0x4  }
0x468: {  	[tilespmem:$0x1F190] =	vst v1  }
0x469: {  	v2 =	vor.u32 s25, v63;
	v1 =	vld [tilespmem:$0x1F190]  }
0x46a: {  	v3 =	vor.u32 v45, v0;
	_ =	sdelay $0x3  }
0x46b: {  	[tilespmem:v2+s20+$0x0] =	vst.idx.msk $0xffff, v1  }
0x46c: {  	v1 =	vld.idx.msk [tilespmem:v3+s17+$0x0], $0xffff;
	_ =	sdelay $0x4  }
0x46d: {  	[tilespmem:$0x1F1A0] =	vst v1  }
0x46e: {  	v2 =	vor.u32 s25, v29;
	v1 =	vld [tilespmem:$0x1F1A0]  }
0x46f: {  	v3 =	vor.u32 v52, v0;
	_ =	sdelay $0x3  }
0x470: {  	[tilespmem:v2+s20+$0x0] =	vst.idx.msk $0xffff, v1  }
0x471: {  	v1 =	vld.idx.msk [tilespmem:v3+s17+$0x0], $0xffff;
	_ =	sdelay $0x4  }
0x472: {  	[tilespmem:$0x1F1B0] =	vst v1  }
0x473: {  	v2 =	vor.u32 s25, v53;
	v1 =	vld [tilespmem:$0x1F1B0]  }
0x474: {  	v3 =	vor.u32 v10, v0;
	_ =	sdelay $0x3  }
0x475: {  	[tilespmem:v2+s20+$0x0] =	vst.idx.msk $0xffff, v1  }
0x476: {  	v1 =	vld.idx.msk [tilespmem:v3+s17+$0x0], $0xffff;
	_ =	sdelay $0x4  }
0x477: {  	[tilespmem:$0x1F1C0] =	vst v1  }
0x478: {  	v2 =	vor.u32 s25, v22;
	v1 =	vld [tilespmem:$0x1F1C0]  }
0x479: {  	v3 =	vor.u32 v48, v0;
	_ =	sdelay $0x3  }
0x47a: {  	[tilespmem:v2+s20+$0x0] =	vst.idx.msk $0xffff, v1  }
0x47b: {  	v1 =	vld.idx.msk [tilespmem:v3+s17+$0x0], $0xffff;
	_ =	sdelay $0x4  }
0x47c: {  	[tilespmem:$0x1F1D0] =	vst v1;
	v1 =	vld [tilespmem:$0x1F870];
	_ =	sdelay $0x4  }
0x47d: {  	v2 =	vor.u32 s25, v1;
	v1 =	vld [tilespmem:$0x1F880];
	_ =	sdelay $0x4  }
0x47e: {  	v3 =	vor.u32 v1, v0;
	v1 =	vld [tilespmem:$0x1F1D0];
	_ =	sdelay $0x4  }
0x47f: {  	[tilespmem:v2+s20+$0x0] =	vst.idx.msk $0xffff, v1  }
0x480: {  	v1 =	vld.idx.msk [tilespmem:v3+s17+$0x0], $0xffff;
	_ =	sdelay $0x4  }
0x481: {  	[tilespmem:$0x1F1E0] =	vst v1;
	v1 =	vld [tilespmem:$0x1F890];
	_ =	sdelay $0x4  }
0x482: {  	v2 =	vor.u32 s25, v1;
	v1 =	vld [tilespmem:$0x1F8A0];
	_ =	sdelay $0x4  }
0x483: {  	v3 =	vor.u32 v1, v0;
	v1 =	vld [tilespmem:$0x1F1E0];
	_ =	sdelay $0x4  }
0x484: {  	[tilespmem:v2+s20+$0x0] =	vst.idx.msk $0xffff, v1;
	v2 =	vld [tilespmem:$0x1F8B0];
	_ =	sdelay $0x4  }
0x485: {  	v1 =	vld.idx.msk [tilespmem:v3+s17+$0x0], $0xffff;
	v2 =	vor.u32 s25, v2  }
0x486: {  	v3 =	vor.u32 v7, v0;
	_ =	sdelay $0x3  }
0x487: {  	[tilespmem:v2+s20+$0x0] =	vst.idx.msk $0xffff, v1  }
0x488: {  	v1 =	vld.idx.msk [tilespmem:v3+s17+$0x0], $0xffff;
	_ =	sdelay $0x4  }
0x489: {  	[tilespmem:$0x1F1F0] =	vst v1;
	v1 =	vld [tilespmem:$0x1FFC0];
	_ =	sdelay $0x4  }
0x48a: {  	v2 =	vor.u32 s25, v1;
	v1 =	vld [tilespmem:$0x1FFD0];
	_ =	sdelay $0x4  }
0x48b: {  	v3 =	vor.u32 v1, v0;
	v1 =	vld [tilespmem:$0x1F1F0];
	_ =	sdelay $0x4  }
0x48c: {  	[tilespmem:v2+s20+$0x0] =	vst.idx.msk $0xffff, v1  }
0x48d: {  	v1 =	vld.idx.msk [tilespmem:v3+s17+$0x0], $0xffff;
	_ =	sdelay $0x4  }
0x48e: {  	[tilespmem:$0x1F200] =	vst v1;
	v1 =	vld [tilespmem:$0x1F8C0];
	_ =	sdelay $0x4  }
0x48f: {  	v2 =	vor.u32 s25, v1;
	v1 =	vld [tilespmem:$0x1FFE0];
	_ =	sdelay $0x4  }
0x490: {  	v3 =	vor.u32 v1, v0;
	v1 =	vld [tilespmem:$0x1F200];
	_ =	sdelay $0x4  }
0x491: {  	[tilespmem:v2+s20+$0x0] =	vst.idx.msk $0xffff, v1  }
0x492: {  	v1 =	vld.idx.msk [tilespmem:v3+s17+$0x0], $0xffff;
	_ =	sdelay $0x4  }
0x493: {  	[tilespmem:$0x1F210] =	vst v1;
	v1 =	vld [tilespmem:$0x1F8D0];
	_ =	sdelay $0x4  }
0x494: {  	v2 =	vor.u32 s25, v1;
	v1 =	vld [tilespmem:$0x1F530];
	_ =	sdelay $0x4  }
0x495: {  	v3 =	vor.u32 v1, v0;
	v1 =	vld [tilespmem:$0x1F210];
	_ =	sdelay $0x4  }
0x496: {  	[tilespmem:v2+s20+$0x0] =	vst.idx.msk $0xffff, v1  }
0x497: {  	v1 =	vld.idx.msk [tilespmem:v3+s17+$0x0], $0xffff;
	_ =	sdelay $0x4  }
0x498: {  	[tilespmem:$0x1F220] =	vst v1;
	v1 =	vld [tilespmem:$0x1F920];
	_ =	sdelay $0x4  }
0x499: {  	v2 =	vor.u32 s25, v1;
	v1 =	vld [tilespmem:$0x1F540];
	_ =	sdelay $0x4  }
0x49a: {  	v3 =	vor.u32 v1, v0;
	v1 =	vld [tilespmem:$0x1F220];
	_ =	sdelay $0x4  }
0x49b: {  	[tilespmem:v2+s20+$0x0] =	vst.idx.msk $0xffff, v1  }
0x49c: {  	v1 =	vld.idx.msk [tilespmem:v3+s17+$0x0], $0xffff;
	_ =	sdelay $0x4  }
0x49d: {  	[tilespmem:$0x1F230] =	vst v1;
	v1 =	vld [tilespmem:$0x1F550];
	_ =	sdelay $0x4  }
0x49e: {  	v2 =	vor.u32 s25, v6;
	v3 =	vor.u32 v1, v0;
	v1 =	vld [tilespmem:$0x1F230];
	_ =	sdelay $0x4  }
0x49f: {  	[tilespmem:v2+s20+$0x0] =	vst.idx.msk $0xffff, v1  }
0x4a0: {  	v1 =	vld.idx.msk [tilespmem:v3+s17+$0x0], $0xffff;
	_ =	sdelay $0x4  }
0x4a1: {  	[tilespmem:$0x1F240] =	vst v1;
	v1 =	vld [tilespmem:$0x1F560];
	_ =	sdelay $0x4  }
0x4a2: {  	v2 =	vor.u32 s25, v50;
	v3 =	vor.u32 v1, v0;
	v1 =	vld [tilespmem:$0x1F240];
	_ =	sdelay $0x4  }
0x4a3: {  	[tilespmem:v2+s20+$0x0] =	vst.idx.msk $0xffff, v1  }
0x4a4: {  	v1 =	vld.idx.msk [tilespmem:v3+s17+$0x0], $0xffff;
	_ =	sdelay $0x4  }
0x4a5: {  	[tilespmem:$0x1F250] =	vst v1;
	v1 =	vld [tilespmem:$0x1F970];
	_ =	sdelay $0x4  }
0x4a6: {  	v2 =	vor.u32 s25, v1;
	v1 =	vld [tilespmem:$0x1F570];
	_ =	sdelay $0x4  }
0x4a7: {  	v3 =	vor.u32 v1, v0;
	v1 =	vld [tilespmem:$0x1F250];
	_ =	sdelay $0x4  }
0x4a8: {  	[tilespmem:v2+s20+$0x0] =	vst.idx.msk $0xffff, v1  }
0x4a9: {  	v1 =	vld.idx.msk [tilespmem:v3+s17+$0x0], $0xffff;
	_ =	sdelay $0x4  }
0x4aa: {  	[tilespmem:$0x1F260] =	vst v1;
	v1 =	vld [tilespmem:$0x1F980];
	_ =	sdelay $0x4  }
0x4ab: {  	v2 =	vor.u32 s25, v1;
	v1 =	vld [tilespmem:$0x1F580];
	_ =	sdelay $0x4  }
0x4ac: {  	v3 =	vor.u32 v1, v0;
	v1 =	vld [tilespmem:$0x1F260];
	_ =	sdelay $0x4  }
0x4ad: {  	[tilespmem:v2+s20+$0x0] =	vst.idx.msk $0xffff, v1  }
0x4ae: {  	v1 =	vld.idx.msk [tilespmem:v3+s17+$0x0], $0xffff;
	_ =	sdelay $0x4  }
0x4af: {  	[tilespmem:$0x1F270] =	vst v1;
	v1 =	vld [tilespmem:$0x1F990];
	_ =	sdelay $0x4  }
0x4b0: {  	v2 =	vor.u32 s25, v1;
	v1 =	vld [tilespmem:$0x1F590];
	_ =	sdelay $0x4  }
0x4b1: {  	v3 =	vor.u32 v1, v0;
	v1 =	vld [tilespmem:$0x1F270];
	_ =	sdelay $0x4  }
0x4b2: {  	[tilespmem:v2+s20+$0x0] =	vst.idx.msk $0xffff, v1  }
0x4b3: {  	v1 =	vld.idx.msk [tilespmem:v3+s17+$0x0], $0xffff;
	_ =	sdelay $0x4  }
0x4b4: {  	[tilespmem:$0x1F280] =	vst v1;
	v1 =	vld [tilespmem:$0x1F9A0];
	_ =	sdelay $0x4  }
0x4b5: {  	v2 =	vor.u32 s25, v1;
	v1 =	vld [tilespmem:$0x1F5A0];
	_ =	sdelay $0x4  }
0x4b6: {  	v3 =	vor.u32 v1, v0;
	v1 =	vld [tilespmem:$0x1F280];
	_ =	sdelay $0x4  }
0x4b7: {  	[tilespmem:v2+s20+$0x0] =	vst.idx.msk $0xffff, v1  }
0x4b8: {  	v1 =	vld.idx.msk [tilespmem:v3+s17+$0x0], $0xffff;
	_ =	sdelay $0x4  }
0x4b9: {  	[tilespmem:$0x1F290] =	vst v1;
	v1 =	vld [tilespmem:$0x1F9B0];
	_ =	sdelay $0x4  }
0x4ba: {  	v2 =	vor.u32 s25, v1;
	v1 =	vld [tilespmem:$0x1F5B0];
	_ =	sdelay $0x4  }
0x4bb: {  	v3 =	vor.u32 v1, v0;
	v1 =	vld [tilespmem:$0x1F290];
	_ =	sdelay $0x4  }
0x4bc: {  	[tilespmem:v2+s20+$0x0] =	vst.idx.msk $0xffff, v1  }
0x4bd: {  	v1 =	vld.idx.msk [tilespmem:v3+s17+$0x0], $0xffff;
	_ =	sdelay $0x4  }
0x4be: {  	[tilespmem:$0x1F2A0] =	vst v1;
	v1 =	vld [tilespmem:$0x1F9C0];
	_ =	sdelay $0x4  }
0x4bf: {  	v2 =	vor.u32 s25, v1;
	v1 =	vld [tilespmem:$0x1F5C0];
	_ =	sdelay $0x4  }
0x4c0: {  	v3 =	vor.u32 v1, v0;
	v1 =	vld [tilespmem:$0x1F2A0];
	_ =	sdelay $0x4  }
0x4c1: {  	[tilespmem:v2+s20+$0x0] =	vst.idx.msk $0xffff, v1  }
0x4c2: {  	v1 =	vld.idx.msk [tilespmem:v3+s17+$0x0], $0xffff;
	_ =	sdelay $0x4  }
0x4c3: {  	[tilespmem:$0x1F2B0] =	vst v1;
	v1 =	vld [tilespmem:$0x1F9D0];
	_ =	sdelay $0x4  }
0x4c4: {  	v2 =	vor.u32 s25, v1;
	v1 =	vld [tilespmem:$0x1F5D0];
	_ =	sdelay $0x4  }
0x4c5: {  	v3 =	vor.u32 v1, v0;
	v1 =	vld [tilespmem:$0x1F2B0];
	_ =	sdelay $0x4  }
0x4c6: {  	[tilespmem:v2+s20+$0x0] =	vst.idx.msk $0xffff, v1  }
0x4c7: {  	v1 =	vld.idx.msk [tilespmem:v3+s17+$0x0], $0xffff;
	_ =	sdelay $0x4  }
0x4c8: {  	[tilespmem:$0x1F2C0] =	vst v1;
	v1 =	vld [tilespmem:$0x1F9E0];
	_ =	sdelay $0x4  }
0x4c9: {  	v2 =	vor.u32 s25, v1;
	v1 =	vld [tilespmem:$0x1F5E0];
	_ =	sdelay $0x4  }
0x4ca: {  	v3 =	vor.u32 v1, v0;
	v1 =	vld [tilespmem:$0x1F2C0];
	_ =	sdelay $0x4  }
0x4cb: {  	[tilespmem:v2+s20+$0x0] =	vst.idx.msk $0xffff, v1  }
0x4cc: {  	v1 =	vld.idx.msk [tilespmem:v3+s17+$0x0], $0xffff;
	_ =	sdelay $0x4  }
0x4cd: {  	[tilespmem:$0x1F2D0] =	vst v1;
	v1 =	vld [tilespmem:$0x1F9F0];
	_ =	sdelay $0x4  }
0x4ce: {  	v2 =	vor.u32 s25, v1;
	v1 =	vld [tilespmem:$0x1F5F0];
	_ =	sdelay $0x4  }
0x4cf: {  	v3 =	vor.u32 v1, v0;
	v1 =	vld [tilespmem:$0x1F2D0];
	_ =	sdelay $0x4  }
0x4d0: {  	[tilespmem:v2+s20+$0x0] =	vst.idx.msk $0xffff, v1  }
0x4d1: {  	v1 =	vld.idx.msk [tilespmem:v3+s17+$0x0], $0xffff;
	_ =	sdelay $0x4  }
0x4d2: {  	[tilespmem:$0x1F2E0] =	vst v1;
	v1 =	vld [tilespmem:$0x1FA00];
	_ =	sdelay $0x4  }
0x4d3: {  	v2 =	vor.u32 s25, v1;
	v1 =	vld [tilespmem:$0x1F600];
	_ =	sdelay $0x4  }
0x4d4: {  	v3 =	vor.u32 v1, v0;
	v1 =	vld [tilespmem:$0x1F2E0];
	_ =	sdelay $0x4  }
0x4d5: {  	[tilespmem:v2+s20+$0x0] =	vst.idx.msk $0xffff, v1  }
0x4d6: {  	v1 =	vld.idx.msk [tilespmem:v3+s17+$0x0], $0xffff;
	_ =	sdelay $0x4  }
0x4d7: {  	[tilespmem:$0x1F2F0] =	vst v1;
	v1 =	vld [tilespmem:$0x1F610];
	_ =	sdelay $0x4  }
0x4d8: {  	v2 =	vor.u32 s25, v1;
	v1 =	vld [tilespmem:$0x1F620];
	_ =	sdelay $0x4  }
0x4d9: {  	v3 =	vor.u32 v1, v0;
	v1 =	vld [tilespmem:$0x1F2F0];
	_ =	sdelay $0x4  }
0x4da: {  	[tilespmem:v2+s20+$0x0] =	vst.idx.msk $0xffff, v1  }
0x4db: {  	v1 =	vld.idx.msk [tilespmem:v3+s17+$0x0], $0xffff;
	_ =	sdelay $0x4  }
0x4dc: {  	[tilespmem:$0x1F300] =	vst v1;
	v1 =	vld [tilespmem:$0x1FDB0];
	_ =	sdelay $0x4  }
0x4dd: {  	v2 =	vor.u32 s25, v1;
	v1 =	vld [tilespmem:$0x1F630];
	_ =	sdelay $0x4  }
0x4de: {  	v3 =	vor.u32 v1, v0;
	v1 =	vld [tilespmem:$0x1F300];
	_ =	sdelay $0x4  }
0x4df: {  	[tilespmem:v2+s20+$0x0] =	vst.idx.msk $0xffff, v1  }
0x4e0: {  	v1 =	vld.idx.msk [tilespmem:v3+s17+$0x0], $0xffff;
	_ =	sdelay $0x4  }
0x4e1: {  	[tilespmem:$0x1F310] =	vst v1;
	v1 =	vld [tilespmem:$0x1FDC0];
	_ =	sdelay $0x4  }
0x4e2: {  	v2 =	vor.u32 s25, v1;
	v1 =	vld [tilespmem:$0x1F640];
	_ =	sdelay $0x4  }
0x4e3: {  	v3 =	vor.u32 v1, v0;
	v1 =	vld [tilespmem:$0x1F310];
	_ =	sdelay $0x4  }
0x4e4: {  	[tilespmem:v2+s20+$0x0] =	vst.idx.msk $0xffff, v1  }
0x4e5: {  	v1 =	vld.idx.msk [tilespmem:v3+s17+$0x0], $0xffff;
	_ =	sdelay $0x4  }
0x4e6: {  	[tilespmem:$0x1F320] =	vst v1;
	v1 =	vld [tilespmem:$0x1FDD0];
	_ =	sdelay $0x4  }
0x4e7: {  	v2 =	vor.u32 s25, v1;
	v1 =	vld [tilespmem:$0x1F650];
	_ =	sdelay $0x4  }
0x4e8: {  	v3 =	vor.u32 v1, v0;
	v1 =	vld [tilespmem:$0x1F320];
	_ =	sdelay $0x4  }
0x4e9: {  	[tilespmem:v2+s20+$0x0] =	vst.idx.msk $0xffff, v1  }
0x4ea: {  	v1 =	vld.idx.msk [tilespmem:v3+s17+$0x0], $0xffff;
	_ =	sdelay $0x4  }
0x4eb: {  	[tilespmem:$0x1F330] =	vst v1;
	v1 =	vld [tilespmem:$0x1FDE0];
	_ =	sdelay $0x4  }
0x4ec: {  	v2 =	vor.u32 s25, v1;
	v1 =	vld [tilespmem:$0x1F660];
	_ =	sdelay $0x4  }
0x4ed: {  	v3 =	vor.u32 v1, v0;
	v1 =	vld [tilespmem:$0x1F330];
	_ =	sdelay $0x4  }
0x4ee: {  	[tilespmem:v2+s20+$0x0] =	vst.idx.msk $0xffff, v1  }
0x4ef: {  	v1 =	vld.idx.msk [tilespmem:v3+s17+$0x0], $0xffff;
	_ =	sdelay $0x4  }
0x4f0: {  	[tilespmem:$0x1F340] =	vst v1;
	v1 =	vld [tilespmem:$0x1FDF0];
	_ =	sdelay $0x4  }
0x4f1: {  	v2 =	vor.u32 s25, v1;
	v1 =	vld [tilespmem:$0x1F670];
	_ =	sdelay $0x4  }
0x4f2: {  	v3 =	vor.u32 v1, v0;
	v1 =	vld [tilespmem:$0x1F340];
	_ =	sdelay $0x4  }
0x4f3: {  	[tilespmem:v2+s20+$0x0] =	vst.idx.msk $0xffff, v1  }
0x4f4: {  	v1 =	vld.idx.msk [tilespmem:v3+s17+$0x0], $0xffff;
	_ =	sdelay $0x4  }
0x4f5: {  	[tilespmem:$0x1F350] =	vst v1;
	v1 =	vld [tilespmem:$0x1FE00];
	_ =	sdelay $0x4  }
0x4f6: {  	v2 =	vor.u32 s25, v1;
	v1 =	vld [tilespmem:$0x1F680];
	_ =	sdelay $0x4  }
0x4f7: {  	v3 =	vor.u32 v1, v0;
	v1 =	vld [tilespmem:$0x1F350];
	_ =	sdelay $0x4  }
0x4f8: {  	[tilespmem:v2+s20+$0x0] =	vst.idx.msk $0xffff, v1  }
0x4f9: {  	v1 =	vld.idx.msk [tilespmem:v3+s17+$0x0], $0xffff;
	_ =	sdelay $0x4  }
0x4fa: {  	[tilespmem:$0x1F360] =	vst v1;
	v1 =	vld [tilespmem:$0x1FE10];
	_ =	sdelay $0x4  }
0x4fb: {  	v2 =	vor.u32 s25, v1;
	v1 =	vld [tilespmem:$0x1F690];
	_ =	sdelay $0x4  }
0x4fc: {  	v3 =	vor.u32 v1, v0;
	v1 =	vld [tilespmem:$0x1F360];
	_ =	sdelay $0x4  }
0x4fd: {  	[tilespmem:v2+s20+$0x0] =	vst.idx.msk $0xffff, v1  }
0x4fe: {  	v1 =	vld.idx.msk [tilespmem:v3+s17+$0x0], $0xffff;
	_ =	sdelay $0x4  }
0x4ff: {  	[tilespmem:$0x1F370] =	vst v1;
	v1 =	vld [tilespmem:$0x1FE20];
	_ =	sdelay $0x4  }
0x500: {  	v2 =	vor.u32 s25, v1;
	v1 =	vld [tilespmem:$0x1F6A0];
	_ =	sdelay $0x4  }
0x501: {  	v3 =	vor.u32 v1, v0;
	v1 =	vld [tilespmem:$0x1F370];
	_ =	sdelay $0x4  }
0x502: {  	[tilespmem:v2+s20+$0x0] =	vst.idx.msk $0xffff, v1  }
0x503: {  	v1 =	vld.idx.msk [tilespmem:v3+s17+$0x0], $0xffff;
	_ =	sdelay $0x4  }
0x504: {  	[tilespmem:$0x1F380] =	vst v1;
	v1 =	vld [tilespmem:$0x1FE30];
	_ =	sdelay $0x4  }
0x505: {  	v2 =	vor.u32 s25, v1;
	v1 =	vld [tilespmem:$0x1F6B0];
	_ =	sdelay $0x4  }
0x506: {  	v3 =	vor.u32 v1, v0;
	v1 =	vld [tilespmem:$0x1F380];
	_ =	sdelay $0x4  }
0x507: {  	[tilespmem:v2+s20+$0x0] =	vst.idx.msk $0xffff, v1  }
0x508: {  	v1 =	vld.idx.msk [tilespmem:v3+s17+$0x0], $0xffff;
	_ =	sdelay $0x4  }
0x509: {  	[tilespmem:$0x1F390] =	vst v1;
	v1 =	vld [tilespmem:$0x1FE40];
	_ =	sdelay $0x4  }
0x50a: {  	v2 =	vor.u32 s25, v1;
	v1 =	vld [tilespmem:$0x1F6C0];
	_ =	sdelay $0x4  }
0x50b: {  	v3 =	vor.u32 v1, v0;
	v1 =	vld [tilespmem:$0x1F390];
	_ =	sdelay $0x4  }
0x50c: {  	[tilespmem:v2+s20+$0x0] =	vst.idx.msk $0xffff, v1  }
0x50d: {  	v1 =	vld.idx.msk [tilespmem:v3+s17+$0x0], $0xffff;
	_ =	sdelay $0x4  }
0x50e: {  	[tilespmem:$0x1F3A0] =	vst v1;
	v1 =	vld [tilespmem:$0x1FE50];
	_ =	sdelay $0x4  }
0x50f: {  	v2 =	vor.u32 s25, v1;
	v1 =	vld [tilespmem:$0x1F6D0];
	_ =	sdelay $0x4  }
0x510: {  	v3 =	vor.u32 v1, v0;
	v1 =	vld [tilespmem:$0x1F3A0];
	_ =	sdelay $0x4  }
0x511: {  	[tilespmem:v2+s20+$0x0] =	vst.idx.msk $0xffff, v1  }
0x512: {  	v1 =	vld.idx.msk [tilespmem:v3+s17+$0x0], $0xffff;
	_ =	sdelay $0x4  }
0x513: {  	[tilespmem:$0x1F3B0] =	vst v1;
	v1 =	vld [tilespmem:$0x1FE60];
	_ =	sdelay $0x4  }
0x514: {  	v2 =	vor.u32 s25, v1;
	v1 =	vld [tilespmem:$0x1F6E0];
	_ =	sdelay $0x4  }
0x515: {  	v3 =	vor.u32 v1, v0;
	v1 =	vld [tilespmem:$0x1F3B0];
	_ =	sdelay $0x4  }
0x516: {  	[tilespmem:v2+s20+$0x0] =	vst.idx.msk $0xffff, v1  }
0x517: {  	v1 =	vld.idx.msk [tilespmem:v3+s17+$0x0], $0xffff;
	_ =	sdelay $0x4  }
0x518: {  	[tilespmem:$0x1F3C0] =	vst v1;
	v1 =	vld [tilespmem:$0x1FE70];
	_ =	sdelay $0x4  }
0x519: {  	v2 =	vor.u32 s25, v1;
	v1 =	vld [tilespmem:$0x1F6F0];
	_ =	sdelay $0x4  }
0x51a: {  	v3 =	vor.u32 v1, v0;
	v1 =	vld [tilespmem:$0x1F3C0];
	_ =	sdelay $0x4  }
0x51b: {  	[tilespmem:v2+s20+$0x0] =	vst.idx.msk $0xffff, v1  }
0x51c: {  	v1 =	vld.idx.msk [tilespmem:v3+s17+$0x0], $0xffff;
	_ =	sdelay $0x4  }
0x51d: {  	[tilespmem:$0x1F3D0] =	vst v1;
	v1 =	vld [tilespmem:$0x1FE80];
	_ =	sdelay $0x4  }
0x51e: {  	v2 =	vor.u32 s25, v1;
	v1 =	vld [tilespmem:$0x1F700];
	_ =	sdelay $0x4  }
0x51f: {  	v3 =	vor.u32 v1, v0;
	v1 =	vld [tilespmem:$0x1F3D0];
	_ =	sdelay $0x4  }
0x520: {  	[tilespmem:v2+s20+$0x0] =	vst.idx.msk $0xffff, v1  }
0x521: {  	v1 =	vld.idx.msk [tilespmem:v3+s17+$0x0], $0xffff;
	_ =	sdelay $0x4  }
0x522: {  	[tilespmem:$0x1F3E0] =	vst v1;
	v1 =	vld [tilespmem:$0x1FE90];
	_ =	sdelay $0x4  }
0x523: {  	v2 =	vor.u32 s25, v1;
	v1 =	vld [tilespmem:$0x1F710];
	_ =	sdelay $0x4  }
0x524: {  	v3 =	vor.u32 v1, v0;
	v1 =	vld [tilespmem:$0x1F3E0];
	_ =	sdelay $0x4  }
0x525: {  	[tilespmem:v2+s20+$0x0] =	vst.idx.msk $0xffff, v1  }
0x526: {  	v1 =	vld.idx.msk [tilespmem:v3+s17+$0x0], $0xffff;
	_ =	sdelay $0x4  }
0x527: {  	[tilespmem:$0x1F3F0] =	vst v1;
	v1 =	vld [tilespmem:$0x1F720];
	_ =	sdelay $0x4  }
0x528: {  	v2 =	vor.u32 s25, v1;
	v1 =	vld [tilespmem:$0x1F3F0]  }
0x529: {  	v3 =	vor.u32 v36, v0;
	_ =	sdelay $0x3  }
0x52a: {  	[tilespmem:v2+s20+$0x0] =	vst.idx.msk $0xffff, v1  }
0x52b: {  	v1 =	vld.idx.msk [tilespmem:v3+s17+$0x0], $0xffff;
	_ =	sdelay $0x4  }
0x52c: {  	[tilespmem:$0x1F400] =	vst v1  }
0x52d: {  	v2 =	vor.u32 s25, v31;
	v1 =	vld [tilespmem:$0x1F400]  }
0x52e: {  	v3 =	vor.u32 v49, v0;
	_ =	sdelay $0x3  }
0x52f: {  	[tilespmem:v2+s20+$0x0] =	vst.idx.msk $0xffff, v1  }
0x530: {  	v1 =	vld.idx.msk [tilespmem:v3+s17+$0x0], $0xffff;
	_ =	sdelay $0x4  }
0x531: {  	[tilespmem:$0x1F410] =	vst v1  }
0x532: {  	v2 =	vor.u32 s25, v37;
	v1 =	vld [tilespmem:$0x1F410]  }
0x533: {  	v3 =	vor.u32 v44, v0;
	_ =	sdelay $0x3  }
0x534: {  	[tilespmem:v2+s20+$0x0] =	vst.idx.msk $0xffff, v1  }
0x535: {  	v1 =	vld.idx.msk [tilespmem:v3+s17+$0x0], $0xffff;
	_ =	sdelay $0x4  }
0x536: {  	[tilespmem:$0x1F420] =	vst v1  }
0x537: {  	v2 =	vor.u32 s25, v33;
	v1 =	vld [tilespmem:$0x1F420]  }
0x538: {  	v3 =	vor.u32 v32, v0;
	_ =	sdelay $0x3  }
0x539: {  	[tilespmem:v2+s20+$0x0] =	vst.idx.msk $0xffff, v1  }
0x53a: {  	v1 =	vld.idx.msk [tilespmem:v3+s17+$0x0], $0xffff;
	_ =	sdelay $0x4  }
0x53b: {  	[tilespmem:$0x1F430] =	vst v1  }
0x53c: {  	v2 =	vor.u32 s25, v13;
	v1 =	vld [tilespmem:$0x1F430]  }
0x53d: {  	v3 =	vor.u32 v8, v0;
	_ =	sdelay $0x3  }
0x53e: {  	[tilespmem:v2+s20+$0x0] =	vst.idx.msk $0xffff, v1  }
0x53f: {  	v1 =	vld.idx.msk [tilespmem:v3+s17+$0x0], $0xffff;
	_ =	sdelay $0x4  }
0x540: {  	[tilespmem:$0x1F440] =	vst v1  }
0x541: {  	v2 =	vor.u32 s25, v40;
	v1 =	vld [tilespmem:$0x1F440]  }
0x542: {  	v3 =	vor.u32 v9, v0;
	_ =	sdelay $0x3  }
0x543: {  	[tilespmem:v2+s20+$0x0] =	vst.idx.msk $0xffff, v1  }
0x544: {  	v1 =	vld.idx.msk [tilespmem:v3+s17+$0x0], $0xffff;
	_ =	sdelay $0x4  }
0x545: {  	[tilespmem:$0x1F450] =	vst v1  }
0x546: {  	v2 =	vor.u32 s25, v14;
	v1 =	vld [tilespmem:$0x1F450]  }
0x547: {  	v3 =	vor.u32 v24, v0;
	_ =	sdelay $0x3  }
0x548: {  	[tilespmem:v2+s20+$0x0] =	vst.idx.msk $0xffff, v1  }
0x549: {  	v1 =	vld.idx.msk [tilespmem:v3+s17+$0x0], $0xffff;
	_ =	sdelay $0x4  }
0x54a: {  	[tilespmem:$0x1F460] =	vst v1  }
0x54b: {  	v2 =	vor.u32 s25, v43;
	v1 =	vld [tilespmem:$0x1F460]  }
0x54c: {  	v3 =	vor.u32 v42, v0;
	_ =	sdelay $0x3  }
0x54d: {  	[tilespmem:v2+s20+$0x0] =	vst.idx.msk $0xffff, v1  }
0x54e: {  	v1 =	vld.idx.msk [tilespmem:v3+s17+$0x0], $0xffff;
	_ =	sdelay $0x4  }
0x54f: {  	[tilespmem:$0x1F470] =	vst v1  }
0x550: {  	v2 =	vor.u32 s25, v28;
	v1 =	vld [tilespmem:$0x1F470]  }
0x551: {  	v3 =	vor.u32 v47, v0;
	_ =	sdelay $0x3  }
0x552: {  	[tilespmem:v2+s20+$0x0] =	vst.idx.msk $0xffff, v1  }
0x553: {  	v1 =	vld.idx.msk [tilespmem:v3+s17+$0x0], $0xffff;
	_ =	sdelay $0x4  }
0x554: {  	[tilespmem:$0x1F480] =	vst v1  }
0x555: {  	v2 =	vor.u32 s25, v46;
	v1 =	vld [tilespmem:$0x1F480]  }
0x556: {  	v3 =	vor.u32 v23, v0;
	_ =	sdelay $0x3  }
0x557: {  	[tilespmem:v2+s20+$0x0] =	vst.idx.msk $0xffff, v1  }
0x558: {  	v2 =	vor.u32 s25, v15;
	v1 =	vld.idx.msk [tilespmem:v3+s17+$0x0], $0xffff  }
0x559: {  	v3 =	vor.u32 v17, v0;
	_ =	sdelay $0x3  }
0x55a: {  	[tilespmem:v2+s20+$0x0] =	vst.idx.msk $0xffff, v1  }
0x55b: {  	v2 =	vor.u32 s25, v5;
	v1 =	vld.idx.msk [tilespmem:v3+s17+$0x0], $0xffff  }
0x55c: {  	v3 =	vor.u32 v20, v0;
	_ =	sdelay $0x3  }
0x55d: {  	[tilespmem:v2+s20+$0x0] =	vst.idx.msk $0xffff, v1  }
0x55e: {  	v2 =	vor.u32 s25, v12;
	v1 =	vld.idx.msk [tilespmem:v3+s17+$0x0], $0xffff  }
0x55f: {  	v3 =	vor.u32 v38, v0;
	_ =	sdelay $0x3  }
0x560: {  	[tilespmem:v2+s20+$0x0] =	vst.idx.msk $0xffff, v1  }
0x561: {  	v2 =	vor.u32 s25, v26;
	v1 =	vld.idx.msk [tilespmem:v3+s17+$0x0], $0xffff  }
0x562: {  	v3 =	vor.u32 v27, v0;
	_ =	sdelay $0x3  }
0x563: {  	[tilespmem:v2+s20+$0x0] =	vst.idx.msk $0xffff, v1  }
0x564: {  	v2 =	vor.u32 s25, v41;
	v1 =	vld.idx.msk [tilespmem:v3+s17+$0x0], $0xffff;
	_ =	sdelay $0x4  }
0x565: {  	v0 =	vor.u32 v30, v0;
	[tilespmem:v2+s20+$0x0] =	vst.idx.msk $0xffff, v1;
	v1 =	vld [tilespmem:$0x1FF80];
	_ =	sdelay $0x4  }
0x566: {  	v0 =	vld.idx.msk [tilespmem:v0+s17+$0x0], $0xffff;
	v1 =	vor.u32 s25, v1  }
0x567: {  	s25 =	sadd.s32 s5, s23  }
0x568: {  	s26 =	sshll.u32 s25, $0xA;
	s24 =	sshll.u32 s25, $0x7  }
0x569: {  	s25 =	sand.u32 $0x7FFE0000, s26;
	s24 =	sand.u32 $0x3F00, s24  }
0x56a: {  	s24 =	sor.u32 s24, s25  }
0x56b: {  	s25 =	sadd.s32 s2, s24;
	[tilespmem:v1+s20+$0x0] =	vst.idx.msk $0xffff, v0  }
0x56c: {  	[hbm4b:s25+s3] =	stream.linear.scatter [tilespmem:s20], [sflag:$0x2], $0x400, $0x38;
	[tilespmem:$0xF400] =	vst v63  }
0x56d: {  	[tilespmem:$0x1F490] =	vst v36;
	s26 =	simm.s32 $0xB800;
	s25 =	sadd.s32 s24, s7  }
0x56e: {  	[hbm4b:s25+s3] =	stream.linear.scatter [tilespmem:s26], [sflag:$0x2], $0x400, $0x38;
	[tilespmem:$0xF400] =	vst v63  }
0x56f: {  	[tilespmem:$0x1F4A0] =	vst v49;
	s25 =	sadd.s32 s24, s8;
	s26 =	simm.s32 $0xBC00  }
0x570: {  	[hbm4b:s25+s3] =	stream.linear.scatter [tilespmem:s26], [sflag:$0x2], $0x400, $0x38;
	[tilespmem:$0xF400] =	vst v63  }
0x571: {  	[tilespmem:$0x1F4B0] =	vst v44;
	s25 =	sadd.s32 s24, s9;
	s26 =	simm.s32 $0xC000  }
0x572: {  	[hbm4b:s25+s3] =	stream.linear.scatter [tilespmem:s26], [sflag:$0x2], $0x400, $0x38;
	[tilespmem:$0xF400] =	vst v63  }
0x573: {  	[tilespmem:$0x1F4C0] =	vst v32;
	s25 =	sadd.s32 s24, s10;
	s26 =	simm.s32 $0xC400  }
0x574: {  	[hbm4b:s25+s3] =	stream.linear.scatter [tilespmem:s26], [sflag:$0x2], $0x400, $0x38;
	[tilespmem:$0xF400] =	vst v63  }
0x575: {  	[tilespmem:$0x1F4D0] =	vst v8;
	s25 =	sadd.s32 s24, s11;
	s26 =	simm.s32 $0xC800  }
0x576: {  	[hbm4b:s25+s3] =	stream.linear.scatter [tilespmem:s26], [sflag:$0x2], $0x400, $0x38;
	[tilespmem:$0xF400] =	vst v63  }
0x577: {  	[tilespmem:$0x1F4E0] =	vst v9;
	s25 =	sadd.s32 s24, s12;
	s26 =	simm.s32 $0xCC00  }
0x578: {  	[hbm4b:s25+s3] =	stream.linear.scatter [tilespmem:s26], [sflag:$0x2], $0x400, $0x38;
	[tilespmem:$0xF400] =	vst v63  }
0x579: {  	p1 =	seq.s32 s22, $0x33;
	[tilespmem:$0x1F4F0] =	vst v24;
	s24 =	sadd.s32 s24, s13  }
0x57a: {  	[hbm4b:s24+s3] =	stream.linear.scatter [tilespmem:s28], [sflag:$0x2], $0x400, $0x38;
	[tilespmem:$0xF400] =	vst v63  }
0x57b: {  	[tilespmem:$0x1F500] =	vst v42;
	s24 =	sshll.u32 @!p1 s22, $0x8  }
0x57c: {  	[tilespmem:$0x1F510] =	vst v47;
	s24 =	sand.u32 @!p1 $0x3FFFFF00, s24  }
0x57d: {  	[tilespmem:$0x1F520] =	vst v23;
	s25 =	simm.s32 @!p1 $0x80;
	s26 =	simm.s32 @!p1 $0x3400;
	s24 =	sadd.s32 @!p1 $0x100, s24  }
0x57e: {  	[tilespmem:s26], [sflag:$0x1] =	stream.indirect.gather @!p1 [hbm4b:s4+s25], $0x80, s24, s25, $0xb8;
	[tilespmem:$0xF400] =	vst v63  }
0x57f: {  	_ =	swait.ge [sflag:s19], $0x4000  }
0x580: {  	[sflag:s19] =	ssyncset.done $0x0  }
0x581: {  	s25 =	simm.s32 @!p0 $0x2;
	[sflag:s19] =	ssyncadd.s32 $0xFFFFC000  }
0x582: {  	_ =	swait.ge @!p0 [sflag:s25], $0x400  }
0x583: {  	[sflag:s25] =	ssyncset.done @!p0 $0x0  }
0x584: {  	[sflag:s25] =	ssyncadd.s32 @!p0 $0xFFFFFC00  }
0x585: {  	_ =	swait.ge @!p0 [sflag:s25], $0x400  }
0x586: {  	[sflag:s25] =	ssyncset.done @!p0 $0x0  }
0x587: {  	[sflag:s25] =	ssyncadd.s32 @!p0 $0xFFFFFC00  }
0x588: {  	_ =	swait.ge @!p0 [sflag:s25], $0x400  }
0x589: {  	[sflag:s25] =	ssyncset.done @!p0 $0x0  }
0x58a: {  	[sflag:s25] =	ssyncadd.s32 @!p0 $0xFFFFFC00  }
0x58b: {  	_ =	swait.ge @!p0 [sflag:s25], $0x400  }
0x58c: {  	[sflag:s25] =	ssyncset.done @!p0 $0x0  }
0x58d: {  	[sflag:s25] =	ssyncadd.s32 @!p0 $0xFFFFFC00  }
0x58e: {  	_ =	swait.ge @!p0 [sflag:s25], $0x400  }
0x58f: {  	[sflag:s25] =	ssyncset.done @!p0 $0x0  }
0x590: {  	[sflag:s25] =	ssyncadd.s32 @!p0 $0xFFFFFC00  }
0x591: {  	s24 =	simm.s32 $0x0;
	_ =	swait.ge @!p0 [sflag:s25], $0x400  }
0x592: {  	v0 =	vmov s24;
	[sflag:s25] =	ssyncset.done @!p0 $0x0  }
0x593: {  	v0 =	vshll.u32 v0, $0x7;
	[sflag:s25] =	ssyncadd.s32 @!p0 $0xFFFFFC00  }
0x594: {  	v1 =	vlaneseq.u32;
	v0 =	vor.u32 v16, v0;
	_ =	swait.ge @!p0 [sflag:s25], $0x400  }
0x595: {  	v1 =	vor.u32 v1, v0;
	[sflag:s25] =	ssyncset.done @!p0 $0x0  }
0x596: {  	[sflag:s25] =	ssyncadd.s32 @!p0 $0xFFFFFC00  }
0x597: {  	_ =	swait.ge @!p0 [sflag:s25], $0x400  }
0x598: {  	[sflag:s25] =	ssyncset.done @!p0 $0x0  }
0x599: {  	[sflag:s25] =	ssyncadd.s32 @!p0 $0xFFFFFC00  }
0x59a: {  	v2 =	vor.u32 s24, v34;
	v1 =	vld.idx.msk [tilespmem:v1+s18+$0x0], $0xffff  }
0x59b: {  	v3 =	vor.u32 v4, v0;
	_ =	sdelay $0x3  }
0x59c: {  	[tilespmem:v2+s29+$0x0] =	vst.idx.msk $0xffff, v1;
	v2 =	vld [tilespmem:$0x1FA80]  }
0x59d: {  	v1 =	vld.idx.msk [tilespmem:v3+s18+$0x0], $0xffff  }
0x59e: {  	v3 =	vld [tilespmem:$0x1FA70];
	_ =	sdelay $0x3  }
0x59f: {  	v2 =	vor.u32 s24, v2  }
0x5a0: {  	v3 =	vor.u32 v3, v0;
	_ =	sdelay $0x3  }
0x5a1: {  	[tilespmem:v2+s29+$0x0] =	vst.idx.msk $0xffff, v1;
	v2 =	vld [tilespmem:$0x1FA60]  }
0x5a2: {  	v1 =	vld.idx.msk [tilespmem:v3+s18+$0x0], $0xffff  }
0x5a3: {  	v3 =	vld [tilespmem:$0x1FA50];
	_ =	sdelay $0x3  }
0x5a4: {  	v2 =	vor.u32 s24, v2  }
0x5a5: {  	v3 =	vor.u32 v3, v0;
	_ =	sdelay $0x3  }
0x5a6: {  	[tilespmem:v2+s29+$0x0] =	vst.idx.msk $0xffff, v1;
	v2 =	vld [tilespmem:$0x1F7C0]  }
0x5a7: {  	v1 =	vld.idx.msk [tilespmem:v3+s18+$0x0], $0xffff  }
0x5a8: {  	v3 =	vld [tilespmem:$0x1F7D0];
	_ =	sdelay $0x3  }
0x5a9: {  	v2 =	vor.u32 s24, v2  }
0x5aa: {  	v3 =	vor.u32 v3, v0;
	_ =	sdelay $0x3  }
0x5ab: {  	[tilespmem:v2+s29+$0x0] =	vst.idx.msk $0xffff, v1  }
0x5ac: {  	v1 =	vld.idx.msk [tilespmem:v3+s18+$0x0], $0xffff  }
0x5ad: {  	v3 =	vld [tilespmem:$0x1FB00];
	_ =	sdelay $0x3  }
0x5ae: {  	v2 =	vor.u32 s24, v11  }
0x5af: {  	v3 =	vor.u32 v3, v0;
	_ =	sdelay $0x3  }
0x5b0: {  	[tilespmem:v2+s29+$0x0] =	vst.idx.msk $0xffff, v1;
	v2 =	vld [tilespmem:$0x1FAF0]  }
0x5b1: {  	v1 =	vld.idx.msk [tilespmem:v3+s18+$0x0], $0xffff  }
0x5b2: {  	v3 =	vld [tilespmem:$0x1FAE0];
	_ =	sdelay $0x3  }
0x5b3: {  	v2 =	vor.u32 s24, v2  }
0x5b4: {  	v3 =	vor.u32 v3, v0;
	_ =	sdelay $0x3  }
0x5b5: {  	[tilespmem:v2+s29+$0x0] =	vst.idx.msk $0xffff, v1;
	v2 =	vld [tilespmem:$0x1FAD0]  }
0x5b6: {  	v1 =	vld.idx.msk [tilespmem:v3+s18+$0x0], $0xffff  }
0x5b7: {  	v3 =	vld [tilespmem:$0x1FAC0];
	_ =	sdelay $0x3  }
0x5b8: {  	v2 =	vor.u32 s24, v2  }
0x5b9: {  	v3 =	vor.u32 v3, v0;
	_ =	sdelay $0x3  }
0x5ba: {  	[tilespmem:v2+s29+$0x0] =	vst.idx.msk $0xffff, v1;
	v2 =	vld [tilespmem:$0x1FAB0]  }
0x5bb: {  	v1 =	vld.idx.msk [tilespmem:v3+s18+$0x0], $0xffff  }
0x5bc: {  	v3 =	vld [tilespmem:$0x1FAA0];
	_ =	sdelay $0x3  }
0x5bd: {  	v2 =	vor.u32 s24, v2  }
0x5be: {  	v3 =	vor.u32 v3, v0;
	_ =	sdelay $0x3  }
0x5bf: {  	[tilespmem:v2+s29+$0x0] =	vst.idx.msk $0xffff, v1;
	v2 =	vld [tilespmem:$0x1F7E0]  }
0x5c0: {  	v1 =	vld.idx.msk [tilespmem:v3+s18+$0x0], $0xffff  }
0x5c1: {  	v3 =	vld [tilespmem:$0x1F7F0];
	_ =	sdelay $0x3  }
0x5c2: {  	v2 =	vor.u32 s24, v2  }
0x5c3: {  	v3 =	vor.u32 v3, v0;
	_ =	sdelay $0x3  }
0x5c4: {  	[tilespmem:v2+s29+$0x0] =	vst.idx.msk $0xffff, v1;
	v2 =	vld [tilespmem:$0x1FA90]  }
0x5c5: {  	v1 =	vld.idx.msk [tilespmem:v3+s18+$0x0], $0xffff  }
0x5c6: {  	v3 =	vld [tilespmem:$0x1F800];
	_ =	sdelay $0x3  }
0x5c7: {  	v2 =	vor.u32 s24, v2  }
0x5c8: {  	v3 =	vor.u32 v3, v0;
	_ =	sdelay $0x3  }
0x5c9: {  	[tilespmem:v2+s29+$0x0] =	vst.idx.msk $0xffff, v1;
	v2 =	vld [tilespmem:$0x1F810]  }
0x5ca: {  	v1 =	vld.idx.msk [tilespmem:v3+s18+$0x0], $0xffff  }
0x5cb: {  	v3 =	vld [tilespmem:$0x1F820];
	_ =	sdelay $0x3  }
0x5cc: {  	v2 =	vor.u32 s24, v2  }
0x5cd: {  	v3 =	vor.u32 v3, v0;
	_ =	sdelay $0x3  }
0x5ce: {  	[tilespmem:v2+s29+$0x0] =	vst.idx.msk $0xffff, v1;
	v2 =	vld [tilespmem:$0x1F830]  }
0x5cf: {  	v1 =	vld.idx.msk [tilespmem:v3+s18+$0x0], $0xffff  }
0x5d0: {  	v3 =	vld [tilespmem:$0x1F840];
	_ =	sdelay $0x2  }
0x5d1: {  	v2 =	vor.u32 s24, v2;
	_ =	sdelay $0x1  }
0x5d2: {  	v3 =	vor.u32 v3, v0;
	_ =	sdelay $0x2  }
0x5d3: {  	[tilespmem:v2+s29+$0x0] =	vst.idx.msk $0xffff, v1;
	v2 =	vld [tilespmem:$0x1F850];
	_ =	sdelay $0x1  }
0x5d4: {  	v1 =	vld.idx.msk [tilespmem:v3+s18+$0x0], $0xffff  }
0x5d5: {  	v3 =	vld [tilespmem:$0x1F860];
	_ =	sdelay $0x1  }
0x5d6: {  	v2 =	vor.u32 s24, v2;
	_ =	sdelay $0x2  }
0x5d7: {  	v3 =	vor.u32 v3, v0;
	_ =	sdelay $0x1  }
0x5d8: {  	[tilespmem:v2+s29+$0x0] =	vst.idx.msk $0xffff, v1;
	v2 =	vld [tilespmem:$0x1F870];
	_ =	sdelay $0x2  }
0x5d9: {  	v1 =	vld.idx.msk [tilespmem:v3+s18+$0x0], $0xffff  }
0x5da: {  	v3 =	vld [tilespmem:$0x1F880]  }
0x5db: {  	v2 =	vor.u32 s24, v2;
	_ =	sdelay $0x3  }
0x5dc: {  	v3 =	vor.u32 v3, v0  }
0x5dd: {  	[tilespmem:v2+s29+$0x0] =	vst.idx.msk $0xffff, v1;
	v2 =	vld [tilespmem:$0x1F890];
	_ =	sdelay $0x3  }
0x5de: {  	v1 =	vld.idx.msk [tilespmem:v3+s18+$0x0], $0xffff  }
0x5df: {  	v2 =	vor.u32 s24, v2;
	v3 =	vld [tilespmem:$0x1F8A0];
	_ =	sdelay $0x4  }
0x5e0: {  	v3 =	vor.u32 v3, v0;
	[tilespmem:v2+s29+$0x0] =	vst.idx.msk $0xffff, v1;
	v2 =	vld [tilespmem:$0x1F8B0];
	_ =	sdelay $0x4  }
0x5e1: {  	v1 =	vld.idx.msk [tilespmem:v3+s18+$0x0], $0xffff;
	v2 =	vor.u32 s24, v2  }
0x5e2: {  	v3 =	vor.u32 v7, v0;
	_ =	sdelay $0x3  }
0x5e3: {  	[tilespmem:v2+s29+$0x0] =	vst.idx.msk $0xffff, v1;
	v2 =	vld [tilespmem:$0x1FFC0]  }
0x5e4: {  	v1 =	vld.idx.msk [tilespmem:v3+s18+$0x0], $0xffff  }
0x5e5: {  	v3 =	vld [tilespmem:$0x1FFD0];
	_ =	sdelay $0x3  }
0x5e6: {  	v2 =	vor.u32 s24, v2  }
0x5e7: {  	v3 =	vor.u32 v3, v0;
	_ =	sdelay $0x3  }
0x5e8: {  	[tilespmem:v2+s29+$0x0] =	vst.idx.msk $0xffff, v1;
	v2 =	vld [tilespmem:$0x1F8C0]  }
0x5e9: {  	v1 =	vld.idx.msk [tilespmem:v3+s18+$0x0], $0xffff  }
0x5ea: {  	v3 =	vld [tilespmem:$0x1FFE0];
	_ =	sdelay $0x3  }
0x5eb: {  	v2 =	vor.u32 s24, v2  }
0x5ec: {  	v3 =	vor.u32 v3, v0;
	_ =	sdelay $0x3  }
0x5ed: {  	[tilespmem:v2+s29+$0x0] =	vst.idx.msk $0xffff, v1;
	v2 =	vld [tilespmem:$0x1F8D0]  }
0x5ee: {  	v1 =	vld.idx.msk [tilespmem:v3+s18+$0x0], $0xffff  }
0x5ef: {  	v3 =	vld [tilespmem:$0x1F530];
	_ =	sdelay $0x3  }
0x5f0: {  	v2 =	vor.u32 s24, v2  }
0x5f1: {  	v3 =	vor.u32 v3, v0;
	_ =	sdelay $0x3  }
0x5f2: {  	[tilespmem:v2+s29+$0x0] =	vst.idx.msk $0xffff, v1;
	v2 =	vld [tilespmem:$0x1F920]  }
0x5f3: {  	v1 =	vld.idx.msk [tilespmem:v3+s18+$0x0], $0xffff  }
0x5f4: {  	v3 =	vld [tilespmem:$0x1F540];
	_ =	sdelay $0x3  }
0x5f5: {  	v2 =	vor.u32 s24, v2  }
0x5f6: {  	v3 =	vor.u32 v3, v0;
	_ =	sdelay $0x3  }
0x5f7: {  	[tilespmem:v2+s29+$0x0] =	vst.idx.msk $0xffff, v1  }
0x5f8: {  	v1 =	vld.idx.msk [tilespmem:v3+s18+$0x0], $0xffff  }
0x5f9: {  	v3 =	vld [tilespmem:$0x1F550];
	_ =	sdelay $0x3  }
0x5fa: {  	v2 =	vor.u32 s24, v6  }
0x5fb: {  	v3 =	vor.u32 v3, v0;
	_ =	sdelay $0x3  }
0x5fc: {  	[tilespmem:v2+s29+$0x0] =	vst.idx.msk $0xffff, v1;
	v2 =	vld [tilespmem:$0x1FFF0]  }
0x5fd: {  	v1 =	vld.idx.msk [tilespmem:v3+s18+$0x0], $0xffff  }
0x5fe: {  	v3 =	vld [tilespmem:$0x1F560];
	_ =	sdelay $0x3  }
0x5ff: {  	v2 =	vor.u32 s24, v2  }
0x600: {  	v3 =	vor.u32 v3, v0;
	_ =	sdelay $0x3  }
0x601: {  	[tilespmem:v2+s29+$0x0] =	vst.idx.msk $0xffff, v1;
	v2 =	vld [tilespmem:$0x1F970]  }
0x602: {  	v1 =	vld.idx.msk [tilespmem:v3+s18+$0x0], $0xffff  }
0x603: {  	v3 =	vld [tilespmem:$0x1F570];
	_ =	sdelay $0x3  }
0x604: {  	v2 =	vor.u32 s24, v2  }
0x605: {  	v3 =	vor.u32 v3, v0;
	_ =	sdelay $0x3  }
0x606: {  	[tilespmem:v2+s29+$0x0] =	vst.idx.msk $0xffff, v1;
	v2 =	vld [tilespmem:$0x1F980]  }
0x607: {  	v1 =	vld.idx.msk [tilespmem:v3+s18+$0x0], $0xffff  }
0x608: {  	v3 =	vld [tilespmem:$0x1F580];
	_ =	sdelay $0x3  }
0x609: {  	v2 =	vor.u32 s24, v2  }
0x60a: {  	v3 =	vor.u32 v3, v0;
	_ =	sdelay $0x3  }
0x60b: {  	[tilespmem:v2+s29+$0x0] =	vst.idx.msk $0xffff, v1;
	v2 =	vld [tilespmem:$0x1F990]  }
0x60c: {  	v1 =	vld.idx.msk [tilespmem:v3+s18+$0x0], $0xffff  }
0x60d: {  	v3 =	vld [tilespmem:$0x1F590];
	_ =	sdelay $0x3  }
0x60e: {  	v2 =	vor.u32 s24, v2  }
0x60f: {  	v3 =	vor.u32 v3, v0;
	_ =	sdelay $0x3  }
0x610: {  	[tilespmem:v2+s29+$0x0] =	vst.idx.msk $0xffff, v1;
	v2 =	vld [tilespmem:$0x1F9A0]  }
0x611: {  	v1 =	vld.idx.msk [tilespmem:v3+s18+$0x0], $0xffff  }
0x612: {  	v3 =	vld [tilespmem:$0x1F5A0];
	_ =	sdelay $0x3  }
0x613: {  	v2 =	vor.u32 s24, v2  }
0x614: {  	v3 =	vor.u32 v3, v0;
	_ =	sdelay $0x3  }
0x615: {  	[tilespmem:v2+s29+$0x0] =	vst.idx.msk $0xffff, v1;
	v2 =	vld [tilespmem:$0x1F9B0]  }
0x616: {  	v1 =	vld.idx.msk [tilespmem:v3+s18+$0x0], $0xffff  }
0x617: {  	v3 =	vld [tilespmem:$0x1F5B0];
	_ =	sdelay $0x3  }
0x618: {  	v2 =	vor.u32 s24, v2  }
0x619: {  	v3 =	vor.u32 v3, v0;
	_ =	sdelay $0x3  }
0x61a: {  	[tilespmem:v2+s29+$0x0] =	vst.idx.msk $0xffff, v1;
	v2 =	vld [tilespmem:$0x1F9C0]  }
0x61b: {  	v1 =	vld.idx.msk [tilespmem:v3+s18+$0x0], $0xffff  }
0x61c: {  	v3 =	vld [tilespmem:$0x1F5C0];
	_ =	sdelay $0x3  }
0x61d: {  	v2 =	vor.u32 s24, v2  }
0x61e: {  	v3 =	vor.u32 v3, v0;
	_ =	sdelay $0x3  }
0x61f: {  	[tilespmem:v2+s29+$0x0] =	vst.idx.msk $0xffff, v1;
	v2 =	vld [tilespmem:$0x1F9D0]  }
0x620: {  	v1 =	vld.idx.msk [tilespmem:v3+s18+$0x0], $0xffff  }
0x621: {  	v3 =	vld [tilespmem:$0x1F5D0];
	_ =	sdelay $0x3  }
0x622: {  	v2 =	vor.u32 s24, v2  }
0x623: {  	v3 =	vor.u32 v3, v0;
	_ =	sdelay $0x3  }
0x624: {  	[tilespmem:v2+s29+$0x0] =	vst.idx.msk $0xffff, v1;
	v2 =	vld [tilespmem:$0x1F9E0]  }
0x625: {  	v1 =	vld.idx.msk [tilespmem:v3+s18+$0x0], $0xffff  }
0x626: {  	v3 =	vld [tilespmem:$0x1F5E0];
	_ =	sdelay $0x3  }
0x627: {  	v2 =	vor.u32 s24, v2  }
0x628: {  	v3 =	vor.u32 v3, v0;
	_ =	sdelay $0x3  }
0x629: {  	[tilespmem:v2+s29+$0x0] =	vst.idx.msk $0xffff, v1;
	v2 =	vld [tilespmem:$0x1F9F0]  }
0x62a: {  	v1 =	vld.idx.msk [tilespmem:v3+s18+$0x0], $0xffff  }
0x62b: {  	v3 =	vld [tilespmem:$0x1F5F0];
	_ =	sdelay $0x3  }
0x62c: {  	v2 =	vor.u32 s24, v2  }
0x62d: {  	v3 =	vor.u32 v3, v0;
	_ =	sdelay $0x3  }
0x62e: {  	[tilespmem:v2+s29+$0x0] =	vst.idx.msk $0xffff, v1;
	v2 =	vld [tilespmem:$0x1FA00]  }
0x62f: {  	v1 =	vld.idx.msk [tilespmem:v3+s18+$0x0], $0xffff  }
0x630: {  	v3 =	vld [tilespmem:$0x1F600];
	_ =	sdelay $0x3  }
0x631: {  	v2 =	vor.u32 s24, v2  }
0x632: {  	v3 =	vor.u32 v3, v0;
	_ =	sdelay $0x3  }
0x633: {  	[tilespmem:v2+s29+$0x0] =	vst.idx.msk $0xffff, v1;
	v2 =	vld [tilespmem:$0x1F610]  }
0x634: {  	v1 =	vld.idx.msk [tilespmem:v3+s18+$0x0], $0xffff  }
0x635: {  	v3 =	vld [tilespmem:$0x1F620];
	_ =	sdelay $0x3  }
0x636: {  	v2 =	vor.u32 s24, v2  }
0x637: {  	v3 =	vor.u32 v3, v0;
	_ =	sdelay $0x3  }
0x638: {  	[tilespmem:v2+s29+$0x0] =	vst.idx.msk $0xffff, v1;
	v2 =	vld [tilespmem:$0x1FDB0]  }
0x639: {  	v1 =	vld.idx.msk [tilespmem:v3+s18+$0x0], $0xffff  }
0x63a: {  	v3 =	vld [tilespmem:$0x1F630];
	_ =	sdelay $0x3  }
0x63b: {  	v2 =	vor.u32 s24, v2  }
0x63c: {  	v3 =	vor.u32 v3, v0;
	_ =	sdelay $0x3  }
0x63d: {  	[tilespmem:v2+s29+$0x0] =	vst.idx.msk $0xffff, v1;
	v2 =	vld [tilespmem:$0x1FDC0]  }
0x63e: {  	v1 =	vld.idx.msk [tilespmem:v3+s18+$0x0], $0xffff  }
0x63f: {  	v3 =	vld [tilespmem:$0x1F640];
	_ =	sdelay $0x3  }
0x640: {  	v2 =	vor.u32 s24, v2  }
0x641: {  	v3 =	vor.u32 v3, v0;
	_ =	sdelay $0x3  }
0x642: {  	[tilespmem:v2+s29+$0x0] =	vst.idx.msk $0xffff, v1;
	v2 =	vld [tilespmem:$0x1FDD0]  }
0x643: {  	v1 =	vld.idx.msk [tilespmem:v3+s18+$0x0], $0xffff  }
0x644: {  	v3 =	vld [tilespmem:$0x1F650];
	_ =	sdelay $0x3  }
0x645: {  	v2 =	vor.u32 s24, v2  }
0x646: {  	v3 =	vor.u32 v3, v0;
	_ =	sdelay $0x3  }
0x647: {  	[tilespmem:v2+s29+$0x0] =	vst.idx.msk $0xffff, v1;
	v2 =	vld [tilespmem:$0x1FDE0]  }
0x648: {  	v1 =	vld.idx.msk [tilespmem:v3+s18+$0x0], $0xffff  }
0x649: {  	v3 =	vld [tilespmem:$0x1F660];
	_ =	sdelay $0x3  }
0x64a: {  	v2 =	vor.u32 s24, v2  }
0x64b: {  	v3 =	vor.u32 v3, v0;
	_ =	sdelay $0x3  }
0x64c: {  	[tilespmem:v2+s29+$0x0] =	vst.idx.msk $0xffff, v1;
	v2 =	vld [tilespmem:$0x1FDF0]  }
0x64d: {  	v1 =	vld.idx.msk [tilespmem:v3+s18+$0x0], $0xffff  }
0x64e: {  	v3 =	vld [tilespmem:$0x1F670];
	_ =	sdelay $0x3  }
0x64f: {  	v2 =	vor.u32 s24, v2  }
0x650: {  	v3 =	vor.u32 v3, v0;
	_ =	sdelay $0x3  }
0x651: {  	[tilespmem:v2+s29+$0x0] =	vst.idx.msk $0xffff, v1;
	v2 =	vld [tilespmem:$0x1FE00]  }
0x652: {  	v1 =	vld.idx.msk [tilespmem:v3+s18+$0x0], $0xffff  }
0x653: {  	v3 =	vld [tilespmem:$0x1F680];
	_ =	sdelay $0x3  }
0x654: {  	v2 =	vor.u32 s24, v2  }
0x655: {  	v3 =	vor.u32 v3, v0;
	_ =	sdelay $0x3  }
0x656: {  	[tilespmem:v2+s29+$0x0] =	vst.idx.msk $0xffff, v1;
	v2 =	vld [tilespmem:$0x1FE10]  }
0x657: {  	v1 =	vld.idx.msk [tilespmem:v3+s18+$0x0], $0xffff  }
0x658: {  	v3 =	vld [tilespmem:$0x1F690];
	_ =	sdelay $0x3  }
0x659: {  	v2 =	vor.u32 s24, v2  }
0x65a: {  	v3 =	vor.u32 v3, v0;
	_ =	sdelay $0x3  }
0x65b: {  	[tilespmem:v2+s29+$0x0] =	vst.idx.msk $0xffff, v1;
	v2 =	vld [tilespmem:$0x1FE20]  }
0x65c: {  	v1 =	vld.idx.msk [tilespmem:v3+s18+$0x0], $0xffff  }
0x65d: {  	v3 =	vld [tilespmem:$0x1F6A0];
	_ =	sdelay $0x3  }
0x65e: {  	v2 =	vor.u32 s24, v2  }
0x65f: {  	v3 =	vor.u32 v3, v0;
	_ =	sdelay $0x3  }
0x660: {  	[tilespmem:v2+s29+$0x0] =	vst.idx.msk $0xffff, v1;
	v2 =	vld [tilespmem:$0x1FE30]  }
0x661: {  	v1 =	vld.idx.msk [tilespmem:v3+s18+$0x0], $0xffff  }
0x662: {  	v3 =	vld [tilespmem:$0x1F6B0];
	_ =	sdelay $0x3  }
0x663: {  	v2 =	vor.u32 s24, v2  }
0x664: {  	v3 =	vor.u32 v3, v0;
	_ =	sdelay $0x3  }
0x665: {  	[tilespmem:v2+s29+$0x0] =	vst.idx.msk $0xffff, v1;
	v2 =	vld [tilespmem:$0x1FE40]  }
0x666: {  	v1 =	vld.idx.msk [tilespmem:v3+s18+$0x0], $0xffff  }
0x667: {  	v3 =	vld [tilespmem:$0x1F6C0];
	_ =	sdelay $0x3  }
0x668: {  	v2 =	vor.u32 s24, v2  }
0x669: {  	v3 =	vor.u32 v3, v0;
	_ =	sdelay $0x3  }
0x66a: {  	[tilespmem:v2+s29+$0x0] =	vst.idx.msk $0xffff, v1;
	v2 =	vld [tilespmem:$0x1FE50]  }
0x66b: {  	v1 =	vld.idx.msk [tilespmem:v3+s18+$0x0], $0xffff  }
0x66c: {  	v3 =	vld [tilespmem:$0x1F6D0];
	_ =	sdelay $0x3  }
0x66d: {  	v2 =	vor.u32 s24, v2  }
0x66e: {  	v3 =	vor.u32 v3, v0;
	_ =	sdelay $0x3  }
0x66f: {  	[tilespmem:v2+s29+$0x0] =	vst.idx.msk $0xffff, v1;
	v2 =	vld [tilespmem:$0x1FE60]  }
0x670: {  	v1 =	vld.idx.msk [tilespmem:v3+s18+$0x0], $0xffff  }
0x671: {  	v3 =	vld [tilespmem:$0x1F6E0];
	_ =	sdelay $0x3  }
0x672: {  	v2 =	vor.u32 s24, v2  }
0x673: {  	v3 =	vor.u32 v3, v0;
	_ =	sdelay $0x3  }
0x674: {  	[tilespmem:v2+s29+$0x0] =	vst.idx.msk $0xffff, v1;
	v2 =	vld [tilespmem:$0x1FE70]  }
0x675: {  	v1 =	vld.idx.msk [tilespmem:v3+s18+$0x0], $0xffff  }
0x676: {  	v3 =	vld [tilespmem:$0x1F6F0];
	_ =	sdelay $0x3  }
0x677: {  	v2 =	vor.u32 s24, v2  }
0x678: {  	v3 =	vor.u32 v3, v0;
	_ =	sdelay $0x3  }
0x679: {  	[tilespmem:v2+s29+$0x0] =	vst.idx.msk $0xffff, v1;
	v2 =	vld [tilespmem:$0x1FE80]  }
0x67a: {  	v1 =	vld.idx.msk [tilespmem:v3+s18+$0x0], $0xffff  }
0x67b: {  	v3 =	vld [tilespmem:$0x1F700];
	_ =	sdelay $0x3  }
0x67c: {  	v2 =	vor.u32 s24, v2  }
0x67d: {  	v3 =	vor.u32 v3, v0;
	_ =	sdelay $0x3  }
0x67e: {  	[tilespmem:v2+s29+$0x0] =	vst.idx.msk $0xffff, v1;
	v2 =	vld [tilespmem:$0x1FE90]  }
0x67f: {  	v1 =	vld.idx.msk [tilespmem:v3+s18+$0x0], $0xffff  }
0x680: {  	v3 =	vld [tilespmem:$0x1F710];
	_ =	sdelay $0x3  }
0x681: {  	v2 =	vor.u32 s24, v2  }
0x682: {  	v3 =	vor.u32 v3, v0;
	_ =	sdelay $0x3  }
0x683: {  	[tilespmem:v2+s29+$0x0] =	vst.idx.msk $0xffff, v1;
	v2 =	vld [tilespmem:$0x1F720]  }
0x684: {  	v1 =	vld.idx.msk [tilespmem:v3+s18+$0x0], $0xffff  }
0x685: {  	v3 =	vld [tilespmem:$0x1F490];
	_ =	sdelay $0x3  }
0x686: {  	v2 =	vor.u32 s24, v2  }
0x687: {  	v3 =	vor.u32 v3, v0;
	_ =	sdelay $0x3  }
0x688: {  	[tilespmem:v2+s29+$0x0] =	vst.idx.msk $0xffff, v1;
	v2 =	vld [tilespmem:$0x1FEA0]  }
0x689: {  	v1 =	vld.idx.msk [tilespmem:v3+s18+$0x0], $0xffff  }
0x68a: {  	v3 =	vld [tilespmem:$0x1F4A0];
	_ =	sdelay $0x3  }
0x68b: {  	v2 =	vor.u32 s24, v2  }
0x68c: {  	v3 =	vor.u32 v3, v0;
	_ =	sdelay $0x3  }
0x68d: {  	[tilespmem:v2+s29+$0x0] =	vst.idx.msk $0xffff, v1;
	v2 =	vld [tilespmem:$0x1FEB0]  }
0x68e: {  	v1 =	vld.idx.msk [tilespmem:v3+s18+$0x0], $0xffff  }
0x68f: {  	v3 =	vld [tilespmem:$0x1F4B0];
	_ =	sdelay $0x3  }
0x690: {  	v2 =	vor.u32 s24, v2  }
0x691: {  	v3 =	vor.u32 v3, v0;
	_ =	sdelay $0x3  }
0x692: {  	[tilespmem:v2+s29+$0x0] =	vst.idx.msk $0xffff, v1;
	v2 =	vld [tilespmem:$0x1FEC0]  }
0x693: {  	v1 =	vld.idx.msk [tilespmem:v3+s18+$0x0], $0xffff  }
0x694: {  	v3 =	vld [tilespmem:$0x1F4C0];
	_ =	sdelay $0x3  }
0x695: {  	v2 =	vor.u32 s24, v2  }
0x696: {  	v3 =	vor.u32 v3, v0;
	_ =	sdelay $0x3  }
0x697: {  	[tilespmem:v2+s29+$0x0] =	vst.idx.msk $0xffff, v1;
	v2 =	vld [tilespmem:$0x1FED0]  }
0x698: {  	v1 =	vld.idx.msk [tilespmem:v3+s18+$0x0], $0xffff  }
0x699: {  	v3 =	vld [tilespmem:$0x1F4D0];
	_ =	sdelay $0x3  }
0x69a: {  	v2 =	vor.u32 s24, v2  }
0x69b: {  	v3 =	vor.u32 v3, v0;
	_ =	sdelay $0x3  }
0x69c: {  	[tilespmem:v2+s29+$0x0] =	vst.idx.msk $0xffff, v1;
	v2 =	vld [tilespmem:$0x1FEE0]  }
0x69d: {  	v1 =	vld.idx.msk [tilespmem:v3+s18+$0x0], $0xffff  }
0x69e: {  	v3 =	vld [tilespmem:$0x1F4E0];
	_ =	sdelay $0x3  }
0x69f: {  	v2 =	vor.u32 s24, v2  }
0x6a0: {  	v3 =	vor.u32 v3, v0;
	_ =	sdelay $0x3  }
0x6a1: {  	[tilespmem:v2+s29+$0x0] =	vst.idx.msk $0xffff, v1;
	v2 =	vld [tilespmem:$0x1FEF0]  }
0x6a2: {  	v1 =	vld.idx.msk [tilespmem:v3+s18+$0x0], $0xffff  }
0x6a3: {  	v3 =	vld [tilespmem:$0x1F4F0];
	_ =	sdelay $0x2  }
0x6a4: {  	v2 =	vor.u32 s24, v2;
	_ =	sdelay $0x1  }
0x6a5: {  	v3 =	vor.u32 v3, v0;
	_ =	sdelay $0x2  }
0x6a6: {  	[tilespmem:v2+s29+$0x0] =	vst.idx.msk $0xffff, v1;
	v2 =	vld [tilespmem:$0x1FF00];
	_ =	sdelay $0x1  }
0x6a7: {  	v1 =	vld.idx.msk [tilespmem:v3+s18+$0x0], $0xffff  }
0x6a8: {  	v3 =	vld [tilespmem:$0x1F500];
	_ =	sdelay $0x1  }
0x6a9: {  	v2 =	vor.u32 s24, v2;
	_ =	sdelay $0x2  }
0x6aa: {  	v3 =	vor.u32 v3, v0;
	_ =	sdelay $0x1  }
0x6ab: {  	[tilespmem:v2+s29+$0x0] =	vst.idx.msk $0xffff, v1;
	v2 =	vld [tilespmem:$0x1FF10];
	_ =	sdelay $0x2  }
0x6ac: {  	v1 =	vld.idx.msk [tilespmem:v3+s18+$0x0], $0xffff  }
0x6ad: {  	v3 =	vld [tilespmem:$0x1F510]  }
0x6ae: {  	v2 =	vor.u32 s24, v2;
	_ =	sdelay $0x3  }
0x6af: {  	v3 =	vor.u32 v3, v0  }
0x6b0: {  	[tilespmem:v2+s29+$0x0] =	vst.idx.msk $0xffff, v1;
	v2 =	vld [tilespmem:$0x1FF20];
	_ =	sdelay $0x3  }
0x6b1: {  	v1 =	vld.idx.msk [tilespmem:v3+s18+$0x0], $0xffff  }
0x6b2: {  	v2 =	vor.u32 s24, v2;
	v3 =	vld [tilespmem:$0x1F520];
	_ =	sdelay $0x4  }
0x6b3: {  	v3 =	vor.u32 v3, v0;
	[tilespmem:v2+s29+$0x0] =	vst.idx.msk $0xffff, v1;
	v2 =	vld [tilespmem:$0x1FF30];
	_ =	sdelay $0x4  }
0x6b4: {  	v1 =	vld.idx.msk [tilespmem:v3+s18+$0x0], $0xffff;
	v2 =	vor.u32 s24, v2;
	_ =	sdelay $0x4  }
0x6b5: {  	v3 =	vor.u32 v17, v0;
	[tilespmem:v2+s29+$0x0] =	vst.idx.msk $0xffff, v1;
	v2 =	vld [tilespmem:$0x1FF40];
	_ =	sdelay $0x4  }
0x6b6: {  	v1 =	vld.idx.msk [tilespmem:v3+s18+$0x0], $0xffff;
	v2 =	vor.u32 s24, v2;
	_ =	sdelay $0x4  }
0x6b7: {  	v3 =	vor.u32 v20, v0;
	[tilespmem:v2+s29+$0x0] =	vst.idx.msk $0xffff, v1;
	v2 =	vld [tilespmem:$0x1FF50];
	_ =	sdelay $0x4  }
0x6b8: {  	v1 =	vld.idx.msk [tilespmem:v3+s18+$0x0], $0xffff;
	v2 =	vor.u32 s24, v2;
	_ =	sdelay $0x4  }
0x6b9: {  	v3 =	vor.u32 v38, v0;
	[tilespmem:v2+s29+$0x0] =	vst.idx.msk $0xffff, v1;
	v2 =	vld [tilespmem:$0x1FF60];
	_ =	sdelay $0x4  }
0x6ba: {  	v1 =	vld.idx.msk [tilespmem:v3+s18+$0x0], $0xffff;
	v2 =	vor.u32 s24, v2;
	_ =	sdelay $0x4  }
0x6bb: {  	v3 =	vor.u32 v27, v0;
	[tilespmem:v2+s29+$0x0] =	vst.idx.msk $0xffff, v1;
	v2 =	vld [tilespmem:$0x1FF70];
	_ =	sdelay $0x4  }
0x6bc: {  	v1 =	vld.idx.msk [tilespmem:v3+s18+$0x0], $0xffff;
	v2 =	vor.u32 s24, v2;
	_ =	sdelay $0x3  }
0x6bd: {  	s25 =	simm.s32 $0x10  }
0x6be: {  	s23 =	sor.u32 $0x1, s23;
	s26 =	simm.s32 $0x20;
	v0 =	vor.u32 v30, v0;
	[tilespmem:v2+s29+$0x0] =	vst.idx.msk $0xffff, v1;
	v1 =	vmov s25  }
.LBB2_5:
0x6bf: {  	_ =	sdelay $0x2  }
0x6c0: {  	v1 =	vshll.u32 v1, $0x7  }
0x6c1: {  	v2 =	vld.idx.msk [tilespmem:v0+s18+$0x0], $0xffff;
	v3 =	vlaneseq.u32;
	v0 =	vor.u32 v16, v1;
	v1 =	vor.u32 s24, v35  }
0x6c2: {  	v3 =	vor.u32 v3, v0;
	_ =	sdelay $0x3  }
0x6c3: {  	s24 =	smov.u32 s25;
	[tilespmem:v1+s29+$0x0] =	vst.idx.msk $0xffff, v2  }
0x6c4: {  	v2 =	vor.u32 s24, v34;
	v1 =	vld.idx.msk [tilespmem:v3+s18+$0x0], $0xffff  }
0x6c5: {  	v3 =	vor.u32 v4, v0;
	_ =	sdelay $0x3  }
0x6c6: {  	[tilespmem:v2+s29+$0x0] =	vst.idx.msk $0xffff, v1  }
0x6c7: {  	v2 =	vor.u32 s24, v21;
	v1 =	vld.idx.msk [tilespmem:v3+s18+$0x0], $0xffff  }
0x6c8: {  	v3 =	vor.u32 v51, v0;
	_ =	sdelay $0x3  }
0x6c9: {  	[tilespmem:v2+s29+$0x0] =	vst.idx.msk $0xffff, v1  }
0x6ca: {  	v2 =	vor.u32 s24, v25;
	v1 =	vld.idx.msk [tilespmem:v3+s18+$0x0], $0xffff  }
0x6cb: {  	v3 =	vor.u32 v57, v0;
	_ =	sdelay $0x3  }
0x6cc: {  	[tilespmem:v2+s29+$0x0] =	vst.idx.msk $0xffff, v1  }
0x6cd: {  	v2 =	vor.u32 s24, v39;
	v1 =	vld.idx.msk [tilespmem:v3+s18+$0x0], $0xffff  }
0x6ce: {  	v3 =	vor.u32 v19, v0;
	_ =	sdelay $0x3  }
0x6cf: {  	[tilespmem:v2+s29+$0x0] =	vst.idx.msk $0xffff, v1  }
0x6d0: {  	v2 =	vor.u32 s24, v11;
	v1 =	vld.idx.msk [tilespmem:v3+s18+$0x0], $0xffff  }
0x6d1: {  	v3 =	vor.u32 v54, v0;
	_ =	sdelay $0x3  }
0x6d2: {  	[tilespmem:v2+s29+$0x0] =	vst.idx.msk $0xffff, v1  }
0x6d3: {  	v2 =	vor.u32 s24, v55;
	v1 =	vld.idx.msk [tilespmem:v3+s18+$0x0], $0xffff  }
0x6d4: {  	v3 =	vor.u32 v56, v0;
	_ =	sdelay $0x3  }
0x6d5: {  	[tilespmem:v2+s29+$0x0] =	vst.idx.msk $0xffff, v1  }
0x6d6: {  	v2 =	vor.u32 s24, v18;
	v1 =	vld.idx.msk [tilespmem:v3+s18+$0x0], $0xffff  }
0x6d7: {  	v3 =	vor.u32 v58, v0;
	_ =	sdelay $0x3  }
0x6d8: {  	[tilespmem:v2+s29+$0x0] =	vst.idx.msk $0xffff, v1  }
0x6d9: {  	v2 =	vor.u32 s24, v59;
	v1 =	vld.idx.msk [tilespmem:v3+s18+$0x0], $0xffff  }
0x6da: {  	v3 =	vor.u32 v60, v0;
	_ =	sdelay $0x3  }
0x6db: {  	[tilespmem:v2+s29+$0x0] =	vst.idx.msk $0xffff, v1  }
0x6dc: {  	v2 =	vor.u32 s24, v61;
	v1 =	vld.idx.msk [tilespmem:v3+s18+$0x0], $0xffff  }
0x6dd: {  	v3 =	vor.u32 v62, v0;
	_ =	sdelay $0x3  }
0x6de: {  	[tilespmem:v2+s29+$0x0] =	vst.idx.msk $0xffff, v1  }
0x6df: {  	v2 =	vor.u32 s24, v63;
	v1 =	vld.idx.msk [tilespmem:v3+s18+$0x0], $0xffff  }
0x6e0: {  	v3 =	vor.u32 v45, v0;
	_ =	sdelay $0x3  }
0x6e1: {  	[tilespmem:v2+s29+$0x0] =	vst.idx.msk $0xffff, v1  }
0x6e2: {  	v2 =	vor.u32 s24, v29;
	v1 =	vld.idx.msk [tilespmem:v3+s18+$0x0], $0xffff  }
0x6e3: {  	v3 =	vor.u32 v52, v0;
	_ =	sdelay $0x3  }
0x6e4: {  	[tilespmem:v2+s29+$0x0] =	vst.idx.msk $0xffff, v1  }
0x6e5: {  	v2 =	vor.u32 s24, v53;
	v1 =	vld.idx.msk [tilespmem:v3+s18+$0x0], $0xffff  }
0x6e6: {  	v3 =	vor.u32 v10, v0;
	_ =	sdelay $0x3  }
0x6e7: {  	[tilespmem:v2+s29+$0x0] =	vst.idx.msk $0xffff, v1  }
0x6e8: {  	v2 =	vor.u32 s24, v22;
	v1 =	vld.idx.msk [tilespmem:v3+s18+$0x0], $0xffff;
	_ =	sdelay $0x2  }
0x6e9: {  	v3 =	vor.u32 v48, v0;
	_ =	sdelay $0x1  }
0x6ea: {  	[tilespmem:v2+s29+$0x0] =	vst.idx.msk $0xffff, v1;
	v2 =	vld [tilespmem:$0x1F870];
	_ =	sdelay $0x2  }
0x6eb: {  	v1 =	vld.idx.msk [tilespmem:v3+s18+$0x0], $0xffff  }
0x6ec: {  	v3 =	vld [tilespmem:$0x1F880]  }
0x6ed: {  	v2 =	vor.u32 s24, v2;
	_ =	sdelay $0x3  }
0x6ee: {  	v3 =	vor.u32 v3, v0  }
0x6ef: {  	[tilespmem:v2+s29+$0x0] =	vst.idx.msk $0xffff, v1;
	v2 =	vld [tilespmem:$0x1F890];
	_ =	sdelay $0x3  }
0x6f0: {  	v1 =	vld.idx.msk [tilespmem:v3+s18+$0x0], $0xffff  }
0x6f1: {  	v3 =	vld [tilespmem:$0x1F8A0];
	v2 =	vor.u32 s24, v2;
	_ =	sdelay $0x4  }
0x6f2: {  	v3 =	vor.u32 v3, v0;
	[tilespmem:v2+s29+$0x0] =	vst.idx.msk $0xffff, v1;
	v2 =	vld [tilespmem:$0x1F8B0];
	_ =	sdelay $0x4  }
0x6f3: {  	v1 =	vld.idx.msk [tilespmem:v3+s18+$0x0], $0xffff;
	v2 =	vor.u32 s24, v2  }
0x6f4: {  	v3 =	vor.u32 v7, v0;
	_ =	sdelay $0x3  }
0x6f5: {  	[tilespmem:v2+s29+$0x0] =	vst.idx.msk $0xffff, v1;
	v2 =	vld [tilespmem:$0x1FFC0]  }
0x6f6: {  	v1 =	vld.idx.msk [tilespmem:v3+s18+$0x0], $0xffff  }
0x6f7: {  	v3 =	vld [tilespmem:$0x1FFD0];
	_ =	sdelay $0x3  }
0x6f8: {  	v2 =	vor.u32 s24, v2  }
0x6f9: {  	v3 =	vor.u32 v3, v0;
	_ =	sdelay $0x3  }
0x6fa: {  	[tilespmem:v2+s29+$0x0] =	vst.idx.msk $0xffff, v1;
	v2 =	vld [tilespmem:$0x1F8C0]  }
0x6fb: {  	v1 =	vld.idx.msk [tilespmem:v3+s18+$0x0], $0xffff  }
0x6fc: {  	v3 =	vld [tilespmem:$0x1FFE0];
	_ =	sdelay $0x3  }
0x6fd: {  	v2 =	vor.u32 s24, v2  }
0x6fe: {  	v3 =	vor.u32 v3, v0;
	_ =	sdelay $0x3  }
0x6ff: {  	[tilespmem:v2+s29+$0x0] =	vst.idx.msk $0xffff, v1;
	v2 =	vld [tilespmem:$0x1F8D0]  }
0x700: {  	v1 =	vld.idx.msk [tilespmem:v3+s18+$0x0], $0xffff  }
0x701: {  	v3 =	vld [tilespmem:$0x1F530];
	_ =	sdelay $0x3  }
0x702: {  	v2 =	vor.u32 s24, v2  }
0x703: {  	v3 =	vor.u32 v3, v0;
	_ =	sdelay $0x3  }
0x704: {  	[tilespmem:v2+s29+$0x0] =	vst.idx.msk $0xffff, v1;
	v2 =	vld [tilespmem:$0x1F920]  }
0x705: {  	v1 =	vld.idx.msk [tilespmem:v3+s18+$0x0], $0xffff  }
0x706: {  	v3 =	vld [tilespmem:$0x1F540];
	_ =	sdelay $0x3  }
0x707: {  	v2 =	vor.u32 s24, v2  }
0x708: {  	v3 =	vor.u32 v3, v0;
	_ =	sdelay $0x3  }
0x709: {  	[tilespmem:v2+s29+$0x0] =	vst.idx.msk $0xffff, v1  }
0x70a: {  	v1 =	vld.idx.msk [tilespmem:v3+s18+$0x0], $0xffff  }
0x70b: {  	v3 =	vld [tilespmem:$0x1F550];
	_ =	sdelay $0x3  }
0x70c: {  	v2 =	vor.u32 s24, v6  }
0x70d: {  	v3 =	vor.u32 v3, v0;
	_ =	sdelay $0x3  }
0x70e: {  	[tilespmem:v2+s29+$0x0] =	vst.idx.msk $0xffff, v1  }
0x70f: {  	v1 =	vld.idx.msk [tilespmem:v3+s18+$0x0], $0xffff  }
0x710: {  	v3 =	vld [tilespmem:$0x1F560];
	_ =	sdelay $0x3  }
0x711: {  	v2 =	vor.u32 s24, v50  }
0x712: {  	v3 =	vor.u32 v3, v0;
	_ =	sdelay $0x3  }
0x713: {  	[tilespmem:v2+s29+$0x0] =	vst.idx.msk $0xffff, v1;
	v2 =	vld [tilespmem:$0x1F970]  }
0x714: {  	v1 =	vld.idx.msk [tilespmem:v3+s18+$0x0], $0xffff  }
0x715: {  	v3 =	vld [tilespmem:$0x1F570];
	_ =	sdelay $0x3  }
0x716: {  	v2 =	vor.u32 s24, v2  }
0x717: {  	v3 =	vor.u32 v3, v0;
	_ =	sdelay $0x3  }
0x718: {  	[tilespmem:v2+s29+$0x0] =	vst.idx.msk $0xffff, v1;
	v2 =	vld [tilespmem:$0x1F980]  }
0x719: {  	v1 =	vld.idx.msk [tilespmem:v3+s18+$0x0], $0xffff  }
0x71a: {  	v3 =	vld [tilespmem:$0x1F580];
	_ =	sdelay $0x3  }
0x71b: {  	v2 =	vor.u32 s24, v2  }
0x71c: {  	v3 =	vor.u32 v3, v0;
	_ =	sdelay $0x3  }
0x71d: {  	[tilespmem:v2+s29+$0x0] =	vst.idx.msk $0xffff, v1;
	v2 =	vld [tilespmem:$0x1F990]  }
0x71e: {  	v1 =	vld.idx.msk [tilespmem:v3+s18+$0x0], $0xffff  }
0x71f: {  	v3 =	vld [tilespmem:$0x1F590];
	_ =	sdelay $0x3  }
0x720: {  	v2 =	vor.u32 s24, v2  }
0x721: {  	v3 =	vor.u32 v3, v0;
	_ =	sdelay $0x3  }
0x722: {  	[tilespmem:v2+s29+$0x0] =	vst.idx.msk $0xffff, v1;
	v2 =	vld [tilespmem:$0x1F9A0]  }
0x723: {  	v1 =	vld.idx.msk [tilespmem:v3+s18+$0x0], $0xffff  }
0x724: {  	v3 =	vld [tilespmem:$0x1F5A0];
	_ =	sdelay $0x3  }
0x725: {  	v2 =	vor.u32 s24, v2  }
0x726: {  	v3 =	vor.u32 v3, v0;
	_ =	sdelay $0x3  }
0x727: {  	[tilespmem:v2+s29+$0x0] =	vst.idx.msk $0xffff, v1;
	v2 =	vld [tilespmem:$0x1F9B0]  }
0x728: {  	v1 =	vld.idx.msk [tilespmem:v3+s18+$0x0], $0xffff  }
0x729: {  	v3 =	vld [tilespmem:$0x1F5B0];
	_ =	sdelay $0x3  }
0x72a: {  	v2 =	vor.u32 s24, v2  }
0x72b: {  	v3 =	vor.u32 v3, v0;
	_ =	sdelay $0x3  }
0x72c: {  	[tilespmem:v2+s29+$0x0] =	vst.idx.msk $0xffff, v1;
	v2 =	vld [tilespmem:$0x1F9C0]  }
0x72d: {  	v1 =	vld.idx.msk [tilespmem:v3+s18+$0x0], $0xffff  }
0x72e: {  	v3 =	vld [tilespmem:$0x1F5C0];
	_ =	sdelay $0x3  }
0x72f: {  	v2 =	vor.u32 s24, v2  }
0x730: {  	v3 =	vor.u32 v3, v0;
	_ =	sdelay $0x3  }
0x731: {  	[tilespmem:v2+s29+$0x0] =	vst.idx.msk $0xffff, v1;
	v2 =	vld [tilespmem:$0x1F9D0]  }
0x732: {  	v1 =	vld.idx.msk [tilespmem:v3+s18+$0x0], $0xffff  }
0x733: {  	v3 =	vld [tilespmem:$0x1F5D0];
	_ =	sdelay $0x3  }
0x734: {  	v2 =	vor.u32 s24, v2  }
0x735: {  	v3 =	vor.u32 v3, v0;
	_ =	sdelay $0x3  }
0x736: {  	[tilespmem:v2+s29+$0x0] =	vst.idx.msk $0xffff, v1;
	v2 =	vld [tilespmem:$0x1F9E0]  }
0x737: {  	v1 =	vld.idx.msk [tilespmem:v3+s18+$0x0], $0xffff  }
0x738: {  	v3 =	vld [tilespmem:$0x1F5E0];
	_ =	sdelay $0x3  }
0x739: {  	v2 =	vor.u32 s24, v2  }
0x73a: {  	v3 =	vor.u32 v3, v0;
	_ =	sdelay $0x3  }
0x73b: {  	[tilespmem:v2+s29+$0x0] =	vst.idx.msk $0xffff, v1;
	v2 =	vld [tilespmem:$0x1F9F0]  }
0x73c: {  	v1 =	vld.idx.msk [tilespmem:v3+s18+$0x0], $0xffff  }
0x73d: {  	v3 =	vld [tilespmem:$0x1F5F0];
	_ =	sdelay $0x3  }
0x73e: {  	v2 =	vor.u32 s24, v2  }
0x73f: {  	v3 =	vor.u32 v3, v0;
	_ =	sdelay $0x3  }
0x740: {  	[tilespmem:v2+s29+$0x0] =	vst.idx.msk $0xffff, v1;
	v2 =	vld [tilespmem:$0x1FA00]  }
0x741: {  	v1 =	vld.idx.msk [tilespmem:v3+s18+$0x0], $0xffff  }
0x742: {  	v3 =	vld [tilespmem:$0x1F600];
	_ =	sdelay $0x3  }
0x743: {  	v2 =	vor.u32 s24, v2  }
0x744: {  	v3 =	vor.u32 v3, v0;
	_ =	sdelay $0x3  }
0x745: {  	[tilespmem:v2+s29+$0x0] =	vst.idx.msk $0xffff, v1;
	v2 =	vld [tilespmem:$0x1F610]  }
0x746: {  	v1 =	vld.idx.msk [tilespmem:v3+s18+$0x0], $0xffff  }
0x747: {  	v3 =	vld [tilespmem:$0x1F620];
	_ =	sdelay $0x3  }
0x748: {  	v2 =	vor.u32 s24, v2  }
0x749: {  	v3 =	vor.u32 v3, v0;
	_ =	sdelay $0x3  }
0x74a: {  	[tilespmem:v2+s29+$0x0] =	vst.idx.msk $0xffff, v1;
	v2 =	vld [tilespmem:$0x1FDB0]  }
0x74b: {  	v1 =	vld.idx.msk [tilespmem:v3+s18+$0x0], $0xffff  }
0x74c: {  	v3 =	vld [tilespmem:$0x1F630];
	_ =	sdelay $0x3  }
0x74d: {  	v2 =	vor.u32 s24, v2  }
0x74e: {  	v3 =	vor.u32 v3, v0;
	_ =	sdelay $0x3  }
0x74f: {  	[tilespmem:v2+s29+$0x0] =	vst.idx.msk $0xffff, v1;
	v2 =	vld [tilespmem:$0x1FDC0]  }
0x750: {  	v1 =	vld.idx.msk [tilespmem:v3+s18+$0x0], $0xffff  }
0x751: {  	v3 =	vld [tilespmem:$0x1F640];
	_ =	sdelay $0x3  }
0x752: {  	v2 =	vor.u32 s24, v2  }
0x753: {  	v3 =	vor.u32 v3, v0;
	_ =	sdelay $0x3  }
0x754: {  	[tilespmem:v2+s29+$0x0] =	vst.idx.msk $0xffff, v1;
	v2 =	vld [tilespmem:$0x1FDD0]  }
0x755: {  	v1 =	vld.idx.msk [tilespmem:v3+s18+$0x0], $0xffff  }
0x756: {  	v3 =	vld [tilespmem:$0x1F650];
	_ =	sdelay $0x3  }
0x757: {  	v2 =	vor.u32 s24, v2  }
0x758: {  	v3 =	vor.u32 v3, v0;
	_ =	sdelay $0x3  }
0x759: {  	[tilespmem:v2+s29+$0x0] =	vst.idx.msk $0xffff, v1;
	v2 =	vld [tilespmem:$0x1FDE0]  }
0x75a: {  	v1 =	vld.idx.msk [tilespmem:v3+s18+$0x0], $0xffff  }
0x75b: {  	v3 =	vld [tilespmem:$0x1F660];
	_ =	sdelay $0x3  }
0x75c: {  	v2 =	vor.u32 s24, v2  }
0x75d: {  	v3 =	vor.u32 v3, v0;
	_ =	sdelay $0x3  }
0x75e: {  	[tilespmem:v2+s29+$0x0] =	vst.idx.msk $0xffff, v1;
	v2 =	vld [tilespmem:$0x1FDF0]  }
0x75f: {  	v1 =	vld.idx.msk [tilespmem:v3+s18+$0x0], $0xffff  }
0x760: {  	v3 =	vld [tilespmem:$0x1F670];
	_ =	sdelay $0x3  }
0x761: {  	v2 =	vor.u32 s24, v2  }
0x762: {  	v3 =	vor.u32 v3, v0;
	_ =	sdelay $0x3  }
0x763: {  	[tilespmem:v2+s29+$0x0] =	vst.idx.msk $0xffff, v1;
	v2 =	vld [tilespmem:$0x1FE00]  }
0x764: {  	v1 =	vld.idx.msk [tilespmem:v3+s18+$0x0], $0xffff  }
0x765: {  	v3 =	vld [tilespmem:$0x1F680];
	_ =	sdelay $0x3  }
0x766: {  	v2 =	vor.u32 s24, v2  }
0x767: {  	v3 =	vor.u32 v3, v0;
	_ =	sdelay $0x3  }
0x768: {  	[tilespmem:v2+s29+$0x0] =	vst.idx.msk $0xffff, v1;
	v2 =	vld [tilespmem:$0x1FE10]  }
0x769: {  	v1 =	vld.idx.msk [tilespmem:v3+s18+$0x0], $0xffff  }
0x76a: {  	v3 =	vld [tilespmem:$0x1F690];
	_ =	sdelay $0x3  }
0x76b: {  	v2 =	vor.u32 s24, v2  }
0x76c: {  	v3 =	vor.u32 v3, v0;
	_ =	sdelay $0x3  }
0x76d: {  	[tilespmem:v2+s29+$0x0] =	vst.idx.msk $0xffff, v1;
	v2 =	vld [tilespmem:$0x1FE20]  }
0x76e: {  	v1 =	vld.idx.msk [tilespmem:v3+s18+$0x0], $0xffff  }
0x76f: {  	v3 =	vld [tilespmem:$0x1F6A0];
	_ =	sdelay $0x3  }
0x770: {  	v2 =	vor.u32 s24, v2  }
0x771: {  	v3 =	vor.u32 v3, v0;
	_ =	sdelay $0x3  }
0x772: {  	[tilespmem:v2+s29+$0x0] =	vst.idx.msk $0xffff, v1;
	v2 =	vld [tilespmem:$0x1FE30]  }
0x773: {  	v1 =	vld.idx.msk [tilespmem:v3+s18+$0x0], $0xffff  }
0x774: {  	v3 =	vld [tilespmem:$0x1F6B0];
	_ =	sdelay $0x3  }
0x775: {  	v2 =	vor.u32 s24, v2  }
0x776: {  	v3 =	vor.u32 v3, v0;
	_ =	sdelay $0x3  }
0x777: {  	[tilespmem:v2+s29+$0x0] =	vst.idx.msk $0xffff, v1;
	v2 =	vld [tilespmem:$0x1FE40]  }
0x778: {  	v1 =	vld.idx.msk [tilespmem:v3+s18+$0x0], $0xffff  }
0x779: {  	v3 =	vld [tilespmem:$0x1F6C0];
	_ =	sdelay $0x3  }
0x77a: {  	v2 =	vor.u32 s24, v2  }
0x77b: {  	v3 =	vor.u32 v3, v0;
	_ =	sdelay $0x3  }
0x77c: {  	[tilespmem:v2+s29+$0x0] =	vst.idx.msk $0xffff, v1;
	v2 =	vld [tilespmem:$0x1FE50]  }
0x77d: {  	v1 =	vld.idx.msk [tilespmem:v3+s18+$0x0], $0xffff  }
0x77e: {  	v3 =	vld [tilespmem:$0x1F6D0];
	_ =	sdelay $0x3  }
0x77f: {  	v2 =	vor.u32 s24, v2  }
0x780: {  	v3 =	vor.u32 v3, v0;
	_ =	sdelay $0x3  }
0x781: {  	[tilespmem:v2+s29+$0x0] =	vst.idx.msk $0xffff, v1;
	v2 =	vld [tilespmem:$0x1FE60]  }
0x782: {  	v1 =	vld.idx.msk [tilespmem:v3+s18+$0x0], $0xffff  }
0x783: {  	v3 =	vld [tilespmem:$0x1F6E0];
	_ =	sdelay $0x2  }
0x784: {  	v2 =	vor.u32 s24, v2;
	_ =	sdelay $0x1  }
0x785: {  	v3 =	vor.u32 v3, v0;
	_ =	sdelay $0x2  }
0x786: {  	[tilespmem:v2+s29+$0x0] =	vst.idx.msk $0xffff, v1;
	v2 =	vld [tilespmem:$0x1FE70];
	_ =	sdelay $0x1  }
0x787: {  	v1 =	vld.idx.msk [tilespmem:v3+s18+$0x0], $0xffff  }
0x788: {  	v3 =	vld [tilespmem:$0x1F6F0];
	_ =	sdelay $0x1  }
0x789: {  	v2 =	vor.u32 s24, v2;
	_ =	sdelay $0x2  }
0x78a: {  	v3 =	vor.u32 v3, v0;
	_ =	sdelay $0x1  }
0x78b: {  	[tilespmem:v2+s29+$0x0] =	vst.idx.msk $0xffff, v1;
	v2 =	vld [tilespmem:$0x1FE80];
	_ =	sdelay $0x2  }
0x78c: {  	v1 =	vld.idx.msk [tilespmem:v3+s18+$0x0], $0xffff  }
0x78d: {  	v3 =	vld [tilespmem:$0x1F700]  }
0x78e: {  	v2 =	vor.u32 s24, v2;
	_ =	sdelay $0x3  }
0x78f: {  	v3 =	vor.u32 v3, v0  }
0x790: {  	[tilespmem:v2+s29+$0x0] =	vst.idx.msk $0xffff, v1;
	v2 =	vld [tilespmem:$0x1FE90];
	_ =	sdelay $0x3  }
0x791: {  	v1 =	vld.idx.msk [tilespmem:v3+s18+$0x0], $0xffff  }
0x792: {  	v2 =	vor.u32 s24, v2;
	v3 =	vld [tilespmem:$0x1F710];
	_ =	sdelay $0x4  }
0x793: {  	v3 =	vor.u32 v3, v0;
	[tilespmem:v2+s29+$0x0] =	vst.idx.msk $0xffff, v1;
	v2 =	vld [tilespmem:$0x1F720];
	_ =	sdelay $0x4  }
0x794: {  	v1 =	vld.idx.msk [tilespmem:v3+s18+$0x0], $0xffff;
	v2 =	vor.u32 s24, v2  }
0x795: {  	v3 =	vor.u32 v36, v0;
	_ =	sdelay $0x3  }
0x796: {  	[tilespmem:v2+s29+$0x0] =	vst.idx.msk $0xffff, v1  }
0x797: {  	v2 =	vor.u32 s24, v31;
	v1 =	vld.idx.msk [tilespmem:v3+s18+$0x0], $0xffff  }
0x798: {  	v3 =	vor.u32 v49, v0;
	_ =	sdelay $0x3  }
0x799: {  	[tilespmem:v2+s29+$0x0] =	vst.idx.msk $0xffff, v1  }
0x79a: {  	v2 =	vor.u32 s24, v37;
	v1 =	vld.idx.msk [tilespmem:v3+s18+$0x0], $0xffff  }
0x79b: {  	v3 =	vor.u32 v44, v0;
	_ =	sdelay $0x3  }
0x79c: {  	[tilespmem:v2+s29+$0x0] =	vst.idx.msk $0xffff, v1  }
0x79d: {  	v2 =	vor.u32 s24, v33;
	v1 =	vld.idx.msk [tilespmem:v3+s18+$0x0], $0xffff  }
0x79e: {  	v3 =	vor.u32 v32, v0;
	_ =	sdelay $0x3  }
0x79f: {  	[tilespmem:v2+s29+$0x0] =	vst.idx.msk $0xffff, v1  }
0x7a0: {  	v2 =	vor.u32 s24, v13;
	v1 =	vld.idx.msk [tilespmem:v3+s18+$0x0], $0xffff  }
0x7a1: {  	v3 =	vor.u32 v8, v0;
	_ =	sdelay $0x3  }
0x7a2: {  	[tilespmem:v2+s29+$0x0] =	vst.idx.msk $0xffff, v1  }
0x7a3: {  	v2 =	vor.u32 s24, v40;
	v1 =	vld.idx.msk [tilespmem:v3+s18+$0x0], $0xffff  }
0x7a4: {  	v3 =	vor.u32 v9, v0;
	_ =	sdelay $0x3  }
0x7a5: {  	[tilespmem:v2+s29+$0x0] =	vst.idx.msk $0xffff, v1  }
0x7a6: {  	v2 =	vor.u32 s24, v14;
	v1 =	vld.idx.msk [tilespmem:v3+s18+$0x0], $0xffff  }
0x7a7: {  	v3 =	vor.u32 v24, v0;
	_ =	sdelay $0x3  }
0x7a8: {  	[tilespmem:v2+s29+$0x0] =	vst.idx.msk $0xffff, v1  }
0x7a9: {  	v2 =	vor.u32 s24, v43;
	v1 =	vld.idx.msk [tilespmem:v3+s18+$0x0], $0xffff  }
0x7aa: {  	v3 =	vor.u32 v42, v0;
	_ =	sdelay $0x3  }
0x7ab: {  	[tilespmem:v2+s29+$0x0] =	vst.idx.msk $0xffff, v1  }
0x7ac: {  	v2 =	vor.u32 s24, v28;
	v1 =	vld.idx.msk [tilespmem:v3+s18+$0x0], $0xffff  }
0x7ad: {  	v3 =	vor.u32 v47, v0;
	_ =	sdelay $0x3  }
0x7ae: {  	[tilespmem:v2+s29+$0x0] =	vst.idx.msk $0xffff, v1  }
0x7af: {  	v2 =	vor.u32 s24, v46;
	v1 =	vld.idx.msk [tilespmem:v3+s18+$0x0], $0xffff  }
0x7b0: {  	v3 =	vor.u32 v23, v0;
	_ =	sdelay $0x3  }
0x7b1: {  	[tilespmem:v2+s29+$0x0] =	vst.idx.msk $0xffff, v1  }
0x7b2: {  	v2 =	vor.u32 s24, v15;
	v1 =	vld.idx.msk [tilespmem:v3+s18+$0x0], $0xffff  }
0x7b3: {  	v3 =	vor.u32 v17, v0;
	_ =	sdelay $0x3  }
0x7b4: {  	[tilespmem:v2+s29+$0x0] =	vst.idx.msk $0xffff, v1  }
0x7b5: {  	v2 =	vor.u32 s24, v5;
	v1 =	vld.idx.msk [tilespmem:v3+s18+$0x0], $0xffff  }
0x7b6: {  	v3 =	vor.u32 v20, v0;
	_ =	sdelay $0x3  }
0x7b7: {  	[tilespmem:v2+s29+$0x0] =	vst.idx.msk $0xffff, v1  }
0x7b8: {  	v2 =	vor.u32 s24, v12;
	v1 =	vld.idx.msk [tilespmem:v3+s18+$0x0], $0xffff  }
0x7b9: {  	v3 =	vor.u32 v38, v0;
	_ =	sdelay $0x3  }
0x7ba: {  	[tilespmem:v2+s29+$0x0] =	vst.idx.msk $0xffff, v1  }
0x7bb: {  	v2 =	vor.u32 s24, v26;
	v1 =	vld.idx.msk [tilespmem:v3+s18+$0x0], $0xffff  }
0x7bc: {  	v3 =	vor.u32 v27, v0;
	_ =	sdelay $0x3  }
0x7bd: {  	[tilespmem:v2+s29+$0x0] =	vst.idx.msk $0xffff, v1  }
0x7be: {  	p0 =	sne.s32 s26, $0x70;
	v2 =	vld.idx.msk [tilespmem:v3+s18+$0x0], $0xffff;
	v3 =	vor.u32 s24, v41  }
.Ltmp3:
0x7bf: {  	_ = 	snop;
	(pc) =	sbr.rel @p0 .LBB2_5-.Ltmp3, $3  }
0x7c0: {  	_ =	sdelay $0x1  }
0x7c1: {  	s25 =	smov.u32 s26  }
0x7c2: {  	s26 =	sadd.s32 $0x10, s26;
	v0 =	vor.u32 v30, v0;
	v1 =	vmov s25;
	[tilespmem:v3+s29+$0x0] =	vst.idx.msk $0xffff, v2  }
0x7c3: {  	_ =	sdelay $0x2  }
0x7c4: {  	v1 =	vshll.u32 v1, $0x7  }
0x7c5: {  	v2 =	vld.idx.msk [tilespmem:v0+s18+$0x0], $0xffff;
	v3 =	vlaneseq.u32;
	v0 =	vor.u32 v16, v1;
	v1 =	vor.u32 s24, v35  }
0x7c6: {  	v3 =	vor.u32 v3, v0;
	_ =	sdelay $0x3  }
0x7c7: {  	[tilespmem:v1+s29+$0x0] =	vst.idx.msk $0xffff, v2  }
0x7c8: {  	v2 =	vor.u32 s25, v34;
	v1 =	vld.idx.msk [tilespmem:v3+s18+$0x0], $0xffff  }
0x7c9: {  	v3 =	vor.u32 v4, v0;
	_ =	sdelay $0x3  }
0x7ca: {  	[tilespmem:v2+s29+$0x0] =	vst.idx.msk $0xffff, v1  }
0x7cb: {  	v2 =	vor.u32 s25, v21;
	v1 =	vld.idx.msk [tilespmem:v3+s18+$0x0], $0xffff  }
0x7cc: {  	v3 =	vor.u32 v51, v0;
	_ =	sdelay $0x3  }
0x7cd: {  	[tilespmem:v2+s29+$0x0] =	vst.idx.msk $0xffff, v1  }
0x7ce: {  	v2 =	vor.u32 s25, v25;
	v1 =	vld.idx.msk [tilespmem:v3+s18+$0x0], $0xffff  }
0x7cf: {  	v3 =	vor.u32 v57, v0;
	_ =	sdelay $0x3  }
0x7d0: {  	[tilespmem:v2+s29+$0x0] =	vst.idx.msk $0xffff, v1  }
0x7d1: {  	v2 =	vor.u32 s25, v39;
	v1 =	vld.idx.msk [tilespmem:v3+s18+$0x0], $0xffff  }
0x7d2: {  	v3 =	vor.u32 v19, v0;
	_ =	sdelay $0x3  }
0x7d3: {  	[tilespmem:v2+s29+$0x0] =	vst.idx.msk $0xffff, v1  }
0x7d4: {  	v2 =	vor.u32 s25, v11;
	v1 =	vld.idx.msk [tilespmem:v3+s18+$0x0], $0xffff  }
0x7d5: {  	v3 =	vor.u32 v54, v0;
	_ =	sdelay $0x3  }
0x7d6: {  	[tilespmem:v2+s29+$0x0] =	vst.idx.msk $0xffff, v1  }
0x7d7: {  	v2 =	vor.u32 s25, v55;
	v1 =	vld.idx.msk [tilespmem:v3+s18+$0x0], $0xffff  }
0x7d8: {  	v3 =	vor.u32 v56, v0;
	_ =	sdelay $0x3  }
0x7d9: {  	[tilespmem:v2+s29+$0x0] =	vst.idx.msk $0xffff, v1  }
0x7da: {  	v2 =	vor.u32 s25, v18;
	v1 =	vld.idx.msk [tilespmem:v3+s18+$0x0], $0xffff  }
0x7db: {  	v3 =	vor.u32 v58, v0;
	_ =	sdelay $0x3  }
0x7dc: {  	[tilespmem:v2+s29+$0x0] =	vst.idx.msk $0xffff, v1  }
0x7dd: {  	v2 =	vor.u32 s25, v59;
	v1 =	vld.idx.msk [tilespmem:v3+s18+$0x0], $0xffff  }
0x7de: {  	v3 =	vor.u32 v60, v0;
	_ =	sdelay $0x3  }
0x7df: {  	[tilespmem:v2+s29+$0x0] =	vst.idx.msk $0xffff, v1  }
0x7e0: {  	v2 =	vor.u32 s25, v61;
	v1 =	vld.idx.msk [tilespmem:v3+s18+$0x0], $0xffff  }
0x7e1: {  	v3 =	vor.u32 v62, v0;
	_ =	sdelay $0x3  }
0x7e2: {  	[tilespmem:v2+s29+$0x0] =	vst.idx.msk $0xffff, v1  }
0x7e3: {  	v2 =	vor.u32 s25, v63;
	v1 =	vld.idx.msk [tilespmem:v3+s18+$0x0], $0xffff  }
0x7e4: {  	v3 =	vor.u32 v45, v0;
	_ =	sdelay $0x3  }
0x7e5: {  	[tilespmem:v2+s29+$0x0] =	vst.idx.msk $0xffff, v1  }
0x7e6: {  	v2 =	vor.u32 s25, v29;
	v1 =	vld.idx.msk [tilespmem:v3+s18+$0x0], $0xffff  }
0x7e7: {  	v3 =	vor.u32 v52, v0;
	_ =	sdelay $0x3  }
0x7e8: {  	[tilespmem:v2+s29+$0x0] =	vst.idx.msk $0xffff, v1  }
0x7e9: {  	v2 =	vor.u32 s25, v53;
	v1 =	vld.idx.msk [tilespmem:v3+s18+$0x0], $0xffff  }
0x7ea: {  	v3 =	vor.u32 v10, v0;
	_ =	sdelay $0x3  }
0x7eb: {  	[tilespmem:v2+s29+$0x0] =	vst.idx.msk $0xffff, v1  }
0x7ec: {  	v2 =	vor.u32 s25, v22;
	v1 =	vld.idx.msk [tilespmem:v3+s18+$0x0], $0xffff;
	_ =	sdelay $0x2  }
0x7ed: {  	v3 =	vor.u32 v48, v0;
	_ =	sdelay $0x1  }
0x7ee: {  	[tilespmem:v2+s29+$0x0] =	vst.idx.msk $0xffff, v1;
	v2 =	vld [tilespmem:$0x1F870];
	_ =	sdelay $0x2  }
0x7ef: {  	v1 =	vld.idx.msk [tilespmem:v3+s18+$0x0], $0xffff  }
0x7f0: {  	v3 =	vld [tilespmem:$0x1F880]  }
0x7f1: {  	v2 =	vor.u32 s25, v2;
	_ =	sdelay $0x3  }
0x7f2: {  	v3 =	vor.u32 v3, v0  }
0x7f3: {  	[tilespmem:v2+s29+$0x0] =	vst.idx.msk $0xffff, v1;
	v2 =	vld [tilespmem:$0x1F890];
	_ =	sdelay $0x3  }
0x7f4: {  	v1 =	vld.idx.msk [tilespmem:v3+s18+$0x0], $0xffff  }
0x7f5: {  	v3 =	vld [tilespmem:$0x1F8A0];
	v2 =	vor.u32 s25, v2;
	_ =	sdelay $0x4  }
0x7f6: {  	v3 =	vor.u32 v3, v0;
	[tilespmem:v2+s29+$0x0] =	vst.idx.msk $0xffff, v1;
	v2 =	vld [tilespmem:$0x1F8B0];
	_ =	sdelay $0x4  }
0x7f7: {  	v1 =	vld.idx.msk [tilespmem:v3+s18+$0x0], $0xffff;
	v2 =	vor.u32 s25, v2  }
0x7f8: {  	v3 =	vor.u32 v7, v0;
	_ =	sdelay $0x3  }
0x7f9: {  	[tilespmem:v2+s29+$0x0] =	vst.idx.msk $0xffff, v1;
	v2 =	vld [tilespmem:$0x1FFC0]  }
0x7fa: {  	v1 =	vld.idx.msk [tilespmem:v3+s18+$0x0], $0xffff  }
0x7fb: {  	v3 =	vld [tilespmem:$0x1FFD0];
	_ =	sdelay $0x3  }
0x7fc: {  	v2 =	vor.u32 s25, v2  }
0x7fd: {  	v3 =	vor.u32 v3, v0;
	_ =	sdelay $0x3  }
0x7fe: {  	[tilespmem:v2+s29+$0x0] =	vst.idx.msk $0xffff, v1;
	v2 =	vld [tilespmem:$0x1F8C0]  }
0x7ff: {  	v1 =	vld.idx.msk [tilespmem:v3+s18+$0x0], $0xffff  }
0x800: {  	v3 =	vld [tilespmem:$0x1FFE0];
	_ =	sdelay $0x3  }
0x801: {  	v2 =	vor.u32 s25, v2  }
0x802: {  	v3 =	vor.u32 v3, v0;
	_ =	sdelay $0x3  }
0x803: {  	[tilespmem:v2+s29+$0x0] =	vst.idx.msk $0xffff, v1;
	v2 =	vld [tilespmem:$0x1F8D0]  }
0x804: {  	v1 =	vld.idx.msk [tilespmem:v3+s18+$0x0], $0xffff  }
0x805: {  	v3 =	vld [tilespmem:$0x1F530];
	_ =	sdelay $0x3  }
0x806: {  	v2 =	vor.u32 s25, v2  }
0x807: {  	v3 =	vor.u32 v3, v0;
	_ =	sdelay $0x3  }
0x808: {  	[tilespmem:v2+s29+$0x0] =	vst.idx.msk $0xffff, v1;
	v2 =	vld [tilespmem:$0x1F920]  }
0x809: {  	v1 =	vld.idx.msk [tilespmem:v3+s18+$0x0], $0xffff  }
0x80a: {  	v3 =	vld [tilespmem:$0x1F540];
	_ =	sdelay $0x3  }
0x80b: {  	v2 =	vor.u32 s25, v2  }
0x80c: {  	v3 =	vor.u32 v3, v0;
	_ =	sdelay $0x3  }
0x80d: {  	[tilespmem:v2+s29+$0x0] =	vst.idx.msk $0xffff, v1  }
0x80e: {  	v1 =	vld.idx.msk [tilespmem:v3+s18+$0x0], $0xffff  }
0x80f: {  	v3 =	vld [tilespmem:$0x1F550];
	_ =	sdelay $0x3  }
0x810: {  	v2 =	vor.u32 s25, v6  }
0x811: {  	v3 =	vor.u32 v3, v0;
	_ =	sdelay $0x3  }
0x812: {  	[tilespmem:v2+s29+$0x0] =	vst.idx.msk $0xffff, v1  }
0x813: {  	v1 =	vld.idx.msk [tilespmem:v3+s18+$0x0], $0xffff  }
0x814: {  	v3 =	vld [tilespmem:$0x1F560];
	_ =	sdelay $0x3  }
0x815: {  	v2 =	vor.u32 s25, v50  }
0x816: {  	v3 =	vor.u32 v3, v0;
	_ =	sdelay $0x3  }
0x817: {  	[tilespmem:v2+s29+$0x0] =	vst.idx.msk $0xffff, v1;
	v2 =	vld [tilespmem:$0x1F970]  }
0x818: {  	v1 =	vld.idx.msk [tilespmem:v3+s18+$0x0], $0xffff  }
0x819: {  	v3 =	vld [tilespmem:$0x1F570];
	_ =	sdelay $0x3  }
0x81a: {  	v2 =	vor.u32 s25, v2  }
0x81b: {  	v3 =	vor.u32 v3, v0;
	_ =	sdelay $0x3  }
0x81c: {  	[tilespmem:v2+s29+$0x0] =	vst.idx.msk $0xffff, v1;
	v2 =	vld [tilespmem:$0x1F980]  }
0x81d: {  	v1 =	vld.idx.msk [tilespmem:v3+s18+$0x0], $0xffff  }
0x81e: {  	v3 =	vld [tilespmem:$0x1F580];
	_ =	sdelay $0x3  }
0x81f: {  	v2 =	vor.u32 s25, v2  }
0x820: {  	v3 =	vor.u32 v3, v0;
	_ =	sdelay $0x3  }
0x821: {  	[tilespmem:v2+s29+$0x0] =	vst.idx.msk $0xffff, v1;
	v2 =	vld [tilespmem:$0x1F990]  }
0x822: {  	v1 =	vld.idx.msk [tilespmem:v3+s18+$0x0], $0xffff  }
0x823: {  	v3 =	vld [tilespmem:$0x1F590];
	_ =	sdelay $0x3  }
0x824: {  	v2 =	vor.u32 s25, v2  }
0x825: {  	v3 =	vor.u32 v3, v0;
	_ =	sdelay $0x3  }
0x826: {  	[tilespmem:v2+s29+$0x0] =	vst.idx.msk $0xffff, v1;
	v2 =	vld [tilespmem:$0x1F9A0]  }
0x827: {  	v1 =	vld.idx.msk [tilespmem:v3+s18+$0x0], $0xffff  }
0x828: {  	v3 =	vld [tilespmem:$0x1F5A0];
	_ =	sdelay $0x3  }
0x829: {  	v2 =	vor.u32 s25, v2  }
0x82a: {  	v3 =	vor.u32 v3, v0;
	_ =	sdelay $0x3  }
0x82b: {  	[tilespmem:v2+s29+$0x0] =	vst.idx.msk $0xffff, v1;
	v2 =	vld [tilespmem:$0x1F9B0]  }
0x82c: {  	v1 =	vld.idx.msk [tilespmem:v3+s18+$0x0], $0xffff  }
0x82d: {  	v3 =	vld [tilespmem:$0x1F5B0];
	_ =	sdelay $0x3  }
0x82e: {  	v2 =	vor.u32 s25, v2  }
0x82f: {  	v3 =	vor.u32 v3, v0;
	_ =	sdelay $0x3  }
0x830: {  	[tilespmem:v2+s29+$0x0] =	vst.idx.msk $0xffff, v1;
	v2 =	vld [tilespmem:$0x1F9C0]  }
0x831: {  	v1 =	vld.idx.msk [tilespmem:v3+s18+$0x0], $0xffff  }
0x832: {  	v3 =	vld [tilespmem:$0x1F5C0];
	_ =	sdelay $0x3  }
0x833: {  	v2 =	vor.u32 s25, v2  }
0x834: {  	v3 =	vor.u32 v3, v0;
	_ =	sdelay $0x3  }
0x835: {  	[tilespmem:v2+s29+$0x0] =	vst.idx.msk $0xffff, v1;
	v2 =	vld [tilespmem:$0x1F9D0]  }
0x836: {  	v1 =	vld.idx.msk [tilespmem:v3+s18+$0x0], $0xffff  }
0x837: {  	v3 =	vld [tilespmem:$0x1F5D0];
	_ =	sdelay $0x3  }
0x838: {  	v2 =	vor.u32 s25, v2  }
0x839: {  	v3 =	vor.u32 v3, v0;
	_ =	sdelay $0x3  }
0x83a: {  	[tilespmem:v2+s29+$0x0] =	vst.idx.msk $0xffff, v1;
	v2 =	vld [tilespmem:$0x1F9E0]  }
0x83b: {  	v1 =	vld.idx.msk [tilespmem:v3+s18+$0x0], $0xffff  }
0x83c: {  	v3 =	vld [tilespmem:$0x1F5E0];
	_ =	sdelay $0x3  }
0x83d: {  	v2 =	vor.u32 s25, v2  }
0x83e: {  	v3 =	vor.u32 v3, v0;
	_ =	sdelay $0x3  }
0x83f: {  	[tilespmem:v2+s29+$0x0] =	vst.idx.msk $0xffff, v1;
	v2 =	vld [tilespmem:$0x1F9F0]  }
0x840: {  	v1 =	vld.idx.msk [tilespmem:v3+s18+$0x0], $0xffff  }
0x841: {  	v3 =	vld [tilespmem:$0x1F5F0];
	_ =	sdelay $0x3  }
0x842: {  	v2 =	vor.u32 s25, v2  }
0x843: {  	v3 =	vor.u32 v3, v0;
	_ =	sdelay $0x3  }
0x844: {  	[tilespmem:v2+s29+$0x0] =	vst.idx.msk $0xffff, v1;
	v2 =	vld [tilespmem:$0x1FA00]  }
0x845: {  	v1 =	vld.idx.msk [tilespmem:v3+s18+$0x0], $0xffff  }
0x846: {  	v3 =	vld [tilespmem:$0x1F600];
	_ =	sdelay $0x3  }
0x847: {  	v2 =	vor.u32 s25, v2  }
0x848: {  	v3 =	vor.u32 v3, v0;
	_ =	sdelay $0x3  }
0x849: {  	[tilespmem:v2+s29+$0x0] =	vst.idx.msk $0xffff, v1;
	v2 =	vld [tilespmem:$0x1F610]  }
0x84a: {  	v1 =	vld.idx.msk [tilespmem:v3+s18+$0x0], $0xffff  }
0x84b: {  	v3 =	vld [tilespmem:$0x1F620];
	_ =	sdelay $0x3  }
0x84c: {  	v2 =	vor.u32 s25, v2  }
0x84d: {  	v3 =	vor.u32 v3, v0;
	_ =	sdelay $0x3  }
0x84e: {  	v34 =	vld [tilespmem:$0x1FDB0];
	[tilespmem:v2+s29+$0x0] =	vst.idx.msk $0xffff, v1  }
0x84f: {  	v1 =	vld.idx.msk [tilespmem:v3+s18+$0x0], $0xffff  }
0x850: {  	v3 =	vld [tilespmem:$0x1F630];
	_ =	sdelay $0x3  }
0x851: {  	v2 =	vor.u32 s25, v34  }
0x852: {  	v3 =	vor.u32 v3, v0;
	_ =	sdelay $0x3  }
0x853: {  	v4 =	vld [tilespmem:$0x1FDC0];
	[tilespmem:v2+s29+$0x0] =	vst.idx.msk $0xffff, v1  }
0x854: {  	v1 =	vld.idx.msk [tilespmem:v3+s18+$0x0], $0xffff  }
0x855: {  	v3 =	vld [tilespmem:$0x1F640];
	_ =	sdelay $0x3  }
0x856: {  	v2 =	vor.u32 s25, v4  }
0x857: {  	v3 =	vor.u32 v3, v0;
	_ =	sdelay $0x3  }
0x858: {  	v35 =	vld [tilespmem:$0x1FDD0];
	[tilespmem:v2+s29+$0x0] =	vst.idx.msk $0xffff, v1  }
0x859: {  	v1 =	vld.idx.msk [tilespmem:v3+s18+$0x0], $0xffff  }
0x85a: {  	v3 =	vld [tilespmem:$0x1F650];
	_ =	sdelay $0x3  }
0x85b: {  	v2 =	vor.u32 s25, v35  }
0x85c: {  	v3 =	vor.u32 v3, v0;
	_ =	sdelay $0x3  }
0x85d: {  	v39 =	vld [tilespmem:$0x1FDE0];
	[tilespmem:v2+s29+$0x0] =	vst.idx.msk $0xffff, v1  }
0x85e: {  	v1 =	vld.idx.msk [tilespmem:v3+s18+$0x0], $0xffff  }
0x85f: {  	v3 =	vld [tilespmem:$0x1F660];
	_ =	sdelay $0x3  }
0x860: {  	v2 =	vor.u32 s25, v39  }
0x861: {  	v3 =	vor.u32 v3, v0;
	_ =	sdelay $0x3  }
0x862: {  	v48 =	vld [tilespmem:$0x1FDF0];
	[tilespmem:v2+s29+$0x0] =	vst.idx.msk $0xffff, v1  }
0x863: {  	v1 =	vld.idx.msk [tilespmem:v3+s18+$0x0], $0xffff  }
0x864: {  	v3 =	vld [tilespmem:$0x1F670];
	_ =	sdelay $0x3  }
0x865: {  	v2 =	vor.u32 s25, v48  }
0x866: {  	v3 =	vor.u32 v3, v0;
	_ =	sdelay $0x3  }
0x867: {  	v45 =	vmov v6;
	v6 =	vmov v50;
	v50 =	vld [tilespmem:$0x1FE00];
	[tilespmem:v2+s29+$0x0] =	vst.idx.msk $0xffff, v1  }
0x868: {  	v1 =	vld.idx.msk [tilespmem:v3+s18+$0x0], $0xffff  }
0x869: {  	v3 =	vld [tilespmem:$0x1F680];
	_ =	sdelay $0x3  }
0x86a: {  	v2 =	vor.u32 s25, v50  }
0x86b: {  	v3 =	vor.u32 v3, v0;
	_ =	sdelay $0x3  }
0x86c: {  	v51 =	vld [tilespmem:$0x1FE10];
	[tilespmem:v2+s29+$0x0] =	vst.idx.msk $0xffff, v1  }
0x86d: {  	v1 =	vld.idx.msk [tilespmem:v3+s18+$0x0], $0xffff  }
0x86e: {  	v3 =	vld [tilespmem:$0x1F690];
	_ =	sdelay $0x3  }
0x86f: {  	v2 =	vor.u32 s25, v51  }
0x870: {  	v3 =	vor.u32 v3, v0;
	_ =	sdelay $0x3  }
0x871: {  	v7 =	vld [tilespmem:$0x1FE20];
	[tilespmem:v2+s29+$0x0] =	vst.idx.msk $0xffff, v1  }
0x872: {  	v1 =	vld.idx.msk [tilespmem:v3+s18+$0x0], $0xffff  }
0x873: {  	v3 =	vld [tilespmem:$0x1F6A0];
	_ =	sdelay $0x3  }
0x874: {  	v2 =	vor.u32 s25, v7  }
0x875: {  	v3 =	vor.u32 v3, v0;
	_ =	sdelay $0x3  }
0x876: {  	v52 =	vld [tilespmem:$0x1FE30];
	[tilespmem:v2+s29+$0x0] =	vst.idx.msk $0xffff, v1  }
0x877: {  	v1 =	vld.idx.msk [tilespmem:v3+s18+$0x0], $0xffff  }
0x878: {  	v3 =	vld [tilespmem:$0x1F6B0];
	_ =	sdelay $0x3  }
0x879: {  	v2 =	vor.u32 s25, v52  }
0x87a: {  	v3 =	vor.u32 v3, v0;
	_ =	sdelay $0x3  }
0x87b: {  	v53 =	vld [tilespmem:$0x1FE40];
	[tilespmem:v2+s29+$0x0] =	vst.idx.msk $0xffff, v1  }
0x87c: {  	v1 =	vld.idx.msk [tilespmem:v3+s18+$0x0], $0xffff  }
0x87d: {  	v3 =	vld [tilespmem:$0x1F6C0];
	_ =	sdelay $0x3  }
0x87e: {  	v2 =	vor.u32 s25, v53  }
0x87f: {  	v3 =	vor.u32 v3, v0;
	_ =	sdelay $0x3  }
0x880: {  	v55 =	vld [tilespmem:$0x1FE50];
	[tilespmem:v2+s29+$0x0] =	vst.idx.msk $0xffff, v1  }
0x881: {  	v1 =	vld.idx.msk [tilespmem:v3+s18+$0x0], $0xffff  }
0x882: {  	v3 =	vld [tilespmem:$0x1F6D0];
	_ =	sdelay $0x3  }
0x883: {  	v2 =	vor.u32 s25, v55  }
0x884: {  	v3 =	vor.u32 v3, v0;
	_ =	sdelay $0x3  }
0x885: {  	v57 =	vld [tilespmem:$0x1FE60];
	[tilespmem:v2+s29+$0x0] =	vst.idx.msk $0xffff, v1  }
0x886: {  	v1 =	vld.idx.msk [tilespmem:v3+s18+$0x0], $0xffff  }
0x887: {  	v3 =	vld [tilespmem:$0x1F6E0];
	_ =	sdelay $0x3  }
0x888: {  	v2 =	vor.u32 s25, v57  }
0x889: {  	v3 =	vor.u32 v3, v0;
	_ =	sdelay $0x3  }
0x88a: {  	v59 =	vld [tilespmem:$0x1FE70];
	[tilespmem:v2+s29+$0x0] =	vst.idx.msk $0xffff, v1  }
0x88b: {  	v1 =	vld.idx.msk [tilespmem:v3+s18+$0x0], $0xffff  }
0x88c: {  	v3 =	vld [tilespmem:$0x1F6F0];
	_ =	sdelay $0x3  }
0x88d: {  	v2 =	vor.u32 s25, v59  }
0x88e: {  	v3 =	vor.u32 v3, v0;
	_ =	sdelay $0x3  }
0x88f: {  	v61 =	vld [tilespmem:$0x1FE80];
	[tilespmem:v2+s29+$0x0] =	vst.idx.msk $0xffff, v1  }
0x890: {  	v1 =	vld.idx.msk [tilespmem:v3+s18+$0x0], $0xffff  }
0x891: {  	v3 =	vld [tilespmem:$0x1F700];
	_ =	sdelay $0x3  }
0x892: {  	v2 =	vor.u32 s25, v61  }
0x893: {  	v3 =	vor.u32 v3, v0  }
0x894: {  	v62 =	vld [tilespmem:$0x1FE90];
	_ =	sdelay $0x2  }
0x895: {  	[tilespmem:v2+s29+$0x0] =	vst.idx.msk $0xffff, v1  }
0x896: {  	v1 =	vld.idx.msk [tilespmem:v3+s18+$0x0], $0xffff  }
0x897: {  	v2 =	vor.u32 s25, v62;
	v3 =	vld [tilespmem:$0x1F710];
	_ =	sdelay $0x4  }
0x898: {  	v3 =	vor.u32 v3, v0;
	[tilespmem:v2+s29+$0x0] =	vst.idx.msk $0xffff, v1;
	v2 =	vld [tilespmem:$0x1F720];
	_ =	sdelay $0x4  }
0x899: {  	v1 =	vld.idx.msk [tilespmem:v3+s18+$0x0], $0xffff;
	v2 =	vor.u32 s25, v2  }
0x89a: {  	v3 =	vor.u32 v36, v0;
	_ =	sdelay $0x3  }
0x89b: {  	[tilespmem:v2+s29+$0x0] =	vst.idx.msk $0xffff, v1  }
0x89c: {  	v2 =	vor.u32 s25, v31;
	v1 =	vld.idx.msk [tilespmem:v3+s18+$0x0], $0xffff  }
0x89d: {  	v3 =	vor.u32 v49, v0;
	_ =	sdelay $0x3  }
0x89e: {  	[tilespmem:v2+s29+$0x0] =	vst.idx.msk $0xffff, v1  }
0x89f: {  	v2 =	vor.u32 s25, v37;
	v1 =	vld.idx.msk [tilespmem:v3+s18+$0x0], $0xffff  }
0x8a0: {  	v3 =	vor.u32 v44, v0;
	_ =	sdelay $0x3  }
0x8a1: {  	[tilespmem:v2+s29+$0x0] =	vst.idx.msk $0xffff, v1  }
0x8a2: {  	v2 =	vor.u32 s25, v33;
	v1 =	vld.idx.msk [tilespmem:v3+s18+$0x0], $0xffff  }
0x8a3: {  	v3 =	vor.u32 v32, v0;
	_ =	sdelay $0x3  }
0x8a4: {  	[tilespmem:v2+s29+$0x0] =	vst.idx.msk $0xffff, v1  }
0x8a5: {  	v2 =	vor.u32 s25, v13;
	v1 =	vld.idx.msk [tilespmem:v3+s18+$0x0], $0xffff  }
0x8a6: {  	v3 =	vor.u32 v8, v0;
	_ =	sdelay $0x3  }
0x8a7: {  	[tilespmem:v2+s29+$0x0] =	vst.idx.msk $0xffff, v1  }
0x8a8: {  	v2 =	vor.u32 s25, v40;
	v1 =	vld.idx.msk [tilespmem:v3+s18+$0x0], $0xffff  }
0x8a9: {  	v3 =	vor.u32 v9, v0;
	_ =	sdelay $0x3  }
0x8aa: {  	[tilespmem:v2+s29+$0x0] =	vst.idx.msk $0xffff, v1  }
0x8ab: {  	v2 =	vor.u32 s25, v14;
	v1 =	vld.idx.msk [tilespmem:v3+s18+$0x0], $0xffff  }
0x8ac: {  	v3 =	vor.u32 v24, v0;
	_ =	sdelay $0x3  }
0x8ad: {  	[tilespmem:v2+s29+$0x0] =	vst.idx.msk $0xffff, v1  }
0x8ae: {  	v2 =	vor.u32 s25, v43;
	v1 =	vld.idx.msk [tilespmem:v3+s18+$0x0], $0xffff  }
0x8af: {  	v3 =	vor.u32 v42, v0;
	_ =	sdelay $0x3  }
0x8b0: {  	[tilespmem:v2+s29+$0x0] =	vst.idx.msk $0xffff, v1  }
0x8b1: {  	v2 =	vor.u32 s25, v28;
	v1 =	vld.idx.msk [tilespmem:v3+s18+$0x0], $0xffff  }
0x8b2: {  	v3 =	vor.u32 v47, v0;
	_ =	sdelay $0x3  }
0x8b3: {  	[tilespmem:v2+s29+$0x0] =	vst.idx.msk $0xffff, v1  }
0x8b4: {  	v2 =	vor.u32 s25, v46;
	v1 =	vld.idx.msk [tilespmem:v3+s18+$0x0], $0xffff  }
0x8b5: {  	v3 =	vor.u32 v23, v0;
	_ =	sdelay $0x3  }
0x8b6: {  	[tilespmem:v2+s29+$0x0] =	vst.idx.msk $0xffff, v1  }
0x8b7: {  	v2 =	vor.u32 s25, v15;
	v1 =	vld.idx.msk [tilespmem:v3+s18+$0x0], $0xffff  }
0x8b8: {  	v3 =	vor.u32 v17, v0;
	_ =	sdelay $0x3  }
0x8b9: {  	[tilespmem:v2+s29+$0x0] =	vst.idx.msk $0xffff, v1  }
0x8ba: {  	v2 =	vor.u32 s25, v5;
	v1 =	vld.idx.msk [tilespmem:v3+s18+$0x0], $0xffff  }
0x8bb: {  	v3 =	vor.u32 v20, v0;
	_ =	sdelay $0x3  }
0x8bc: {  	[tilespmem:v2+s29+$0x0] =	vst.idx.msk $0xffff, v1  }
0x8bd: {  	v2 =	vor.u32 s25, v12;
	v1 =	vld.idx.msk [tilespmem:v3+s18+$0x0], $0xffff  }
0x8be: {  	v3 =	vor.u32 v38, v0;
	_ =	sdelay $0x3  }
0x8bf: {  	[tilespmem:v2+s29+$0x0] =	vst.idx.msk $0xffff, v1  }
0x8c0: {  	v2 =	vor.u32 s25, v26;
	v1 =	vld.idx.msk [tilespmem:v3+s18+$0x0], $0xffff  }
0x8c1: {  	v3 =	vor.u32 v27, v0;
	_ =	sdelay $0x3  }
0x8c2: {  	[tilespmem:v2+s29+$0x0] =	vst.idx.msk $0xffff, v1  }
0x8c3: {  	v2 =	vor.u32 s25, v41;
	v1 =	vld.idx.msk [tilespmem:v3+s18+$0x0], $0xffff  }
0x8c4: {  	v63 =	vld [tilespmem:$0x1FF80];
	v0 =	vor.u32 v30, v0;
	_ =	sdelay $0x3  }
0x8c5: {  	[tilespmem:v2+s29+$0x0] =	vst.idx.msk $0xffff, v1  }
0x8c6: {  	v1 =	vor.u32 s25, v63;
	v0 =	vld.idx.msk [tilespmem:v0+s18+$0x0], $0xffff  }
0x8c7: {  	s23 =	sadd.s32 s5, s23  }
0x8c8: {  	s26 =	sshll.u32 s23, $0xA;
	s23 =	sshll.u32 s23, $0x7  }
0x8c9: {  	s24 =	sand.u32 $0x7FFE0000, s26;
	s23 =	sand.u32 $0x3F80, s23  }
0x8ca: {  	s23 =	sor.u32 s23, s24  }
0x8cb: {  	s24 =	sadd.s32 s2, s23;
	[tilespmem:v1+s29+$0x0] =	vst.idx.msk $0xffff, v0  }
0x8cc: {  	[hbm4b:s24+s3] =	stream.linear.scatter [tilespmem:s29], [sflag:$0x2], $0x400, $0x38;
	[tilespmem:$0xF400] =	vst v63  }
0x8cd: {  	s25 =	sadd.s32 s23, s7  }
0x8ce: {  	[hbm4b:s25+s3] =	stream.linear.scatter [tilespmem:s30], [sflag:$0x2], $0x400, $0x38;
	[tilespmem:$0xF400] =	vst v63  }
0x8cf: {  	s26 =	sadd.s32 s23, s8  }
0x8d0: {  	[hbm4b:s26+s3] =	stream.linear.scatter [tilespmem:s31], [sflag:$0x2], $0x400, $0x38;
	[tilespmem:$0xF400] =	vst v63  }
0x8d1: {  	s25 =	sadd.s32 s23, s9  }
0x8d2: {  	[hbm4b:s25+s3] =	stream.linear.scatter [tilespmem:s1], [sflag:$0x2], $0x400, $0x38;
	[tilespmem:$0xF400] =	vst v63  }
0x8d3: {  	s26 =	sadd.s32 s23, s10  }
0x8d4: {  	[hbm4b:s26+s3] =	stream.linear.scatter [tilespmem:s0], [sflag:$0x2], $0x400, $0x38;
	[tilespmem:$0xF400] =	vst v63  }
0x8d5: {  	s25 =	sadd.s32 s23, s11  }
0x8d6: {  	v52 =	vld [tilespmem:$0x1FAB0];
	[hbm4b:s25+s3] =	stream.linear.scatter [tilespmem:s6], [sflag:$0x2], $0x400, $0x38  }
.Ltmp4:
0x8d7: {  	v53 =	vld [tilespmem:$0x1FA70];
	(pc) =	sbr.rel @p1 .LBB2_8-.Ltmp4, $4  }
0x8d8: {  	v62 =	vld [tilespmem:$0x1FAF0];
	s26 =	sadd.s32 s23, s12  }
0x8d9: {  	v49 =	vld [tilespmem:$0x1FA60];
	[hbm4b:s26+s3] =	stream.linear.scatter [tilespmem:s14], [sflag:$0x2], $0x400, $0x38  }
0x8da: {  	v44 =	vld [tilespmem:$0x1FA50];
	s23 =	sadd.s32 s23, s13  }
0x8db: {  	v48 =	vmov v18;
	v2 =	vmov v21;
	v0 =	vld [tilespmem:$0x1FA90];
	[hbm4b:s23+s3] =	stream.linear.scatter [tilespmem:s15], [sflag:$0x2], $0x400, $0x38  }
0x8dc: {  	v26 =	vld [tilespmem:$0x1FDA0]  }
0x8dd: {  	v29 =	vld [tilespmem:$0x1FD30]  }
0x8de: {  	v3 =	vld [tilespmem:$0x1FF90]  }
.Ltmp5:
0x8df: {  	v4 =	vld [tilespmem:$0x1FFA0];
	(pc) =	sbr.rel .LBB2_2-.Ltmp5, $4  }
0x8e0: {  	s23 =	sshll.u32 s22, $0x8;
	v31 =	vld [tilespmem:$0x1FFB0]  }
0x8e1: {  	v27 =	vld [tilespmem:$0x1FFC0];
	s23 =	sand.u32 $0x3FFFFF00, s23  }
0x8e2: {  	s22 =	sadd.s32 $0x1, s22;
	v28 =	vld [tilespmem:$0x1FFD0];
	s23 =	sadd.s32 $0x180, s23  }
0x8e3: {  	v46 =	vmov v45;
	v25 =	vld [tilespmem:$0x1FFE0];
	v57 =	vmov v44;
	[tilespmem:s18], [sflag:$0x1] =	stream.indirect.gather [hbm4b:s4+s16], $0x80, s23, s16, $0xb8;
	v11 =	vmov v0  }
.LBB2_9:
0x8e4: {  	_ =	sfence.sel $0x180000  }
0x8e5: {  	[bflag:$0x0] =	sbarrier.arrive $0xFFFF  }
0x8e6: {  	_ =	strace $0x90000047  }
0x8e7: {  	s0 =	stileid.u32;
	[bflag:$0x2] =	sbarrier.arrive $0xFFFF  }
0x8e8: {  	p0 =	sne.s32 s0, $0x0;
	s0 =	rddreg [dreg:$0x2]  }
0x8e9: {  	s0 =	sadd.s32 @!p0 $0x100000, s0  }
0x8ea: {  	[sflag:s0] =	ssyncadd.tile.s32 @!p0 $0x1;
	_ =	shalt  }
.Lfunc_end2:
_tile_overlayer_lowered:
.L_overlay_start_2:
0x8eb: {  	(tag) =	ssettag $0x2  }
0x8ec: {  	s0 =	rddreg [dreg:$0x0];
	s2 =	stileid.u32  }
0x8ed: {  	s1 =	rddreg [dreg:$0x1];
	p0 =	sne.s32 s2, $0x0  }
0x8ee: {  	s3 =	rddreg [dreg:$0x2];
	[bflag:$0x3] =	sbarrier.arrive $0xFFFF;
	s2 =	simm.s32 @!p0 $0x1C03  }
0x8ef: {  	[timem:s3], [sflag:s2] =	dma.local @!p0 [hbm:s0], s1  }
0x8f0: {  	s0 =	simm.s32 @!p0 $0x3  }
0x8f1: {  	_ =	swait.ge @!p0 [sflag:s0], s1  }
0x8f2: {  	s1 =	ssub.s32 @!p0 $0x0, s1;
	[sflag:s0] =	ssyncset.done @!p0 $0x0  }
0x8f3: {  	[sflag:s0] =	ssyncadd.s32 @!p0 s1  }
0x8f4: {  	[bflag:$0x3] =	sbarrier.arrive $0xFFFF  }
0x8f5: {  	_ =	shalt  }

</sc_bundles>
